<compile_context>
chip_gen: v7x
topology: tpu7x:2x2x1
jax: 0.10.2.dev20260603
libtpu: 0.0.44.dev20260713+nightly
codegen_flags: <defaults>
</compile_context>

<pallas_src>
import functools

import jax
import jax.numpy as jnp
from jax import lax
from jax.experimental import pallas as pl
from jax.experimental.pallas import tpu as pltpu
from jax.experimental.pallas import tpu_sc as plsc

N = 10000
E = 320000
D = 128
NC, NS = 2, 16
NW = NC * NS
EPW = E // NW
CH = 80
NCHUNK = EPW // CH
NBLK = 15
NBLKS = NCHUNK // NBLK
NCP = (NBLKS + 1) * NBLK
NP = 10240
RPS = NP // NS
L = 16

BN = 1024


def _d1_body(x_ref, w_ref, b_ref, out_ref):
    h = jnp.dot(x_ref[...], w_ref[...], preferred_element_type=jnp.float32)
    out_ref[...] = jnp.maximum(h + b_ref[...], 0.0)


def _d1(x, w, b):
    return pl.pallas_call(
        _d1_body,
        grid=(NP // BN,),
        in_specs=[
            pl.BlockSpec((BN, D), lambda i: (i, 0)),
            pl.BlockSpec((D, D), lambda i: (0, 0)),
            pl.BlockSpec((1, D), lambda i: (0, 0)),
        ],
        out_specs=pl.BlockSpec((BN, D), lambda i: (i, 0)),
        out_shape=jax.ShapeDtypeStruct((N, D), jnp.float32),
    )(x, w, b)


_MESH = plsc.VectorSubcoreMesh(
    core_axis_name="c", subcore_axis_name="s", num_cores=NC, num_subcores=NS)


@functools.partial(
    pl.kernel,
    out_type=(jax.ShapeDtypeStruct((NC, NP, D), jnp.float32),
              jax.ShapeDtypeStruct((NW, N), jnp.float32)),
    mesh=_MESH,
    compiler_params=pltpu.CompilerParams(needs_layout_passes=False),
    scratch_types=[
        pltpu.VMEM((NBLK, 2, CH), jnp.int32),
        pltpu.VMEM((NBLK, 2, CH), jnp.int32),
        pltpu.VMEM((N,), jnp.float32),
        pltpu.VMEM((CH, D), jnp.float32),
        pltpu.VMEM((CH, D), jnp.float32),
        pltpu.VMEM((CH, D), jnp.float32),
        pltpu.VMEM_SHARED((NP, D), jnp.float32),
        pltpu.SemaphoreType.DMA,
        pltpu.SemaphoreType.DMA,
        pltpu.SemaphoreType.DMA,
        pltpu.SemaphoreType.DMA,
        pltpu.SemaphoreType.DMA,
    ],
)
def _sc_agg(h_hbm, idx_hbm, out_hbm, deg_hbm,
            tib_a, tib_b, hist_v, r0, r1, r2, agg_sh,
            g0, g1, g2, isem_a, isem_b):
    cid = lax.axis_index("c")
    sid = lax.axis_index("s")
    wid = cid * NS + sid
    rbufs = (r0, r1, r2)
    gsems = (g0, g1, g2)

    def _blk_load(b, tib, isem):
        pltpu.async_copy(idx_hbm.at[wid, pl.ds(NBLK * b, NBLK)], tib, isem)

    def _blk_wait(tib, isem):
        pltpu.make_async_copy(idx_hbm.at[wid, pl.ds(0, NBLK)], tib,
                              isem).wait()

    def _gather(idx_row, buf, sem):
        pltpu.async_copy(h_hbm.at[idx_row], buf, sem)

    def _gwait(buf, sem):
        pltpu.make_async_copy(h_hbm.at[tib_a.at[0, 0]], buf, sem).wait()

    def _scat(buf, idx_row):
        pltpu.sync_copy(buf, agg_sh.at[idx_row], add=True)

    ones = jnp.ones((L,), jnp.float32)

    def _hist(tib, k):
        for j in range(CH // L):
            d16 = tib[k, 1, pl.ds(j * L, L)]
            plsc.addupdate_scatter(hist_v, [d16], ones)

    _blk_load(0, tib_a, isem_a)
    _blk_load(1, tib_b, isem_b)
    zeros16 = jnp.zeros((L,), jnp.float32)

    def _zero_hist(j, carry):
        hist_v[pl.ds(j * L, L)] = zeros16
        return carry

    lax.fori_loop(0, N // L, _zero_hist, 0)
    _blk_wait(tib_a, isem_a)
    _gather(tib_a.at[1, 0], rbufs[1], gsems[1])
    _gather(tib_a.at[2, 0], rbufs[2], gsems[2])

    def _zero_r0(j, carry):
        r0[j % CH, pl.ds((j // CH) * L, L)] = zeros16
        return carry

    lax.fori_loop(0, CH * (D // L), _zero_r0, 0)
    for i in range(RPS // CH):
        pltpu.sync_copy(r0, agg_sh.at[pl.ds(sid * RPS + i * CH, CH)])
    _gather(tib_a.at[0, 0], rbufs[0], gsems[0])
    plsc.subcore_barrier()

    def _half(b, cur, nxt, isem_cur, isem_nxt):
        _blk_wait(nxt, isem_nxt)
        for m in range(NBLK):
            k = m % 3
            _gwait(rbufs[k], gsems[k])
            _scat(rbufs[k], cur.at[m, 1])
            if m < NBLK - 3:
                _gather(cur.at[m + 3, 0], rbufs[k], gsems[k])
            else:
                _gather(nxt.at[m + 3 - NBLK, 0], rbufs[k], gsems[k])
            _hist(cur, m)
        _blk_load(jnp.minimum(b + 2, NBLKS), cur, isem_cur)

    def _pair(i, carry):
        b = 2 * i
        _half(b, tib_a, tib_b, isem_a, isem_b)
        _half(b + 1, tib_b, tib_a, isem_b, isem_a)
        return carry

    lax.fori_loop(0, NBLKS // 2, _pair, 0)
    _blk_wait(tib_b, isem_b)
    for m in range(5):
        k = m % 3
        _gwait(rbufs[k], gsems[k])
        _scat(rbufs[k], tib_a.at[m, 1])
        if m + 3 < 5:
            _gather(tib_a.at[m + 3, 0], rbufs[k], gsems[k])
        _hist(tib_a, m)

    pltpu.sync_copy(hist_v, deg_hbm.at[wid])
    plsc.subcore_barrier()
    pltpu.sync_copy(agg_sh.at[pl.ds(sid * RPS, RPS)],
                    out_hbm.at[cid, pl.ds(sid * RPS, RPS)])


def _out_body(part_ref, deg_ref, h_ref, ws_ref, bs_ref, wn_ref, w2_ref,
              b2_ref, o_ref):
    agg = part_ref[0] + part_ref[1]
    degt = jnp.transpose(deg_ref[...])
    deg = jnp.maximum(jnp.sum(degt, axis=1, keepdims=True), 1.0)
    h_neigh = agg / deg
    h = h_ref[...]
    h2 = jnp.dot(h, ws_ref[...], preferred_element_type=jnp.float32)
    h2 = h2 + jnp.dot(h_neigh, wn_ref[...], preferred_element_type=jnp.float32)
    h2 = jnp.maximum(h2 + bs_ref[...], 0.0)
    o = jnp.dot(h2, w2_ref[...], preferred_element_type=jnp.float32)
    o_ref[...] = jnp.maximum(o + b2_ref[...], 0.0)


def _out(part, deg, h, ws, bs, wn, w2, b2):
    return pl.pallas_call(
        _out_body,
        grid=(NP // BN,),
        in_specs=[
            pl.BlockSpec((NC, BN, D), lambda i: (0, i, 0)),
            pl.BlockSpec((NW, BN), lambda i: (0, i)),
            pl.BlockSpec((BN, D), lambda i: (i, 0)),
            pl.BlockSpec((D, D), lambda i: (0, 0)),
            pl.BlockSpec((1, D), lambda i: (0, 0)),
            pl.BlockSpec((D, D), lambda i: (0, 0)),
            pl.BlockSpec((D, D), lambda i: (0, 0)),
            pl.BlockSpec((1, D), lambda i: (0, 0)),
        ],
        out_specs=pl.BlockSpec((BN, D), lambda i: (i, 0)),
        out_shape=jax.ShapeDtypeStruct((N, D), jnp.float32),
    )(part, deg, h, ws, bs, wn, w2, b2)


def kernel(x, edge_index, W_d1, b_d1, W_self, b_self, W_neigh, W_d2, b_d2):
    h = _d1(x, W_d1, b_d1.reshape(1, D))
    idx = jnp.transpose(edge_index.reshape(2, NW, NCHUNK, CH), (1, 2, 0, 3))
    idx = jnp.pad(idx, ((0, 0), (0, NCP - NCHUNK), (0, 0), (0, 0)))
    part, deg = _sc_agg(h, idx)
    return _out(part, deg, h, W_self,
                b_self.reshape(1, D), W_neigh, W_d2, b_d2.reshape(1, D))

# --- scband reference (transcript-rebuilt; emitter-appended) ---
"""Pipeline reference for scband-sagedense-49357764166103 (READ-ONLY COPY).

The authoritative reference and input builder live on the scoring server;
editing this copy changes nothing except your own understanding.
"""

import jax, jax.numpy as jnp
import numpy as np

N = 10000
E = 320000
D = 128

def setup_inputs(seed: int = 0):
    key = jax.random.key(seed)
    ks = jax.random.split(key, 9)
    x = jax.random.normal(ks[0], (N, D), dtype=jnp.float32)
    edge_index = jax.random.randint(ks[1], (2, E), 0, N, dtype=jnp.int32)
    s = 1.0 / np.sqrt(D)
    W_d1 = jax.random.uniform(ks[2], (D, D), jnp.float32, -s, s)
    b_d1 = jax.random.uniform(ks[3], (D,), jnp.float32, -s, s)
    W_self = jax.random.uniform(ks[4], (D, D), jnp.float32, -s, s)
    b_self = jax.random.uniform(ks[5], (D,), jnp.float32, -s, s)
    W_neigh = jax.random.uniform(ks[6], (D, D), jnp.float32, -s, s)
    W_d2 = jax.random.uniform(ks[7], (D, D), jnp.float32, -s, s)
    b_d2 = jax.random.uniform(ks[8], (D,), jnp.float32, -s, s)
    return {"x": x, "edge_index": edge_index, "W_d1": W_d1, "b_d1": b_d1,
            "W_self": W_self, "b_self": b_self, "W_neigh": W_neigh,
            "W_d2": W_d2, "b_d2": b_d2}

def reference(x, edge_index, W_d1, b_d1, W_self, b_self, W_neigh, W_d2, b_d2):
    # d1: Linear + ReLU
    h = jax.nn.relu(x @ W_d1 + b_d1)
    # SAGEConv('mean') as in DGL: rst = fc_self(h) + fc_neigh(mean_neigh(h)), then ReLU activation
    src = edge_index[0]
    dst = edge_index[1]
    msg = jnp.take(h, src, axis=0)                                   # gather source features
    agg = jax.ops.segment_sum(msg, dst, num_segments=N)              # scatter-add by destination
    deg = jax.ops.segment_sum(jnp.ones((E,), jnp.float32), dst, num_segments=N)
    h_neigh = agg / jnp.maximum(deg, 1.0)[:, None]
    h2 = jax.nn.relu(h @ W_self + b_self + h_neigh @ W_neigh)
    # d2: Linear + ReLU
    out = jax.nn.relu(h2 @ W_d2 + b_d2)
    return out

if __name__ == "__main__":
    import jax
    _d = setup_inputs()
    print(jax.jit(kernel)(*tuple(_d.values())))

</pallas_src>

<mosaic_0001>
#map = affine_map<(d0, d1) -> (0, 0)>
#map1 = affine_map<(d0, d1) -> (0, 0, 0, 0)>
#map2 = affine_map<(d0, d1) -> (0, 0, 0)>
module attributes {stable_mosaic.version = 14 : i64} {
  func.func @_sc_agg(%arg0: i32, %arg1: i32, %arg2: memref<10000x128xf32, #tpu.memory_space<hbm>>, %arg3: memref<32x135x2x80xi32, #tpu.memory_space<hbm>>, %arg4: memref<2x10240x128xf32, #tpu.memory_space<hbm>>, %arg5: memref<32x10000xf32, #tpu.memory_space<hbm>>, %arg6: memref<15x2x80xi32, #tpu.memory_space<vmem>>, %arg7: memref<15x2x80xi32, #tpu.memory_space<vmem>>, %arg8: memref<10000xf32, #tpu.memory_space<vmem>>, %arg9: memref<80x128xf32, #tpu.memory_space<vmem>>, %arg10: memref<80x128xf32, #tpu.memory_space<vmem>>, %arg11: memref<80x128xf32, #tpu.memory_space<vmem>>, %arg12: memref<10240x128xf32, #tpu.memory_space<vmem_shared>>, %arg13: memref<!tpu.dma_semaphore, #tpu.memory_space<semaphore_mem>>, %arg14: memref<!tpu.dma_semaphore, #tpu.memory_space<semaphore_mem>>, %arg15: memref<!tpu.dma_semaphore, #tpu.memory_space<semaphore_mem>>, %arg16: memref<!tpu.dma_semaphore, #tpu.memory_space<semaphore_mem>>, %arg17: memref<!tpu.dma_semaphore, #tpu.memory_space<semaphore_mem>>) attributes {dimension_semantics = [#tpu.dimension_semantics<core_parallel>, #tpu.dimension_semantics<subcore_parallel>], iteration_bounds = array<i64: 2, 16>, scalar_prefetch = 0 : i64, scratch_operands = 12 : i64, tpu.core_type = #tpu.core_type<sc_vector_subcore>, window_params = [{transform_indices = #map}, {transform_indices = #map1}, {transform_indices = #map2}, {transform_indices = #map}]} {
    %mul3A = arith.constant 16 : i32
    %mul3A_0 = arith.muli %arg0, %mul3A : i32
    %add3A = arith.addi %mul3A_0, %arg1 : i32
    %broadcast_in_dim3A = arith.constant 1.000000e+00 : f32
    %broadcast_in_dim3A_1 = vector.broadcast %broadcast_in_dim3A : f32 to vector<16xf32>
    %dma_start3A = arith.constant 0 : i32
    %dma_start3A_2 = arith.constant 0 : i32
    %dma_start3A_3 = arith.constant 0 : i32
    %dma_start3A_4 = tpu.memref_slice %arg3[%add3A, %dma_start3A, %dma_start3A_2, %dma_start3A_3] : memref<32x135x2x80xi32, #tpu.memory_space<hbm>> -> memref<1x15x2x80xi32, #tpu.memory_space<hbm>>
    %dma_start3A_5 = tpu.memref_squeeze %dma_start3A_4 : memref<1x15x2x80xi32, #tpu.memory_space<hbm>> -> memref<15x2x80xi32, #tpu.memory_space<hbm>>
    %dma_start3A_6 = arith.constant 0 : i32
    %dma_start3A_7 = arith.constant 0 : i32
    %dma_start3A_8 = arith.constant 0 : i32
    %dma_start3A_9 = tpu.memref_slice %arg3[%add3A, %dma_start3A_6, %dma_start3A_7, %dma_start3A_8] : memref<32x135x2x80xi32, #tpu.memory_space<hbm>> -> memref<1x15x2x80xi32, #tpu.memory_space<hbm>>
    %dma_start3A_10 = tpu.memref_squeeze %dma_start3A_9 : memref<1x15x2x80xi32, #tpu.memory_space<hbm>> -> memref<15x2x80xi32, #tpu.memory_space<hbm>>
    tpu.enqueue_dma source(%dma_start3A_10 : memref<15x2x80xi32, #tpu.memory_space<hbm>>) target(%arg6 : memref<15x2x80xi32, #tpu.memory_space<vmem>>) target_semaphore(%arg16 : memref<!tpu.dma_semaphore, #tpu.memory_space<semaphore_mem>>)
    %dma_start3A_11 = arith.constant 15 : i32
    %dma_start3A_12 = arith.constant 0 : i32
    %dma_start3A_13 = arith.constant 0 : i32
    %dma_start3A_14 = tpu.memref_slice %arg3[%add3A, %dma_start3A_11, %dma_start3A_12, %dma_start3A_13] : memref<32x135x2x80xi32, #tpu.memory_space<hbm>> -> memref<1x15x2x80xi32, #tpu.memory_space<hbm>>
    %dma_start3A_15 = tpu.memref_squeeze %dma_start3A_14 : memref<1x15x2x80xi32, #tpu.memory_space<hbm>> -> memref<15x2x80xi32, #tpu.memory_space<hbm>>
    %dma_start3A_16 = arith.constant 15 : i32
    %dma_start3A_17 = arith.constant 0 : i32
    %dma_start3A_18 = arith.constant 0 : i32
    %dma_start3A_19 = tpu.memref_slice %arg3[%add3A, %dma_start3A_16, %dma_start3A_17, %dma_start3A_18] : memref<32x135x2x80xi32, #tpu.memory_space<hbm>> -> memref<1x15x2x80xi32, #tpu.memory_space<hbm>>
    %dma_start3A_20 = tpu.memref_squeeze %dma_start3A_19 : memref<1x15x2x80xi32, #tpu.memory_space<hbm>> -> memref<15x2x80xi32, #tpu.memory_space<hbm>>
    tpu.enqueue_dma source(%dma_start3A_20 : memref<15x2x80xi32, #tpu.memory_space<hbm>>) target(%arg7 : memref<15x2x80xi32, #tpu.memory_space<vmem>>) target_semaphore(%arg17 : memref<!tpu.dma_semaphore, #tpu.memory_space<semaphore_mem>>)
    %broadcast_in_dim3A_21 = arith.constant 0.000000e+00 : f32
    %broadcast_in_dim3A_22 = vector.broadcast %broadcast_in_dim3A_21 : f32 to vector<16xf32>
    %scan3A = arith.constant 0 : i32
    %scan3A_23 = arith.constant 0 : i32
    %scan3A_24 = arith.constant 625 : i32
    %scan3A_25 = arith.addi %scan3A_23, %scan3A_24 : i32
    %scan3A_26 = arith.constant 1 : i32
    scf.for %scan3A_334 = %scan3A_23 to %scan3A_25 step %scan3A_26  : i32 {
      %mul3A_335 = arith.constant 16 : i32
      %mul3A_336 = arith.muli %scan3A_334, %mul3A_335 : i32
      %swap3A = arith.index_cast %mul3A_336 : i32 to index
      %swap3A_337 = tpu.vector_load %arg8[%swap3A] {strides = array<i32>} : memref<10000xf32, #tpu.memory_space<vmem>>, vector<16xf32>,
      tpu.vector_store %arg8[%swap3A], %broadcast_in_dim3A_22 {strides = array<i32>} : memref<10000xf32, #tpu.memory_space<vmem>>, vector<16xf32>,
    }
    %scan3A_27 = arith.constant 625 : i32
    %dma_wait3A = arith.constant 0 : i32
    %dma_wait3A_28 = arith.constant 0 : i32
    %dma_wait3A_29 = arith.constant 0 : i32
    %dma_wait3A_30 = tpu.memref_slice %arg3[%add3A, %dma_wait3A, %dma_wait3A_28, %dma_wait3A_29] : memref<32x135x2x80xi32, #tpu.memory_space<hbm>> -> memref<1x15x2x80xi32, #tpu.memory_space<hbm>>
    %dma_wait3A_31 = tpu.memref_squeeze %dma_wait3A_30 : memref<1x15x2x80xi32, #tpu.memory_space<hbm>> -> memref<15x2x80xi32, #tpu.memory_space<hbm>>
    %dma_wait3A_32 = arith.constant 0 : i32
    %dma_wait3A_33 = arith.constant 0 : i32
    %dma_wait3A_34 = arith.constant 0 : i32
    %dma_wait3A_35 = tpu.memref_slice %arg3[%add3A, %dma_wait3A_32, %dma_wait3A_33, %dma_wait3A_34] : memref<32x135x2x80xi32, #tpu.memory_space<hbm>> -> memref<1x15x2x80xi32, #tpu.memory_space<hbm>>
    %dma_wait3A_36 = tpu.memref_squeeze %dma_wait3A_35 : memref<1x15x2x80xi32, #tpu.memory_space<hbm>> -> memref<15x2x80xi32, #tpu.memory_space<hbm>>
    tpu.wait_dma2 semaphore(%arg16 : memref<!tpu.dma_semaphore, #tpu.memory_space<semaphore_mem>>) src(%dma_wait3A_36 : memref<15x2x80xi32, #tpu.memory_space<hbm>>) dst(%arg6 : memref<15x2x80xi32, #tpu.memory_space<vmem>>)
    %dma_start3A_37 = arith.constant 1 : i32
    %dma_start3A_38 = arith.constant 0 : i32
    %dma_start3A_39 = arith.constant 0 : i32
    %dma_start3A_40 = tpu.memref_slice %arg6[%dma_start3A_37, %dma_start3A_38, %dma_start3A_39] : memref<15x2x80xi32, #tpu.memory_space<vmem>> -> memref<1x1x80xi32, #tpu.memory_space<vmem>>
    %dma_start3A_41 = tpu.memref_squeeze %dma_start3A_40 : memref<1x1x80xi32, #tpu.memory_space<vmem>> -> memref<80xi32, #tpu.memory_space<vmem>>
    %dma_start3A_42 = arith.constant 0 : i32
    %dma_start3A_43 = arith.constant 0 : i32
    %dma_start3A_44 = tpu.memref_slice %arg2[%dma_start3A_42, %dma_start3A_43] : memref<10000x128xf32, #tpu.memory_space<hbm>> -> memref<10000x128xf32, #tpu.memory_space<hbm>>
    tpu.enqueue_indirect_dma source(%dma_start3A_44 : memref<10000x128xf32, #tpu.memory_space<hbm>>) target(%arg10 : memref<80x128xf32, #tpu.memory_space<vmem>>) offsets(%dma_start3A_41 : memref<80xi32, #tpu.memory_space<vmem>>) semaphore(%arg14 : memref<!tpu.dma_semaphore, #tpu.memory_space<semaphore_mem>>)
    %dma_start3A_45 = arith.constant 2 : i32
    %dma_start3A_46 = arith.constant 0 : i32
    %dma_start3A_47 = arith.constant 0 : i32
    %dma_start3A_48 = tpu.memref_slice %arg6[%dma_start3A_45, %dma_start3A_46, %dma_start3A_47] : memref<15x2x80xi32, #tpu.memory_space<vmem>> -> memref<1x1x80xi32, #tpu.memory_space<vmem>>
    %dma_start3A_49 = tpu.memref_squeeze %dma_start3A_48 : memref<1x1x80xi32, #tpu.memory_space<vmem>> -> memref<80xi32, #tpu.memory_space<vmem>>
    %dma_start3A_50 = arith.constant 0 : i32
    %dma_start3A_51 = arith.constant 0 : i32
    %dma_start3A_52 = tpu.memref_slice %arg2[%dma_start3A_50, %dma_start3A_51] : memref<10000x128xf32, #tpu.memory_space<hbm>> -> memref<10000x128xf32, #tpu.memory_space<hbm>>
    tpu.enqueue_indirect_dma source(%dma_start3A_52 : memref<10000x128xf32, #tpu.memory_space<hbm>>) target(%arg11 : memref<80x128xf32, #tpu.memory_space<vmem>>) offsets(%dma_start3A_49 : memref<80xi32, #tpu.memory_space<vmem>>) semaphore(%arg15 : memref<!tpu.dma_semaphore, #tpu.memory_space<semaphore_mem>>)
    %scan3A_53 = arith.constant 0 : i32
    %scan3A_54 = arith.constant 0 : i32
    %scan3A_55 = arith.constant 640 : i32
    %scan3A_56 = arith.addi %scan3A_54, %scan3A_55 : i32
    %scan3A_57 = arith.constant 1 : i32
    scf.for %scan3A_334 = %scan3A_54 to %scan3A_56 step %scan3A_57  : i32 {
      %jit3A = arith.constant 80 : i32
      %eq3A = arith.constant 0 : i32
      %eq3A_335 = arith.cmpi eq, %jit3A, %eq3A : i32
      %jit3A_336 = arith.constant 1 : i32
      %select_n3A = arith.select %eq3A_335, %jit3A_336, %jit3A : i32
      %rem3A = arith.remsi %scan3A_334, %select_n3A : i32
      %ne3A = arith.constant 0 : i32
      %ne3A_337 = arith.cmpi ne, %rem3A, %ne3A : i32
      %lt3A = arith.constant 0 : i32
      %lt3A_338 = arith.cmpi slt, %rem3A, %lt3A : i32
      %lt3A_339 = arith.constant 0 : i32
      %lt3A_340 = arith.cmpi slt, %select_n3A, %lt3A_339 : i32
      %ne3A_341 = arith.xori %lt3A_338, %lt3A_340 : i1
      %and3A = arith.andi %ne3A_341, %ne3A_337 : i1
      %add3A_342 = arith.addi %rem3A, %select_n3A : i32
      %select_n3A_343 = arith.select %and3A, %add3A_342, %rem3A : i32
      %jit3A_344 = arith.constant 80 : i32
      %div3A = arith.divsi %scan3A_334, %jit3A_344 : i32
      %sign3A = arith.constant 0 : i32
      %sign3A_345 = arith.cmpi sgt, %scan3A_334, %sign3A : i32
      %sign3A_346 = arith.extui %sign3A_345 : i1 to i32
      %sign3A_347 = arith.constant 0 : i32
      %sign3A_348 = arith.cmpi slt, %scan3A_334, %sign3A_347 : i32
      %sign3A_349 = arith.extui %sign3A_348 : i1 to i32
      %sign3A_350 = arith.subi %sign3A_346, %sign3A_349 : i32
      %sign3A_351 = arith.constant 0 : i32
      %sign3A_352 = arith.cmpi sgt, %jit3A_344, %sign3A_351 : i32
      %sign3A_353 = arith.extui %sign3A_352 : i1 to i32
      %sign3A_354 = arith.constant 0 : i32
      %sign3A_355 = arith.cmpi slt, %jit3A_344, %sign3A_354 : i32
      %sign3A_356 = arith.extui %sign3A_355 : i1 to i32
      %sign3A_357 = arith.subi %sign3A_353, %sign3A_356 : i32
      %ne3A_358 = arith.cmpi ne, %sign3A_350, %sign3A_357 : i32
      %rem3A_359 = arith.remsi %scan3A_334, %jit3A_344 : i32
      %ne3A_360 = arith.constant 0 : i32
      %ne3A_361 = arith.cmpi ne, %rem3A_359, %ne3A_360 : i32
      %and3A_362 = arith.andi %ne3A_358, %ne3A_361 : i1
      %sub3A = arith.constant 1 : i32
      %sub3A_363 = arith.subi %div3A, %sub3A : i32
      %select_n3A_364 = arith.select %and3A_362, %sub3A_363, %div3A : i32
      %mul3A_365 = arith.constant 16 : i32
      %mul3A_366 = arith.muli %select_n3A_364, %mul3A_365 : i32
      %swap3A = arith.index_cast %select_n3A_343 : i32 to index
      %swap3A_367 = arith.index_cast %mul3A_366 : i32 to index
      %swap3A_368 = tpu.vector_load %arg9[%swap3A, %swap3A_367] {strides = array<i32>} : memref<80x128xf32, #tpu.memory_space<vmem>>, vector<16xf32>,
      tpu.vector_store %arg9[%swap3A, %swap3A_367], %broadcast_in_dim3A_22 {strides = array<i32>} : memref<80x128xf32, #tpu.memory_space<vmem>>, vector<16xf32>,
    }
    %scan3A_58 = arith.constant 640 : i32
    %mul3A_59 = arith.constant 640 : i32
    %mul3A_60 = arith.muli %arg1, %mul3A_59 : i32
    %add3A_61 = arith.constant 0 : i32
    %add3A_62 = arith.addi %mul3A_60, %add3A_61 : i32
    "tpu.region"() ({
      %run_scoped3A_334 = tpu.sem_alloc : memref<!tpu.dma_semaphore, #tpu.memory_space<semaphore_mem>>
      %dma_start3A_335 = arith.constant 0 : i32
      %dma_start3A_336 = tpu.memref_slice %arg12[%add3A_62, %dma_start3A_335] : memref<10240x128xf32, #tpu.memory_space<vmem_shared>> -> memref<80x128xf32, #tpu.memory_space<vmem_shared>>
      %dma_start3A_337 = arith.constant 0 : i32
      %dma_start3A_338 = tpu.memref_slice %arg12[%add3A_62, %dma_start3A_337] : memref<10240x128xf32, #tpu.memory_space<vmem_shared>> -> memref<80x128xf32, #tpu.memory_space<vmem_shared>>
      tpu.enqueue_dma source(%arg9 : memref<80x128xf32, #tpu.memory_space<vmem>>) target(%dma_start3A_338 : memref<80x128xf32, #tpu.memory_space<vmem_shared>>) target_semaphore(%run_scoped3A_334 : memref<!tpu.dma_semaphore, #tpu.memory_space<semaphore_mem>>)
      %dma_wait3A_339 = arith.constant 0 : i32
      %dma_wait3A_340 = tpu.memref_slice %arg12[%add3A_62, %dma_wait3A_339] : memref<10240x128xf32, #tpu.memory_space<vmem_shared>> -> memref<80x128xf32, #tpu.memory_space<vmem_shared>>
      %dma_wait3A_341 = arith.constant 0 : i32
      %dma_wait3A_342 = tpu.memref_slice %arg12[%add3A_62, %dma_wait3A_341] : memref<10240x128xf32, #tpu.memory_space<vmem_shared>> -> memref<80x128xf32, #tpu.memory_space<vmem_shared>>
      tpu.wait_dma2 semaphore(%run_scoped3A_334 : memref<!tpu.dma_semaphore, #tpu.memory_space<semaphore_mem>>) src(%arg9 : memref<80x128xf32, #tpu.memory_space<vmem>>) dst(%dma_wait3A_342 : memref<80x128xf32, #tpu.memory_space<vmem_shared>>)
      tpu.yield
    }) : () -> ()
    %mul3A_63 = arith.constant 640 : i32
    %mul3A_64 = arith.muli %arg1, %mul3A_63 : i32
    %add3A_65 = arith.constant 80 : i32
    %add3A_66 = arith.addi %mul3A_64, %add3A_65 : i32
    "tpu.region"() ({
      %run_scoped3A_334 = tpu.sem_alloc : memref<!tpu.dma_semaphore, #tpu.memory_space<semaphore_mem>>
      %dma_start3A_335 = arith.constant 0 : i32
      %dma_start3A_336 = tpu.memref_slice %arg12[%add3A_66, %dma_start3A_335] : memref<10240x128xf32, #tpu.memory_space<vmem_shared>> -> memref<80x128xf32, #tpu.memory_space<vmem_shared>>
      %dma_start3A_337 = arith.constant 0 : i32
      %dma_start3A_338 = tpu.memref_slice %arg12[%add3A_66, %dma_start3A_337] : memref<10240x128xf32, #tpu.memory_space<vmem_shared>> -> memref<80x128xf32, #tpu.memory_space<vmem_shared>>
      tpu.enqueue_dma source(%arg9 : memref<80x128xf32, #tpu.memory_space<vmem>>) target(%dma_start3A_338 : memref<80x128xf32, #tpu.memory_space<vmem_shared>>) target_semaphore(%run_scoped3A_334 : memref<!tpu.dma_semaphore, #tpu.memory_space<semaphore_mem>>)
      %dma_wait3A_339 = arith.constant 0 : i32
      %dma_wait3A_340 = tpu.memref_slice %arg12[%add3A_66, %dma_wait3A_339] : memref<10240x128xf32, #tpu.memory_space<vmem_shared>> -> memref<80x128xf32, #tpu.memory_space<vmem_shared>>
      %dma_wait3A_341 = arith.constant 0 : i32
      %dma_wait3A_342 = tpu.memref_slice %arg12[%add3A_66, %dma_wait3A_341] : memref<10240x128xf32, #tpu.memory_space<vmem_shared>> -> memref<80x128xf32, #tpu.memory_space<vmem_shared>>
      tpu.wait_dma2 semaphore(%run_scoped3A_334 : memref<!tpu.dma_semaphore, #tpu.memory_space<semaphore_mem>>) src(%arg9 : memref<80x128xf32, #tpu.memory_space<vmem>>) dst(%dma_wait3A_342 : memref<80x128xf32, #tpu.memory_space<vmem_shared>>)
      tpu.yield
    }) : () -> ()
    %mul3A_67 = arith.constant 640 : i32
    %mul3A_68 = arith.muli %arg1, %mul3A_67 : i32
    %add3A_69 = arith.constant 160 : i32
    %add3A_70 = arith.addi %mul3A_68, %add3A_69 : i32
    "tpu.region"() ({
      %run_scoped3A_334 = tpu.sem_alloc : memref<!tpu.dma_semaphore, #tpu.memory_space<semaphore_mem>>
      %dma_start3A_335 = arith.constant 0 : i32
      %dma_start3A_336 = tpu.memref_slice %arg12[%add3A_70, %dma_start3A_335] : memref<10240x128xf32, #tpu.memory_space<vmem_shared>> -> memref<80x128xf32, #tpu.memory_space<vmem_shared>>
      %dma_start3A_337 = arith.constant 0 : i32
      %dma_start3A_338 = tpu.memref_slice %arg12[%add3A_70, %dma_start3A_337] : memref<10240x128xf32, #tpu.memory_space<vmem_shared>> -> memref<80x128xf32, #tpu.memory_space<vmem_shared>>
      tpu.enqueue_dma source(%arg9 : memref<80x128xf32, #tpu.memory_space<vmem>>) target(%dma_start3A_338 : memref<80x128xf32, #tpu.memory_space<vmem_shared>>) target_semaphore(%run_scoped3A_334 : memref<!tpu.dma_semaphore, #tpu.memory_space<semaphore_mem>>)
      %dma_wait3A_339 = arith.constant 0 : i32
      %dma_wait3A_340 = tpu.memref_slice %arg12[%add3A_70, %dma_wait3A_339] : memref<10240x128xf32, #tpu.memory_space<vmem_shared>> -> memref<80x128xf32, #tpu.memory_space<vmem_shared>>
      %dma_wait3A_341 = arith.constant 0 : i32
      %dma_wait3A_342 = tpu.memref_slice %arg12[%add3A_70, %dma_wait3A_341] : memref<10240x128xf32, #tpu.memory_space<vmem_shared>> -> memref<80x128xf32, #tpu.memory_space<vmem_shared>>
      tpu.wait_dma2 semaphore(%run_scoped3A_334 : memref<!tpu.dma_semaphore, #tpu.memory_space<semaphore_mem>>) src(%arg9 : memref<80x128xf32, #tpu.memory_space<vmem>>) dst(%dma_wait3A_342 : memref<80x128xf32, #tpu.memory_space<vmem_shared>>)
      tpu.yield
    }) : () -> ()
    %mul3A_71 = arith.constant 640 : i32
    %mul3A_72 = arith.muli %arg1, %mul3A_71 : i32
    %add3A_73 = arith.constant 240 : i32
    %add3A_74 = arith.addi %mul3A_72, %add3A_73 : i32
    "tpu.region"() ({
      %run_scoped3A_334 = tpu.sem_alloc : memref<!tpu.dma_semaphore, #tpu.memory_space<semaphore_mem>>
      %dma_start3A_335 = arith.constant 0 : i32
      %dma_start3A_336 = tpu.memref_slice %arg12[%add3A_74, %dma_start3A_335] : memref<10240x128xf32, #tpu.memory_space<vmem_shared>> -> memref<80x128xf32, #tpu.memory_space<vmem_shared>>
      %dma_start3A_337 = arith.constant 0 : i32
      %dma_start3A_338 = tpu.memref_slice %arg12[%add3A_74, %dma_start3A_337] : memref<10240x128xf32, #tpu.memory_space<vmem_shared>> -> memref<80x128xf32, #tpu.memory_space<vmem_shared>>
      tpu.enqueue_dma source(%arg9 : memref<80x128xf32, #tpu.memory_space<vmem>>) target(%dma_start3A_338 : memref<80x128xf32, #tpu.memory_space<vmem_shared>>) target_semaphore(%run_scoped3A_334 : memref<!tpu.dma_semaphore, #tpu.memory_space<semaphore_mem>>)
      %dma_wait3A_339 = arith.constant 0 : i32
      %dma_wait3A_340 = tpu.memref_slice %arg12[%add3A_74, %dma_wait3A_339] : memref<10240x128xf32, #tpu.memory_space<vmem_shared>> -> memref<80x128xf32, #tpu.memory_space<vmem_shared>>
      %dma_wait3A_341 = arith.constant 0 : i32
      %dma_wait3A_342 = tpu.memref_slice %arg12[%add3A_74, %dma_wait3A_341] : memref<10240x128xf32, #tpu.memory_space<vmem_shared>> -> memref<80x128xf32, #tpu.memory_space<vmem_shared>>
      tpu.wait_dma2 semaphore(%run_scoped3A_334 : memref<!tpu.dma_semaphore, #tpu.memory_space<semaphore_mem>>) src(%arg9 : memref<80x128xf32, #tpu.memory_space<vmem>>) dst(%dma_wait3A_342 : memref<80x128xf32, #tpu.memory_space<vmem_shared>>)
      tpu.yield
    }) : () -> ()
    %mul3A_75 = arith.constant 640 : i32
    %mul3A_76 = arith.muli %arg1, %mul3A_75 : i32
    %add3A_77 = arith.constant 320 : i32
    %add3A_78 = arith.addi %mul3A_76, %add3A_77 : i32
    "tpu.region"() ({
      %run_scoped3A_334 = tpu.sem_alloc : memref<!tpu.dma_semaphore, #tpu.memory_space<semaphore_mem>>
      %dma_start3A_335 = arith.constant 0 : i32
      %dma_start3A_336 = tpu.memref_slice %arg12[%add3A_78, %dma_start3A_335] : memref<10240x128xf32, #tpu.memory_space<vmem_shared>> -> memref<80x128xf32, #tpu.memory_space<vmem_shared>>
      %dma_start3A_337 = arith.constant 0 : i32
      %dma_start3A_338 = tpu.memref_slice %arg12[%add3A_78, %dma_start3A_337] : memref<10240x128xf32, #tpu.memory_space<vmem_shared>> -> memref<80x128xf32, #tpu.memory_space<vmem_shared>>
      tpu.enqueue_dma source(%arg9 : memref<80x128xf32, #tpu.memory_space<vmem>>) target(%dma_start3A_338 : memref<80x128xf32, #tpu.memory_space<vmem_shared>>) target_semaphore(%run_scoped3A_334 : memref<!tpu.dma_semaphore, #tpu.memory_space<semaphore_mem>>)
      %dma_wait3A_339 = arith.constant 0 : i32
      %dma_wait3A_340 = tpu.memref_slice %arg12[%add3A_78, %dma_wait3A_339] : memref<10240x128xf32, #tpu.memory_space<vmem_shared>> -> memref<80x128xf32, #tpu.memory_space<vmem_shared>>
      %dma_wait3A_341 = arith.constant 0 : i32
      %dma_wait3A_342 = tpu.memref_slice %arg12[%add3A_78, %dma_wait3A_341] : memref<10240x128xf32, #tpu.memory_space<vmem_shared>> -> memref<80x128xf32, #tpu.memory_space<vmem_shared>>
      tpu.wait_dma2 semaphore(%run_scoped3A_334 : memref<!tpu.dma_semaphore, #tpu.memory_space<semaphore_mem>>) src(%arg9 : memref<80x128xf32, #tpu.memory_space<vmem>>) dst(%dma_wait3A_342 : memref<80x128xf32, #tpu.memory_space<vmem_shared>>)
      tpu.yield
    }) : () -> ()
    %mul3A_79 = arith.constant 640 : i32
    %mul3A_80 = arith.muli %arg1, %mul3A_79 : i32
    %add3A_81 = arith.constant 400 : i32
    %add3A_82 = arith.addi %mul3A_80, %add3A_81 : i32
    "tpu.region"() ({
      %run_scoped3A_334 = tpu.sem_alloc : memref<!tpu.dma_semaphore, #tpu.memory_space<semaphore_mem>>
      %dma_start3A_335 = arith.constant 0 : i32
      %dma_start3A_336 = tpu.memref_slice %arg12[%add3A_82, %dma_start3A_335] : memref<10240x128xf32, #tpu.memory_space<vmem_shared>> -> memref<80x128xf32, #tpu.memory_space<vmem_shared>>
      %dma_start3A_337 = arith.constant 0 : i32
      %dma_start3A_338 = tpu.memref_slice %arg12[%add3A_82, %dma_start3A_337] : memref<10240x128xf32, #tpu.memory_space<vmem_shared>> -> memref<80x128xf32, #tpu.memory_space<vmem_shared>>
      tpu.enqueue_dma source(%arg9 : memref<80x128xf32, #tpu.memory_space<vmem>>) target(%dma_start3A_338 : memref<80x128xf32, #tpu.memory_space<vmem_shared>>) target_semaphore(%run_scoped3A_334 : memref<!tpu.dma_semaphore, #tpu.memory_space<semaphore_mem>>)
      %dma_wait3A_339 = arith.constant 0 : i32
      %dma_wait3A_340 = tpu.memref_slice %arg12[%add3A_82, %dma_wait3A_339] : memref<10240x128xf32, #tpu.memory_space<vmem_shared>> -> memref<80x128xf32, #tpu.memory_space<vmem_shared>>
      %dma_wait3A_341 = arith.constant 0 : i32
      %dma_wait3A_342 = tpu.memref_slice %arg12[%add3A_82, %dma_wait3A_341] : memref<10240x128xf32, #tpu.memory_space<vmem_shared>> -> memref<80x128xf32, #tpu.memory_space<vmem_shared>>
      tpu.wait_dma2 semaphore(%run_scoped3A_334 : memref<!tpu.dma_semaphore, #tpu.memory_space<semaphore_mem>>) src(%arg9 : memref<80x128xf32, #tpu.memory_space<vmem>>) dst(%dma_wait3A_342 : memref<80x128xf32, #tpu.memory_space<vmem_shared>>)
      tpu.yield
    }) : () -> ()
    %mul3A_83 = arith.constant 640 : i32
    %mul3A_84 = arith.muli %arg1, %mul3A_83 : i32
    %add3A_85 = arith.constant 480 : i32
    %add3A_86 = arith.addi %mul3A_84, %add3A_85 : i32
    "tpu.region"() ({
      %run_scoped3A_334 = tpu.sem_alloc : memref<!tpu.dma_semaphore, #tpu.memory_space<semaphore_mem>>
      %dma_start3A_335 = arith.constant 0 : i32
      %dma_start3A_336 = tpu.memref_slice %arg12[%add3A_86, %dma_start3A_335] : memref<10240x128xf32, #tpu.memory_space<vmem_shared>> -> memref<80x128xf32, #tpu.memory_space<vmem_shared>>
      %dma_start3A_337 = arith.constant 0 : i32
      %dma_start3A_338 = tpu.memref_slice %arg12[%add3A_86, %dma_start3A_337] : memref<10240x128xf32, #tpu.memory_space<vmem_shared>> -> memref<80x128xf32, #tpu.memory_space<vmem_shared>>
      tpu.enqueue_dma source(%arg9 : memref<80x128xf32, #tpu.memory_space<vmem>>) target(%dma_start3A_338 : memref<80x128xf32, #tpu.memory_space<vmem_shared>>) target_semaphore(%run_scoped3A_334 : memref<!tpu.dma_semaphore, #tpu.memory_space<semaphore_mem>>)
      %dma_wait3A_339 = arith.constant 0 : i32
      %dma_wait3A_340 = tpu.memref_slice %arg12[%add3A_86, %dma_wait3A_339] : memref<10240x128xf32, #tpu.memory_space<vmem_shared>> -> memref<80x128xf32, #tpu.memory_space<vmem_shared>>
      %dma_wait3A_341 = arith.constant 0 : i32
      %dma_wait3A_342 = tpu.memref_slice %arg12[%add3A_86, %dma_wait3A_341] : memref<10240x128xf32, #tpu.memory_space<vmem_shared>> -> memref<80x128xf32, #tpu.memory_space<vmem_shared>>
      tpu.wait_dma2 semaphore(%run_scoped3A_334 : memref<!tpu.dma_semaphore, #tpu.memory_space<semaphore_mem>>) src(%arg9 : memref<80x128xf32, #tpu.memory_space<vmem>>) dst(%dma_wait3A_342 : memref<80x128xf32, #tpu.memory_space<vmem_shared>>)
      tpu.yield
    }) : () -> ()
    %mul3A_87 = arith.constant 640 : i32
    %mul3A_88 = arith.muli %arg1, %mul3A_87 : i32
    %add3A_89 = arith.constant 560 : i32
    %add3A_90 = arith.addi %mul3A_88, %add3A_89 : i32
    "tpu.region"() ({
      %run_scoped3A_334 = tpu.sem_alloc : memref<!tpu.dma_semaphore, #tpu.memory_space<semaphore_mem>>
      %dma_start3A_335 = arith.constant 0 : i32
      %dma_start3A_336 = tpu.memref_slice %arg12[%add3A_90, %dma_start3A_335] : memref<10240x128xf32, #tpu.memory_space<vmem_shared>> -> memref<80x128xf32, #tpu.memory_space<vmem_shared>>
      %dma_start3A_337 = arith.constant 0 : i32
      %dma_start3A_338 = tpu.memref_slice %arg12[%add3A_90, %dma_start3A_337] : memref<10240x128xf32, #tpu.memory_space<vmem_shared>> -> memref<80x128xf32, #tpu.memory_space<vmem_shared>>
      tpu.enqueue_dma source(%arg9 : memref<80x128xf32, #tpu.memory_space<vmem>>) target(%dma_start3A_338 : memref<80x128xf32, #tpu.memory_space<vmem_shared>>) target_semaphore(%run_scoped3A_334 : memref<!tpu.dma_semaphore, #tpu.memory_space<semaphore_mem>>)
      %dma_wait3A_339 = arith.constant 0 : i32
      %dma_wait3A_340 = tpu.memref_slice %arg12[%add3A_90, %dma_wait3A_339] : memref<10240x128xf32, #tpu.memory_space<vmem_shared>> -> memref<80x128xf32, #tpu.memory_space<vmem_shared>>
      %dma_wait3A_341 = arith.constant 0 : i32
      %dma_wait3A_342 = tpu.memref_slice %arg12[%add3A_90, %dma_wait3A_341] : memref<10240x128xf32, #tpu.memory_space<vmem_shared>> -> memref<80x128xf32, #tpu.memory_space<vmem_shared>>
      tpu.wait_dma2 semaphore(%run_scoped3A_334 : memref<!tpu.dma_semaphore, #tpu.memory_space<semaphore_mem>>) src(%arg9 : memref<80x128xf32, #tpu.memory_space<vmem>>) dst(%dma_wait3A_342 : memref<80x128xf32, #tpu.memory_space<vmem_shared>>)
      tpu.yield
    }) : () -> ()
    %dma_start3A_91 = arith.constant 0 : i32
    %dma_start3A_92 = arith.constant 0 : i32
    %dma_start3A_93 = arith.constant 0 : i32
    %dma_start3A_94 = tpu.memref_slice %arg6[%dma_start3A_91, %dma_start3A_92, %dma_start3A_93] : memref<15x2x80xi32, #tpu.memory_space<vmem>> -> memref<1x1x80xi32, #tpu.memory_space<vmem>>
    %dma_start3A_95 = tpu.memref_squeeze %dma_start3A_94 : memref<1x1x80xi32, #tpu.memory_space<vmem>> -> memref<80xi32, #tpu.memory_space<vmem>>
    %dma_start3A_96 = arith.constant 0 : i32
    %dma_start3A_97 = arith.constant 0 : i32
    %dma_start3A_98 = tpu.memref_slice %arg2[%dma_start3A_96, %dma_start3A_97] : memref<10000x128xf32, #tpu.memory_space<hbm>> -> memref<10000x128xf32, #tpu.memory_space<hbm>>
    tpu.enqueue_indirect_dma source(%dma_start3A_98 : memref<10000x128xf32, #tpu.memory_space<hbm>>) target(%arg9 : memref<80x128xf32, #tpu.memory_space<vmem>>) offsets(%dma_start3A_95 : memref<80xi32, #tpu.memory_space<vmem>>) semaphore(%arg13 : memref<!tpu.dma_semaphore, #tpu.memory_space<semaphore_mem>>)
    %barrier3A = arith.constant 0 : index
    tpu.barrier barrier_id(%barrier3A)
    %scan3A_99 = arith.constant 0 : i32
    %scan3A_100 = arith.constant 0 : i32
    %scan3A_101 = arith.constant 4 : i32
    %scan3A_102 = arith.addi %scan3A_100, %scan3A_101 : i32
    %scan3A_103 = arith.constant 1 : i32
    scf.for %scan3A_334 = %scan3A_100 to %scan3A_102 step %scan3A_103  : i32 {
      %mul3A_335 = arith.constant 2 : i32
      %mul3A_336 = arith.muli %mul3A_335, %scan3A_334 : i32
      %dma_wait3A_337 = arith.constant 0 : i32
      %dma_wait3A_338 = arith.constant 0 : i32
      %dma_wait3A_339 = arith.constant 0 : i32
      %dma_wait3A_340 = tpu.memref_slice %arg3[%add3A, %dma_wait3A_337, %dma_wait3A_338, %dma_wait3A_339] : memref<32x135x2x80xi32, #tpu.memory_space<hbm>> -> memref<1x15x2x80xi32, #tpu.memory_space<hbm>>
      %dma_wait3A_341 = tpu.memref_squeeze %dma_wait3A_340 : memref<1x15x2x80xi32, #tpu.memory_space<hbm>> -> memref<15x2x80xi32, #tpu.memory_space<hbm>>
      %dma_wait3A_342 = arith.constant 0 : i32
      %dma_wait3A_343 = arith.constant 0 : i32
      %dma_wait3A_344 = arith.constant 0 : i32
      %dma_wait3A_345 = tpu.memref_slice %arg3[%add3A, %dma_wait3A_342, %dma_wait3A_343, %dma_wait3A_344] : memref<32x135x2x80xi32, #tpu.memory_space<hbm>> -> memref<1x15x2x80xi32, #tpu.memory_space<hbm>>
      %dma_wait3A_346 = tpu.memref_squeeze %dma_wait3A_345 : memref<1x15x2x80xi32, #tpu.memory_space<hbm>> -> memref<15x2x80xi32, #tpu.memory_space<hbm>>
      tpu.wait_dma2 semaphore(%arg17 : memref<!tpu.dma_semaphore, #tpu.memory_space<semaphore_mem>>) src(%dma_wait3A_346 : memref<15x2x80xi32, #tpu.memory_space<hbm>>) dst(%arg7 : memref<15x2x80xi32, #tpu.memory_space<vmem>>)
      %dma_wait3A_347 = arith.constant 0 : i32
      %dma_wait3A_348 = arith.constant 0 : i32
      %dma_wait3A_349 = arith.constant 0 : i32
      %dma_wait3A_350 = tpu.memref_slice %arg6[%dma_wait3A_347, %dma_wait3A_348, %dma_wait3A_349] : memref<15x2x80xi32, #tpu.memory_space<vmem>> -> memref<1x1x80xi32, #tpu.memory_space<vmem>>
      %dma_wait3A_351 = tpu.memref_squeeze %dma_wait3A_350 : memref<1x1x80xi32, #tpu.memory_space<vmem>> -> memref<80xi32, #tpu.memory_space<vmem>>
      %dma_wait3A_352 = arith.constant 0 : i32
      %dma_wait3A_353 = arith.constant 0 : i32
      %dma_wait3A_354 = tpu.memref_slice %arg2[%dma_wait3A_352, %dma_wait3A_353] : memref<10000x128xf32, #tpu.memory_space<hbm>> -> memref<10000x128xf32, #tpu.memory_space<hbm>>
      tpu.wait_indirect_dma semaphore(%arg13 : memref<!tpu.dma_semaphore, #tpu.memory_space<semaphore_mem>>) src(%dma_wait3A_354 : memref<10000x128xf32, #tpu.memory_space<hbm>>) dst(%arg9 : memref<80x128xf32, #tpu.memory_space<vmem>>)
      %run_scoped3A_355 = arith.constant 0 : i32
      %run_scoped3A_356 = arith.constant 1 : i32
      "tpu.region"() ({
        %run_scoped3A_1826 = tpu.sem_alloc : memref<!tpu.dma_semaphore, #tpu.memory_space<semaphore_mem>>
        %dma_start3A_1827 = arith.constant 0 : i32
        %dma_start3A_1828 = tpu.memref_slice %arg6[%run_scoped3A_355, %run_scoped3A_356, %dma_start3A_1827] : memref<15x2x80xi32, #tpu.memory_space<vmem>> -> memref<1x1x80xi32, #tpu.memory_space<vmem>>
        %dma_start3A_1829 = tpu.memref_squeeze %dma_start3A_1828 : memref<1x1x80xi32, #tpu.memory_space<vmem>> -> memref<80xi32, #tpu.memory_space<vmem>>
        %dma_start3A_1830 = arith.constant 0 : i32
        %dma_start3A_1831 = arith.constant 0 : i32
        %dma_start3A_1832 = tpu.memref_slice %arg12[%dma_start3A_1830, %dma_start3A_1831] : memref<10240x128xf32, #tpu.memory_space<vmem_shared>> -> memref<10240x128xf32, #tpu.memory_space<vmem_shared>>
        tpu.enqueue_indirect_dma source(%arg9 : memref<80x128xf32, #tpu.memory_space<vmem>>) target(%dma_start3A_1832 : memref<10240x128xf32, #tpu.memory_space<vmem_shared>>) offsets(%dma_start3A_1829 : memref<80xi32, #tpu.memory_space<vmem>>) semaphore(%run_scoped3A_1826 : memref<!tpu.dma_semaphore, #tpu.memory_space<semaphore_mem>>) {add = true}
        %dma_wait3A_1833 = arith.constant 0 : i32
        %dma_wait3A_1834 = tpu.memref_slice %arg6[%run_scoped3A_355, %run_scoped3A_356, %dma_wait3A_1833] : memref<15x2x80xi32, #tpu.memory_space<vmem>> -> memref<1x1x80xi32, #tpu.memory_space<vmem>>
        %dma_wait3A_1835 = tpu.memref_squeeze %dma_wait3A_1834 : memref<1x1x80xi32, #tpu.memory_space<vmem>> -> memref<80xi32, #tpu.memory_space<vmem>>
        %dma_wait3A_1836 = arith.constant 0 : i32
        %dma_wait3A_1837 = arith.constant 0 : i32
        %dma_wait3A_1838 = tpu.memref_slice %arg12[%dma_wait3A_1836, %dma_wait3A_1837] : memref<10240x128xf32, #tpu.memory_space<vmem_shared>> -> memref<10240x128xf32, #tpu.memory_space<vmem_shared>>
        tpu.wait_indirect_dma semaphore(%run_scoped3A_1826 : memref<!tpu.dma_semaphore, #tpu.memory_space<semaphore_mem>>) src(%arg9 : memref<80x128xf32, #tpu.memory_space<vmem>>) dst(%dma_wait3A_1838 : memref<10240x128xf32, #tpu.memory_space<vmem_shared>>)
        tpu.yield
      }) : () -> ()
      %dma_start3A_357 = arith.constant 3 : i32
      %dma_start3A_358 = arith.constant 0 : i32
      %dma_start3A_359 = arith.constant 0 : i32
      %dma_start3A_360 = tpu.memref_slice %arg6[%dma_start3A_357, %dma_start3A_358, %dma_start3A_359] : memref<15x2x80xi32, #tpu.memory_space<vmem>> -> memref<1x1x80xi32, #tpu.memory_space<vmem>>
      %dma_start3A_361 = tpu.memref_squeeze %dma_start3A_360 : memref<1x1x80xi32, #tpu.memory_space<vmem>> -> memref<80xi32, #tpu.memory_space<vmem>>
      %dma_start3A_362 = arith.constant 0 : i32
      %dma_start3A_363 = arith.constant 0 : i32
      %dma_start3A_364 = tpu.memref_slice %arg2[%dma_start3A_362, %dma_start3A_363] : memref<10000x128xf32, #tpu.memory_space<hbm>> -> memref<10000x128xf32, #tpu.memory_space<hbm>>
      tpu.enqueue_indirect_dma source(%dma_start3A_364 : memref<10000x128xf32, #tpu.memory_space<hbm>>) target(%arg9 : memref<80x128xf32, #tpu.memory_space<vmem>>) offsets(%dma_start3A_361 : memref<80xi32, #tpu.memory_space<vmem>>) semaphore(%arg13 : memref<!tpu.dma_semaphore, #tpu.memory_space<semaphore_mem>>)
      %get3A_365 = arith.constant 0 : i32
      %get3A_366 = arith.constant 1 : i32
      %get3A_367 = arith.index_cast %get3A_365 : i32 to index
      %get3A_368 = arith.index_cast %get3A_366 : i32 to index
      %get3A_369 = arith.constant 0 : index
      %get3A_370 = tpu.vector_load %arg6[%get3A_367, %get3A_368, %get3A_369] {strides = array<i32>} : memref<15x2x80xi32, #tpu.memory_space<vmem>>, vector<16xi32>,
      tpu.vector_store_idx %arg8[%get3A_370], %broadcast_in_dim3A_1 {add = true} : memref<10000xf32, #tpu.memory_space<vmem>>[vector<16xi32>], vector<16xf32>,
      %get3A_371 = arith.constant 0 : i32
      %get3A_372 = arith.constant 1 : i32
      %get3A_373 = arith.index_cast %get3A_371 : i32 to index
      %get3A_374 = arith.index_cast %get3A_372 : i32 to index
      %get3A_375 = arith.constant 16 : index
      %get3A_376 = tpu.vector_load %arg6[%get3A_373, %get3A_374, %get3A_375] {strides = array<i32>} : memref<15x2x80xi32, #tpu.memory_space<vmem>>, vector<16xi32>,
      tpu.vector_store_idx %arg8[%get3A_376], %broadcast_in_dim3A_1 {add = true} : memref<10000xf32, #tpu.memory_space<vmem>>[vector<16xi32>], vector<16xf32>,
      %get3A_377 = arith.constant 0 : i32
      %get3A_378 = arith.constant 1 : i32
      %get3A_379 = arith.index_cast %get3A_377 : i32 to index
      %get3A_380 = arith.index_cast %get3A_378 : i32 to index
      %get3A_381 = arith.constant 32 : index
      %get3A_382 = tpu.vector_load %arg6[%get3A_379, %get3A_380, %get3A_381] {strides = array<i32>} : memref<15x2x80xi32, #tpu.memory_space<vmem>>, vector<16xi32>,
      tpu.vector_store_idx %arg8[%get3A_382], %broadcast_in_dim3A_1 {add = true} : memref<10000xf32, #tpu.memory_space<vmem>>[vector<16xi32>], vector<16xf32>,
      %get3A_383 = arith.constant 0 : i32
      %get3A_384 = arith.constant 1 : i32
      %get3A_385 = arith.index_cast %get3A_383 : i32 to index
      %get3A_386 = arith.index_cast %get3A_384 : i32 to index
      %get3A_387 = arith.constant 48 : index
      %get3A_388 = tpu.vector_load %arg6[%get3A_385, %get3A_386, %get3A_387] {strides = array<i32>} : memref<15x2x80xi32, #tpu.memory_space<vmem>>, vector<16xi32>,
      tpu.vector_store_idx %arg8[%get3A_388], %broadcast_in_dim3A_1 {add = true} : memref<10000xf32, #tpu.memory_space<vmem>>[vector<16xi32>], vector<16xf32>,
      %get3A_389 = arith.constant 0 : i32
      %get3A_390 = arith.constant 1 : i32
      %get3A_391 = arith.index_cast %get3A_389 : i32 to index
      %get3A_392 = arith.index_cast %get3A_390 : i32 to index
      %get3A_393 = arith.constant 64 : index
      %get3A_394 = tpu.vector_load %arg6[%get3A_391, %get3A_392, %get3A_393] {strides = array<i32>} : memref<15x2x80xi32, #tpu.memory_space<vmem>>, vector<16xi32>,
      tpu.vector_store_idx %arg8[%get3A_394], %broadcast_in_dim3A_1 {add = true} : memref<10000xf32, #tpu.memory_space<vmem>>[vector<16xi32>], vector<16xf32>,
      %dma_wait3A_395 = arith.constant 0 : i32
      %dma_wait3A_396 = arith.constant 0 : i32
      %dma_wait3A_397 = arith.constant 0 : i32
      %dma_wait3A_398 = tpu.memref_slice %arg6[%dma_wait3A_395, %dma_wait3A_396, %dma_wait3A_397] : memref<15x2x80xi32, #tpu.memory_space<vmem>> -> memref<1x1x80xi32, #tpu.memory_space<vmem>>
      %dma_wait3A_399 = tpu.memref_squeeze %dma_wait3A_398 : memref<1x1x80xi32, #tpu.memory_space<vmem>> -> memref<80xi32, #tpu.memory_space<vmem>>
      %dma_wait3A_400 = arith.constant 0 : i32
      %dma_wait3A_401 = arith.constant 0 : i32
      %dma_wait3A_402 = tpu.memref_slice %arg2[%dma_wait3A_400, %dma_wait3A_401] : memref<10000x128xf32, #tpu.memory_space<hbm>> -> memref<10000x128xf32, #tpu.memory_space<hbm>>
      tpu.wait_indirect_dma semaphore(%arg14 : memref<!tpu.dma_semaphore, #tpu.memory_space<semaphore_mem>>) src(%dma_wait3A_402 : memref<10000x128xf32, #tpu.memory_space<hbm>>) dst(%arg10 : memref<80x128xf32, #tpu.memory_space<vmem>>)
      %run_scoped3A_403 = arith.constant 1 : i32
      %run_scoped3A_404 = arith.constant 1 : i32
      "tpu.region"() ({
        %run_scoped3A_1826 = tpu.sem_alloc : memref<!tpu.dma_semaphore, #tpu.memory_space<semaphore_mem>>
        %dma_start3A_1827 = arith.constant 0 : i32
        %dma_start3A_1828 = tpu.memref_slice %arg6[%run_scoped3A_403, %run_scoped3A_404, %dma_start3A_1827] : memref<15x2x80xi32, #tpu.memory_space<vmem>> -> memref<1x1x80xi32, #tpu.memory_space<vmem>>
        %dma_start3A_1829 = tpu.memref_squeeze %dma_start3A_1828 : memref<1x1x80xi32, #tpu.memory_space<vmem>> -> memref<80xi32, #tpu.memory_space<vmem>>
        %dma_start3A_1830 = arith.constant 0 : i32
        %dma_start3A_1831 = arith.constant 0 : i32
        %dma_start3A_1832 = tpu.memref_slice %arg12[%dma_start3A_1830, %dma_start3A_1831] : memref<10240x128xf32, #tpu.memory_space<vmem_shared>> -> memref<10240x128xf32, #tpu.memory_space<vmem_shared>>
        tpu.enqueue_indirect_dma source(%arg10 : memref<80x128xf32, #tpu.memory_space<vmem>>) target(%dma_start3A_1832 : memref<10240x128xf32, #tpu.memory_space<vmem_shared>>) offsets(%dma_start3A_1829 : memref<80xi32, #tpu.memory_space<vmem>>) semaphore(%run_scoped3A_1826 : memref<!tpu.dma_semaphore, #tpu.memory_space<semaphore_mem>>) {add = true}
        %dma_wait3A_1833 = arith.constant 0 : i32
        %dma_wait3A_1834 = tpu.memref_slice %arg6[%run_scoped3A_403, %run_scoped3A_404, %dma_wait3A_1833] : memref<15x2x80xi32, #tpu.memory_space<vmem>> -> memref<1x1x80xi32, #tpu.memory_space<vmem>>
        %dma_wait3A_1835 = tpu.memref_squeeze %dma_wait3A_1834 : memref<1x1x80xi32, #tpu.memory_space<vmem>> -> memref<80xi32, #tpu.memory_space<vmem>>
        %dma_wait3A_1836 = arith.constant 0 : i32
        %dma_wait3A_1837 = arith.constant 0 : i32
        %dma_wait3A_1838 = tpu.memref_slice %arg12[%dma_wait3A_1836, %dma_wait3A_1837] : memref<10240x128xf32, #tpu.memory_space<vmem_shared>> -> memref<10240x128xf32, #tpu.memory_space<vmem_shared>>
        tpu.wait_indirect_dma semaphore(%run_scoped3A_1826 : memref<!tpu.dma_semaphore, #tpu.memory_space<semaphore_mem>>) src(%arg10 : memref<80x128xf32, #tpu.memory_space<vmem>>) dst(%dma_wait3A_1838 : memref<10240x128xf32, #tpu.memory_space<vmem_shared>>)
        tpu.yield
      }) : () -> ()
      %dma_start3A_405 = arith.constant 4 : i32
      %dma_start3A_406 = arith.constant 0 : i32
      %dma_start3A_407 = arith.constant 0 : i32
      %dma_start3A_408 = tpu.memref_slice %arg6[%dma_start3A_405, %dma_start3A_406, %dma_start3A_407] : memref<15x2x80xi32, #tpu.memory_space<vmem>> -> memref<1x1x80xi32, #tpu.memory_space<vmem>>
      %dma_start3A_409 = tpu.memref_squeeze %dma_start3A_408 : memref<1x1x80xi32, #tpu.memory_space<vmem>> -> memref<80xi32, #tpu.memory_space<vmem>>
      %dma_start3A_410 = arith.constant 0 : i32
      %dma_start3A_411 = arith.constant 0 : i32
      %dma_start3A_412 = tpu.memref_slice %arg2[%dma_start3A_410, %dma_start3A_411] : memref<10000x128xf32, #tpu.memory_space<hbm>> -> memref<10000x128xf32, #tpu.memory_space<hbm>>
      tpu.enqueue_indirect_dma source(%dma_start3A_412 : memref<10000x128xf32, #tpu.memory_space<hbm>>) target(%arg10 : memref<80x128xf32, #tpu.memory_space<vmem>>) offsets(%dma_start3A_409 : memref<80xi32, #tpu.memory_space<vmem>>) semaphore(%arg14 : memref<!tpu.dma_semaphore, #tpu.memory_space<semaphore_mem>>)
      %get3A_413 = arith.constant 1 : i32
      %get3A_414 = arith.constant 1 : i32
      %get3A_415 = arith.index_cast %get3A_413 : i32 to index
      %get3A_416 = arith.index_cast %get3A_414 : i32 to index
      %get3A_417 = arith.constant 0 : index
      %get3A_418 = tpu.vector_load %arg6[%get3A_415, %get3A_416, %get3A_417] {strides = array<i32>} : memref<15x2x80xi32, #tpu.memory_space<vmem>>, vector<16xi32>,
      tpu.vector_store_idx %arg8[%get3A_418], %broadcast_in_dim3A_1 {add = true} : memref<10000xf32, #tpu.memory_space<vmem>>[vector<16xi32>], vector<16xf32>,
      %get3A_419 = arith.constant 1 : i32
      %get3A_420 = arith.constant 1 : i32
      %get3A_421 = arith.index_cast %get3A_419 : i32 to index
      %get3A_422 = arith.index_cast %get3A_420 : i32 to index
      %get3A_423 = arith.constant 16 : index
      %get3A_424 = tpu.vector_load %arg6[%get3A_421, %get3A_422, %get3A_423] {strides = array<i32>} : memref<15x2x80xi32, #tpu.memory_space<vmem>>, vector<16xi32>,
      tpu.vector_store_idx %arg8[%get3A_424], %broadcast_in_dim3A_1 {add = true} : memref<10000xf32, #tpu.memory_space<vmem>>[vector<16xi32>], vector<16xf32>,
      %get3A_425 = arith.constant 1 : i32
      %get3A_426 = arith.constant 1 : i32
      %get3A_427 = arith.index_cast %get3A_425 : i32 to index
      %get3A_428 = arith.index_cast %get3A_426 : i32 to index
      %get3A_429 = arith.constant 32 : index
      %get3A_430 = tpu.vector_load %arg6[%get3A_427, %get3A_428, %get3A_429] {strides = array<i32>} : memref<15x2x80xi32, #tpu.memory_space<vmem>>, vector<16xi32>,
      tpu.vector_store_idx %arg8[%get3A_430], %broadcast_in_dim3A_1 {add = true} : memref<10000xf32, #tpu.memory_space<vmem>>[vector<16xi32>], vector<16xf32>,
      %get3A_431 = arith.constant 1 : i32
      %get3A_432 = arith.constant 1 : i32
      %get3A_433 = arith.index_cast %get3A_431 : i32 to index
      %get3A_434 = arith.index_cast %get3A_432 : i32 to index
      %get3A_435 = arith.constant 48 : index
      %get3A_436 = tpu.vector_load %arg6[%get3A_433, %get3A_434, %get3A_435] {strides = array<i32>} : memref<15x2x80xi32, #tpu.memory_space<vmem>>, vector<16xi32>,
      tpu.vector_store_idx %arg8[%get3A_436], %broadcast_in_dim3A_1 {add = true} : memref<10000xf32, #tpu.memory_space<vmem>>[vector<16xi32>], vector<16xf32>,
      %get3A_437 = arith.constant 1 : i32
      %get3A_438 = arith.constant 1 : i32
      %get3A_439 = arith.index_cast %get3A_437 : i32 to index
      %get3A_440 = arith.index_cast %get3A_438 : i32 to index
      %get3A_441 = arith.constant 64 : index
      %get3A_442 = tpu.vector_load %arg6[%get3A_439, %get3A_440, %get3A_441] {strides = array<i32>} : memref<15x2x80xi32, #tpu.memory_space<vmem>>, vector<16xi32>,
      tpu.vector_store_idx %arg8[%get3A_442], %broadcast_in_dim3A_1 {add = true} : memref<10000xf32, #tpu.memory_space<vmem>>[vector<16xi32>], vector<16xf32>,
      %dma_wait3A_443 = arith.constant 0 : i32
      %dma_wait3A_444 = arith.constant 0 : i32
      %dma_wait3A_445 = arith.constant 0 : i32
      %dma_wait3A_446 = tpu.memref_slice %arg6[%dma_wait3A_443, %dma_wait3A_444, %dma_wait3A_445] : memref<15x2x80xi32, #tpu.memory_space<vmem>> -> memref<1x1x80xi32, #tpu.memory_space<vmem>>
      %dma_wait3A_447 = tpu.memref_squeeze %dma_wait3A_446 : memref<1x1x80xi32, #tpu.memory_space<vmem>> -> memref<80xi32, #tpu.memory_space<vmem>>
      %dma_wait3A_448 = arith.constant 0 : i32
      %dma_wait3A_449 = arith.constant 0 : i32
      %dma_wait3A_450 = tpu.memref_slice %arg2[%dma_wait3A_448, %dma_wait3A_449] : memref<10000x128xf32, #tpu.memory_space<hbm>> -> memref<10000x128xf32, #tpu.memory_space<hbm>>
      tpu.wait_indirect_dma semaphore(%arg15 : memref<!tpu.dma_semaphore, #tpu.memory_space<semaphore_mem>>) src(%dma_wait3A_450 : memref<10000x128xf32, #tpu.memory_space<hbm>>) dst(%arg11 : memref<80x128xf32, #tpu.memory_space<vmem>>)
      %run_scoped3A_451 = arith.constant 2 : i32
      %run_scoped3A_452 = arith.constant 1 : i32
      "tpu.region"() ({
        %run_scoped3A_1826 = tpu.sem_alloc : memref<!tpu.dma_semaphore, #tpu.memory_space<semaphore_mem>>
        %dma_start3A_1827 = arith.constant 0 : i32
        %dma_start3A_1828 = tpu.memref_slice %arg6[%run_scoped3A_451, %run_scoped3A_452, %dma_start3A_1827] : memref<15x2x80xi32, #tpu.memory_space<vmem>> -> memref<1x1x80xi32, #tpu.memory_space<vmem>>
        %dma_start3A_1829 = tpu.memref_squeeze %dma_start3A_1828 : memref<1x1x80xi32, #tpu.memory_space<vmem>> -> memref<80xi32, #tpu.memory_space<vmem>>
        %dma_start3A_1830 = arith.constant 0 : i32
        %dma_start3A_1831 = arith.constant 0 : i32
        %dma_start3A_1832 = tpu.memref_slice %arg12[%dma_start3A_1830, %dma_start3A_1831] : memref<10240x128xf32, #tpu.memory_space<vmem_shared>> -> memref<10240x128xf32, #tpu.memory_space<vmem_shared>>
        tpu.enqueue_indirect_dma source(%arg11 : memref<80x128xf32, #tpu.memory_space<vmem>>) target(%dma_start3A_1832 : memref<10240x128xf32, #tpu.memory_space<vmem_shared>>) offsets(%dma_start3A_1829 : memref<80xi32, #tpu.memory_space<vmem>>) semaphore(%run_scoped3A_1826 : memref<!tpu.dma_semaphore, #tpu.memory_space<semaphore_mem>>) {add = true}
        %dma_wait3A_1833 = arith.constant 0 : i32
        %dma_wait3A_1834 = tpu.memref_slice %arg6[%run_scoped3A_451, %run_scoped3A_452, %dma_wait3A_1833] : memref<15x2x80xi32, #tpu.memory_space<vmem>> -> memref<1x1x80xi32, #tpu.memory_space<vmem>>
        %dma_wait3A_1835 = tpu.memref_squeeze %dma_wait3A_1834 : memref<1x1x80xi32, #tpu.memory_space<vmem>> -> memref<80xi32, #tpu.memory_space<vmem>>
        %dma_wait3A_1836 = arith.constant 0 : i32
        %dma_wait3A_1837 = arith.constant 0 : i32
        %dma_wait3A_1838 = tpu.memref_slice %arg12[%dma_wait3A_1836, %dma_wait3A_1837] : memref<10240x128xf32, #tpu.memory_space<vmem_shared>> -> memref<10240x128xf32, #tpu.memory_space<vmem_shared>>
        tpu.wait_indirect_dma semaphore(%run_scoped3A_1826 : memref<!tpu.dma_semaphore, #tpu.memory_space<semaphore_mem>>) src(%arg11 : memref<80x128xf32, #tpu.memory_space<vmem>>) dst(%dma_wait3A_1838 : memref<10240x128xf32, #tpu.memory_space<vmem_shared>>)
        tpu.yield
      }) : () -> ()
      %dma_start3A_453 = arith.constant 5 : i32
      %dma_start3A_454 = arith.constant 0 : i32
      %dma_start3A_455 = arith.constant 0 : i32
      %dma_start3A_456 = tpu.memref_slice %arg6[%dma_start3A_453, %dma_start3A_454, %dma_start3A_455] : memref<15x2x80xi32, #tpu.memory_space<vmem>> -> memref<1x1x80xi32, #tpu.memory_space<vmem>>
      %dma_start3A_457 = tpu.memref_squeeze %dma_start3A_456 : memref<1x1x80xi32, #tpu.memory_space<vmem>> -> memref<80xi32, #tpu.memory_space<vmem>>
      %dma_start3A_458 = arith.constant 0 : i32
      %dma_start3A_459 = arith.constant 0 : i32
      %dma_start3A_460 = tpu.memref_slice %arg2[%dma_start3A_458, %dma_start3A_459] : memref<10000x128xf32, #tpu.memory_space<hbm>> -> memref<10000x128xf32, #tpu.memory_space<hbm>>
      tpu.enqueue_indirect_dma source(%dma_start3A_460 : memref<10000x128xf32, #tpu.memory_space<hbm>>) target(%arg11 : memref<80x128xf32, #tpu.memory_space<vmem>>) offsets(%dma_start3A_457 : memref<80xi32, #tpu.memory_space<vmem>>) semaphore(%arg15 : memref<!tpu.dma_semaphore, #tpu.memory_space<semaphore_mem>>)
      %get3A_461 = arith.constant 2 : i32
      %get3A_462 = arith.constant 1 : i32
      %get3A_463 = arith.index_cast %get3A_461 : i32 to index
      %get3A_464 = arith.index_cast %get3A_462 : i32 to index
      %get3A_465 = arith.constant 0 : index
      %get3A_466 = tpu.vector_load %arg6[%get3A_463, %get3A_464, %get3A_465] {strides = array<i32>} : memref<15x2x80xi32, #tpu.memory_space<vmem>>, vector<16xi32>,
      tpu.vector_store_idx %arg8[%get3A_466], %broadcast_in_dim3A_1 {add = true} : memref<10000xf32, #tpu.memory_space<vmem>>[vector<16xi32>], vector<16xf32>,
      %get3A_467 = arith.constant 2 : i32
      %get3A_468 = arith.constant 1 : i32
      %get3A_469 = arith.index_cast %get3A_467 : i32 to index
      %get3A_470 = arith.index_cast %get3A_468 : i32 to index
      %get3A_471 = arith.constant 16 : index
      %get3A_472 = tpu.vector_load %arg6[%get3A_469, %get3A_470, %get3A_471] {strides = array<i32>} : memref<15x2x80xi32, #tpu.memory_space<vmem>>, vector<16xi32>,
      tpu.vector_store_idx %arg8[%get3A_472], %broadcast_in_dim3A_1 {add = true} : memref<10000xf32, #tpu.memory_space<vmem>>[vector<16xi32>], vector<16xf32>,
      %get3A_473 = arith.constant 2 : i32
      %get3A_474 = arith.constant 1 : i32
      %get3A_475 = arith.index_cast %get3A_473 : i32 to index
      %get3A_476 = arith.index_cast %get3A_474 : i32 to index
      %get3A_477 = arith.constant 32 : index
      %get3A_478 = tpu.vector_load %arg6[%get3A_475, %get3A_476, %get3A_477] {strides = array<i32>} : memref<15x2x80xi32, #tpu.memory_space<vmem>>, vector<16xi32>,
      tpu.vector_store_idx %arg8[%get3A_478], %broadcast_in_dim3A_1 {add = true} : memref<10000xf32, #tpu.memory_space<vmem>>[vector<16xi32>], vector<16xf32>,
      %get3A_479 = arith.constant 2 : i32
      %get3A_480 = arith.constant 1 : i32
      %get3A_481 = arith.index_cast %get3A_479 : i32 to index
      %get3A_482 = arith.index_cast %get3A_480 : i32 to index
      %get3A_483 = arith.constant 48 : index
      %get3A_484 = tpu.vector_load %arg6[%get3A_481, %get3A_482, %get3A_483] {strides = array<i32>} : memref<15x2x80xi32, #tpu.memory_space<vmem>>, vector<16xi32>,
      tpu.vector_store_idx %arg8[%get3A_484], %broadcast_in_dim3A_1 {add = true} : memref<10000xf32, #tpu.memory_space<vmem>>[vector<16xi32>], vector<16xf32>,
      %get3A_485 = arith.constant 2 : i32
      %get3A_486 = arith.constant 1 : i32
      %get3A_487 = arith.index_cast %get3A_485 : i32 to index
      %get3A_488 = arith.index_cast %get3A_486 : i32 to index
      %get3A_489 = arith.constant 64 : index
      %get3A_490 = tpu.vector_load %arg6[%get3A_487, %get3A_488, %get3A_489] {strides = array<i32>} : memref<15x2x80xi32, #tpu.memory_space<vmem>>, vector<16xi32>,
      tpu.vector_store_idx %arg8[%get3A_490], %broadcast_in_dim3A_1 {add = true} : memref<10000xf32, #tpu.memory_space<vmem>>[vector<16xi32>], vector<16xf32>,
      %dma_wait3A_491 = arith.constant 0 : i32
      %dma_wait3A_492 = arith.constant 0 : i32
      %dma_wait3A_493 = arith.constant 0 : i32
      %dma_wait3A_494 = tpu.memref_slice %arg6[%dma_wait3A_491, %dma_wait3A_492, %dma_wait3A_493] : memref<15x2x80xi32, #tpu.memory_space<vmem>> -> memref<1x1x80xi32, #tpu.memory_space<vmem>>
      %dma_wait3A_495 = tpu.memref_squeeze %dma_wait3A_494 : memref<1x1x80xi32, #tpu.memory_space<vmem>> -> memref<80xi32, #tpu.memory_space<vmem>>
      %dma_wait3A_496 = arith.constant 0 : i32
      %dma_wait3A_497 = arith.constant 0 : i32
      %dma_wait3A_498 = tpu.memref_slice %arg2[%dma_wait3A_496, %dma_wait3A_497] : memref<10000x128xf32, #tpu.memory_space<hbm>> -> memref<10000x128xf32, #tpu.memory_space<hbm>>
      tpu.wait_indirect_dma semaphore(%arg13 : memref<!tpu.dma_semaphore, #tpu.memory_space<semaphore_mem>>) src(%dma_wait3A_498 : memref<10000x128xf32, #tpu.memory_space<hbm>>) dst(%arg9 : memref<80x128xf32, #tpu.memory_space<vmem>>)
      %run_scoped3A_499 = arith.constant 3 : i32
      %run_scoped3A_500 = arith.constant 1 : i32
      "tpu.region"() ({
        %run_scoped3A_1826 = tpu.sem_alloc : memref<!tpu.dma_semaphore, #tpu.memory_space<semaphore_mem>>
        %dma_start3A_1827 = arith.constant 0 : i32
        %dma_start3A_1828 = tpu.memref_slice %arg6[%run_scoped3A_499, %run_scoped3A_500, %dma_start3A_1827] : memref<15x2x80xi32, #tpu.memory_space<vmem>> -> memref<1x1x80xi32, #tpu.memory_space<vmem>>
        %dma_start3A_1829 = tpu.memref_squeeze %dma_start3A_1828 : memref<1x1x80xi32, #tpu.memory_space<vmem>> -> memref<80xi32, #tpu.memory_space<vmem>>
        %dma_start3A_1830 = arith.constant 0 : i32
        %dma_start3A_1831 = arith.constant 0 : i32
        %dma_start3A_1832 = tpu.memref_slice %arg12[%dma_start3A_1830, %dma_start3A_1831] : memref<10240x128xf32, #tpu.memory_space<vmem_shared>> -> memref<10240x128xf32, #tpu.memory_space<vmem_shared>>
        tpu.enqueue_indirect_dma source(%arg9 : memref<80x128xf32, #tpu.memory_space<vmem>>) target(%dma_start3A_1832 : memref<10240x128xf32, #tpu.memory_space<vmem_shared>>) offsets(%dma_start3A_1829 : memref<80xi32, #tpu.memory_space<vmem>>) semaphore(%run_scoped3A_1826 : memref<!tpu.dma_semaphore, #tpu.memory_space<semaphore_mem>>) {add = true}
        %dma_wait3A_1833 = arith.constant 0 : i32
        %dma_wait3A_1834 = tpu.memref_slice %arg6[%run_scoped3A_499, %run_scoped3A_500, %dma_wait3A_1833] : memref<15x2x80xi32, #tpu.memory_space<vmem>> -> memref<1x1x80xi32, #tpu.memory_space<vmem>>
        %dma_wait3A_1835 = tpu.memref_squeeze %dma_wait3A_1834 : memref<1x1x80xi32, #tpu.memory_space<vmem>> -> memref<80xi32, #tpu.memory_space<vmem>>
        %dma_wait3A_1836 = arith.constant 0 : i32
        %dma_wait3A_1837 = arith.constant 0 : i32
        %dma_wait3A_1838 = tpu.memref_slice %arg12[%dma_wait3A_1836, %dma_wait3A_1837] : memref<10240x128xf32, #tpu.memory_space<vmem_shared>> -> memref<10240x128xf32, #tpu.memory_space<vmem_shared>>
        tpu.wait_indirect_dma semaphore(%run_scoped3A_1826 : memref<!tpu.dma_semaphore, #tpu.memory_space<semaphore_mem>>) src(%arg9 : memref<80x128xf32, #tpu.memory_space<vmem>>) dst(%dma_wait3A_1838 : memref<10240x128xf32, #tpu.memory_space<vmem_shared>>)
        tpu.yield
      }) : () -> ()
      %dma_start3A_501 = arith.constant 6 : i32
      %dma_start3A_502 = arith.constant 0 : i32
      %dma_start3A_503 = arith.constant 0 : i32
      %dma_start3A_504 = tpu.memref_slice %arg6[%dma_start3A_501, %dma_start3A_502, %dma_start3A_503] : memref<15x2x80xi32, #tpu.memory_space<vmem>> -> memref<1x1x80xi32, #tpu.memory_space<vmem>>
      %dma_start3A_505 = tpu.memref_squeeze %dma_start3A_504 : memref<1x1x80xi32, #tpu.memory_space<vmem>> -> memref<80xi32, #tpu.memory_space<vmem>>
      %dma_start3A_506 = arith.constant 0 : i32
      %dma_start3A_507 = arith.constant 0 : i32
      %dma_start3A_508 = tpu.memref_slice %arg2[%dma_start3A_506, %dma_start3A_507] : memref<10000x128xf32, #tpu.memory_space<hbm>> -> memref<10000x128xf32, #tpu.memory_space<hbm>>
      tpu.enqueue_indirect_dma source(%dma_start3A_508 : memref<10000x128xf32, #tpu.memory_space<hbm>>) target(%arg9 : memref<80x128xf32, #tpu.memory_space<vmem>>) offsets(%dma_start3A_505 : memref<80xi32, #tpu.memory_space<vmem>>) semaphore(%arg13 : memref<!tpu.dma_semaphore, #tpu.memory_space<semaphore_mem>>)
      %get3A_509 = arith.constant 3 : i32
      %get3A_510 = arith.constant 1 : i32
      %get3A_511 = arith.index_cast %get3A_509 : i32 to index
      %get3A_512 = arith.index_cast %get3A_510 : i32 to index
      %get3A_513 = arith.constant 0 : index
      %get3A_514 = tpu.vector_load %arg6[%get3A_511, %get3A_512, %get3A_513] {strides = array<i32>} : memref<15x2x80xi32, #tpu.memory_space<vmem>>, vector<16xi32>,
      tpu.vector_store_idx %arg8[%get3A_514], %broadcast_in_dim3A_1 {add = true} : memref<10000xf32, #tpu.memory_space<vmem>>[vector<16xi32>], vector<16xf32>,
      %get3A_515 = arith.constant 3 : i32
      %get3A_516 = arith.constant 1 : i32
      %get3A_517 = arith.index_cast %get3A_515 : i32 to index
      %get3A_518 = arith.index_cast %get3A_516 : i32 to index
      %get3A_519 = arith.constant 16 : index
      %get3A_520 = tpu.vector_load %arg6[%get3A_517, %get3A_518, %get3A_519] {strides = array<i32>} : memref<15x2x80xi32, #tpu.memory_space<vmem>>, vector<16xi32>,
      tpu.vector_store_idx %arg8[%get3A_520], %broadcast_in_dim3A_1 {add = true} : memref<10000xf32, #tpu.memory_space<vmem>>[vector<16xi32>], vector<16xf32>,
      %get3A_521 = arith.constant 3 : i32
      %get3A_522 = arith.constant 1 : i32
      %get3A_523 = arith.index_cast %get3A_521 : i32 to index
      %get3A_524 = arith.index_cast %get3A_522 : i32 to index
      %get3A_525 = arith.constant 32 : index
      %get3A_526 = tpu.vector_load %arg6[%get3A_523, %get3A_524, %get3A_525] {strides = array<i32>} : memref<15x2x80xi32, #tpu.memory_space<vmem>>, vector<16xi32>,
      tpu.vector_store_idx %arg8[%get3A_526], %broadcast_in_dim3A_1 {add = true} : memref<10000xf32, #tpu.memory_space<vmem>>[vector<16xi32>], vector<16xf32>,
      %get3A_527 = arith.constant 3 : i32
      %get3A_528 = arith.constant 1 : i32
      %get3A_529 = arith.index_cast %get3A_527 : i32 to index
      %get3A_530 = arith.index_cast %get3A_528 : i32 to index
      %get3A_531 = arith.constant 48 : index
      %get3A_532 = tpu.vector_load %arg6[%get3A_529, %get3A_530, %get3A_531] {strides = array<i32>} : memref<15x2x80xi32, #tpu.memory_space<vmem>>, vector<16xi32>,
      tpu.vector_store_idx %arg8[%get3A_532], %broadcast_in_dim3A_1 {add = true} : memref<10000xf32, #tpu.memory_space<vmem>>[vector<16xi32>], vector<16xf32>,
      %get3A_533 = arith.constant 3 : i32
      %get3A_534 = arith.constant 1 : i32
      %get3A_535 = arith.index_cast %get3A_533 : i32 to index
      %get3A_536 = arith.index_cast %get3A_534 : i32 to index
      %get3A_537 = arith.constant 64 : index
      %get3A_538 = tpu.vector_load %arg6[%get3A_535, %get3A_536, %get3A_537] {strides = array<i32>} : memref<15x2x80xi32, #tpu.memory_space<vmem>>, vector<16xi32>,
      tpu.vector_store_idx %arg8[%get3A_538], %broadcast_in_dim3A_1 {add = true} : memref<10000xf32, #tpu.memory_space<vmem>>[vector<16xi32>], vector<16xf32>,
      %dma_wait3A_539 = arith.constant 0 : i32
      %dma_wait3A_540 = arith.constant 0 : i32
      %dma_wait3A_541 = arith.constant 0 : i32
      %dma_wait3A_542 = tpu.memref_slice %arg6[%dma_wait3A_539, %dma_wait3A_540, %dma_wait3A_541] : memref<15x2x80xi32, #tpu.memory_space<vmem>> -> memref<1x1x80xi32, #tpu.memory_space<vmem>>
      %dma_wait3A_543 = tpu.memref_squeeze %dma_wait3A_542 : memref<1x1x80xi32, #tpu.memory_space<vmem>> -> memref<80xi32, #tpu.memory_space<vmem>>
      %dma_wait3A_544 = arith.constant 0 : i32
      %dma_wait3A_545 = arith.constant 0 : i32
      %dma_wait3A_546 = tpu.memref_slice %arg2[%dma_wait3A_544, %dma_wait3A_545] : memref<10000x128xf32, #tpu.memory_space<hbm>> -> memref<10000x128xf32, #tpu.memory_space<hbm>>
      tpu.wait_indirect_dma semaphore(%arg14 : memref<!tpu.dma_semaphore, #tpu.memory_space<semaphore_mem>>) src(%dma_wait3A_546 : memref<10000x128xf32, #tpu.memory_space<hbm>>) dst(%arg10 : memref<80x128xf32, #tpu.memory_space<vmem>>)
      %run_scoped3A_547 = arith.constant 4 : i32
      %run_scoped3A_548 = arith.constant 1 : i32
      "tpu.region"() ({
        %run_scoped3A_1826 = tpu.sem_alloc : memref<!tpu.dma_semaphore, #tpu.memory_space<semaphore_mem>>
        %dma_start3A_1827 = arith.constant 0 : i32
        %dma_start3A_1828 = tpu.memref_slice %arg6[%run_scoped3A_547, %run_scoped3A_548, %dma_start3A_1827] : memref<15x2x80xi32, #tpu.memory_space<vmem>> -> memref<1x1x80xi32, #tpu.memory_space<vmem>>
        %dma_start3A_1829 = tpu.memref_squeeze %dma_start3A_1828 : memref<1x1x80xi32, #tpu.memory_space<vmem>> -> memref<80xi32, #tpu.memory_space<vmem>>
        %dma_start3A_1830 = arith.constant 0 : i32
        %dma_start3A_1831 = arith.constant 0 : i32
        %dma_start3A_1832 = tpu.memref_slice %arg12[%dma_start3A_1830, %dma_start3A_1831] : memref<10240x128xf32, #tpu.memory_space<vmem_shared>> -> memref<10240x128xf32, #tpu.memory_space<vmem_shared>>
        tpu.enqueue_indirect_dma source(%arg10 : memref<80x128xf32, #tpu.memory_space<vmem>>) target(%dma_start3A_1832 : memref<10240x128xf32, #tpu.memory_space<vmem_shared>>) offsets(%dma_start3A_1829 : memref<80xi32, #tpu.memory_space<vmem>>) semaphore(%run_scoped3A_1826 : memref<!tpu.dma_semaphore, #tpu.memory_space<semaphore_mem>>) {add = true}
        %dma_wait3A_1833 = arith.constant 0 : i32
        %dma_wait3A_1834 = tpu.memref_slice %arg6[%run_scoped3A_547, %run_scoped3A_548, %dma_wait3A_1833] : memref<15x2x80xi32, #tpu.memory_space<vmem>> -> memref<1x1x80xi32, #tpu.memory_space<vmem>>
        %dma_wait3A_1835 = tpu.memref_squeeze %dma_wait3A_1834 : memref<1x1x80xi32, #tpu.memory_space<vmem>> -> memref<80xi32, #tpu.memory_space<vmem>>
        %dma_wait3A_1836 = arith.constant 0 : i32
        %dma_wait3A_1837 = arith.constant 0 : i32
        %dma_wait3A_1838 = tpu.memref_slice %arg12[%dma_wait3A_1836, %dma_wait3A_1837] : memref<10240x128xf32, #tpu.memory_space<vmem_shared>> -> memref<10240x128xf32, #tpu.memory_space<vmem_shared>>
        tpu.wait_indirect_dma semaphore(%run_scoped3A_1826 : memref<!tpu.dma_semaphore, #tpu.memory_space<semaphore_mem>>) src(%arg10 : memref<80x128xf32, #tpu.memory_space<vmem>>) dst(%dma_wait3A_1838 : memref<10240x128xf32, #tpu.memory_space<vmem_shared>>)
        tpu.yield
      }) : () -> ()
      %dma_start3A_549 = arith.constant 7 : i32
      %dma_start3A_550 = arith.constant 0 : i32
      %dma_start3A_551 = arith.constant 0 : i32
      %dma_start3A_552 = tpu.memref_slice %arg6[%dma_start3A_549, %dma_start3A_550, %dma_start3A_551] : memref<15x2x80xi32, #tpu.memory_space<vmem>> -> memref<1x1x80xi32, #tpu.memory_space<vmem>>
      %dma_start3A_553 = tpu.memref_squeeze %dma_start3A_552 : memref<1x1x80xi32, #tpu.memory_space<vmem>> -> memref<80xi32, #tpu.memory_space<vmem>>
      %dma_start3A_554 = arith.constant 0 : i32
      %dma_start3A_555 = arith.constant 0 : i32
      %dma_start3A_556 = tpu.memref_slice %arg2[%dma_start3A_554, %dma_start3A_555] : memref<10000x128xf32, #tpu.memory_space<hbm>> -> memref<10000x128xf32, #tpu.memory_space<hbm>>
      tpu.enqueue_indirect_dma source(%dma_start3A_556 : memref<10000x128xf32, #tpu.memory_space<hbm>>) target(%arg10 : memref<80x128xf32, #tpu.memory_space<vmem>>) offsets(%dma_start3A_553 : memref<80xi32, #tpu.memory_space<vmem>>) semaphore(%arg14 : memref<!tpu.dma_semaphore, #tpu.memory_space<semaphore_mem>>)
      %get3A_557 = arith.constant 4 : i32
      %get3A_558 = arith.constant 1 : i32
      %get3A_559 = arith.index_cast %get3A_557 : i32 to index
      %get3A_560 = arith.index_cast %get3A_558 : i32 to index
      %get3A_561 = arith.constant 0 : index
      %get3A_562 = tpu.vector_load %arg6[%get3A_559, %get3A_560, %get3A_561] {strides = array<i32>} : memref<15x2x80xi32, #tpu.memory_space<vmem>>, vector<16xi32>,
      tpu.vector_store_idx %arg8[%get3A_562], %broadcast_in_dim3A_1 {add = true} : memref<10000xf32, #tpu.memory_space<vmem>>[vector<16xi32>], vector<16xf32>,
      %get3A_563 = arith.constant 4 : i32
      %get3A_564 = arith.constant 1 : i32
      %get3A_565 = arith.index_cast %get3A_563 : i32 to index
      %get3A_566 = arith.index_cast %get3A_564 : i32 to index
      %get3A_567 = arith.constant 16 : index
      %get3A_568 = tpu.vector_load %arg6[%get3A_565, %get3A_566, %get3A_567] {strides = array<i32>} : memref<15x2x80xi32, #tpu.memory_space<vmem>>, vector<16xi32>,
      tpu.vector_store_idx %arg8[%get3A_568], %broadcast_in_dim3A_1 {add = true} : memref<10000xf32, #tpu.memory_space<vmem>>[vector<16xi32>], vector<16xf32>,
      %get3A_569 = arith.constant 4 : i32
      %get3A_570 = arith.constant 1 : i32
      %get3A_571 = arith.index_cast %get3A_569 : i32 to index
      %get3A_572 = arith.index_cast %get3A_570 : i32 to index
      %get3A_573 = arith.constant 32 : index
      %get3A_574 = tpu.vector_load %arg6[%get3A_571, %get3A_572, %get3A_573] {strides = array<i32>} : memref<15x2x80xi32, #tpu.memory_space<vmem>>, vector<16xi32>,
      tpu.vector_store_idx %arg8[%get3A_574], %broadcast_in_dim3A_1 {add = true} : memref<10000xf32, #tpu.memory_space<vmem>>[vector<16xi32>], vector<16xf32>,
      %get3A_575 = arith.constant 4 : i32
      %get3A_576 = arith.constant 1 : i32
      %get3A_577 = arith.index_cast %get3A_575 : i32 to index
      %get3A_578 = arith.index_cast %get3A_576 : i32 to index
      %get3A_579 = arith.constant 48 : index
      %get3A_580 = tpu.vector_load %arg6[%get3A_577, %get3A_578, %get3A_579] {strides = array<i32>} : memref<15x2x80xi32, #tpu.memory_space<vmem>>, vector<16xi32>,
      tpu.vector_store_idx %arg8[%get3A_580], %broadcast_in_dim3A_1 {add = true} : memref<10000xf32, #tpu.memory_space<vmem>>[vector<16xi32>], vector<16xf32>,
      %get3A_581 = arith.constant 4 : i32
      %get3A_582 = arith.constant 1 : i32
      %get3A_583 = arith.index_cast %get3A_581 : i32 to index
      %get3A_584 = arith.index_cast %get3A_582 : i32 to index
      %get3A_585 = arith.constant 64 : index
      %get3A_586 = tpu.vector_load %arg6[%get3A_583, %get3A_584, %get3A_585] {strides = array<i32>} : memref<15x2x80xi32, #tpu.memory_space<vmem>>, vector<16xi32>,
      tpu.vector_store_idx %arg8[%get3A_586], %broadcast_in_dim3A_1 {add = true} : memref<10000xf32, #tpu.memory_space<vmem>>[vector<16xi32>], vector<16xf32>,
      %dma_wait3A_587 = arith.constant 0 : i32
      %dma_wait3A_588 = arith.constant 0 : i32
      %dma_wait3A_589 = arith.constant 0 : i32
      %dma_wait3A_590 = tpu.memref_slice %arg6[%dma_wait3A_587, %dma_wait3A_588, %dma_wait3A_589] : memref<15x2x80xi32, #tpu.memory_space<vmem>> -> memref<1x1x80xi32, #tpu.memory_space<vmem>>
      %dma_wait3A_591 = tpu.memref_squeeze %dma_wait3A_590 : memref<1x1x80xi32, #tpu.memory_space<vmem>> -> memref<80xi32, #tpu.memory_space<vmem>>
      %dma_wait3A_592 = arith.constant 0 : i32
      %dma_wait3A_593 = arith.constant 0 : i32
      %dma_wait3A_594 = tpu.memref_slice %arg2[%dma_wait3A_592, %dma_wait3A_593] : memref<10000x128xf32, #tpu.memory_space<hbm>> -> memref<10000x128xf32, #tpu.memory_space<hbm>>
      tpu.wait_indirect_dma semaphore(%arg15 : memref<!tpu.dma_semaphore, #tpu.memory_space<semaphore_mem>>) src(%dma_wait3A_594 : memref<10000x128xf32, #tpu.memory_space<hbm>>) dst(%arg11 : memref<80x128xf32, #tpu.memory_space<vmem>>)
      %run_scoped3A_595 = arith.constant 5 : i32
      %run_scoped3A_596 = arith.constant 1 : i32
      "tpu.region"() ({
        %run_scoped3A_1826 = tpu.sem_alloc : memref<!tpu.dma_semaphore, #tpu.memory_space<semaphore_mem>>
        %dma_start3A_1827 = arith.constant 0 : i32
        %dma_start3A_1828 = tpu.memref_slice %arg6[%run_scoped3A_595, %run_scoped3A_596, %dma_start3A_1827] : memref<15x2x80xi32, #tpu.memory_space<vmem>> -> memref<1x1x80xi32, #tpu.memory_space<vmem>>
        %dma_start3A_1829 = tpu.memref_squeeze %dma_start3A_1828 : memref<1x1x80xi32, #tpu.memory_space<vmem>> -> memref<80xi32, #tpu.memory_space<vmem>>
        %dma_start3A_1830 = arith.constant 0 : i32
        %dma_start3A_1831 = arith.constant 0 : i32
        %dma_start3A_1832 = tpu.memref_slice %arg12[%dma_start3A_1830, %dma_start3A_1831] : memref<10240x128xf32, #tpu.memory_space<vmem_shared>> -> memref<10240x128xf32, #tpu.memory_space<vmem_shared>>
        tpu.enqueue_indirect_dma source(%arg11 : memref<80x128xf32, #tpu.memory_space<vmem>>) target(%dma_start3A_1832 : memref<10240x128xf32, #tpu.memory_space<vmem_shared>>) offsets(%dma_start3A_1829 : memref<80xi32, #tpu.memory_space<vmem>>) semaphore(%run_scoped3A_1826 : memref<!tpu.dma_semaphore, #tpu.memory_space<semaphore_mem>>) {add = true}
        %dma_wait3A_1833 = arith.constant 0 : i32
        %dma_wait3A_1834 = tpu.memref_slice %arg6[%run_scoped3A_595, %run_scoped3A_596, %dma_wait3A_1833] : memref<15x2x80xi32, #tpu.memory_space<vmem>> -> memref<1x1x80xi32, #tpu.memory_space<vmem>>
        %dma_wait3A_1835 = tpu.memref_squeeze %dma_wait3A_1834 : memref<1x1x80xi32, #tpu.memory_space<vmem>> -> memref<80xi32, #tpu.memory_space<vmem>>
        %dma_wait3A_1836 = arith.constant 0 : i32
        %dma_wait3A_1837 = arith.constant 0 : i32
        %dma_wait3A_1838 = tpu.memref_slice %arg12[%dma_wait3A_1836, %dma_wait3A_1837] : memref<10240x128xf32, #tpu.memory_space<vmem_shared>> -> memref<10240x128xf32, #tpu.memory_space<vmem_shared>>
        tpu.wait_indirect_dma semaphore(%run_scoped3A_1826 : memref<!tpu.dma_semaphore, #tpu.memory_space<semaphore_mem>>) src(%arg11 : memref<80x128xf32, #tpu.memory_space<vmem>>) dst(%dma_wait3A_1838 : memref<10240x128xf32, #tpu.memory_space<vmem_shared>>)
        tpu.yield
      }) : () -> ()
      %dma_start3A_597 = arith.constant 8 : i32
      %dma_start3A_598 = arith.constant 0 : i32
      %dma_start3A_599 = arith.constant 0 : i32
      %dma_start3A_600 = tpu.memref_slice %arg6[%dma_start3A_597, %dma_start3A_598, %dma_start3A_599] : memref<15x2x80xi32, #tpu.memory_space<vmem>> -> memref<1x1x80xi32, #tpu.memory_space<vmem>>
      %dma_start3A_601 = tpu.memref_squeeze %dma_start3A_600 : memref<1x1x80xi32, #tpu.memory_space<vmem>> -> memref<80xi32, #tpu.memory_space<vmem>>
      %dma_start3A_602 = arith.constant 0 : i32
      %dma_start3A_603 = arith.constant 0 : i32
      %dma_start3A_604 = tpu.memref_slice %arg2[%dma_start3A_602, %dma_start3A_603] : memref<10000x128xf32, #tpu.memory_space<hbm>> -> memref<10000x128xf32, #tpu.memory_space<hbm>>
      tpu.enqueue_indirect_dma source(%dma_start3A_604 : memref<10000x128xf32, #tpu.memory_space<hbm>>) target(%arg11 : memref<80x128xf32, #tpu.memory_space<vmem>>) offsets(%dma_start3A_601 : memref<80xi32, #tpu.memory_space<vmem>>) semaphore(%arg15 : memref<!tpu.dma_semaphore, #tpu.memory_space<semaphore_mem>>)
      %get3A_605 = arith.constant 5 : i32
      %get3A_606 = arith.constant 1 : i32
      %get3A_607 = arith.index_cast %get3A_605 : i32 to index
      %get3A_608 = arith.index_cast %get3A_606 : i32 to index
      %get3A_609 = arith.constant 0 : index
      %get3A_610 = tpu.vector_load %arg6[%get3A_607, %get3A_608, %get3A_609] {strides = array<i32>} : memref<15x2x80xi32, #tpu.memory_space<vmem>>, vector<16xi32>,
      tpu.vector_store_idx %arg8[%get3A_610], %broadcast_in_dim3A_1 {add = true} : memref<10000xf32, #tpu.memory_space<vmem>>[vector<16xi32>], vector<16xf32>,
      %get3A_611 = arith.constant 5 : i32
      %get3A_612 = arith.constant 1 : i32
      %get3A_613 = arith.index_cast %get3A_611 : i32 to index
      %get3A_614 = arith.index_cast %get3A_612 : i32 to index
      %get3A_615 = arith.constant 16 : index
      %get3A_616 = tpu.vector_load %arg6[%get3A_613, %get3A_614, %get3A_615] {strides = array<i32>} : memref<15x2x80xi32, #tpu.memory_space<vmem>>, vector<16xi32>,
      tpu.vector_store_idx %arg8[%get3A_616], %broadcast_in_dim3A_1 {add = true} : memref<10000xf32, #tpu.memory_space<vmem>>[vector<16xi32>], vector<16xf32>,
      %get3A_617 = arith.constant 5 : i32
      %get3A_618 = arith.constant 1 : i32
      %get3A_619 = arith.index_cast %get3A_617 : i32 to index
      %get3A_620 = arith.index_cast %get3A_618 : i32 to index
      %get3A_621 = arith.constant 32 : index
      %get3A_622 = tpu.vector_load %arg6[%get3A_619, %get3A_620, %get3A_621] {strides = array<i32>} : memref<15x2x80xi32, #tpu.memory_space<vmem>>, vector<16xi32>,
      tpu.vector_store_idx %arg8[%get3A_622], %broadcast_in_dim3A_1 {add = true} : memref<10000xf32, #tpu.memory_space<vmem>>[vector<16xi32>], vector<16xf32>,
      %get3A_623 = arith.constant 5 : i32
      %get3A_624 = arith.constant 1 : i32
      %get3A_625 = arith.index_cast %get3A_623 : i32 to index
      %get3A_626 = arith.index_cast %get3A_624 : i32 to index
      %get3A_627 = arith.constant 48 : index
      %get3A_628 = tpu.vector_load %arg6[%get3A_625, %get3A_626, %get3A_627] {strides = array<i32>} : memref<15x2x80xi32, #tpu.memory_space<vmem>>, vector<16xi32>,
      tpu.vector_store_idx %arg8[%get3A_628], %broadcast_in_dim3A_1 {add = true} : memref<10000xf32, #tpu.memory_space<vmem>>[vector<16xi32>], vector<16xf32>,
      %get3A_629 = arith.constant 5 : i32
      %get3A_630 = arith.constant 1 : i32
      %get3A_631 = arith.index_cast %get3A_629 : i32 to index
      %get3A_632 = arith.index_cast %get3A_630 : i32 to index
      %get3A_633 = arith.constant 64 : index
      %get3A_634 = tpu.vector_load %arg6[%get3A_631, %get3A_632, %get3A_633] {strides = array<i32>} : memref<15x2x80xi32, #tpu.memory_space<vmem>>, vector<16xi32>,
      tpu.vector_store_idx %arg8[%get3A_634], %broadcast_in_dim3A_1 {add = true} : memref<10000xf32, #tpu.memory_space<vmem>>[vector<16xi32>], vector<16xf32>,
      %dma_wait3A_635 = arith.constant 0 : i32
      %dma_wait3A_636 = arith.constant 0 : i32
      %dma_wait3A_637 = arith.constant 0 : i32
      %dma_wait3A_638 = tpu.memref_slice %arg6[%dma_wait3A_635, %dma_wait3A_636, %dma_wait3A_637] : memref<15x2x80xi32, #tpu.memory_space<vmem>> -> memref<1x1x80xi32, #tpu.memory_space<vmem>>
      %dma_wait3A_639 = tpu.memref_squeeze %dma_wait3A_638 : memref<1x1x80xi32, #tpu.memory_space<vmem>> -> memref<80xi32, #tpu.memory_space<vmem>>
      %dma_wait3A_640 = arith.constant 0 : i32
      %dma_wait3A_641 = arith.constant 0 : i32
      %dma_wait3A_642 = tpu.memref_slice %arg2[%dma_wait3A_640, %dma_wait3A_641] : memref<10000x128xf32, #tpu.memory_space<hbm>> -> memref<10000x128xf32, #tpu.memory_space<hbm>>
      tpu.wait_indirect_dma semaphore(%arg13 : memref<!tpu.dma_semaphore, #tpu.memory_space<semaphore_mem>>) src(%dma_wait3A_642 : memref<10000x128xf32, #tpu.memory_space<hbm>>) dst(%arg9 : memref<80x128xf32, #tpu.memory_space<vmem>>)
      %run_scoped3A_643 = arith.constant 6 : i32
      %run_scoped3A_644 = arith.constant 1 : i32
      "tpu.region"() ({
        %run_scoped3A_1826 = tpu.sem_alloc : memref<!tpu.dma_semaphore, #tpu.memory_space<semaphore_mem>>
        %dma_start3A_1827 = arith.constant 0 : i32
        %dma_start3A_1828 = tpu.memref_slice %arg6[%run_scoped3A_643, %run_scoped3A_644, %dma_start3A_1827] : memref<15x2x80xi32, #tpu.memory_space<vmem>> -> memref<1x1x80xi32, #tpu.memory_space<vmem>>
        %dma_start3A_1829 = tpu.memref_squeeze %dma_start3A_1828 : memref<1x1x80xi32, #tpu.memory_space<vmem>> -> memref<80xi32, #tpu.memory_space<vmem>>
        %dma_start3A_1830 = arith.constant 0 : i32
        %dma_start3A_1831 = arith.constant 0 : i32
        %dma_start3A_1832 = tpu.memref_slice %arg12[%dma_start3A_1830, %dma_start3A_1831] : memref<10240x128xf32, #tpu.memory_space<vmem_shared>> -> memref<10240x128xf32, #tpu.memory_space<vmem_shared>>
        tpu.enqueue_indirect_dma source(%arg9 : memref<80x128xf32, #tpu.memory_space<vmem>>) target(%dma_start3A_1832 : memref<10240x128xf32, #tpu.memory_space<vmem_shared>>) offsets(%dma_start3A_1829 : memref<80xi32, #tpu.memory_space<vmem>>) semaphore(%run_scoped3A_1826 : memref<!tpu.dma_semaphore, #tpu.memory_space<semaphore_mem>>) {add = true}
        %dma_wait3A_1833 = arith.constant 0 : i32
        %dma_wait3A_1834 = tpu.memref_slice %arg6[%run_scoped3A_643, %run_scoped3A_644, %dma_wait3A_1833] : memref<15x2x80xi32, #tpu.memory_space<vmem>> -> memref<1x1x80xi32, #tpu.memory_space<vmem>>
        %dma_wait3A_1835 = tpu.memref_squeeze %dma_wait3A_1834 : memref<1x1x80xi32, #tpu.memory_space<vmem>> -> memref<80xi32, #tpu.memory_space<vmem>>
        %dma_wait3A_1836 = arith.constant 0 : i32
        %dma_wait3A_1837 = arith.constant 0 : i32
        %dma_wait3A_1838 = tpu.memref_slice %arg12[%dma_wait3A_1836, %dma_wait3A_1837] : memref<10240x128xf32, #tpu.memory_space<vmem_shared>> -> memref<10240x128xf32, #tpu.memory_space<vmem_shared>>
        tpu.wait_indirect_dma semaphore(%run_scoped3A_1826 : memref<!tpu.dma_semaphore, #tpu.memory_space<semaphore_mem>>) src(%arg9 : memref<80x128xf32, #tpu.memory_space<vmem>>) dst(%dma_wait3A_1838 : memref<10240x128xf32, #tpu.memory_space<vmem_shared>>)
        tpu.yield
      }) : () -> ()
      %dma_start3A_645 = arith.constant 9 : i32
      %dma_start3A_646 = arith.constant 0 : i32
      %dma_start3A_647 = arith.constant 0 : i32
      %dma_start3A_648 = tpu.memref_slice %arg6[%dma_start3A_645, %dma_start3A_646, %dma_start3A_647] : memref<15x2x80xi32, #tpu.memory_space<vmem>> -> memref<1x1x80xi32, #tpu.memory_space<vmem>>
      %dma_start3A_649 = tpu.memref_squeeze %dma_start3A_648 : memref<1x1x80xi32, #tpu.memory_space<vmem>> -> memref<80xi32, #tpu.memory_space<vmem>>
      %dma_start3A_650 = arith.constant 0 : i32
      %dma_start3A_651 = arith.constant 0 : i32
      %dma_start3A_652 = tpu.memref_slice %arg2[%dma_start3A_650, %dma_start3A_651] : memref<10000x128xf32, #tpu.memory_space<hbm>> -> memref<10000x128xf32, #tpu.memory_space<hbm>>
      tpu.enqueue_indirect_dma source(%dma_start3A_652 : memref<10000x128xf32, #tpu.memory_space<hbm>>) target(%arg9 : memref<80x128xf32, #tpu.memory_space<vmem>>) offsets(%dma_start3A_649 : memref<80xi32, #tpu.memory_space<vmem>>) semaphore(%arg13 : memref<!tpu.dma_semaphore, #tpu.memory_space<semaphore_mem>>)
      %get3A_653 = arith.constant 6 : i32
      %get3A_654 = arith.constant 1 : i32
      %get3A_655 = arith.index_cast %get3A_653 : i32 to index
      %get3A_656 = arith.index_cast %get3A_654 : i32 to index
      %get3A_657 = arith.constant 0 : index
      %get3A_658 = tpu.vector_load %arg6[%get3A_655, %get3A_656, %get3A_657] {strides = array<i32>} : memref<15x2x80xi32, #tpu.memory_space<vmem>>, vector<16xi32>,
      tpu.vector_store_idx %arg8[%get3A_658], %broadcast_in_dim3A_1 {add = true} : memref<10000xf32, #tpu.memory_space<vmem>>[vector<16xi32>], vector<16xf32>,
      %get3A_659 = arith.constant 6 : i32
      %get3A_660 = arith.constant 1 : i32
      %get3A_661 = arith.index_cast %get3A_659 : i32 to index
      %get3A_662 = arith.index_cast %get3A_660 : i32 to index
      %get3A_663 = arith.constant 16 : index
      %get3A_664 = tpu.vector_load %arg6[%get3A_661, %get3A_662, %get3A_663] {strides = array<i32>} : memref<15x2x80xi32, #tpu.memory_space<vmem>>, vector<16xi32>,
      tpu.vector_store_idx %arg8[%get3A_664], %broadcast_in_dim3A_1 {add = true} : memref<10000xf32, #tpu.memory_space<vmem>>[vector<16xi32>], vector<16xf32>,
      %get3A_665 = arith.constant 6 : i32
      %get3A_666 = arith.constant 1 : i32
      %get3A_667 = arith.index_cast %get3A_665 : i32 to index
      %get3A_668 = arith.index_cast %get3A_666 : i32 to index
      %get3A_669 = arith.constant 32 : index
      %get3A_670 = tpu.vector_load %arg6[%get3A_667, %get3A_668, %get3A_669] {strides = array<i32>} : memref<15x2x80xi32, #tpu.memory_space<vmem>>, vector<16xi32>,
      tpu.vector_store_idx %arg8[%get3A_670], %broadcast_in_dim3A_1 {add = true} : memref<10000xf32, #tpu.memory_space<vmem>>[vector<16xi32>], vector<16xf32>,
      %get3A_671 = arith.constant 6 : i32
      %get3A_672 = arith.constant 1 : i32
      %get3A_673 = arith.index_cast %get3A_671 : i32 to index
      %get3A_674 = arith.index_cast %get3A_672 : i32 to index
      %get3A_675 = arith.constant 48 : index
      %get3A_676 = tpu.vector_load %arg6[%get3A_673, %get3A_674, %get3A_675] {strides = array<i32>} : memref<15x2x80xi32, #tpu.memory_space<vmem>>, vector<16xi32>,
      tpu.vector_store_idx %arg8[%get3A_676], %broadcast_in_dim3A_1 {add = true} : memref<10000xf32, #tpu.memory_space<vmem>>[vector<16xi32>], vector<16xf32>,
      %get3A_677 = arith.constant 6 : i32
      %get3A_678 = arith.constant 1 : i32
      %get3A_679 = arith.index_cast %get3A_677 : i32 to index
      %get3A_680 = arith.index_cast %get3A_678 : i32 to index
      %get3A_681 = arith.constant 64 : index
      %get3A_682 = tpu.vector_load %arg6[%get3A_679, %get3A_680, %get3A_681] {strides = array<i32>} : memref<15x2x80xi32, #tpu.memory_space<vmem>>, vector<16xi32>,
      tpu.vector_store_idx %arg8[%get3A_682], %broadcast_in_dim3A_1 {add = true} : memref<10000xf32, #tpu.memory_space<vmem>>[vector<16xi32>], vector<16xf32>,
      %dma_wait3A_683 = arith.constant 0 : i32
      %dma_wait3A_684 = arith.constant 0 : i32
      %dma_wait3A_685 = arith.constant 0 : i32
      %dma_wait3A_686 = tpu.memref_slice %arg6[%dma_wait3A_683, %dma_wait3A_684, %dma_wait3A_685] : memref<15x2x80xi32, #tpu.memory_space<vmem>> -> memref<1x1x80xi32, #tpu.memory_space<vmem>>
      %dma_wait3A_687 = tpu.memref_squeeze %dma_wait3A_686 : memref<1x1x80xi32, #tpu.memory_space<vmem>> -> memref<80xi32, #tpu.memory_space<vmem>>
      %dma_wait3A_688 = arith.constant 0 : i32
      %dma_wait3A_689 = arith.constant 0 : i32
      %dma_wait3A_690 = tpu.memref_slice %arg2[%dma_wait3A_688, %dma_wait3A_689] : memref<10000x128xf32, #tpu.memory_space<hbm>> -> memref<10000x128xf32, #tpu.memory_space<hbm>>
      tpu.wait_indirect_dma semaphore(%arg14 : memref<!tpu.dma_semaphore, #tpu.memory_space<semaphore_mem>>) src(%dma_wait3A_690 : memref<10000x128xf32, #tpu.memory_space<hbm>>) dst(%arg10 : memref<80x128xf32, #tpu.memory_space<vmem>>)
      %run_scoped3A_691 = arith.constant 7 : i32
      %run_scoped3A_692 = arith.constant 1 : i32
      "tpu.region"() ({
        %run_scoped3A_1826 = tpu.sem_alloc : memref<!tpu.dma_semaphore, #tpu.memory_space<semaphore_mem>>
        %dma_start3A_1827 = arith.constant 0 : i32
        %dma_start3A_1828 = tpu.memref_slice %arg6[%run_scoped3A_691, %run_scoped3A_692, %dma_start3A_1827] : memref<15x2x80xi32, #tpu.memory_space<vmem>> -> memref<1x1x80xi32, #tpu.memory_space<vmem>>
        %dma_start3A_1829 = tpu.memref_squeeze %dma_start3A_1828 : memref<1x1x80xi32, #tpu.memory_space<vmem>> -> memref<80xi32, #tpu.memory_space<vmem>>
        %dma_start3A_1830 = arith.constant 0 : i32
        %dma_start3A_1831 = arith.constant 0 : i32
        %dma_start3A_1832 = tpu.memref_slice %arg12[%dma_start3A_1830, %dma_start3A_1831] : memref<10240x128xf32, #tpu.memory_space<vmem_shared>> -> memref<10240x128xf32, #tpu.memory_space<vmem_shared>>
        tpu.enqueue_indirect_dma source(%arg10 : memref<80x128xf32, #tpu.memory_space<vmem>>) target(%dma_start3A_1832 : memref<10240x128xf32, #tpu.memory_space<vmem_shared>>) offsets(%dma_start3A_1829 : memref<80xi32, #tpu.memory_space<vmem>>) semaphore(%run_scoped3A_1826 : memref<!tpu.dma_semaphore, #tpu.memory_space<semaphore_mem>>) {add = true}
        %dma_wait3A_1833 = arith.constant 0 : i32
        %dma_wait3A_1834 = tpu.memref_slice %arg6[%run_scoped3A_691, %run_scoped3A_692, %dma_wait3A_1833] : memref<15x2x80xi32, #tpu.memory_space<vmem>> -> memref<1x1x80xi32, #tpu.memory_space<vmem>>
        %dma_wait3A_1835 = tpu.memref_squeeze %dma_wait3A_1834 : memref<1x1x80xi32, #tpu.memory_space<vmem>> -> memref<80xi32, #tpu.memory_space<vmem>>
        %dma_wait3A_1836 = arith.constant 0 : i32
        %dma_wait3A_1837 = arith.constant 0 : i32
        %dma_wait3A_1838 = tpu.memref_slice %arg12[%dma_wait3A_1836, %dma_wait3A_1837] : memref<10240x128xf32, #tpu.memory_space<vmem_shared>> -> memref<10240x128xf32, #tpu.memory_space<vmem_shared>>
        tpu.wait_indirect_dma semaphore(%run_scoped3A_1826 : memref<!tpu.dma_semaphore, #tpu.memory_space<semaphore_mem>>) src(%arg10 : memref<80x128xf32, #tpu.memory_space<vmem>>) dst(%dma_wait3A_1838 : memref<10240x128xf32, #tpu.memory_space<vmem_shared>>)
        tpu.yield
      }) : () -> ()
      %dma_start3A_693 = arith.constant 10 : i32
      %dma_start3A_694 = arith.constant 0 : i32
      %dma_start3A_695 = arith.constant 0 : i32
      %dma_start3A_696 = tpu.memref_slice %arg6[%dma_start3A_693, %dma_start3A_694, %dma_start3A_695] : memref<15x2x80xi32, #tpu.memory_space<vmem>> -> memref<1x1x80xi32, #tpu.memory_space<vmem>>
      %dma_start3A_697 = tpu.memref_squeeze %dma_start3A_696 : memref<1x1x80xi32, #tpu.memory_space<vmem>> -> memref<80xi32, #tpu.memory_space<vmem>>
      %dma_start3A_698 = arith.constant 0 : i32
      %dma_start3A_699 = arith.constant 0 : i32
      %dma_start3A_700 = tpu.memref_slice %arg2[%dma_start3A_698, %dma_start3A_699] : memref<10000x128xf32, #tpu.memory_space<hbm>> -> memref<10000x128xf32, #tpu.memory_space<hbm>>
      tpu.enqueue_indirect_dma source(%dma_start3A_700 : memref<10000x128xf32, #tpu.memory_space<hbm>>) target(%arg10 : memref<80x128xf32, #tpu.memory_space<vmem>>) offsets(%dma_start3A_697 : memref<80xi32, #tpu.memory_space<vmem>>) semaphore(%arg14 : memref<!tpu.dma_semaphore, #tpu.memory_space<semaphore_mem>>)
      %get3A_701 = arith.constant 7 : i32
      %get3A_702 = arith.constant 1 : i32
      %get3A_703 = arith.index_cast %get3A_701 : i32 to index
      %get3A_704 = arith.index_cast %get3A_702 : i32 to index
      %get3A_705 = arith.constant 0 : index
      %get3A_706 = tpu.vector_load %arg6[%get3A_703, %get3A_704, %get3A_705] {strides = array<i32>} : memref<15x2x80xi32, #tpu.memory_space<vmem>>, vector<16xi32>,
      tpu.vector_store_idx %arg8[%get3A_706], %broadcast_in_dim3A_1 {add = true} : memref<10000xf32, #tpu.memory_space<vmem>>[vector<16xi32>], vector<16xf32>,
      %get3A_707 = arith.constant 7 : i32
      %get3A_708 = arith.constant 1 : i32
      %get3A_709 = arith.index_cast %get3A_707 : i32 to index
      %get3A_710 = arith.index_cast %get3A_708 : i32 to index
      %get3A_711 = arith.constant 16 : index
      %get3A_712 = tpu.vector_load %arg6[%get3A_709, %get3A_710, %get3A_711] {strides = array<i32>} : memref<15x2x80xi32, #tpu.memory_space<vmem>>, vector<16xi32>,
      tpu.vector_store_idx %arg8[%get3A_712], %broadcast_in_dim3A_1 {add = true} : memref<10000xf32, #tpu.memory_space<vmem>>[vector<16xi32>], vector<16xf32>,
      %get3A_713 = arith.constant 7 : i32
      %get3A_714 = arith.constant 1 : i32
      %get3A_715 = arith.index_cast %get3A_713 : i32 to index
      %get3A_716 = arith.index_cast %get3A_714 : i32 to index
      %get3A_717 = arith.constant 32 : index
      %get3A_718 = tpu.vector_load %arg6[%get3A_715, %get3A_716, %get3A_717] {strides = array<i32>} : memref<15x2x80xi32, #tpu.memory_space<vmem>>, vector<16xi32>,
      tpu.vector_store_idx %arg8[%get3A_718], %broadcast_in_dim3A_1 {add = true} : memref<10000xf32, #tpu.memory_space<vmem>>[vector<16xi32>], vector<16xf32>,
      %get3A_719 = arith.constant 7 : i32
      %get3A_720 = arith.constant 1 : i32
      %get3A_721 = arith.index_cast %get3A_719 : i32 to index
      %get3A_722 = arith.index_cast %get3A_720 : i32 to index
      %get3A_723 = arith.constant 48 : index
      %get3A_724 = tpu.vector_load %arg6[%get3A_721, %get3A_722, %get3A_723] {strides = array<i32>} : memref<15x2x80xi32, #tpu.memory_space<vmem>>, vector<16xi32>,
      tpu.vector_store_idx %arg8[%get3A_724], %broadcast_in_dim3A_1 {add = true} : memref<10000xf32, #tpu.memory_space<vmem>>[vector<16xi32>], vector<16xf32>,
      %get3A_725 = arith.constant 7 : i32
      %get3A_726 = arith.constant 1 : i32
      %get3A_727 = arith.index_cast %get3A_725 : i32 to index
      %get3A_728 = arith.index_cast %get3A_726 : i32 to index
      %get3A_729 = arith.constant 64 : index
      %get3A_730 = tpu.vector_load %arg6[%get3A_727, %get3A_728, %get3A_729] {strides = array<i32>} : memref<15x2x80xi32, #tpu.memory_space<vmem>>, vector<16xi32>,
      tpu.vector_store_idx %arg8[%get3A_730], %broadcast_in_dim3A_1 {add = true} : memref<10000xf32, #tpu.memory_space<vmem>>[vector<16xi32>], vector<16xf32>,
      %dma_wait3A_731 = arith.constant 0 : i32
      %dma_wait3A_732 = arith.constant 0 : i32
      %dma_wait3A_733 = arith.constant 0 : i32
      %dma_wait3A_734 = tpu.memref_slice %arg6[%dma_wait3A_731, %dma_wait3A_732, %dma_wait3A_733] : memref<15x2x80xi32, #tpu.memory_space<vmem>> -> memref<1x1x80xi32, #tpu.memory_space<vmem>>
      %dma_wait3A_735 = tpu.memref_squeeze %dma_wait3A_734 : memref<1x1x80xi32, #tpu.memory_space<vmem>> -> memref<80xi32, #tpu.memory_space<vmem>>
      %dma_wait3A_736 = arith.constant 0 : i32
      %dma_wait3A_737 = arith.constant 0 : i32
      %dma_wait3A_738 = tpu.memref_slice %arg2[%dma_wait3A_736, %dma_wait3A_737] : memref<10000x128xf32, #tpu.memory_space<hbm>> -> memref<10000x128xf32, #tpu.memory_space<hbm>>
      tpu.wait_indirect_dma semaphore(%arg15 : memref<!tpu.dma_semaphore, #tpu.memory_space<semaphore_mem>>) src(%dma_wait3A_738 : memref<10000x128xf32, #tpu.memory_space<hbm>>) dst(%arg11 : memref<80x128xf32, #tpu.memory_space<vmem>>)
      %run_scoped3A_739 = arith.constant 8 : i32
      %run_scoped3A_740 = arith.constant 1 : i32
      "tpu.region"() ({
        %run_scoped3A_1826 = tpu.sem_alloc : memref<!tpu.dma_semaphore, #tpu.memory_space<semaphore_mem>>
        %dma_start3A_1827 = arith.constant 0 : i32
        %dma_start3A_1828 = tpu.memref_slice %arg6[%run_scoped3A_739, %run_scoped3A_740, %dma_start3A_1827] : memref<15x2x80xi32, #tpu.memory_space<vmem>> -> memref<1x1x80xi32, #tpu.memory_space<vmem>>
        %dma_start3A_1829 = tpu.memref_squeeze %dma_start3A_1828 : memref<1x1x80xi32, #tpu.memory_space<vmem>> -> memref<80xi32, #tpu.memory_space<vmem>>
        %dma_start3A_1830 = arith.constant 0 : i32
        %dma_start3A_1831 = arith.constant 0 : i32
        %dma_start3A_1832 = tpu.memref_slice %arg12[%dma_start3A_1830, %dma_start3A_1831] : memref<10240x128xf32, #tpu.memory_space<vmem_shared>> -> memref<10240x128xf32, #tpu.memory_space<vmem_shared>>
        tpu.enqueue_indirect_dma source(%arg11 : memref<80x128xf32, #tpu.memory_space<vmem>>) target(%dma_start3A_1832 : memref<10240x128xf32, #tpu.memory_space<vmem_shared>>) offsets(%dma_start3A_1829 : memref<80xi32, #tpu.memory_space<vmem>>) semaphore(%run_scoped3A_1826 : memref<!tpu.dma_semaphore, #tpu.memory_space<semaphore_mem>>) {add = true}
        %dma_wait3A_1833 = arith.constant 0 : i32
        %dma_wait3A_1834 = tpu.memref_slice %arg6[%run_scoped3A_739, %run_scoped3A_740, %dma_wait3A_1833] : memref<15x2x80xi32, #tpu.memory_space<vmem>> -> memref<1x1x80xi32, #tpu.memory_space<vmem>>
        %dma_wait3A_1835 = tpu.memref_squeeze %dma_wait3A_1834 : memref<1x1x80xi32, #tpu.memory_space<vmem>> -> memref<80xi32, #tpu.memory_space<vmem>>
        %dma_wait3A_1836 = arith.constant 0 : i32
        %dma_wait3A_1837 = arith.constant 0 : i32
        %dma_wait3A_1838 = tpu.memref_slice %arg12[%dma_wait3A_1836, %dma_wait3A_1837] : memref<10240x128xf32, #tpu.memory_space<vmem_shared>> -> memref<10240x128xf32, #tpu.memory_space<vmem_shared>>
        tpu.wait_indirect_dma semaphore(%run_scoped3A_1826 : memref<!tpu.dma_semaphore, #tpu.memory_space<semaphore_mem>>) src(%arg11 : memref<80x128xf32, #tpu.memory_space<vmem>>) dst(%dma_wait3A_1838 : memref<10240x128xf32, #tpu.memory_space<vmem_shared>>)
        tpu.yield
      }) : () -> ()
      %dma_start3A_741 = arith.constant 11 : i32
      %dma_start3A_742 = arith.constant 0 : i32
      %dma_start3A_743 = arith.constant 0 : i32
      %dma_start3A_744 = tpu.memref_slice %arg6[%dma_start3A_741, %dma_start3A_742, %dma_start3A_743] : memref<15x2x80xi32, #tpu.memory_space<vmem>> -> memref<1x1x80xi32, #tpu.memory_space<vmem>>
      %dma_start3A_745 = tpu.memref_squeeze %dma_start3A_744 : memref<1x1x80xi32, #tpu.memory_space<vmem>> -> memref<80xi32, #tpu.memory_space<vmem>>
      %dma_start3A_746 = arith.constant 0 : i32
      %dma_start3A_747 = arith.constant 0 : i32
      %dma_start3A_748 = tpu.memref_slice %arg2[%dma_start3A_746, %dma_start3A_747] : memref<10000x128xf32, #tpu.memory_space<hbm>> -> memref<10000x128xf32, #tpu.memory_space<hbm>>
      tpu.enqueue_indirect_dma source(%dma_start3A_748 : memref<10000x128xf32, #tpu.memory_space<hbm>>) target(%arg11 : memref<80x128xf32, #tpu.memory_space<vmem>>) offsets(%dma_start3A_745 : memref<80xi32, #tpu.memory_space<vmem>>) semaphore(%arg15 : memref<!tpu.dma_semaphore, #tpu.memory_space<semaphore_mem>>)
      %get3A_749 = arith.constant 8 : i32
      %get3A_750 = arith.constant 1 : i32
      %get3A_751 = arith.index_cast %get3A_749 : i32 to index
      %get3A_752 = arith.index_cast %get3A_750 : i32 to index
      %get3A_753 = arith.constant 0 : index
      %get3A_754 = tpu.vector_load %arg6[%get3A_751, %get3A_752, %get3A_753] {strides = array<i32>} : memref<15x2x80xi32, #tpu.memory_space<vmem>>, vector<16xi32>,
      tpu.vector_store_idx %arg8[%get3A_754], %broadcast_in_dim3A_1 {add = true} : memref<10000xf32, #tpu.memory_space<vmem>>[vector<16xi32>], vector<16xf32>,
      %get3A_755 = arith.constant 8 : i32
      %get3A_756 = arith.constant 1 : i32
      %get3A_757 = arith.index_cast %get3A_755 : i32 to index
      %get3A_758 = arith.index_cast %get3A_756 : i32 to index
      %get3A_759 = arith.constant 16 : index
      %get3A_760 = tpu.vector_load %arg6[%get3A_757, %get3A_758, %get3A_759] {strides = array<i32>} : memref<15x2x80xi32, #tpu.memory_space<vmem>>, vector<16xi32>,
      tpu.vector_store_idx %arg8[%get3A_760], %broadcast_in_dim3A_1 {add = true} : memref<10000xf32, #tpu.memory_space<vmem>>[vector<16xi32>], vector<16xf32>,
      %get3A_761 = arith.constant 8 : i32
      %get3A_762 = arith.constant 1 : i32
      %get3A_763 = arith.index_cast %get3A_761 : i32 to index
      %get3A_764 = arith.index_cast %get3A_762 : i32 to index
      %get3A_765 = arith.constant 32 : index
      %get3A_766 = tpu.vector_load %arg6[%get3A_763, %get3A_764, %get3A_765] {strides = array<i32>} : memref<15x2x80xi32, #tpu.memory_space<vmem>>, vector<16xi32>,
      tpu.vector_store_idx %arg8[%get3A_766], %broadcast_in_dim3A_1 {add = true} : memref<10000xf32, #tpu.memory_space<vmem>>[vector<16xi32>], vector<16xf32>,
      %get3A_767 = arith.constant 8 : i32
      %get3A_768 = arith.constant 1 : i32
      %get3A_769 = arith.index_cast %get3A_767 : i32 to index
      %get3A_770 = arith.index_cast %get3A_768 : i32 to index
      %get3A_771 = arith.constant 48 : index
      %get3A_772 = tpu.vector_load %arg6[%get3A_769, %get3A_770, %get3A_771] {strides = array<i32>} : memref<15x2x80xi32, #tpu.memory_space<vmem>>, vector<16xi32>,
      tpu.vector_store_idx %arg8[%get3A_772], %broadcast_in_dim3A_1 {add = true} : memref<10000xf32, #tpu.memory_space<vmem>>[vector<16xi32>], vector<16xf32>,
      %get3A_773 = arith.constant 8 : i32
      %get3A_774 = arith.constant 1 : i32
      %get3A_775 = arith.index_cast %get3A_773 : i32 to index
      %get3A_776 = arith.index_cast %get3A_774 : i32 to index
      %get3A_777 = arith.constant 64 : index
      %get3A_778 = tpu.vector_load %arg6[%get3A_775, %get3A_776, %get3A_777] {strides = array<i32>} : memref<15x2x80xi32, #tpu.memory_space<vmem>>, vector<16xi32>,
      tpu.vector_store_idx %arg8[%get3A_778], %broadcast_in_dim3A_1 {add = true} : memref<10000xf32, #tpu.memory_space<vmem>>[vector<16xi32>], vector<16xf32>,
      %dma_wait3A_779 = arith.constant 0 : i32
      %dma_wait3A_780 = arith.constant 0 : i32
      %dma_wait3A_781 = arith.constant 0 : i32
      %dma_wait3A_782 = tpu.memref_slice %arg6[%dma_wait3A_779, %dma_wait3A_780, %dma_wait3A_781] : memref<15x2x80xi32, #tpu.memory_space<vmem>> -> memref<1x1x80xi32, #tpu.memory_space<vmem>>
      %dma_wait3A_783 = tpu.memref_squeeze %dma_wait3A_782 : memref<1x1x80xi32, #tpu.memory_space<vmem>> -> memref<80xi32, #tpu.memory_space<vmem>>
      %dma_wait3A_784 = arith.constant 0 : i32
      %dma_wait3A_785 = arith.constant 0 : i32
      %dma_wait3A_786 = tpu.memref_slice %arg2[%dma_wait3A_784, %dma_wait3A_785] : memref<10000x128xf32, #tpu.memory_space<hbm>> -> memref<10000x128xf32, #tpu.memory_space<hbm>>
      tpu.wait_indirect_dma semaphore(%arg13 : memref<!tpu.dma_semaphore, #tpu.memory_space<semaphore_mem>>) src(%dma_wait3A_786 : memref<10000x128xf32, #tpu.memory_space<hbm>>) dst(%arg9 : memref<80x128xf32, #tpu.memory_space<vmem>>)
      %run_scoped3A_787 = arith.constant 9 : i32
      %run_scoped3A_788 = arith.constant 1 : i32
      "tpu.region"() ({
        %run_scoped3A_1826 = tpu.sem_alloc : memref<!tpu.dma_semaphore, #tpu.memory_space<semaphore_mem>>
        %dma_start3A_1827 = arith.constant 0 : i32
        %dma_start3A_1828 = tpu.memref_slice %arg6[%run_scoped3A_787, %run_scoped3A_788, %dma_start3A_1827] : memref<15x2x80xi32, #tpu.memory_space<vmem>> -> memref<1x1x80xi32, #tpu.memory_space<vmem>>
        %dma_start3A_1829 = tpu.memref_squeeze %dma_start3A_1828 : memref<1x1x80xi32, #tpu.memory_space<vmem>> -> memref<80xi32, #tpu.memory_space<vmem>>
        %dma_start3A_1830 = arith.constant 0 : i32
        %dma_start3A_1831 = arith.constant 0 : i32
        %dma_start3A_1832 = tpu.memref_slice %arg12[%dma_start3A_1830, %dma_start3A_1831] : memref<10240x128xf32, #tpu.memory_space<vmem_shared>> -> memref<10240x128xf32, #tpu.memory_space<vmem_shared>>
        tpu.enqueue_indirect_dma source(%arg9 : memref<80x128xf32, #tpu.memory_space<vmem>>) target(%dma_start3A_1832 : memref<10240x128xf32, #tpu.memory_space<vmem_shared>>) offsets(%dma_start3A_1829 : memref<80xi32, #tpu.memory_space<vmem>>) semaphore(%run_scoped3A_1826 : memref<!tpu.dma_semaphore, #tpu.memory_space<semaphore_mem>>) {add = true}
        %dma_wait3A_1833 = arith.constant 0 : i32
        %dma_wait3A_1834 = tpu.memref_slice %arg6[%run_scoped3A_787, %run_scoped3A_788, %dma_wait3A_1833] : memref<15x2x80xi32, #tpu.memory_space<vmem>> -> memref<1x1x80xi32, #tpu.memory_space<vmem>>
        %dma_wait3A_1835 = tpu.memref_squeeze %dma_wait3A_1834 : memref<1x1x80xi32, #tpu.memory_space<vmem>> -> memref<80xi32, #tpu.memory_space<vmem>>
        %dma_wait3A_1836 = arith.constant 0 : i32
        %dma_wait3A_1837 = arith.constant 0 : i32
        %dma_wait3A_1838 = tpu.memref_slice %arg12[%dma_wait3A_1836, %dma_wait3A_1837] : memref<10240x128xf32, #tpu.memory_space<vmem_shared>> -> memref<10240x128xf32, #tpu.memory_space<vmem_shared>>
        tpu.wait_indirect_dma semaphore(%run_scoped3A_1826 : memref<!tpu.dma_semaphore, #tpu.memory_space<semaphore_mem>>) src(%arg9 : memref<80x128xf32, #tpu.memory_space<vmem>>) dst(%dma_wait3A_1838 : memref<10240x128xf32, #tpu.memory_space<vmem_shared>>)
        tpu.yield
      }) : () -> ()
      %dma_start3A_789 = arith.constant 12 : i32
      %dma_start3A_790 = arith.constant 0 : i32
      %dma_start3A_791 = arith.constant 0 : i32
      %dma_start3A_792 = tpu.memref_slice %arg6[%dma_start3A_789, %dma_start3A_790, %dma_start3A_791] : memref<15x2x80xi32, #tpu.memory_space<vmem>> -> memref<1x1x80xi32, #tpu.memory_space<vmem>>
      %dma_start3A_793 = tpu.memref_squeeze %dma_start3A_792 : memref<1x1x80xi32, #tpu.memory_space<vmem>> -> memref<80xi32, #tpu.memory_space<vmem>>
      %dma_start3A_794 = arith.constant 0 : i32
      %dma_start3A_795 = arith.constant 0 : i32
      %dma_start3A_796 = tpu.memref_slice %arg2[%dma_start3A_794, %dma_start3A_795] : memref<10000x128xf32, #tpu.memory_space<hbm>> -> memref<10000x128xf32, #tpu.memory_space<hbm>>
      tpu.enqueue_indirect_dma source(%dma_start3A_796 : memref<10000x128xf32, #tpu.memory_space<hbm>>) target(%arg9 : memref<80x128xf32, #tpu.memory_space<vmem>>) offsets(%dma_start3A_793 : memref<80xi32, #tpu.memory_space<vmem>>) semaphore(%arg13 : memref<!tpu.dma_semaphore, #tpu.memory_space<semaphore_mem>>)
      %get3A_797 = arith.constant 9 : i32
      %get3A_798 = arith.constant 1 : i32
      %get3A_799 = arith.index_cast %get3A_797 : i32 to index
      %get3A_800 = arith.index_cast %get3A_798 : i32 to index
      %get3A_801 = arith.constant 0 : index
      %get3A_802 = tpu.vector_load %arg6[%get3A_799, %get3A_800, %get3A_801] {strides = array<i32>} : memref<15x2x80xi32, #tpu.memory_space<vmem>>, vector<16xi32>,
      tpu.vector_store_idx %arg8[%get3A_802], %broadcast_in_dim3A_1 {add = true} : memref<10000xf32, #tpu.memory_space<vmem>>[vector<16xi32>], vector<16xf32>,
      %get3A_803 = arith.constant 9 : i32
      %get3A_804 = arith.constant 1 : i32
      %get3A_805 = arith.index_cast %get3A_803 : i32 to index
      %get3A_806 = arith.index_cast %get3A_804 : i32 to index
      %get3A_807 = arith.constant 16 : index
      %get3A_808 = tpu.vector_load %arg6[%get3A_805, %get3A_806, %get3A_807] {strides = array<i32>} : memref<15x2x80xi32, #tpu.memory_space<vmem>>, vector<16xi32>,
      tpu.vector_store_idx %arg8[%get3A_808], %broadcast_in_dim3A_1 {add = true} : memref<10000xf32, #tpu.memory_space<vmem>>[vector<16xi32>], vector<16xf32>,
      %get3A_809 = arith.constant 9 : i32
      %get3A_810 = arith.constant 1 : i32
      %get3A_811 = arith.index_cast %get3A_809 : i32 to index
      %get3A_812 = arith.index_cast %get3A_810 : i32 to index
      %get3A_813 = arith.constant 32 : index
      %get3A_814 = tpu.vector_load %arg6[%get3A_811, %get3A_812, %get3A_813] {strides = array<i32>} : memref<15x2x80xi32, #tpu.memory_space<vmem>>, vector<16xi32>,
      tpu.vector_store_idx %arg8[%get3A_814], %broadcast_in_dim3A_1 {add = true} : memref<10000xf32, #tpu.memory_space<vmem>>[vector<16xi32>], vector<16xf32>,
      %get3A_815 = arith.constant 9 : i32
      %get3A_816 = arith.constant 1 : i32
      %get3A_817 = arith.index_cast %get3A_815 : i32 to index
      %get3A_818 = arith.index_cast %get3A_816 : i32 to index
      %get3A_819 = arith.constant 48 : index
      %get3A_820 = tpu.vector_load %arg6[%get3A_817, %get3A_818, %get3A_819] {strides = array<i32>} : memref<15x2x80xi32, #tpu.memory_space<vmem>>, vector<16xi32>,
      tpu.vector_store_idx %arg8[%get3A_820], %broadcast_in_dim3A_1 {add = true} : memref<10000xf32, #tpu.memory_space<vmem>>[vector<16xi32>], vector<16xf32>,
      %get3A_821 = arith.constant 9 : i32
      %get3A_822 = arith.constant 1 : i32
      %get3A_823 = arith.index_cast %get3A_821 : i32 to index
      %get3A_824 = arith.index_cast %get3A_822 : i32 to index
      %get3A_825 = arith.constant 64 : index
      %get3A_826 = tpu.vector_load %arg6[%get3A_823, %get3A_824, %get3A_825] {strides = array<i32>} : memref<15x2x80xi32, #tpu.memory_space<vmem>>, vector<16xi32>,
      tpu.vector_store_idx %arg8[%get3A_826], %broadcast_in_dim3A_1 {add = true} : memref<10000xf32, #tpu.memory_space<vmem>>[vector<16xi32>], vector<16xf32>,
      %dma_wait3A_827 = arith.constant 0 : i32
      %dma_wait3A_828 = arith.constant 0 : i32
      %dma_wait3A_829 = arith.constant 0 : i32
      %dma_wait3A_830 = tpu.memref_slice %arg6[%dma_wait3A_827, %dma_wait3A_828, %dma_wait3A_829] : memref<15x2x80xi32, #tpu.memory_space<vmem>> -> memref<1x1x80xi32, #tpu.memory_space<vmem>>
      %dma_wait3A_831 = tpu.memref_squeeze %dma_wait3A_830 : memref<1x1x80xi32, #tpu.memory_space<vmem>> -> memref<80xi32, #tpu.memory_space<vmem>>
      %dma_wait3A_832 = arith.constant 0 : i32
      %dma_wait3A_833 = arith.constant 0 : i32
      %dma_wait3A_834 = tpu.memref_slice %arg2[%dma_wait3A_832, %dma_wait3A_833] : memref<10000x128xf32, #tpu.memory_space<hbm>> -> memref<10000x128xf32, #tpu.memory_space<hbm>>
      tpu.wait_indirect_dma semaphore(%arg14 : memref<!tpu.dma_semaphore, #tpu.memory_space<semaphore_mem>>) src(%dma_wait3A_834 : memref<10000x128xf32, #tpu.memory_space<hbm>>) dst(%arg10 : memref<80x128xf32, #tpu.memory_space<vmem>>)
      %run_scoped3A_835 = arith.constant 10 : i32
      %run_scoped3A_836 = arith.constant 1 : i32
      "tpu.region"() ({
        %run_scoped3A_1826 = tpu.sem_alloc : memref<!tpu.dma_semaphore, #tpu.memory_space<semaphore_mem>>
        %dma_start3A_1827 = arith.constant 0 : i32
        %dma_start3A_1828 = tpu.memref_slice %arg6[%run_scoped3A_835, %run_scoped3A_836, %dma_start3A_1827] : memref<15x2x80xi32, #tpu.memory_space<vmem>> -> memref<1x1x80xi32, #tpu.memory_space<vmem>>
        %dma_start3A_1829 = tpu.memref_squeeze %dma_start3A_1828 : memref<1x1x80xi32, #tpu.memory_space<vmem>> -> memref<80xi32, #tpu.memory_space<vmem>>
        %dma_start3A_1830 = arith.constant 0 : i32
        %dma_start3A_1831 = arith.constant 0 : i32
        %dma_start3A_1832 = tpu.memref_slice %arg12[%dma_start3A_1830, %dma_start3A_1831] : memref<10240x128xf32, #tpu.memory_space<vmem_shared>> -> memref<10240x128xf32, #tpu.memory_space<vmem_shared>>
        tpu.enqueue_indirect_dma source(%arg10 : memref<80x128xf32, #tpu.memory_space<vmem>>) target(%dma_start3A_1832 : memref<10240x128xf32, #tpu.memory_space<vmem_shared>>) offsets(%dma_start3A_1829 : memref<80xi32, #tpu.memory_space<vmem>>) semaphore(%run_scoped3A_1826 : memref<!tpu.dma_semaphore, #tpu.memory_space<semaphore_mem>>) {add = true}
        %dma_wait3A_1833 = arith.constant 0 : i32
        %dma_wait3A_1834 = tpu.memref_slice %arg6[%run_scoped3A_835, %run_scoped3A_836, %dma_wait3A_1833] : memref<15x2x80xi32, #tpu.memory_space<vmem>> -> memref<1x1x80xi32, #tpu.memory_space<vmem>>
        %dma_wait3A_1835 = tpu.memref_squeeze %dma_wait3A_1834 : memref<1x1x80xi32, #tpu.memory_space<vmem>> -> memref<80xi32, #tpu.memory_space<vmem>>
        %dma_wait3A_1836 = arith.constant 0 : i32
        %dma_wait3A_1837 = arith.constant 0 : i32
        %dma_wait3A_1838 = tpu.memref_slice %arg12[%dma_wait3A_1836, %dma_wait3A_1837] : memref<10240x128xf32, #tpu.memory_space<vmem_shared>> -> memref<10240x128xf32, #tpu.memory_space<vmem_shared>>
        tpu.wait_indirect_dma semaphore(%run_scoped3A_1826 : memref<!tpu.dma_semaphore, #tpu.memory_space<semaphore_mem>>) src(%arg10 : memref<80x128xf32, #tpu.memory_space<vmem>>) dst(%dma_wait3A_1838 : memref<10240x128xf32, #tpu.memory_space<vmem_shared>>)
        tpu.yield
      }) : () -> ()
      %dma_start3A_837 = arith.constant 13 : i32
      %dma_start3A_838 = arith.constant 0 : i32
      %dma_start3A_839 = arith.constant 0 : i32
      %dma_start3A_840 = tpu.memref_slice %arg6[%dma_start3A_837, %dma_start3A_838, %dma_start3A_839] : memref<15x2x80xi32, #tpu.memory_space<vmem>> -> memref<1x1x80xi32, #tpu.memory_space<vmem>>
      %dma_start3A_841 = tpu.memref_squeeze %dma_start3A_840 : memref<1x1x80xi32, #tpu.memory_space<vmem>> -> memref<80xi32, #tpu.memory_space<vmem>>
      %dma_start3A_842 = arith.constant 0 : i32
      %dma_start3A_843 = arith.constant 0 : i32
      %dma_start3A_844 = tpu.memref_slice %arg2[%dma_start3A_842, %dma_start3A_843] : memref<10000x128xf32, #tpu.memory_space<hbm>> -> memref<10000x128xf32, #tpu.memory_space<hbm>>
      tpu.enqueue_indirect_dma source(%dma_start3A_844 : memref<10000x128xf32, #tpu.memory_space<hbm>>) target(%arg10 : memref<80x128xf32, #tpu.memory_space<vmem>>) offsets(%dma_start3A_841 : memref<80xi32, #tpu.memory_space<vmem>>) semaphore(%arg14 : memref<!tpu.dma_semaphore, #tpu.memory_space<semaphore_mem>>)
      %get3A_845 = arith.constant 10 : i32
      %get3A_846 = arith.constant 1 : i32
      %get3A_847 = arith.index_cast %get3A_845 : i32 to index
      %get3A_848 = arith.index_cast %get3A_846 : i32 to index
      %get3A_849 = arith.constant 0 : index
      %get3A_850 = tpu.vector_load %arg6[%get3A_847, %get3A_848, %get3A_849] {strides = array<i32>} : memref<15x2x80xi32, #tpu.memory_space<vmem>>, vector<16xi32>,
      tpu.vector_store_idx %arg8[%get3A_850], %broadcast_in_dim3A_1 {add = true} : memref<10000xf32, #tpu.memory_space<vmem>>[vector<16xi32>], vector<16xf32>,
      %get3A_851 = arith.constant 10 : i32
      %get3A_852 = arith.constant 1 : i32
      %get3A_853 = arith.index_cast %get3A_851 : i32 to index
      %get3A_854 = arith.index_cast %get3A_852 : i32 to index
      %get3A_855 = arith.constant 16 : index
      %get3A_856 = tpu.vector_load %arg6[%get3A_853, %get3A_854, %get3A_855] {strides = array<i32>} : memref<15x2x80xi32, #tpu.memory_space<vmem>>, vector<16xi32>,
      tpu.vector_store_idx %arg8[%get3A_856], %broadcast_in_dim3A_1 {add = true} : memref<10000xf32, #tpu.memory_space<vmem>>[vector<16xi32>], vector<16xf32>,
      %get3A_857 = arith.constant 10 : i32
      %get3A_858 = arith.constant 1 : i32
      %get3A_859 = arith.index_cast %get3A_857 : i32 to index
      %get3A_860 = arith.index_cast %get3A_858 : i32 to index
      %get3A_861 = arith.constant 32 : index
      %get3A_862 = tpu.vector_load %arg6[%get3A_859, %get3A_860, %get3A_861] {strides = array<i32>} : memref<15x2x80xi32, #tpu.memory_space<vmem>>, vector<16xi32>,
      tpu.vector_store_idx %arg8[%get3A_862], %broadcast_in_dim3A_1 {add = true} : memref<10000xf32, #tpu.memory_space<vmem>>[vector<16xi32>], vector<16xf32>,
      %get3A_863 = arith.constant 10 : i32
      %get3A_864 = arith.constant 1 : i32
      %get3A_865 = arith.index_cast %get3A_863 : i32 to index
      %get3A_866 = arith.index_cast %get3A_864 : i32 to index
      %get3A_867 = arith.constant 48 : index
      %get3A_868 = tpu.vector_load %arg6[%get3A_865, %get3A_866, %get3A_867] {strides = array<i32>} : memref<15x2x80xi32, #tpu.memory_space<vmem>>, vector<16xi32>,
      tpu.vector_store_idx %arg8[%get3A_868], %broadcast_in_dim3A_1 {add = true} : memref<10000xf32, #tpu.memory_space<vmem>>[vector<16xi32>], vector<16xf32>,
      %get3A_869 = arith.constant 10 : i32
      %get3A_870 = arith.constant 1 : i32
      %get3A_871 = arith.index_cast %get3A_869 : i32 to index
      %get3A_872 = arith.index_cast %get3A_870 : i32 to index
      %get3A_873 = arith.constant 64 : index
      %get3A_874 = tpu.vector_load %arg6[%get3A_871, %get3A_872, %get3A_873] {strides = array<i32>} : memref<15x2x80xi32, #tpu.memory_space<vmem>>, vector<16xi32>,
      tpu.vector_store_idx %arg8[%get3A_874], %broadcast_in_dim3A_1 {add = true} : memref<10000xf32, #tpu.memory_space<vmem>>[vector<16xi32>], vector<16xf32>,
      %dma_wait3A_875 = arith.constant 0 : i32
      %dma_wait3A_876 = arith.constant 0 : i32
      %dma_wait3A_877 = arith.constant 0 : i32
      %dma_wait3A_878 = tpu.memref_slice %arg6[%dma_wait3A_875, %dma_wait3A_876, %dma_wait3A_877] : memref<15x2x80xi32, #tpu.memory_space<vmem>> -> memref<1x1x80xi32, #tpu.memory_space<vmem>>
      %dma_wait3A_879 = tpu.memref_squeeze %dma_wait3A_878 : memref<1x1x80xi32, #tpu.memory_space<vmem>> -> memref<80xi32, #tpu.memory_space<vmem>>
      %dma_wait3A_880 = arith.constant 0 : i32
      %dma_wait3A_881 = arith.constant 0 : i32
      %dma_wait3A_882 = tpu.memref_slice %arg2[%dma_wait3A_880, %dma_wait3A_881] : memref<10000x128xf32, #tpu.memory_space<hbm>> -> memref<10000x128xf32, #tpu.memory_space<hbm>>
      tpu.wait_indirect_dma semaphore(%arg15 : memref<!tpu.dma_semaphore, #tpu.memory_space<semaphore_mem>>) src(%dma_wait3A_882 : memref<10000x128xf32, #tpu.memory_space<hbm>>) dst(%arg11 : memref<80x128xf32, #tpu.memory_space<vmem>>)
      %run_scoped3A_883 = arith.constant 11 : i32
      %run_scoped3A_884 = arith.constant 1 : i32
      "tpu.region"() ({
        %run_scoped3A_1826 = tpu.sem_alloc : memref<!tpu.dma_semaphore, #tpu.memory_space<semaphore_mem>>
        %dma_start3A_1827 = arith.constant 0 : i32
        %dma_start3A_1828 = tpu.memref_slice %arg6[%run_scoped3A_883, %run_scoped3A_884, %dma_start3A_1827] : memref<15x2x80xi32, #tpu.memory_space<vmem>> -> memref<1x1x80xi32, #tpu.memory_space<vmem>>
        %dma_start3A_1829 = tpu.memref_squeeze %dma_start3A_1828 : memref<1x1x80xi32, #tpu.memory_space<vmem>> -> memref<80xi32, #tpu.memory_space<vmem>>
        %dma_start3A_1830 = arith.constant 0 : i32
        %dma_start3A_1831 = arith.constant 0 : i32
        %dma_start3A_1832 = tpu.memref_slice %arg12[%dma_start3A_1830, %dma_start3A_1831] : memref<10240x128xf32, #tpu.memory_space<vmem_shared>> -> memref<10240x128xf32, #tpu.memory_space<vmem_shared>>
        tpu.enqueue_indirect_dma source(%arg11 : memref<80x128xf32, #tpu.memory_space<vmem>>) target(%dma_start3A_1832 : memref<10240x128xf32, #tpu.memory_space<vmem_shared>>) offsets(%dma_start3A_1829 : memref<80xi32, #tpu.memory_space<vmem>>) semaphore(%run_scoped3A_1826 : memref<!tpu.dma_semaphore, #tpu.memory_space<semaphore_mem>>) {add = true}
        %dma_wait3A_1833 = arith.constant 0 : i32
        %dma_wait3A_1834 = tpu.memref_slice %arg6[%run_scoped3A_883, %run_scoped3A_884, %dma_wait3A_1833] : memref<15x2x80xi32, #tpu.memory_space<vmem>> -> memref<1x1x80xi32, #tpu.memory_space<vmem>>
        %dma_wait3A_1835 = tpu.memref_squeeze %dma_wait3A_1834 : memref<1x1x80xi32, #tpu.memory_space<vmem>> -> memref<80xi32, #tpu.memory_space<vmem>>
        %dma_wait3A_1836 = arith.constant 0 : i32
        %dma_wait3A_1837 = arith.constant 0 : i32
        %dma_wait3A_1838 = tpu.memref_slice %arg12[%dma_wait3A_1836, %dma_wait3A_1837] : memref<10240x128xf32, #tpu.memory_space<vmem_shared>> -> memref<10240x128xf32, #tpu.memory_space<vmem_shared>>
        tpu.wait_indirect_dma semaphore(%run_scoped3A_1826 : memref<!tpu.dma_semaphore, #tpu.memory_space<semaphore_mem>>) src(%arg11 : memref<80x128xf32, #tpu.memory_space<vmem>>) dst(%dma_wait3A_1838 : memref<10240x128xf32, #tpu.memory_space<vmem_shared>>)
        tpu.yield
      }) : () -> ()
      %dma_start3A_885 = arith.constant 14 : i32
      %dma_start3A_886 = arith.constant 0 : i32
      %dma_start3A_887 = arith.constant 0 : i32
      %dma_start3A_888 = tpu.memref_slice %arg6[%dma_start3A_885, %dma_start3A_886, %dma_start3A_887] : memref<15x2x80xi32, #tpu.memory_space<vmem>> -> memref<1x1x80xi32, #tpu.memory_space<vmem>>
      %dma_start3A_889 = tpu.memref_squeeze %dma_start3A_888 : memref<1x1x80xi32, #tpu.memory_space<vmem>> -> memref<80xi32, #tpu.memory_space<vmem>>
      %dma_start3A_890 = arith.constant 0 : i32
      %dma_start3A_891 = arith.constant 0 : i32
      %dma_start3A_892 = tpu.memref_slice %arg2[%dma_start3A_890, %dma_start3A_891] : memref<10000x128xf32, #tpu.memory_space<hbm>> -> memref<10000x128xf32, #tpu.memory_space<hbm>>
      tpu.enqueue_indirect_dma source(%dma_start3A_892 : memref<10000x128xf32, #tpu.memory_space<hbm>>) target(%arg11 : memref<80x128xf32, #tpu.memory_space<vmem>>) offsets(%dma_start3A_889 : memref<80xi32, #tpu.memory_space<vmem>>) semaphore(%arg15 : memref<!tpu.dma_semaphore, #tpu.memory_space<semaphore_mem>>)
      %get3A_893 = arith.constant 11 : i32
      %get3A_894 = arith.constant 1 : i32
      %get3A_895 = arith.index_cast %get3A_893 : i32 to index
      %get3A_896 = arith.index_cast %get3A_894 : i32 to index
      %get3A_897 = arith.constant 0 : index
      %get3A_898 = tpu.vector_load %arg6[%get3A_895, %get3A_896, %get3A_897] {strides = array<i32>} : memref<15x2x80xi32, #tpu.memory_space<vmem>>, vector<16xi32>,
      tpu.vector_store_idx %arg8[%get3A_898], %broadcast_in_dim3A_1 {add = true} : memref<10000xf32, #tpu.memory_space<vmem>>[vector<16xi32>], vector<16xf32>,
      %get3A_899 = arith.constant 11 : i32
      %get3A_900 = arith.constant 1 : i32
      %get3A_901 = arith.index_cast %get3A_899 : i32 to index
      %get3A_902 = arith.index_cast %get3A_900 : i32 to index
      %get3A_903 = arith.constant 16 : index
      %get3A_904 = tpu.vector_load %arg6[%get3A_901, %get3A_902, %get3A_903] {strides = array<i32>} : memref<15x2x80xi32, #tpu.memory_space<vmem>>, vector<16xi32>,
      tpu.vector_store_idx %arg8[%get3A_904], %broadcast_in_dim3A_1 {add = true} : memref<10000xf32, #tpu.memory_space<vmem>>[vector<16xi32>], vector<16xf32>,
      %get3A_905 = arith.constant 11 : i32
      %get3A_906 = arith.constant 1 : i32
      %get3A_907 = arith.index_cast %get3A_905 : i32 to index
      %get3A_908 = arith.index_cast %get3A_906 : i32 to index
      %get3A_909 = arith.constant 32 : index
      %get3A_910 = tpu.vector_load %arg6[%get3A_907, %get3A_908, %get3A_909] {strides = array<i32>} : memref<15x2x80xi32, #tpu.memory_space<vmem>>, vector<16xi32>,
      tpu.vector_store_idx %arg8[%get3A_910], %broadcast_in_dim3A_1 {add = true} : memref<10000xf32, #tpu.memory_space<vmem>>[vector<16xi32>], vector<16xf32>,
      %get3A_911 = arith.constant 11 : i32
      %get3A_912 = arith.constant 1 : i32
      %get3A_913 = arith.index_cast %get3A_911 : i32 to index
      %get3A_914 = arith.index_cast %get3A_912 : i32 to index
      %get3A_915 = arith.constant 48 : index
      %get3A_916 = tpu.vector_load %arg6[%get3A_913, %get3A_914, %get3A_915] {strides = array<i32>} : memref<15x2x80xi32, #tpu.memory_space<vmem>>, vector<16xi32>,
      tpu.vector_store_idx %arg8[%get3A_916], %broadcast_in_dim3A_1 {add = true} : memref<10000xf32, #tpu.memory_space<vmem>>[vector<16xi32>], vector<16xf32>,
      %get3A_917 = arith.constant 11 : i32
      %get3A_918 = arith.constant 1 : i32
      %get3A_919 = arith.index_cast %get3A_917 : i32 to index
      %get3A_920 = arith.index_cast %get3A_918 : i32 to index
      %get3A_921 = arith.constant 64 : index
      %get3A_922 = tpu.vector_load %arg6[%get3A_919, %get3A_920, %get3A_921] {strides = array<i32>} : memref<15x2x80xi32, #tpu.memory_space<vmem>>, vector<16xi32>,
      tpu.vector_store_idx %arg8[%get3A_922], %broadcast_in_dim3A_1 {add = true} : memref<10000xf32, #tpu.memory_space<vmem>>[vector<16xi32>], vector<16xf32>,
      %dma_wait3A_923 = arith.constant 0 : i32
      %dma_wait3A_924 = arith.constant 0 : i32
      %dma_wait3A_925 = arith.constant 0 : i32
      %dma_wait3A_926 = tpu.memref_slice %arg6[%dma_wait3A_923, %dma_wait3A_924, %dma_wait3A_925] : memref<15x2x80xi32, #tpu.memory_space<vmem>> -> memref<1x1x80xi32, #tpu.memory_space<vmem>>
      %dma_wait3A_927 = tpu.memref_squeeze %dma_wait3A_926 : memref<1x1x80xi32, #tpu.memory_space<vmem>> -> memref<80xi32, #tpu.memory_space<vmem>>
      %dma_wait3A_928 = arith.constant 0 : i32
      %dma_wait3A_929 = arith.constant 0 : i32
      %dma_wait3A_930 = tpu.memref_slice %arg2[%dma_wait3A_928, %dma_wait3A_929] : memref<10000x128xf32, #tpu.memory_space<hbm>> -> memref<10000x128xf32, #tpu.memory_space<hbm>>
      tpu.wait_indirect_dma semaphore(%arg13 : memref<!tpu.dma_semaphore, #tpu.memory_space<semaphore_mem>>) src(%dma_wait3A_930 : memref<10000x128xf32, #tpu.memory_space<hbm>>) dst(%arg9 : memref<80x128xf32, #tpu.memory_space<vmem>>)
      %run_scoped3A_931 = arith.constant 12 : i32
      %run_scoped3A_932 = arith.constant 1 : i32
      "tpu.region"() ({
        %run_scoped3A_1826 = tpu.sem_alloc : memref<!tpu.dma_semaphore, #tpu.memory_space<semaphore_mem>>
        %dma_start3A_1827 = arith.constant 0 : i32
        %dma_start3A_1828 = tpu.memref_slice %arg6[%run_scoped3A_931, %run_scoped3A_932, %dma_start3A_1827] : memref<15x2x80xi32, #tpu.memory_space<vmem>> -> memref<1x1x80xi32, #tpu.memory_space<vmem>>
        %dma_start3A_1829 = tpu.memref_squeeze %dma_start3A_1828 : memref<1x1x80xi32, #tpu.memory_space<vmem>> -> memref<80xi32, #tpu.memory_space<vmem>>
        %dma_start3A_1830 = arith.constant 0 : i32
        %dma_start3A_1831 = arith.constant 0 : i32
        %dma_start3A_1832 = tpu.memref_slice %arg12[%dma_start3A_1830, %dma_start3A_1831] : memref<10240x128xf32, #tpu.memory_space<vmem_shared>> -> memref<10240x128xf32, #tpu.memory_space<vmem_shared>>
        tpu.enqueue_indirect_dma source(%arg9 : memref<80x128xf32, #tpu.memory_space<vmem>>) target(%dma_start3A_1832 : memref<10240x128xf32, #tpu.memory_space<vmem_shared>>) offsets(%dma_start3A_1829 : memref<80xi32, #tpu.memory_space<vmem>>) semaphore(%run_scoped3A_1826 : memref<!tpu.dma_semaphore, #tpu.memory_space<semaphore_mem>>) {add = true}
        %dma_wait3A_1833 = arith.constant 0 : i32
        %dma_wait3A_1834 = tpu.memref_slice %arg6[%run_scoped3A_931, %run_scoped3A_932, %dma_wait3A_1833] : memref<15x2x80xi32, #tpu.memory_space<vmem>> -> memref<1x1x80xi32, #tpu.memory_space<vmem>>
        %dma_wait3A_1835 = tpu.memref_squeeze %dma_wait3A_1834 : memref<1x1x80xi32, #tpu.memory_space<vmem>> -> memref<80xi32, #tpu.memory_space<vmem>>
        %dma_wait3A_1836 = arith.constant 0 : i32
        %dma_wait3A_1837 = arith.constant 0 : i32
        %dma_wait3A_1838 = tpu.memref_slice %arg12[%dma_wait3A_1836, %dma_wait3A_1837] : memref<10240x128xf32, #tpu.memory_space<vmem_shared>> -> memref<10240x128xf32, #tpu.memory_space<vmem_shared>>
        tpu.wait_indirect_dma semaphore(%run_scoped3A_1826 : memref<!tpu.dma_semaphore, #tpu.memory_space<semaphore_mem>>) src(%arg9 : memref<80x128xf32, #tpu.memory_space<vmem>>) dst(%dma_wait3A_1838 : memref<10240x128xf32, #tpu.memory_space<vmem_shared>>)
        tpu.yield
      }) : () -> ()
      %dma_start3A_933 = arith.constant 0 : i32
      %dma_start3A_934 = arith.constant 0 : i32
      %dma_start3A_935 = arith.constant 0 : i32
      %dma_start3A_936 = tpu.memref_slice %arg7[%dma_start3A_933, %dma_start3A_934, %dma_start3A_935] : memref<15x2x80xi32, #tpu.memory_space<vmem>> -> memref<1x1x80xi32, #tpu.memory_space<vmem>>
      %dma_start3A_937 = tpu.memref_squeeze %dma_start3A_936 : memref<1x1x80xi32, #tpu.memory_space<vmem>> -> memref<80xi32, #tpu.memory_space<vmem>>
      %dma_start3A_938 = arith.constant 0 : i32
      %dma_start3A_939 = arith.constant 0 : i32
      %dma_start3A_940 = tpu.memref_slice %arg2[%dma_start3A_938, %dma_start3A_939] : memref<10000x128xf32, #tpu.memory_space<hbm>> -> memref<10000x128xf32, #tpu.memory_space<hbm>>
      tpu.enqueue_indirect_dma source(%dma_start3A_940 : memref<10000x128xf32, #tpu.memory_space<hbm>>) target(%arg9 : memref<80x128xf32, #tpu.memory_space<vmem>>) offsets(%dma_start3A_937 : memref<80xi32, #tpu.memory_space<vmem>>) semaphore(%arg13 : memref<!tpu.dma_semaphore, #tpu.memory_space<semaphore_mem>>)
      %get3A_941 = arith.constant 12 : i32
      %get3A_942 = arith.constant 1 : i32
      %get3A_943 = arith.index_cast %get3A_941 : i32 to index
      %get3A_944 = arith.index_cast %get3A_942 : i32 to index
      %get3A_945 = arith.constant 0 : index
      %get3A_946 = tpu.vector_load %arg6[%get3A_943, %get3A_944, %get3A_945] {strides = array<i32>} : memref<15x2x80xi32, #tpu.memory_space<vmem>>, vector<16xi32>,
      tpu.vector_store_idx %arg8[%get3A_946], %broadcast_in_dim3A_1 {add = true} : memref<10000xf32, #tpu.memory_space<vmem>>[vector<16xi32>], vector<16xf32>,
      %get3A_947 = arith.constant 12 : i32
      %get3A_948 = arith.constant 1 : i32
      %get3A_949 = arith.index_cast %get3A_947 : i32 to index
      %get3A_950 = arith.index_cast %get3A_948 : i32 to index
      %get3A_951 = arith.constant 16 : index
      %get3A_952 = tpu.vector_load %arg6[%get3A_949, %get3A_950, %get3A_951] {strides = array<i32>} : memref<15x2x80xi32, #tpu.memory_space<vmem>>, vector<16xi32>,
      tpu.vector_store_idx %arg8[%get3A_952], %broadcast_in_dim3A_1 {add = true} : memref<10000xf32, #tpu.memory_space<vmem>>[vector<16xi32>], vector<16xf32>,
      %get3A_953 = arith.constant 12 : i32
      %get3A_954 = arith.constant 1 : i32
      %get3A_955 = arith.index_cast %get3A_953 : i32 to index
      %get3A_956 = arith.index_cast %get3A_954 : i32 to index
      %get3A_957 = arith.constant 32 : index
      %get3A_958 = tpu.vector_load %arg6[%get3A_955, %get3A_956, %get3A_957] {strides = array<i32>} : memref<15x2x80xi32, #tpu.memory_space<vmem>>, vector<16xi32>,
      tpu.vector_store_idx %arg8[%get3A_958], %broadcast_in_dim3A_1 {add = true} : memref<10000xf32, #tpu.memory_space<vmem>>[vector<16xi32>], vector<16xf32>,
      %get3A_959 = arith.constant 12 : i32
      %get3A_960 = arith.constant 1 : i32
      %get3A_961 = arith.index_cast %get3A_959 : i32 to index
      %get3A_962 = arith.index_cast %get3A_960 : i32 to index
      %get3A_963 = arith.constant 48 : index
      %get3A_964 = tpu.vector_load %arg6[%get3A_961, %get3A_962, %get3A_963] {strides = array<i32>} : memref<15x2x80xi32, #tpu.memory_space<vmem>>, vector<16xi32>,
      tpu.vector_store_idx %arg8[%get3A_964], %broadcast_in_dim3A_1 {add = true} : memref<10000xf32, #tpu.memory_space<vmem>>[vector<16xi32>], vector<16xf32>,
      %get3A_965 = arith.constant 12 : i32
      %get3A_966 = arith.constant 1 : i32
      %get3A_967 = arith.index_cast %get3A_965 : i32 to index
      %get3A_968 = arith.index_cast %get3A_966 : i32 to index
      %get3A_969 = arith.constant 64 : index
      %get3A_970 = tpu.vector_load %arg6[%get3A_967, %get3A_968, %get3A_969] {strides = array<i32>} : memref<15x2x80xi32, #tpu.memory_space<vmem>>, vector<16xi32>,
      tpu.vector_store_idx %arg8[%get3A_970], %broadcast_in_dim3A_1 {add = true} : memref<10000xf32, #tpu.memory_space<vmem>>[vector<16xi32>], vector<16xf32>,
      %dma_wait3A_971 = arith.constant 0 : i32
      %dma_wait3A_972 = arith.constant 0 : i32
      %dma_wait3A_973 = arith.constant 0 : i32
      %dma_wait3A_974 = tpu.memref_slice %arg6[%dma_wait3A_971, %dma_wait3A_972, %dma_wait3A_973] : memref<15x2x80xi32, #tpu.memory_space<vmem>> -> memref<1x1x80xi32, #tpu.memory_space<vmem>>
      %dma_wait3A_975 = tpu.memref_squeeze %dma_wait3A_974 : memref<1x1x80xi32, #tpu.memory_space<vmem>> -> memref<80xi32, #tpu.memory_space<vmem>>
      %dma_wait3A_976 = arith.constant 0 : i32
      %dma_wait3A_977 = arith.constant 0 : i32
      %dma_wait3A_978 = tpu.memref_slice %arg2[%dma_wait3A_976, %dma_wait3A_977] : memref<10000x128xf32, #tpu.memory_space<hbm>> -> memref<10000x128xf32, #tpu.memory_space<hbm>>
      tpu.wait_indirect_dma semaphore(%arg14 : memref<!tpu.dma_semaphore, #tpu.memory_space<semaphore_mem>>) src(%dma_wait3A_978 : memref<10000x128xf32, #tpu.memory_space<hbm>>) dst(%arg10 : memref<80x128xf32, #tpu.memory_space<vmem>>)
      %run_scoped3A_979 = arith.constant 13 : i32
      %run_scoped3A_980 = arith.constant 1 : i32
      "tpu.region"() ({
        %run_scoped3A_1826 = tpu.sem_alloc : memref<!tpu.dma_semaphore, #tpu.memory_space<semaphore_mem>>
        %dma_start3A_1827 = arith.constant 0 : i32
        %dma_start3A_1828 = tpu.memref_slice %arg6[%run_scoped3A_979, %run_scoped3A_980, %dma_start3A_1827] : memref<15x2x80xi32, #tpu.memory_space<vmem>> -> memref<1x1x80xi32, #tpu.memory_space<vmem>>
        %dma_start3A_1829 = tpu.memref_squeeze %dma_start3A_1828 : memref<1x1x80xi32, #tpu.memory_space<vmem>> -> memref<80xi32, #tpu.memory_space<vmem>>
        %dma_start3A_1830 = arith.constant 0 : i32
        %dma_start3A_1831 = arith.constant 0 : i32
        %dma_start3A_1832 = tpu.memref_slice %arg12[%dma_start3A_1830, %dma_start3A_1831] : memref<10240x128xf32, #tpu.memory_space<vmem_shared>> -> memref<10240x128xf32, #tpu.memory_space<vmem_shared>>
        tpu.enqueue_indirect_dma source(%arg10 : memref<80x128xf32, #tpu.memory_space<vmem>>) target(%dma_start3A_1832 : memref<10240x128xf32, #tpu.memory_space<vmem_shared>>) offsets(%dma_start3A_1829 : memref<80xi32, #tpu.memory_space<vmem>>) semaphore(%run_scoped3A_1826 : memref<!tpu.dma_semaphore, #tpu.memory_space<semaphore_mem>>) {add = true}
        %dma_wait3A_1833 = arith.constant 0 : i32
        %dma_wait3A_1834 = tpu.memref_slice %arg6[%run_scoped3A_979, %run_scoped3A_980, %dma_wait3A_1833] : memref<15x2x80xi32, #tpu.memory_space<vmem>> -> memref<1x1x80xi32, #tpu.memory_space<vmem>>
        %dma_wait3A_1835 = tpu.memref_squeeze %dma_wait3A_1834 : memref<1x1x80xi32, #tpu.memory_space<vmem>> -> memref<80xi32, #tpu.memory_space<vmem>>
        %dma_wait3A_1836 = arith.constant 0 : i32
        %dma_wait3A_1837 = arith.constant 0 : i32
        %dma_wait3A_1838 = tpu.memref_slice %arg12[%dma_wait3A_1836, %dma_wait3A_1837] : memref<10240x128xf32, #tpu.memory_space<vmem_shared>> -> memref<10240x128xf32, #tpu.memory_space<vmem_shared>>
        tpu.wait_indirect_dma semaphore(%run_scoped3A_1826 : memref<!tpu.dma_semaphore, #tpu.memory_space<semaphore_mem>>) src(%arg10 : memref<80x128xf32, #tpu.memory_space<vmem>>) dst(%dma_wait3A_1838 : memref<10240x128xf32, #tpu.memory_space<vmem_shared>>)
        tpu.yield
      }) : () -> ()
      %dma_start3A_981 = arith.constant 1 : i32
      %dma_start3A_982 = arith.constant 0 : i32
      %dma_start3A_983 = arith.constant 0 : i32
      %dma_start3A_984 = tpu.memref_slice %arg7[%dma_start3A_981, %dma_start3A_982, %dma_start3A_983] : memref<15x2x80xi32, #tpu.memory_space<vmem>> -> memref<1x1x80xi32, #tpu.memory_space<vmem>>
      %dma_start3A_985 = tpu.memref_squeeze %dma_start3A_984 : memref<1x1x80xi32, #tpu.memory_space<vmem>> -> memref<80xi32, #tpu.memory_space<vmem>>
      %dma_start3A_986 = arith.constant 0 : i32
      %dma_start3A_987 = arith.constant 0 : i32
      %dma_start3A_988 = tpu.memref_slice %arg2[%dma_start3A_986, %dma_start3A_987] : memref<10000x128xf32, #tpu.memory_space<hbm>> -> memref<10000x128xf32, #tpu.memory_space<hbm>>
      tpu.enqueue_indirect_dma source(%dma_start3A_988 : memref<10000x128xf32, #tpu.memory_space<hbm>>) target(%arg10 : memref<80x128xf32, #tpu.memory_space<vmem>>) offsets(%dma_start3A_985 : memref<80xi32, #tpu.memory_space<vmem>>) semaphore(%arg14 : memref<!tpu.dma_semaphore, #tpu.memory_space<semaphore_mem>>)
      %get3A_989 = arith.constant 13 : i32
      %get3A_990 = arith.constant 1 : i32
      %get3A_991 = arith.index_cast %get3A_989 : i32 to index
      %get3A_992 = arith.index_cast %get3A_990 : i32 to index
      %get3A_993 = arith.constant 0 : index
      %get3A_994 = tpu.vector_load %arg6[%get3A_991, %get3A_992, %get3A_993] {strides = array<i32>} : memref<15x2x80xi32, #tpu.memory_space<vmem>>, vector<16xi32>,
      tpu.vector_store_idx %arg8[%get3A_994], %broadcast_in_dim3A_1 {add = true} : memref<10000xf32, #tpu.memory_space<vmem>>[vector<16xi32>], vector<16xf32>,
      %get3A_995 = arith.constant 13 : i32
      %get3A_996 = arith.constant 1 : i32
      %get3A_997 = arith.index_cast %get3A_995 : i32 to index
      %get3A_998 = arith.index_cast %get3A_996 : i32 to index
      %get3A_999 = arith.constant 16 : index
      %get3A_1000 = tpu.vector_load %arg6[%get3A_997, %get3A_998, %get3A_999] {strides = array<i32>} : memref<15x2x80xi32, #tpu.memory_space<vmem>>, vector<16xi32>,
      tpu.vector_store_idx %arg8[%get3A_1000], %broadcast_in_dim3A_1 {add = true} : memref<10000xf32, #tpu.memory_space<vmem>>[vector<16xi32>], vector<16xf32>,
      %get3A_1001 = arith.constant 13 : i32
      %get3A_1002 = arith.constant 1 : i32
      %get3A_1003 = arith.index_cast %get3A_1001 : i32 to index
      %get3A_1004 = arith.index_cast %get3A_1002 : i32 to index
      %get3A_1005 = arith.constant 32 : index
      %get3A_1006 = tpu.vector_load %arg6[%get3A_1003, %get3A_1004, %get3A_1005] {strides = array<i32>} : memref<15x2x80xi32, #tpu.memory_space<vmem>>, vector<16xi32>,
      tpu.vector_store_idx %arg8[%get3A_1006], %broadcast_in_dim3A_1 {add = true} : memref<10000xf32, #tpu.memory_space<vmem>>[vector<16xi32>], vector<16xf32>,
      %get3A_1007 = arith.constant 13 : i32
      %get3A_1008 = arith.constant 1 : i32
      %get3A_1009 = arith.index_cast %get3A_1007 : i32 to index
      %get3A_1010 = arith.index_cast %get3A_1008 : i32 to index
      %get3A_1011 = arith.constant 48 : index
      %get3A_1012 = tpu.vector_load %arg6[%get3A_1009, %get3A_1010, %get3A_1011] {strides = array<i32>} : memref<15x2x80xi32, #tpu.memory_space<vmem>>, vector<16xi32>,
      tpu.vector_store_idx %arg8[%get3A_1012], %broadcast_in_dim3A_1 {add = true} : memref<10000xf32, #tpu.memory_space<vmem>>[vector<16xi32>], vector<16xf32>,
      %get3A_1013 = arith.constant 13 : i32
      %get3A_1014 = arith.constant 1 : i32
      %get3A_1015 = arith.index_cast %get3A_1013 : i32 to index
      %get3A_1016 = arith.index_cast %get3A_1014 : i32 to index
      %get3A_1017 = arith.constant 64 : index
      %get3A_1018 = tpu.vector_load %arg6[%get3A_1015, %get3A_1016, %get3A_1017] {strides = array<i32>} : memref<15x2x80xi32, #tpu.memory_space<vmem>>, vector<16xi32>,
      tpu.vector_store_idx %arg8[%get3A_1018], %broadcast_in_dim3A_1 {add = true} : memref<10000xf32, #tpu.memory_space<vmem>>[vector<16xi32>], vector<16xf32>,
      %dma_wait3A_1019 = arith.constant 0 : i32
      %dma_wait3A_1020 = arith.constant 0 : i32
      %dma_wait3A_1021 = arith.constant 0 : i32
      %dma_wait3A_1022 = tpu.memref_slice %arg6[%dma_wait3A_1019, %dma_wait3A_1020, %dma_wait3A_1021] : memref<15x2x80xi32, #tpu.memory_space<vmem>> -> memref<1x1x80xi32, #tpu.memory_space<vmem>>
      %dma_wait3A_1023 = tpu.memref_squeeze %dma_wait3A_1022 : memref<1x1x80xi32, #tpu.memory_space<vmem>> -> memref<80xi32, #tpu.memory_space<vmem>>
      %dma_wait3A_1024 = arith.constant 0 : i32
      %dma_wait3A_1025 = arith.constant 0 : i32
      %dma_wait3A_1026 = tpu.memref_slice %arg2[%dma_wait3A_1024, %dma_wait3A_1025] : memref<10000x128xf32, #tpu.memory_space<hbm>> -> memref<10000x128xf32, #tpu.memory_space<hbm>>
      tpu.wait_indirect_dma semaphore(%arg15 : memref<!tpu.dma_semaphore, #tpu.memory_space<semaphore_mem>>) src(%dma_wait3A_1026 : memref<10000x128xf32, #tpu.memory_space<hbm>>) dst(%arg11 : memref<80x128xf32, #tpu.memory_space<vmem>>)
      %run_scoped3A_1027 = arith.constant 14 : i32
      %run_scoped3A_1028 = arith.constant 1 : i32
      "tpu.region"() ({
        %run_scoped3A_1826 = tpu.sem_alloc : memref<!tpu.dma_semaphore, #tpu.memory_space<semaphore_mem>>
        %dma_start3A_1827 = arith.constant 0 : i32
        %dma_start3A_1828 = tpu.memref_slice %arg6[%run_scoped3A_1027, %run_scoped3A_1028, %dma_start3A_1827] : memref<15x2x80xi32, #tpu.memory_space<vmem>> -> memref<1x1x80xi32, #tpu.memory_space<vmem>>
        %dma_start3A_1829 = tpu.memref_squeeze %dma_start3A_1828 : memref<1x1x80xi32, #tpu.memory_space<vmem>> -> memref<80xi32, #tpu.memory_space<vmem>>
        %dma_start3A_1830 = arith.constant 0 : i32
        %dma_start3A_1831 = arith.constant 0 : i32
        %dma_start3A_1832 = tpu.memref_slice %arg12[%dma_start3A_1830, %dma_start3A_1831] : memref<10240x128xf32, #tpu.memory_space<vmem_shared>> -> memref<10240x128xf32, #tpu.memory_space<vmem_shared>>
        tpu.enqueue_indirect_dma source(%arg11 : memref<80x128xf32, #tpu.memory_space<vmem>>) target(%dma_start3A_1832 : memref<10240x128xf32, #tpu.memory_space<vmem_shared>>) offsets(%dma_start3A_1829 : memref<80xi32, #tpu.memory_space<vmem>>) semaphore(%run_scoped3A_1826 : memref<!tpu.dma_semaphore, #tpu.memory_space<semaphore_mem>>) {add = true}
        %dma_wait3A_1833 = arith.constant 0 : i32
        %dma_wait3A_1834 = tpu.memref_slice %arg6[%run_scoped3A_1027, %run_scoped3A_1028, %dma_wait3A_1833] : memref<15x2x80xi32, #tpu.memory_space<vmem>> -> memref<1x1x80xi32, #tpu.memory_space<vmem>>
        %dma_wait3A_1835 = tpu.memref_squeeze %dma_wait3A_1834 : memref<1x1x80xi32, #tpu.memory_space<vmem>> -> memref<80xi32, #tpu.memory_space<vmem>>
        %dma_wait3A_1836 = arith.constant 0 : i32
        %dma_wait3A_1837 = arith.constant 0 : i32
        %dma_wait3A_1838 = tpu.memref_slice %arg12[%dma_wait3A_1836, %dma_wait3A_1837] : memref<10240x128xf32, #tpu.memory_space<vmem_shared>> -> memref<10240x128xf32, #tpu.memory_space<vmem_shared>>
        tpu.wait_indirect_dma semaphore(%run_scoped3A_1826 : memref<!tpu.dma_semaphore, #tpu.memory_space<semaphore_mem>>) src(%arg11 : memref<80x128xf32, #tpu.memory_space<vmem>>) dst(%dma_wait3A_1838 : memref<10240x128xf32, #tpu.memory_space<vmem_shared>>)
        tpu.yield
      }) : () -> ()
      %dma_start3A_1029 = arith.constant 2 : i32
      %dma_start3A_1030 = arith.constant 0 : i32
      %dma_start3A_1031 = arith.constant 0 : i32
      %dma_start3A_1032 = tpu.memref_slice %arg7[%dma_start3A_1029, %dma_start3A_1030, %dma_start3A_1031] : memref<15x2x80xi32, #tpu.memory_space<vmem>> -> memref<1x1x80xi32, #tpu.memory_space<vmem>>
      %dma_start3A_1033 = tpu.memref_squeeze %dma_start3A_1032 : memref<1x1x80xi32, #tpu.memory_space<vmem>> -> memref<80xi32, #tpu.memory_space<vmem>>
      %dma_start3A_1034 = arith.constant 0 : i32
      %dma_start3A_1035 = arith.constant 0 : i32
      %dma_start3A_1036 = tpu.memref_slice %arg2[%dma_start3A_1034, %dma_start3A_1035] : memref<10000x128xf32, #tpu.memory_space<hbm>> -> memref<10000x128xf32, #tpu.memory_space<hbm>>
      tpu.enqueue_indirect_dma source(%dma_start3A_1036 : memref<10000x128xf32, #tpu.memory_space<hbm>>) target(%arg11 : memref<80x128xf32, #tpu.memory_space<vmem>>) offsets(%dma_start3A_1033 : memref<80xi32, #tpu.memory_space<vmem>>) semaphore(%arg15 : memref<!tpu.dma_semaphore, #tpu.memory_space<semaphore_mem>>)
      %get3A_1037 = arith.constant 14 : i32
      %get3A_1038 = arith.constant 1 : i32
      %get3A_1039 = arith.index_cast %get3A_1037 : i32 to index
      %get3A_1040 = arith.index_cast %get3A_1038 : i32 to index
      %get3A_1041 = arith.constant 0 : index
      %get3A_1042 = tpu.vector_load %arg6[%get3A_1039, %get3A_1040, %get3A_1041] {strides = array<i32>} : memref<15x2x80xi32, #tpu.memory_space<vmem>>, vector<16xi32>,
      tpu.vector_store_idx %arg8[%get3A_1042], %broadcast_in_dim3A_1 {add = true} : memref<10000xf32, #tpu.memory_space<vmem>>[vector<16xi32>], vector<16xf32>,
      %get3A_1043 = arith.constant 14 : i32
      %get3A_1044 = arith.constant 1 : i32
      %get3A_1045 = arith.index_cast %get3A_1043 : i32 to index
      %get3A_1046 = arith.index_cast %get3A_1044 : i32 to index
      %get3A_1047 = arith.constant 16 : index
      %get3A_1048 = tpu.vector_load %arg6[%get3A_1045, %get3A_1046, %get3A_1047] {strides = array<i32>} : memref<15x2x80xi32, #tpu.memory_space<vmem>>, vector<16xi32>,
      tpu.vector_store_idx %arg8[%get3A_1048], %broadcast_in_dim3A_1 {add = true} : memref<10000xf32, #tpu.memory_space<vmem>>[vector<16xi32>], vector<16xf32>,
      %get3A_1049 = arith.constant 14 : i32
      %get3A_1050 = arith.constant 1 : i32
      %get3A_1051 = arith.index_cast %get3A_1049 : i32 to index
      %get3A_1052 = arith.index_cast %get3A_1050 : i32 to index
      %get3A_1053 = arith.constant 32 : index
      %get3A_1054 = tpu.vector_load %arg6[%get3A_1051, %get3A_1052, %get3A_1053] {strides = array<i32>} : memref<15x2x80xi32, #tpu.memory_space<vmem>>, vector<16xi32>,
      tpu.vector_store_idx %arg8[%get3A_1054], %broadcast_in_dim3A_1 {add = true} : memref<10000xf32, #tpu.memory_space<vmem>>[vector<16xi32>], vector<16xf32>,
      %get3A_1055 = arith.constant 14 : i32
      %get3A_1056 = arith.constant 1 : i32
      %get3A_1057 = arith.index_cast %get3A_1055 : i32 to index
      %get3A_1058 = arith.index_cast %get3A_1056 : i32 to index
      %get3A_1059 = arith.constant 48 : index
      %get3A_1060 = tpu.vector_load %arg6[%get3A_1057, %get3A_1058, %get3A_1059] {strides = array<i32>} : memref<15x2x80xi32, #tpu.memory_space<vmem>>, vector<16xi32>,
      tpu.vector_store_idx %arg8[%get3A_1060], %broadcast_in_dim3A_1 {add = true} : memref<10000xf32, #tpu.memory_space<vmem>>[vector<16xi32>], vector<16xf32>,
      %get3A_1061 = arith.constant 14 : i32
      %get3A_1062 = arith.constant 1 : i32
      %get3A_1063 = arith.index_cast %get3A_1061 : i32 to index
      %get3A_1064 = arith.index_cast %get3A_1062 : i32 to index
      %get3A_1065 = arith.constant 64 : index
      %get3A_1066 = tpu.vector_load %arg6[%get3A_1063, %get3A_1064, %get3A_1065] {strides = array<i32>} : memref<15x2x80xi32, #tpu.memory_space<vmem>>, vector<16xi32>,
      tpu.vector_store_idx %arg8[%get3A_1066], %broadcast_in_dim3A_1 {add = true} : memref<10000xf32, #tpu.memory_space<vmem>>[vector<16xi32>], vector<16xf32>,
      %add3A_1067 = arith.constant 2 : i32
      %add3A_1068 = arith.addi %mul3A_336, %add3A_1067 : i32
      %min3A = arith.constant 8 : i32
      %min3A_1069 = arith.minsi %add3A_1068, %min3A : i32
      %mul3A_1070 = arith.constant 15 : i32
      %mul3A_1071 = arith.muli %mul3A_1070, %min3A_1069 : i32
      %dma_start3A_1072 = arith.constant 0 : i32
      %dma_start3A_1073 = arith.constant 0 : i32
      %dma_start3A_1074 = tpu.memref_slice %arg3[%add3A, %mul3A_1071, %dma_start3A_1072, %dma_start3A_1073] : memref<32x135x2x80xi32, #tpu.memory_space<hbm>> -> memref<1x15x2x80xi32, #tpu.memory_space<hbm>>
      %dma_start3A_1075 = tpu.memref_squeeze %dma_start3A_1074 : memref<1x15x2x80xi32, #tpu.memory_space<hbm>> -> memref<15x2x80xi32, #tpu.memory_space<hbm>>
      %dma_start3A_1076 = arith.constant 0 : i32
      %dma_start3A_1077 = arith.constant 0 : i32
      %dma_start3A_1078 = tpu.memref_slice %arg3[%add3A, %mul3A_1071, %dma_start3A_1076, %dma_start3A_1077] : memref<32x135x2x80xi32, #tpu.memory_space<hbm>> -> memref<1x15x2x80xi32, #tpu.memory_space<hbm>>
      %dma_start3A_1079 = tpu.memref_squeeze %dma_start3A_1078 : memref<1x15x2x80xi32, #tpu.memory_space<hbm>> -> memref<15x2x80xi32, #tpu.memory_space<hbm>>
      tpu.enqueue_dma source(%dma_start3A_1079 : memref<15x2x80xi32, #tpu.memory_space<hbm>>) target(%arg6 : memref<15x2x80xi32, #tpu.memory_space<vmem>>) target_semaphore(%arg16 : memref<!tpu.dma_semaphore, #tpu.memory_space<semaphore_mem>>)
      %add3A_1080 = arith.constant 1 : i32
      %add3A_1081 = arith.addi %mul3A_336, %add3A_1080 : i32
      %dma_wait3A_1082 = arith.constant 0 : i32
      %dma_wait3A_1083 = arith.constant 0 : i32
      %dma_wait3A_1084 = arith.constant 0 : i32
      %dma_wait3A_1085 = tpu.memref_slice %arg3[%add3A, %dma_wait3A_1082, %dma_wait3A_1083, %dma_wait3A_1084] : memref<32x135x2x80xi32, #tpu.memory_space<hbm>> -> memref<1x15x2x80xi32, #tpu.memory_space<hbm>>
      %dma_wait3A_1086 = tpu.memref_squeeze %dma_wait3A_1085 : memref<1x15x2x80xi32, #tpu.memory_space<hbm>> -> memref<15x2x80xi32, #tpu.memory_space<hbm>>
      %dma_wait3A_1087 = arith.constant 0 : i32
      %dma_wait3A_1088 = arith.constant 0 : i32
      %dma_wait3A_1089 = arith.constant 0 : i32
      %dma_wait3A_1090 = tpu.memref_slice %arg3[%add3A, %dma_wait3A_1087, %dma_wait3A_1088, %dma_wait3A_1089] : memref<32x135x2x80xi32, #tpu.memory_space<hbm>> -> memref<1x15x2x80xi32, #tpu.memory_space<hbm>>
      %dma_wait3A_1091 = tpu.memref_squeeze %dma_wait3A_1090 : memref<1x15x2x80xi32, #tpu.memory_space<hbm>> -> memref<15x2x80xi32, #tpu.memory_space<hbm>>
      tpu.wait_dma2 semaphore(%arg16 : memref<!tpu.dma_semaphore, #tpu.memory_space<semaphore_mem>>) src(%dma_wait3A_1091 : memref<15x2x80xi32, #tpu.memory_space<hbm>>) dst(%arg6 : memref<15x2x80xi32, #tpu.memory_space<vmem>>)
      %dma_wait3A_1092 = arith.constant 0 : i32
      %dma_wait3A_1093 = arith.constant 0 : i32
      %dma_wait3A_1094 = arith.constant 0 : i32
      %dma_wait3A_1095 = tpu.memref_slice %arg6[%dma_wait3A_1092, %dma_wait3A_1093, %dma_wait3A_1094] : memref<15x2x80xi32, #tpu.memory_space<vmem>> -> memref<1x1x80xi32, #tpu.memory_space<vmem>>
      %dma_wait3A_1096 = tpu.memref_squeeze %dma_wait3A_1095 : memref<1x1x80xi32, #tpu.memory_space<vmem>> -> memref<80xi32, #tpu.memory_space<vmem>>
      %dma_wait3A_1097 = arith.constant 0 : i32
      %dma_wait3A_1098 = arith.constant 0 : i32
      %dma_wait3A_1099 = tpu.memref_slice %arg2[%dma_wait3A_1097, %dma_wait3A_1098] : memref<10000x128xf32, #tpu.memory_space<hbm>> -> memref<10000x128xf32, #tpu.memory_space<hbm>>
      tpu.wait_indirect_dma semaphore(%arg13 : memref<!tpu.dma_semaphore, #tpu.memory_space<semaphore_mem>>) src(%dma_wait3A_1099 : memref<10000x128xf32, #tpu.memory_space<hbm>>) dst(%arg9 : memref<80x128xf32, #tpu.memory_space<vmem>>)
      %run_scoped3A_1100 = arith.constant 0 : i32
      %run_scoped3A_1101 = arith.constant 1 : i32
      "tpu.region"() ({
        %run_scoped3A_1826 = tpu.sem_alloc : memref<!tpu.dma_semaphore, #tpu.memory_space<semaphore_mem>>
        %dma_start3A_1827 = arith.constant 0 : i32
        %dma_start3A_1828 = tpu.memref_slice %arg7[%run_scoped3A_1100, %run_scoped3A_1101, %dma_start3A_1827] : memref<15x2x80xi32, #tpu.memory_space<vmem>> -> memref<1x1x80xi32, #tpu.memory_space<vmem>>
        %dma_start3A_1829 = tpu.memref_squeeze %dma_start3A_1828 : memref<1x1x80xi32, #tpu.memory_space<vmem>> -> memref<80xi32, #tpu.memory_space<vmem>>
        %dma_start3A_1830 = arith.constant 0 : i32
        %dma_start3A_1831 = arith.constant 0 : i32
        %dma_start3A_1832 = tpu.memref_slice %arg12[%dma_start3A_1830, %dma_start3A_1831] : memref<10240x128xf32, #tpu.memory_space<vmem_shared>> -> memref<10240x128xf32, #tpu.memory_space<vmem_shared>>
        tpu.enqueue_indirect_dma source(%arg9 : memref<80x128xf32, #tpu.memory_space<vmem>>) target(%dma_start3A_1832 : memref<10240x128xf32, #tpu.memory_space<vmem_shared>>) offsets(%dma_start3A_1829 : memref<80xi32, #tpu.memory_space<vmem>>) semaphore(%run_scoped3A_1826 : memref<!tpu.dma_semaphore, #tpu.memory_space<semaphore_mem>>) {add = true}
        %dma_wait3A_1833 = arith.constant 0 : i32
        %dma_wait3A_1834 = tpu.memref_slice %arg7[%run_scoped3A_1100, %run_scoped3A_1101, %dma_wait3A_1833] : memref<15x2x80xi32, #tpu.memory_space<vmem>> -> memref<1x1x80xi32, #tpu.memory_space<vmem>>
        %dma_wait3A_1835 = tpu.memref_squeeze %dma_wait3A_1834 : memref<1x1x80xi32, #tpu.memory_space<vmem>> -> memref<80xi32, #tpu.memory_space<vmem>>
        %dma_wait3A_1836 = arith.constant 0 : i32
        %dma_wait3A_1837 = arith.constant 0 : i32
        %dma_wait3A_1838 = tpu.memref_slice %arg12[%dma_wait3A_1836, %dma_wait3A_1837] : memref<10240x128xf32, #tpu.memory_space<vmem_shared>> -> memref<10240x128xf32, #tpu.memory_space<vmem_shared>>
        tpu.wait_indirect_dma semaphore(%run_scoped3A_1826 : memref<!tpu.dma_semaphore, #tpu.memory_space<semaphore_mem>>) src(%arg9 : memref<80x128xf32, #tpu.memory_space<vmem>>) dst(%dma_wait3A_1838 : memref<10240x128xf32, #tpu.memory_space<vmem_shared>>)
        tpu.yield
      }) : () -> ()
      %dma_start3A_1102 = arith.constant 3 : i32
      %dma_start3A_1103 = arith.constant 0 : i32
      %dma_start3A_1104 = arith.constant 0 : i32
      %dma_start3A_1105 = tpu.memref_slice %arg7[%dma_start3A_1102, %dma_start3A_1103, %dma_start3A_1104] : memref<15x2x80xi32, #tpu.memory_space<vmem>> -> memref<1x1x80xi32, #tpu.memory_space<vmem>>
      %dma_start3A_1106 = tpu.memref_squeeze %dma_start3A_1105 : memref<1x1x80xi32, #tpu.memory_space<vmem>> -> memref<80xi32, #tpu.memory_space<vmem>>
      %dma_start3A_1107 = arith.constant 0 : i32
      %dma_start3A_1108 = arith.constant 0 : i32
      %dma_start3A_1109 = tpu.memref_slice %arg2[%dma_start3A_1107, %dma_start3A_1108] : memref<10000x128xf32, #tpu.memory_space<hbm>> -> memref<10000x128xf32, #tpu.memory_space<hbm>>
      tpu.enqueue_indirect_dma source(%dma_start3A_1109 : memref<10000x128xf32, #tpu.memory_space<hbm>>) target(%arg9 : memref<80x128xf32, #tpu.memory_space<vmem>>) offsets(%dma_start3A_1106 : memref<80xi32, #tpu.memory_space<vmem>>) semaphore(%arg13 : memref<!tpu.dma_semaphore, #tpu.memory_space<semaphore_mem>>)
      %get3A_1110 = arith.constant 0 : i32
      %get3A_1111 = arith.constant 1 : i32
      %get3A_1112 = arith.index_cast %get3A_1110 : i32 to index
      %get3A_1113 = arith.index_cast %get3A_1111 : i32 to index
      %get3A_1114 = arith.constant 0 : index
      %get3A_1115 = tpu.vector_load %arg7[%get3A_1112, %get3A_1113, %get3A_1114] {strides = array<i32>} : memref<15x2x80xi32, #tpu.memory_space<vmem>>, vector<16xi32>,
      tpu.vector_store_idx %arg8[%get3A_1115], %broadcast_in_dim3A_1 {add = true} : memref<10000xf32, #tpu.memory_space<vmem>>[vector<16xi32>], vector<16xf32>,
      %get3A_1116 = arith.constant 0 : i32
      %get3A_1117 = arith.constant 1 : i32
      %get3A_1118 = arith.index_cast %get3A_1116 : i32 to index
      %get3A_1119 = arith.index_cast %get3A_1117 : i32 to index
      %get3A_1120 = arith.constant 16 : index
      %get3A_1121 = tpu.vector_load %arg7[%get3A_1118, %get3A_1119, %get3A_1120] {strides = array<i32>} : memref<15x2x80xi32, #tpu.memory_space<vmem>>, vector<16xi32>,
      tpu.vector_store_idx %arg8[%get3A_1121], %broadcast_in_dim3A_1 {add = true} : memref<10000xf32, #tpu.memory_space<vmem>>[vector<16xi32>], vector<16xf32>,
      %get3A_1122 = arith.constant 0 : i32
      %get3A_1123 = arith.constant 1 : i32
      %get3A_1124 = arith.index_cast %get3A_1122 : i32 to index
      %get3A_1125 = arith.index_cast %get3A_1123 : i32 to index
      %get3A_1126 = arith.constant 32 : index
      %get3A_1127 = tpu.vector_load %arg7[%get3A_1124, %get3A_1125, %get3A_1126] {strides = array<i32>} : memref<15x2x80xi32, #tpu.memory_space<vmem>>, vector<16xi32>,
      tpu.vector_store_idx %arg8[%get3A_1127], %broadcast_in_dim3A_1 {add = true} : memref<10000xf32, #tpu.memory_space<vmem>>[vector<16xi32>], vector<16xf32>,
      %get3A_1128 = arith.constant 0 : i32
      %get3A_1129 = arith.constant 1 : i32
      %get3A_1130 = arith.index_cast %get3A_1128 : i32 to index
      %get3A_1131 = arith.index_cast %get3A_1129 : i32 to index
      %get3A_1132 = arith.constant 48 : index
      %get3A_1133 = tpu.vector_load %arg7[%get3A_1130, %get3A_1131, %get3A_1132] {strides = array<i32>} : memref<15x2x80xi32, #tpu.memory_space<vmem>>, vector<16xi32>,
      tpu.vector_store_idx %arg8[%get3A_1133], %broadcast_in_dim3A_1 {add = true} : memref<10000xf32, #tpu.memory_space<vmem>>[vector<16xi32>], vector<16xf32>,
      %get3A_1134 = arith.constant 0 : i32
      %get3A_1135 = arith.constant 1 : i32
      %get3A_1136 = arith.index_cast %get3A_1134 : i32 to index
      %get3A_1137 = arith.index_cast %get3A_1135 : i32 to index
      %get3A_1138 = arith.constant 64 : index
      %get3A_1139 = tpu.vector_load %arg7[%get3A_1136, %get3A_1137, %get3A_1138] {strides = array<i32>} : memref<15x2x80xi32, #tpu.memory_space<vmem>>, vector<16xi32>,
      tpu.vector_store_idx %arg8[%get3A_1139], %broadcast_in_dim3A_1 {add = true} : memref<10000xf32, #tpu.memory_space<vmem>>[vector<16xi32>], vector<16xf32>,
      %dma_wait3A_1140 = arith.constant 0 : i32
      %dma_wait3A_1141 = arith.constant 0 : i32
      %dma_wait3A_1142 = arith.constant 0 : i32
      %dma_wait3A_1143 = tpu.memref_slice %arg6[%dma_wait3A_1140, %dma_wait3A_1141, %dma_wait3A_1142] : memref<15x2x80xi32, #tpu.memory_space<vmem>> -> memref<1x1x80xi32, #tpu.memory_space<vmem>>
      %dma_wait3A_1144 = tpu.memref_squeeze %dma_wait3A_1143 : memref<1x1x80xi32, #tpu.memory_space<vmem>> -> memref<80xi32, #tpu.memory_space<vmem>>
      %dma_wait3A_1145 = arith.constant 0 : i32
      %dma_wait3A_1146 = arith.constant 0 : i32
      %dma_wait3A_1147 = tpu.memref_slice %arg2[%dma_wait3A_1145, %dma_wait3A_1146] : memref<10000x128xf32, #tpu.memory_space<hbm>> -> memref<10000x128xf32, #tpu.memory_space<hbm>>
      tpu.wait_indirect_dma semaphore(%arg14 : memref<!tpu.dma_semaphore, #tpu.memory_space<semaphore_mem>>) src(%dma_wait3A_1147 : memref<10000x128xf32, #tpu.memory_space<hbm>>) dst(%arg10 : memref<80x128xf32, #tpu.memory_space<vmem>>)
      %run_scoped3A_1148 = arith.constant 1 : i32
      %run_scoped3A_1149 = arith.constant 1 : i32
      "tpu.region"() ({
        %run_scoped3A_1826 = tpu.sem_alloc : memref<!tpu.dma_semaphore, #tpu.memory_space<semaphore_mem>>
        %dma_start3A_1827 = arith.constant 0 : i32
        %dma_start3A_1828 = tpu.memref_slice %arg7[%run_scoped3A_1148, %run_scoped3A_1149, %dma_start3A_1827] : memref<15x2x80xi32, #tpu.memory_space<vmem>> -> memref<1x1x80xi32, #tpu.memory_space<vmem>>
        %dma_start3A_1829 = tpu.memref_squeeze %dma_start3A_1828 : memref<1x1x80xi32, #tpu.memory_space<vmem>> -> memref<80xi32, #tpu.memory_space<vmem>>
        %dma_start3A_1830 = arith.constant 0 : i32
        %dma_start3A_1831 = arith.constant 0 : i32
        %dma_start3A_1832 = tpu.memref_slice %arg12[%dma_start3A_1830, %dma_start3A_1831] : memref<10240x128xf32, #tpu.memory_space<vmem_shared>> -> memref<10240x128xf32, #tpu.memory_space<vmem_shared>>
        tpu.enqueue_indirect_dma source(%arg10 : memref<80x128xf32, #tpu.memory_space<vmem>>) target(%dma_start3A_1832 : memref<10240x128xf32, #tpu.memory_space<vmem_shared>>) offsets(%dma_start3A_1829 : memref<80xi32, #tpu.memory_space<vmem>>) semaphore(%run_scoped3A_1826 : memref<!tpu.dma_semaphore, #tpu.memory_space<semaphore_mem>>) {add = true}
        %dma_wait3A_1833 = arith.constant 0 : i32
        %dma_wait3A_1834 = tpu.memref_slice %arg7[%run_scoped3A_1148, %run_scoped3A_1149, %dma_wait3A_1833] : memref<15x2x80xi32, #tpu.memory_space<vmem>> -> memref<1x1x80xi32, #tpu.memory_space<vmem>>
        %dma_wait3A_1835 = tpu.memref_squeeze %dma_wait3A_1834 : memref<1x1x80xi32, #tpu.memory_space<vmem>> -> memref<80xi32, #tpu.memory_space<vmem>>
        %dma_wait3A_1836 = arith.constant 0 : i32
        %dma_wait3A_1837 = arith.constant 0 : i32
        %dma_wait3A_1838 = tpu.memref_slice %arg12[%dma_wait3A_1836, %dma_wait3A_1837] : memref<10240x128xf32, #tpu.memory_space<vmem_shared>> -> memref<10240x128xf32, #tpu.memory_space<vmem_shared>>
        tpu.wait_indirect_dma semaphore(%run_scoped3A_1826 : memref<!tpu.dma_semaphore, #tpu.memory_space<semaphore_mem>>) src(%arg10 : memref<80x128xf32, #tpu.memory_space<vmem>>) dst(%dma_wait3A_1838 : memref<10240x128xf32, #tpu.memory_space<vmem_shared>>)
        tpu.yield
      }) : () -> ()
      %dma_start3A_1150 = arith.constant 4 : i32
      %dma_start3A_1151 = arith.constant 0 : i32
      %dma_start3A_1152 = arith.constant 0 : i32
      %dma_start3A_1153 = tpu.memref_slice %arg7[%dma_start3A_1150, %dma_start3A_1151, %dma_start3A_1152] : memref<15x2x80xi32, #tpu.memory_space<vmem>> -> memref<1x1x80xi32, #tpu.memory_space<vmem>>
      %dma_start3A_1154 = tpu.memref_squeeze %dma_start3A_1153 : memref<1x1x80xi32, #tpu.memory_space<vmem>> -> memref<80xi32, #tpu.memory_space<vmem>>
      %dma_start3A_1155 = arith.constant 0 : i32
      %dma_start3A_1156 = arith.constant 0 : i32
      %dma_start3A_1157 = tpu.memref_slice %arg2[%dma_start3A_1155, %dma_start3A_1156] : memref<10000x128xf32, #tpu.memory_space<hbm>> -> memref<10000x128xf32, #tpu.memory_space<hbm>>
      tpu.enqueue_indirect_dma source(%dma_start3A_1157 : memref<10000x128xf32, #tpu.memory_space<hbm>>) target(%arg10 : memref<80x128xf32, #tpu.memory_space<vmem>>) offsets(%dma_start3A_1154 : memref<80xi32, #tpu.memory_space<vmem>>) semaphore(%arg14 : memref<!tpu.dma_semaphore, #tpu.memory_space<semaphore_mem>>)
      %get3A_1158 = arith.constant 1 : i32
      %get3A_1159 = arith.constant 1 : i32
      %get3A_1160 = arith.index_cast %get3A_1158 : i32 to index
      %get3A_1161 = arith.index_cast %get3A_1159 : i32 to index
      %get3A_1162 = arith.constant 0 : index
      %get3A_1163 = tpu.vector_load %arg7[%get3A_1160, %get3A_1161, %get3A_1162] {strides = array<i32>} : memref<15x2x80xi32, #tpu.memory_space<vmem>>, vector<16xi32>,
      tpu.vector_store_idx %arg8[%get3A_1163], %broadcast_in_dim3A_1 {add = true} : memref<10000xf32, #tpu.memory_space<vmem>>[vector<16xi32>], vector<16xf32>,
      %get3A_1164 = arith.constant 1 : i32
      %get3A_1165 = arith.constant 1 : i32
      %get3A_1166 = arith.index_cast %get3A_1164 : i32 to index
      %get3A_1167 = arith.index_cast %get3A_1165 : i32 to index
      %get3A_1168 = arith.constant 16 : index
      %get3A_1169 = tpu.vector_load %arg7[%get3A_1166, %get3A_1167, %get3A_1168] {strides = array<i32>} : memref<15x2x80xi32, #tpu.memory_space<vmem>>, vector<16xi32>,
      tpu.vector_store_idx %arg8[%get3A_1169], %broadcast_in_dim3A_1 {add = true} : memref<10000xf32, #tpu.memory_space<vmem>>[vector<16xi32>], vector<16xf32>,
      %get3A_1170 = arith.constant 1 : i32
      %get3A_1171 = arith.constant 1 : i32
      %get3A_1172 = arith.index_cast %get3A_1170 : i32 to index
      %get3A_1173 = arith.index_cast %get3A_1171 : i32 to index
      %get3A_1174 = arith.constant 32 : index
      %get3A_1175 = tpu.vector_load %arg7[%get3A_1172, %get3A_1173, %get3A_1174] {strides = array<i32>} : memref<15x2x80xi32, #tpu.memory_space<vmem>>, vector<16xi32>,
      tpu.vector_store_idx %arg8[%get3A_1175], %broadcast_in_dim3A_1 {add = true} : memref<10000xf32, #tpu.memory_space<vmem>>[vector<16xi32>], vector<16xf32>,
      %get3A_1176 = arith.constant 1 : i32
      %get3A_1177 = arith.constant 1 : i32
      %get3A_1178 = arith.index_cast %get3A_1176 : i32 to index
      %get3A_1179 = arith.index_cast %get3A_1177 : i32 to index
      %get3A_1180 = arith.constant 48 : index
      %get3A_1181 = tpu.vector_load %arg7[%get3A_1178, %get3A_1179, %get3A_1180] {strides = array<i32>} : memref<15x2x80xi32, #tpu.memory_space<vmem>>, vector<16xi32>,
      tpu.vector_store_idx %arg8[%get3A_1181], %broadcast_in_dim3A_1 {add = true} : memref<10000xf32, #tpu.memory_space<vmem>>[vector<16xi32>], vector<16xf32>,
      %get3A_1182 = arith.constant 1 : i32
      %get3A_1183 = arith.constant 1 : i32
      %get3A_1184 = arith.index_cast %get3A_1182 : i32 to index
      %get3A_1185 = arith.index_cast %get3A_1183 : i32 to index
      %get3A_1186 = arith.constant 64 : index
      %get3A_1187 = tpu.vector_load %arg7[%get3A_1184, %get3A_1185, %get3A_1186] {strides = array<i32>} : memref<15x2x80xi32, #tpu.memory_space<vmem>>, vector<16xi32>,
      tpu.vector_store_idx %arg8[%get3A_1187], %broadcast_in_dim3A_1 {add = true} : memref<10000xf32, #tpu.memory_space<vmem>>[vector<16xi32>], vector<16xf32>,
      %dma_wait3A_1188 = arith.constant 0 : i32
      %dma_wait3A_1189 = arith.constant 0 : i32
      %dma_wait3A_1190 = arith.constant 0 : i32
      %dma_wait3A_1191 = tpu.memref_slice %arg6[%dma_wait3A_1188, %dma_wait3A_1189, %dma_wait3A_1190] : memref<15x2x80xi32, #tpu.memory_space<vmem>> -> memref<1x1x80xi32, #tpu.memory_space<vmem>>
      %dma_wait3A_1192 = tpu.memref_squeeze %dma_wait3A_1191 : memref<1x1x80xi32, #tpu.memory_space<vmem>> -> memref<80xi32, #tpu.memory_space<vmem>>
      %dma_wait3A_1193 = arith.constant 0 : i32
      %dma_wait3A_1194 = arith.constant 0 : i32
      %dma_wait3A_1195 = tpu.memref_slice %arg2[%dma_wait3A_1193, %dma_wait3A_1194] : memref<10000x128xf32, #tpu.memory_space<hbm>> -> memref<10000x128xf32, #tpu.memory_space<hbm>>
      tpu.wait_indirect_dma semaphore(%arg15 : memref<!tpu.dma_semaphore, #tpu.memory_space<semaphore_mem>>) src(%dma_wait3A_1195 : memref<10000x128xf32, #tpu.memory_space<hbm>>) dst(%arg11 : memref<80x128xf32, #tpu.memory_space<vmem>>)
      %run_scoped3A_1196 = arith.constant 2 : i32
      %run_scoped3A_1197 = arith.constant 1 : i32
      "tpu.region"() ({
        %run_scoped3A_1826 = tpu.sem_alloc : memref<!tpu.dma_semaphore, #tpu.memory_space<semaphore_mem>>
        %dma_start3A_1827 = arith.constant 0 : i32
        %dma_start3A_1828 = tpu.memref_slice %arg7[%run_scoped3A_1196, %run_scoped3A_1197, %dma_start3A_1827] : memref<15x2x80xi32, #tpu.memory_space<vmem>> -> memref<1x1x80xi32, #tpu.memory_space<vmem>>
        %dma_start3A_1829 = tpu.memref_squeeze %dma_start3A_1828 : memref<1x1x80xi32, #tpu.memory_space<vmem>> -> memref<80xi32, #tpu.memory_space<vmem>>
        %dma_start3A_1830 = arith.constant 0 : i32
        %dma_start3A_1831 = arith.constant 0 : i32
        %dma_start3A_1832 = tpu.memref_slice %arg12[%dma_start3A_1830, %dma_start3A_1831] : memref<10240x128xf32, #tpu.memory_space<vmem_shared>> -> memref<10240x128xf32, #tpu.memory_space<vmem_shared>>
        tpu.enqueue_indirect_dma source(%arg11 : memref<80x128xf32, #tpu.memory_space<vmem>>) target(%dma_start3A_1832 : memref<10240x128xf32, #tpu.memory_space<vmem_shared>>) offsets(%dma_start3A_1829 : memref<80xi32, #tpu.memory_space<vmem>>) semaphore(%run_scoped3A_1826 : memref<!tpu.dma_semaphore, #tpu.memory_space<semaphore_mem>>) {add = true}
        %dma_wait3A_1833 = arith.constant 0 : i32
        %dma_wait3A_1834 = tpu.memref_slice %arg7[%run_scoped3A_1196, %run_scoped3A_1197, %dma_wait3A_1833] : memref<15x2x80xi32, #tpu.memory_space<vmem>> -> memref<1x1x80xi32, #tpu.memory_space<vmem>>
        %dma_wait3A_1835 = tpu.memref_squeeze %dma_wait3A_1834 : memref<1x1x80xi32, #tpu.memory_space<vmem>> -> memref<80xi32, #tpu.memory_space<vmem>>
        %dma_wait3A_1836 = arith.constant 0 : i32
        %dma_wait3A_1837 = arith.constant 0 : i32
        %dma_wait3A_1838 = tpu.memref_slice %arg12[%dma_wait3A_1836, %dma_wait3A_1837] : memref<10240x128xf32, #tpu.memory_space<vmem_shared>> -> memref<10240x128xf32, #tpu.memory_space<vmem_shared>>
        tpu.wait_indirect_dma semaphore(%run_scoped3A_1826 : memref<!tpu.dma_semaphore, #tpu.memory_space<semaphore_mem>>) src(%arg11 : memref<80x128xf32, #tpu.memory_space<vmem>>) dst(%dma_wait3A_1838 : memref<10240x128xf32, #tpu.memory_space<vmem_shared>>)
        tpu.yield
      }) : () -> ()
      %dma_start3A_1198 = arith.constant 5 : i32
      %dma_start3A_1199 = arith.constant 0 : i32
      %dma_start3A_1200 = arith.constant 0 : i32
      %dma_start3A_1201 = tpu.memref_slice %arg7[%dma_start3A_1198, %dma_start3A_1199, %dma_start3A_1200] : memref<15x2x80xi32, #tpu.memory_space<vmem>> -> memref<1x1x80xi32, #tpu.memory_space<vmem>>
      %dma_start3A_1202 = tpu.memref_squeeze %dma_start3A_1201 : memref<1x1x80xi32, #tpu.memory_space<vmem>> -> memref<80xi32, #tpu.memory_space<vmem>>
      %dma_start3A_1203 = arith.constant 0 : i32
      %dma_start3A_1204 = arith.constant 0 : i32
      %dma_start3A_1205 = tpu.memref_slice %arg2[%dma_start3A_1203, %dma_start3A_1204] : memref<10000x128xf32, #tpu.memory_space<hbm>> -> memref<10000x128xf32, #tpu.memory_space<hbm>>
      tpu.enqueue_indirect_dma source(%dma_start3A_1205 : memref<10000x128xf32, #tpu.memory_space<hbm>>) target(%arg11 : memref<80x128xf32, #tpu.memory_space<vmem>>) offsets(%dma_start3A_1202 : memref<80xi32, #tpu.memory_space<vmem>>) semaphore(%arg15 : memref<!tpu.dma_semaphore, #tpu.memory_space<semaphore_mem>>)
      %get3A_1206 = arith.constant 2 : i32
      %get3A_1207 = arith.constant 1 : i32
      %get3A_1208 = arith.index_cast %get3A_1206 : i32 to index
      %get3A_1209 = arith.index_cast %get3A_1207 : i32 to index
      %get3A_1210 = arith.constant 0 : index
      %get3A_1211 = tpu.vector_load %arg7[%get3A_1208, %get3A_1209, %get3A_1210] {strides = array<i32>} : memref<15x2x80xi32, #tpu.memory_space<vmem>>, vector<16xi32>,
      tpu.vector_store_idx %arg8[%get3A_1211], %broadcast_in_dim3A_1 {add = true} : memref<10000xf32, #tpu.memory_space<vmem>>[vector<16xi32>], vector<16xf32>,
      %get3A_1212 = arith.constant 2 : i32
      %get3A_1213 = arith.constant 1 : i32
      %get3A_1214 = arith.index_cast %get3A_1212 : i32 to index
      %get3A_1215 = arith.index_cast %get3A_1213 : i32 to index
      %get3A_1216 = arith.constant 16 : index
      %get3A_1217 = tpu.vector_load %arg7[%get3A_1214, %get3A_1215, %get3A_1216] {strides = array<i32>} : memref<15x2x80xi32, #tpu.memory_space<vmem>>, vector<16xi32>,
      tpu.vector_store_idx %arg8[%get3A_1217], %broadcast_in_dim3A_1 {add = true} : memref<10000xf32, #tpu.memory_space<vmem>>[vector<16xi32>], vector<16xf32>,
      %get3A_1218 = arith.constant 2 : i32
      %get3A_1219 = arith.constant 1 : i32
      %get3A_1220 = arith.index_cast %get3A_1218 : i32 to index
      %get3A_1221 = arith.index_cast %get3A_1219 : i32 to index
      %get3A_1222 = arith.constant 32 : index
      %get3A_1223 = tpu.vector_load %arg7[%get3A_1220, %get3A_1221, %get3A_1222] {strides = array<i32>} : memref<15x2x80xi32, #tpu.memory_space<vmem>>, vector<16xi32>,
      tpu.vector_store_idx %arg8[%get3A_1223], %broadcast_in_dim3A_1 {add = true} : memref<10000xf32, #tpu.memory_space<vmem>>[vector<16xi32>], vector<16xf32>,
      %get3A_1224 = arith.constant 2 : i32
      %get3A_1225 = arith.constant 1 : i32
      %get3A_1226 = arith.index_cast %get3A_1224 : i32 to index
      %get3A_1227 = arith.index_cast %get3A_1225 : i32 to index
      %get3A_1228 = arith.constant 48 : index
      %get3A_1229 = tpu.vector_load %arg7[%get3A_1226, %get3A_1227, %get3A_1228] {strides = array<i32>} : memref<15x2x80xi32, #tpu.memory_space<vmem>>, vector<16xi32>,
      tpu.vector_store_idx %arg8[%get3A_1229], %broadcast_in_dim3A_1 {add = true} : memref<10000xf32, #tpu.memory_space<vmem>>[vector<16xi32>], vector<16xf32>,
      %get3A_1230 = arith.constant 2 : i32
      %get3A_1231 = arith.constant 1 : i32
      %get3A_1232 = arith.index_cast %get3A_1230 : i32 to index
      %get3A_1233 = arith.index_cast %get3A_1231 : i32 to index
      %get3A_1234 = arith.constant 64 : index
      %get3A_1235 = tpu.vector_load %arg7[%get3A_1232, %get3A_1233, %get3A_1234] {strides = array<i32>} : memref<15x2x80xi32, #tpu.memory_space<vmem>>, vector<16xi32>,
      tpu.vector_store_idx %arg8[%get3A_1235], %broadcast_in_dim3A_1 {add = true} : memref<10000xf32, #tpu.memory_space<vmem>>[vector<16xi32>], vector<16xf32>,
      %dma_wait3A_1236 = arith.constant 0 : i32
      %dma_wait3A_1237 = arith.constant 0 : i32
      %dma_wait3A_1238 = arith.constant 0 : i32
      %dma_wait3A_1239 = tpu.memref_slice %arg6[%dma_wait3A_1236, %dma_wait3A_1237, %dma_wait3A_1238] : memref<15x2x80xi32, #tpu.memory_space<vmem>> -> memref<1x1x80xi32, #tpu.memory_space<vmem>>
      %dma_wait3A_1240 = tpu.memref_squeeze %dma_wait3A_1239 : memref<1x1x80xi32, #tpu.memory_space<vmem>> -> memref<80xi32, #tpu.memory_space<vmem>>
      %dma_wait3A_1241 = arith.constant 0 : i32
      %dma_wait3A_1242 = arith.constant 0 : i32
      %dma_wait3A_1243 = tpu.memref_slice %arg2[%dma_wait3A_1241, %dma_wait3A_1242] : memref<10000x128xf32, #tpu.memory_space<hbm>> -> memref<10000x128xf32, #tpu.memory_space<hbm>>
      tpu.wait_indirect_dma semaphore(%arg13 : memref<!tpu.dma_semaphore, #tpu.memory_space<semaphore_mem>>) src(%dma_wait3A_1243 : memref<10000x128xf32, #tpu.memory_space<hbm>>) dst(%arg9 : memref<80x128xf32, #tpu.memory_space<vmem>>)
      %run_scoped3A_1244 = arith.constant 3 : i32
      %run_scoped3A_1245 = arith.constant 1 : i32
      "tpu.region"() ({
        %run_scoped3A_1826 = tpu.sem_alloc : memref<!tpu.dma_semaphore, #tpu.memory_space<semaphore_mem>>
        %dma_start3A_1827 = arith.constant 0 : i32
        %dma_start3A_1828 = tpu.memref_slice %arg7[%run_scoped3A_1244, %run_scoped3A_1245, %dma_start3A_1827] : memref<15x2x80xi32, #tpu.memory_space<vmem>> -> memref<1x1x80xi32, #tpu.memory_space<vmem>>
        %dma_start3A_1829 = tpu.memref_squeeze %dma_start3A_1828 : memref<1x1x80xi32, #tpu.memory_space<vmem>> -> memref<80xi32, #tpu.memory_space<vmem>>
        %dma_start3A_1830 = arith.constant 0 : i32
        %dma_start3A_1831 = arith.constant 0 : i32
        %dma_start3A_1832 = tpu.memref_slice %arg12[%dma_start3A_1830, %dma_start3A_1831] : memref<10240x128xf32, #tpu.memory_space<vmem_shared>> -> memref<10240x128xf32, #tpu.memory_space<vmem_shared>>
        tpu.enqueue_indirect_dma source(%arg9 : memref<80x128xf32, #tpu.memory_space<vmem>>) target(%dma_start3A_1832 : memref<10240x128xf32, #tpu.memory_space<vmem_shared>>) offsets(%dma_start3A_1829 : memref<80xi32, #tpu.memory_space<vmem>>) semaphore(%run_scoped3A_1826 : memref<!tpu.dma_semaphore, #tpu.memory_space<semaphore_mem>>) {add = true}
        %dma_wait3A_1833 = arith.constant 0 : i32
        %dma_wait3A_1834 = tpu.memref_slice %arg7[%run_scoped3A_1244, %run_scoped3A_1245, %dma_wait3A_1833] : memref<15x2x80xi32, #tpu.memory_space<vmem>> -> memref<1x1x80xi32, #tpu.memory_space<vmem>>
        %dma_wait3A_1835 = tpu.memref_squeeze %dma_wait3A_1834 : memref<1x1x80xi32, #tpu.memory_space<vmem>> -> memref<80xi32, #tpu.memory_space<vmem>>
        %dma_wait3A_1836 = arith.constant 0 : i32
        %dma_wait3A_1837 = arith.constant 0 : i32
        %dma_wait3A_1838 = tpu.memref_slice %arg12[%dma_wait3A_1836, %dma_wait3A_1837] : memref<10240x128xf32, #tpu.memory_space<vmem_shared>> -> memref<10240x128xf32, #tpu.memory_space<vmem_shared>>
        tpu.wait_indirect_dma semaphore(%run_scoped3A_1826 : memref<!tpu.dma_semaphore, #tpu.memory_space<semaphore_mem>>) src(%arg9 : memref<80x128xf32, #tpu.memory_space<vmem>>) dst(%dma_wait3A_1838 : memref<10240x128xf32, #tpu.memory_space<vmem_shared>>)
        tpu.yield
      }) : () -> ()
      %dma_start3A_1246 = arith.constant 6 : i32
      %dma_start3A_1247 = arith.constant 0 : i32
      %dma_start3A_1248 = arith.constant 0 : i32
      %dma_start3A_1249 = tpu.memref_slice %arg7[%dma_start3A_1246, %dma_start3A_1247, %dma_start3A_1248] : memref<15x2x80xi32, #tpu.memory_space<vmem>> -> memref<1x1x80xi32, #tpu.memory_space<vmem>>
      %dma_start3A_1250 = tpu.memref_squeeze %dma_start3A_1249 : memref<1x1x80xi32, #tpu.memory_space<vmem>> -> memref<80xi32, #tpu.memory_space<vmem>>
      %dma_start3A_1251 = arith.constant 0 : i32
      %dma_start3A_1252 = arith.constant 0 : i32
      %dma_start3A_1253 = tpu.memref_slice %arg2[%dma_start3A_1251, %dma_start3A_1252] : memref<10000x128xf32, #tpu.memory_space<hbm>> -> memref<10000x128xf32, #tpu.memory_space<hbm>>
      tpu.enqueue_indirect_dma source(%dma_start3A_1253 : memref<10000x128xf32, #tpu.memory_space<hbm>>) target(%arg9 : memref<80x128xf32, #tpu.memory_space<vmem>>) offsets(%dma_start3A_1250 : memref<80xi32, #tpu.memory_space<vmem>>) semaphore(%arg13 : memref<!tpu.dma_semaphore, #tpu.memory_space<semaphore_mem>>)
      %get3A_1254 = arith.constant 3 : i32
      %get3A_1255 = arith.constant 1 : i32
      %get3A_1256 = arith.index_cast %get3A_1254 : i32 to index
      %get3A_1257 = arith.index_cast %get3A_1255 : i32 to index
      %get3A_1258 = arith.constant 0 : index
      %get3A_1259 = tpu.vector_load %arg7[%get3A_1256, %get3A_1257, %get3A_1258] {strides = array<i32>} : memref<15x2x80xi32, #tpu.memory_space<vmem>>, vector<16xi32>,
      tpu.vector_store_idx %arg8[%get3A_1259], %broadcast_in_dim3A_1 {add = true} : memref<10000xf32, #tpu.memory_space<vmem>>[vector<16xi32>], vector<16xf32>,
      %get3A_1260 = arith.constant 3 : i32
      %get3A_1261 = arith.constant 1 : i32
      %get3A_1262 = arith.index_cast %get3A_1260 : i32 to index
      %get3A_1263 = arith.index_cast %get3A_1261 : i32 to index
      %get3A_1264 = arith.constant 16 : index
      %get3A_1265 = tpu.vector_load %arg7[%get3A_1262, %get3A_1263, %get3A_1264] {strides = array<i32>} : memref<15x2x80xi32, #tpu.memory_space<vmem>>, vector<16xi32>,
      tpu.vector_store_idx %arg8[%get3A_1265], %broadcast_in_dim3A_1 {add = true} : memref<10000xf32, #tpu.memory_space<vmem>>[vector<16xi32>], vector<16xf32>,
      %get3A_1266 = arith.constant 3 : i32
      %get3A_1267 = arith.constant 1 : i32
      %get3A_1268 = arith.index_cast %get3A_1266 : i32 to index
      %get3A_1269 = arith.index_cast %get3A_1267 : i32 to index
      %get3A_1270 = arith.constant 32 : index
      %get3A_1271 = tpu.vector_load %arg7[%get3A_1268, %get3A_1269, %get3A_1270] {strides = array<i32>} : memref<15x2x80xi32, #tpu.memory_space<vmem>>, vector<16xi32>,
      tpu.vector_store_idx %arg8[%get3A_1271], %broadcast_in_dim3A_1 {add = true} : memref<10000xf32, #tpu.memory_space<vmem>>[vector<16xi32>], vector<16xf32>,
      %get3A_1272 = arith.constant 3 : i32
      %get3A_1273 = arith.constant 1 : i32
      %get3A_1274 = arith.index_cast %get3A_1272 : i32 to index
      %get3A_1275 = arith.index_cast %get3A_1273 : i32 to index
      %get3A_1276 = arith.constant 48 : index
      %get3A_1277 = tpu.vector_load %arg7[%get3A_1274, %get3A_1275, %get3A_1276] {strides = array<i32>} : memref<15x2x80xi32, #tpu.memory_space<vmem>>, vector<16xi32>,
      tpu.vector_store_idx %arg8[%get3A_1277], %broadcast_in_dim3A_1 {add = true} : memref<10000xf32, #tpu.memory_space<vmem>>[vector<16xi32>], vector<16xf32>,
      %get3A_1278 = arith.constant 3 : i32
      %get3A_1279 = arith.constant 1 : i32
      %get3A_1280 = arith.index_cast %get3A_1278 : i32 to index
      %get3A_1281 = arith.index_cast %get3A_1279 : i32 to index
      %get3A_1282 = arith.constant 64 : index
      %get3A_1283 = tpu.vector_load %arg7[%get3A_1280, %get3A_1281, %get3A_1282] {strides = array<i32>} : memref<15x2x80xi32, #tpu.memory_space<vmem>>, vector<16xi32>,
      tpu.vector_store_idx %arg8[%get3A_1283], %broadcast_in_dim3A_1 {add = true} : memref<10000xf32, #tpu.memory_space<vmem>>[vector<16xi32>], vector<16xf32>,
      %dma_wait3A_1284 = arith.constant 0 : i32
      %dma_wait3A_1285 = arith.constant 0 : i32
      %dma_wait3A_1286 = arith.constant 0 : i32
      %dma_wait3A_1287 = tpu.memref_slice %arg6[%dma_wait3A_1284, %dma_wait3A_1285, %dma_wait3A_1286] : memref<15x2x80xi32, #tpu.memory_space<vmem>> -> memref<1x1x80xi32, #tpu.memory_space<vmem>>
      %dma_wait3A_1288 = tpu.memref_squeeze %dma_wait3A_1287 : memref<1x1x80xi32, #tpu.memory_space<vmem>> -> memref<80xi32, #tpu.memory_space<vmem>>
      %dma_wait3A_1289 = arith.constant 0 : i32
      %dma_wait3A_1290 = arith.constant 0 : i32
      %dma_wait3A_1291 = tpu.memref_slice %arg2[%dma_wait3A_1289, %dma_wait3A_1290] : memref<10000x128xf32, #tpu.memory_space<hbm>> -> memref<10000x128xf32, #tpu.memory_space<hbm>>
      tpu.wait_indirect_dma semaphore(%arg14 : memref<!tpu.dma_semaphore, #tpu.memory_space<semaphore_mem>>) src(%dma_wait3A_1291 : memref<10000x128xf32, #tpu.memory_space<hbm>>) dst(%arg10 : memref<80x128xf32, #tpu.memory_space<vmem>>)
      %run_scoped3A_1292 = arith.constant 4 : i32
      %run_scoped3A_1293 = arith.constant 1 : i32
      "tpu.region"() ({
        %run_scoped3A_1826 = tpu.sem_alloc : memref<!tpu.dma_semaphore, #tpu.memory_space<semaphore_mem>>
        %dma_start3A_1827 = arith.constant 0 : i32
        %dma_start3A_1828 = tpu.memref_slice %arg7[%run_scoped3A_1292, %run_scoped3A_1293, %dma_start3A_1827] : memref<15x2x80xi32, #tpu.memory_space<vmem>> -> memref<1x1x80xi32, #tpu.memory_space<vmem>>
        %dma_start3A_1829 = tpu.memref_squeeze %dma_start3A_1828 : memref<1x1x80xi32, #tpu.memory_space<vmem>> -> memref<80xi32, #tpu.memory_space<vmem>>
        %dma_start3A_1830 = arith.constant 0 : i32
        %dma_start3A_1831 = arith.constant 0 : i32
        %dma_start3A_1832 = tpu.memref_slice %arg12[%dma_start3A_1830, %dma_start3A_1831] : memref<10240x128xf32, #tpu.memory_space<vmem_shared>> -> memref<10240x128xf32, #tpu.memory_space<vmem_shared>>
        tpu.enqueue_indirect_dma source(%arg10 : memref<80x128xf32, #tpu.memory_space<vmem>>) target(%dma_start3A_1832 : memref<10240x128xf32, #tpu.memory_space<vmem_shared>>) offsets(%dma_start3A_1829 : memref<80xi32, #tpu.memory_space<vmem>>) semaphore(%run_scoped3A_1826 : memref<!tpu.dma_semaphore, #tpu.memory_space<semaphore_mem>>) {add = true}
        %dma_wait3A_1833 = arith.constant 0 : i32
        %dma_wait3A_1834 = tpu.memref_slice %arg7[%run_scoped3A_1292, %run_scoped3A_1293, %dma_wait3A_1833] : memref<15x2x80xi32, #tpu.memory_space<vmem>> -> memref<1x1x80xi32, #tpu.memory_space<vmem>>
        %dma_wait3A_1835 = tpu.memref_squeeze %dma_wait3A_1834 : memref<1x1x80xi32, #tpu.memory_space<vmem>> -> memref<80xi32, #tpu.memory_space<vmem>>
        %dma_wait3A_1836 = arith.constant 0 : i32
        %dma_wait3A_1837 = arith.constant 0 : i32
        %dma_wait3A_1838 = tpu.memref_slice %arg12[%dma_wait3A_1836, %dma_wait3A_1837] : memref<10240x128xf32, #tpu.memory_space<vmem_shared>> -> memref<10240x128xf32, #tpu.memory_space<vmem_shared>>
        tpu.wait_indirect_dma semaphore(%run_scoped3A_1826 : memref<!tpu.dma_semaphore, #tpu.memory_space<semaphore_mem>>) src(%arg10 : memref<80x128xf32, #tpu.memory_space<vmem>>) dst(%dma_wait3A_1838 : memref<10240x128xf32, #tpu.memory_space<vmem_shared>>)
        tpu.yield
      }) : () -> ()
      %dma_start3A_1294 = arith.constant 7 : i32
      %dma_start3A_1295 = arith.constant 0 : i32
      %dma_start3A_1296 = arith.constant 0 : i32
      %dma_start3A_1297 = tpu.memref_slice %arg7[%dma_start3A_1294, %dma_start3A_1295, %dma_start3A_1296] : memref<15x2x80xi32, #tpu.memory_space<vmem>> -> memref<1x1x80xi32, #tpu.memory_space<vmem>>
      %dma_start3A_1298 = tpu.memref_squeeze %dma_start3A_1297 : memref<1x1x80xi32, #tpu.memory_space<vmem>> -> memref<80xi32, #tpu.memory_space<vmem>>
      %dma_start3A_1299 = arith.constant 0 : i32
      %dma_start3A_1300 = arith.constant 0 : i32
      %dma_start3A_1301 = tpu.memref_slice %arg2[%dma_start3A_1299, %dma_start3A_1300] : memref<10000x128xf32, #tpu.memory_space<hbm>> -> memref<10000x128xf32, #tpu.memory_space<hbm>>
      tpu.enqueue_indirect_dma source(%dma_start3A_1301 : memref<10000x128xf32, #tpu.memory_space<hbm>>) target(%arg10 : memref<80x128xf32, #tpu.memory_space<vmem>>) offsets(%dma_start3A_1298 : memref<80xi32, #tpu.memory_space<vmem>>) semaphore(%arg14 : memref<!tpu.dma_semaphore, #tpu.memory_space<semaphore_mem>>)
      %get3A_1302 = arith.constant 4 : i32
      %get3A_1303 = arith.constant 1 : i32
      %get3A_1304 = arith.index_cast %get3A_1302 : i32 to index
      %get3A_1305 = arith.index_cast %get3A_1303 : i32 to index
      %get3A_1306 = arith.constant 0 : index
      %get3A_1307 = tpu.vector_load %arg7[%get3A_1304, %get3A_1305, %get3A_1306] {strides = array<i32>} : memref<15x2x80xi32, #tpu.memory_space<vmem>>, vector<16xi32>,
      tpu.vector_store_idx %arg8[%get3A_1307], %broadcast_in_dim3A_1 {add = true} : memref<10000xf32, #tpu.memory_space<vmem>>[vector<16xi32>], vector<16xf32>,
      %get3A_1308 = arith.constant 4 : i32
      %get3A_1309 = arith.constant 1 : i32
      %get3A_1310 = arith.index_cast %get3A_1308 : i32 to index
      %get3A_1311 = arith.index_cast %get3A_1309 : i32 to index
      %get3A_1312 = arith.constant 16 : index
      %get3A_1313 = tpu.vector_load %arg7[%get3A_1310, %get3A_1311, %get3A_1312] {strides = array<i32>} : memref<15x2x80xi32, #tpu.memory_space<vmem>>, vector<16xi32>,
      tpu.vector_store_idx %arg8[%get3A_1313], %broadcast_in_dim3A_1 {add = true} : memref<10000xf32, #tpu.memory_space<vmem>>[vector<16xi32>], vector<16xf32>,
      %get3A_1314 = arith.constant 4 : i32
      %get3A_1315 = arith.constant 1 : i32
      %get3A_1316 = arith.index_cast %get3A_1314 : i32 to index
      %get3A_1317 = arith.index_cast %get3A_1315 : i32 to index
      %get3A_1318 = arith.constant 32 : index
      %get3A_1319 = tpu.vector_load %arg7[%get3A_1316, %get3A_1317, %get3A_1318] {strides = array<i32>} : memref<15x2x80xi32, #tpu.memory_space<vmem>>, vector<16xi32>,
      tpu.vector_store_idx %arg8[%get3A_1319], %broadcast_in_dim3A_1 {add = true} : memref<10000xf32, #tpu.memory_space<vmem>>[vector<16xi32>], vector<16xf32>,
      %get3A_1320 = arith.constant 4 : i32
      %get3A_1321 = arith.constant 1 : i32
      %get3A_1322 = arith.index_cast %get3A_1320 : i32 to index
      %get3A_1323 = arith.index_cast %get3A_1321 : i32 to index
      %get3A_1324 = arith.constant 48 : index
      %get3A_1325 = tpu.vector_load %arg7[%get3A_1322, %get3A_1323, %get3A_1324] {strides = array<i32>} : memref<15x2x80xi32, #tpu.memory_space<vmem>>, vector<16xi32>,
      tpu.vector_store_idx %arg8[%get3A_1325], %broadcast_in_dim3A_1 {add = true} : memref<10000xf32, #tpu.memory_space<vmem>>[vector<16xi32>], vector<16xf32>,
      %get3A_1326 = arith.constant 4 : i32
      %get3A_1327 = arith.constant 1 : i32
      %get3A_1328 = arith.index_cast %get3A_1326 : i32 to index
      %get3A_1329 = arith.index_cast %get3A_1327 : i32 to index
      %get3A_1330 = arith.constant 64 : index
      %get3A_1331 = tpu.vector_load %arg7[%get3A_1328, %get3A_1329, %get3A_1330] {strides = array<i32>} : memref<15x2x80xi32, #tpu.memory_space<vmem>>, vector<16xi32>,
      tpu.vector_store_idx %arg8[%get3A_1331], %broadcast_in_dim3A_1 {add = true} : memref<10000xf32, #tpu.memory_space<vmem>>[vector<16xi32>], vector<16xf32>,
      %dma_wait3A_1332 = arith.constant 0 : i32
      %dma_wait3A_1333 = arith.constant 0 : i32
      %dma_wait3A_1334 = arith.constant 0 : i32
      %dma_wait3A_1335 = tpu.memref_slice %arg6[%dma_wait3A_1332, %dma_wait3A_1333, %dma_wait3A_1334] : memref<15x2x80xi32, #tpu.memory_space<vmem>> -> memref<1x1x80xi32, #tpu.memory_space<vmem>>
      %dma_wait3A_1336 = tpu.memref_squeeze %dma_wait3A_1335 : memref<1x1x80xi32, #tpu.memory_space<vmem>> -> memref<80xi32, #tpu.memory_space<vmem>>
      %dma_wait3A_1337 = arith.constant 0 : i32
      %dma_wait3A_1338 = arith.constant 0 : i32
      %dma_wait3A_1339 = tpu.memref_slice %arg2[%dma_wait3A_1337, %dma_wait3A_1338] : memref<10000x128xf32, #tpu.memory_space<hbm>> -> memref<10000x128xf32, #tpu.memory_space<hbm>>
      tpu.wait_indirect_dma semaphore(%arg15 : memref<!tpu.dma_semaphore, #tpu.memory_space<semaphore_mem>>) src(%dma_wait3A_1339 : memref<10000x128xf32, #tpu.memory_space<hbm>>) dst(%arg11 : memref<80x128xf32, #tpu.memory_space<vmem>>)
      %run_scoped3A_1340 = arith.constant 5 : i32
      %run_scoped3A_1341 = arith.constant 1 : i32
      "tpu.region"() ({
        %run_scoped3A_1826 = tpu.sem_alloc : memref<!tpu.dma_semaphore, #tpu.memory_space<semaphore_mem>>
        %dma_start3A_1827 = arith.constant 0 : i32
        %dma_start3A_1828 = tpu.memref_slice %arg7[%run_scoped3A_1340, %run_scoped3A_1341, %dma_start3A_1827] : memref<15x2x80xi32, #tpu.memory_space<vmem>> -> memref<1x1x80xi32, #tpu.memory_space<vmem>>
        %dma_start3A_1829 = tpu.memref_squeeze %dma_start3A_1828 : memref<1x1x80xi32, #tpu.memory_space<vmem>> -> memref<80xi32, #tpu.memory_space<vmem>>
        %dma_start3A_1830 = arith.constant 0 : i32
        %dma_start3A_1831 = arith.constant 0 : i32
        %dma_start3A_1832 = tpu.memref_slice %arg12[%dma_start3A_1830, %dma_start3A_1831] : memref<10240x128xf32, #tpu.memory_space<vmem_shared>> -> memref<10240x128xf32, #tpu.memory_space<vmem_shared>>
        tpu.enqueue_indirect_dma source(%arg11 : memref<80x128xf32, #tpu.memory_space<vmem>>) target(%dma_start3A_1832 : memref<10240x128xf32, #tpu.memory_space<vmem_shared>>) offsets(%dma_start3A_1829 : memref<80xi32, #tpu.memory_space<vmem>>) semaphore(%run_scoped3A_1826 : memref<!tpu.dma_semaphore, #tpu.memory_space<semaphore_mem>>) {add = true}
        %dma_wait3A_1833 = arith.constant 0 : i32
        %dma_wait3A_1834 = tpu.memref_slice %arg7[%run_scoped3A_1340, %run_scoped3A_1341, %dma_wait3A_1833] : memref<15x2x80xi32, #tpu.memory_space<vmem>> -> memref<1x1x80xi32, #tpu.memory_space<vmem>>
        %dma_wait3A_1835 = tpu.memref_squeeze %dma_wait3A_1834 : memref<1x1x80xi32, #tpu.memory_space<vmem>> -> memref<80xi32, #tpu.memory_space<vmem>>
        %dma_wait3A_1836 = arith.constant 0 : i32
        %dma_wait3A_1837 = arith.constant 0 : i32
        %dma_wait3A_1838 = tpu.memref_slice %arg12[%dma_wait3A_1836, %dma_wait3A_1837] : memref<10240x128xf32, #tpu.memory_space<vmem_shared>> -> memref<10240x128xf32, #tpu.memory_space<vmem_shared>>
        tpu.wait_indirect_dma semaphore(%run_scoped3A_1826 : memref<!tpu.dma_semaphore, #tpu.memory_space<semaphore_mem>>) src(%arg11 : memref<80x128xf32, #tpu.memory_space<vmem>>) dst(%dma_wait3A_1838 : memref<10240x128xf32, #tpu.memory_space<vmem_shared>>)
        tpu.yield
      }) : () -> ()
      %dma_start3A_1342 = arith.constant 8 : i32
      %dma_start3A_1343 = arith.constant 0 : i32
      %dma_start3A_1344 = arith.constant 0 : i32
      %dma_start3A_1345 = tpu.memref_slice %arg7[%dma_start3A_1342, %dma_start3A_1343, %dma_start3A_1344] : memref<15x2x80xi32, #tpu.memory_space<vmem>> -> memref<1x1x80xi32, #tpu.memory_space<vmem>>
      %dma_start3A_1346 = tpu.memref_squeeze %dma_start3A_1345 : memref<1x1x80xi32, #tpu.memory_space<vmem>> -> memref<80xi32, #tpu.memory_space<vmem>>
      %dma_start3A_1347 = arith.constant 0 : i32
      %dma_start3A_1348 = arith.constant 0 : i32
      %dma_start3A_1349 = tpu.memref_slice %arg2[%dma_start3A_1347, %dma_start3A_1348] : memref<10000x128xf32, #tpu.memory_space<hbm>> -> memref<10000x128xf32, #tpu.memory_space<hbm>>
      tpu.enqueue_indirect_dma source(%dma_start3A_1349 : memref<10000x128xf32, #tpu.memory_space<hbm>>) target(%arg11 : memref<80x128xf32, #tpu.memory_space<vmem>>) offsets(%dma_start3A_1346 : memref<80xi32, #tpu.memory_space<vmem>>) semaphore(%arg15 : memref<!tpu.dma_semaphore, #tpu.memory_space<semaphore_mem>>)
      %get3A_1350 = arith.constant 5 : i32
      %get3A_1351 = arith.constant 1 : i32
      %get3A_1352 = arith.index_cast %get3A_1350 : i32 to index
      %get3A_1353 = arith.index_cast %get3A_1351 : i32 to index
      %get3A_1354 = arith.constant 0 : index
      %get3A_1355 = tpu.vector_load %arg7[%get3A_1352, %get3A_1353, %get3A_1354] {strides = array<i32>} : memref<15x2x80xi32, #tpu.memory_space<vmem>>, vector<16xi32>,
      tpu.vector_store_idx %arg8[%get3A_1355], %broadcast_in_dim3A_1 {add = true} : memref<10000xf32, #tpu.memory_space<vmem>>[vector<16xi32>], vector<16xf32>,
      %get3A_1356 = arith.constant 5 : i32
      %get3A_1357 = arith.constant 1 : i32
      %get3A_1358 = arith.index_cast %get3A_1356 : i32 to index
      %get3A_1359 = arith.index_cast %get3A_1357 : i32 to index
      %get3A_1360 = arith.constant 16 : index
      %get3A_1361 = tpu.vector_load %arg7[%get3A_1358, %get3A_1359, %get3A_1360] {strides = array<i32>} : memref<15x2x80xi32, #tpu.memory_space<vmem>>, vector<16xi32>,
      tpu.vector_store_idx %arg8[%get3A_1361], %broadcast_in_dim3A_1 {add = true} : memref<10000xf32, #tpu.memory_space<vmem>>[vector<16xi32>], vector<16xf32>,
      %get3A_1362 = arith.constant 5 : i32
      %get3A_1363 = arith.constant 1 : i32
      %get3A_1364 = arith.index_cast %get3A_1362 : i32 to index
      %get3A_1365 = arith.index_cast %get3A_1363 : i32 to index
      %get3A_1366 = arith.constant 32 : index
      %get3A_1367 = tpu.vector_load %arg7[%get3A_1364, %get3A_1365, %get3A_1366] {strides = array<i32>} : memref<15x2x80xi32, #tpu.memory_space<vmem>>, vector<16xi32>,
      tpu.vector_store_idx %arg8[%get3A_1367], %broadcast_in_dim3A_1 {add = true} : memref<10000xf32, #tpu.memory_space<vmem>>[vector<16xi32>], vector<16xf32>,
      %get3A_1368 = arith.constant 5 : i32
      %get3A_1369 = arith.constant 1 : i32
      %get3A_1370 = arith.index_cast %get3A_1368 : i32 to index
      %get3A_1371 = arith.index_cast %get3A_1369 : i32 to index
      %get3A_1372 = arith.constant 48 : index
      %get3A_1373 = tpu.vector_load %arg7[%get3A_1370, %get3A_1371, %get3A_1372] {strides = array<i32>} : memref<15x2x80xi32, #tpu.memory_space<vmem>>, vector<16xi32>,
      tpu.vector_store_idx %arg8[%get3A_1373], %broadcast_in_dim3A_1 {add = true} : memref<10000xf32, #tpu.memory_space<vmem>>[vector<16xi32>], vector<16xf32>,
      %get3A_1374 = arith.constant 5 : i32
      %get3A_1375 = arith.constant 1 : i32
      %get3A_1376 = arith.index_cast %get3A_1374 : i32 to index
      %get3A_1377 = arith.index_cast %get3A_1375 : i32 to index
      %get3A_1378 = arith.constant 64 : index
      %get3A_1379 = tpu.vector_load %arg7[%get3A_1376, %get3A_1377, %get3A_1378] {strides = array<i32>} : memref<15x2x80xi32, #tpu.memory_space<vmem>>, vector<16xi32>,
      tpu.vector_store_idx %arg8[%get3A_1379], %broadcast_in_dim3A_1 {add = true} : memref<10000xf32, #tpu.memory_space<vmem>>[vector<16xi32>], vector<16xf32>,
      %dma_wait3A_1380 = arith.constant 0 : i32
      %dma_wait3A_1381 = arith.constant 0 : i32
      %dma_wait3A_1382 = arith.constant 0 : i32
      %dma_wait3A_1383 = tpu.memref_slice %arg6[%dma_wait3A_1380, %dma_wait3A_1381, %dma_wait3A_1382] : memref<15x2x80xi32, #tpu.memory_space<vmem>> -> memref<1x1x80xi32, #tpu.memory_space<vmem>>
      %dma_wait3A_1384 = tpu.memref_squeeze %dma_wait3A_1383 : memref<1x1x80xi32, #tpu.memory_space<vmem>> -> memref<80xi32, #tpu.memory_space<vmem>>
      %dma_wait3A_1385 = arith.constant 0 : i32
      %dma_wait3A_1386 = arith.constant 0 : i32
      %dma_wait3A_1387 = tpu.memref_slice %arg2[%dma_wait3A_1385, %dma_wait3A_1386] : memref<10000x128xf32, #tpu.memory_space<hbm>> -> memref<10000x128xf32, #tpu.memory_space<hbm>>
      tpu.wait_indirect_dma semaphore(%arg13 : memref<!tpu.dma_semaphore, #tpu.memory_space<semaphore_mem>>) src(%dma_wait3A_1387 : memref<10000x128xf32, #tpu.memory_space<hbm>>) dst(%arg9 : memref<80x128xf32, #tpu.memory_space<vmem>>)
      %run_scoped3A_1388 = arith.constant 6 : i32
      %run_scoped3A_1389 = arith.constant 1 : i32
      "tpu.region"() ({
        %run_scoped3A_1826 = tpu.sem_alloc : memref<!tpu.dma_semaphore, #tpu.memory_space<semaphore_mem>>
        %dma_start3A_1827 = arith.constant 0 : i32
        %dma_start3A_1828 = tpu.memref_slice %arg7[%run_scoped3A_1388, %run_scoped3A_1389, %dma_start3A_1827] : memref<15x2x80xi32, #tpu.memory_space<vmem>> -> memref<1x1x80xi32, #tpu.memory_space<vmem>>
        %dma_start3A_1829 = tpu.memref_squeeze %dma_start3A_1828 : memref<1x1x80xi32, #tpu.memory_space<vmem>> -> memref<80xi32, #tpu.memory_space<vmem>>
        %dma_start3A_1830 = arith.constant 0 : i32
        %dma_start3A_1831 = arith.constant 0 : i32
        %dma_start3A_1832 = tpu.memref_slice %arg12[%dma_start3A_1830, %dma_start3A_1831] : memref<10240x128xf32, #tpu.memory_space<vmem_shared>> -> memref<10240x128xf32, #tpu.memory_space<vmem_shared>>
        tpu.enqueue_indirect_dma source(%arg9 : memref<80x128xf32, #tpu.memory_space<vmem>>) target(%dma_start3A_1832 : memref<10240x128xf32, #tpu.memory_space<vmem_shared>>) offsets(%dma_start3A_1829 : memref<80xi32, #tpu.memory_space<vmem>>) semaphore(%run_scoped3A_1826 : memref<!tpu.dma_semaphore, #tpu.memory_space<semaphore_mem>>) {add = true}
        %dma_wait3A_1833 = arith.constant 0 : i32
        %dma_wait3A_1834 = tpu.memref_slice %arg7[%run_scoped3A_1388, %run_scoped3A_1389, %dma_wait3A_1833] : memref<15x2x80xi32, #tpu.memory_space<vmem>> -> memref<1x1x80xi32, #tpu.memory_space<vmem>>
        %dma_wait3A_1835 = tpu.memref_squeeze %dma_wait3A_1834 : memref<1x1x80xi32, #tpu.memory_space<vmem>> -> memref<80xi32, #tpu.memory_space<vmem>>
        %dma_wait3A_1836 = arith.constant 0 : i32
        %dma_wait3A_1837 = arith.constant 0 : i32
        %dma_wait3A_1838 = tpu.memref_slice %arg12[%dma_wait3A_1836, %dma_wait3A_1837] : memref<10240x128xf32, #tpu.memory_space<vmem_shared>> -> memref<10240x128xf32, #tpu.memory_space<vmem_shared>>
        tpu.wait_indirect_dma semaphore(%run_scoped3A_1826 : memref<!tpu.dma_semaphore, #tpu.memory_space<semaphore_mem>>) src(%arg9 : memref<80x128xf32, #tpu.memory_space<vmem>>) dst(%dma_wait3A_1838 : memref<10240x128xf32, #tpu.memory_space<vmem_shared>>)
        tpu.yield
      }) : () -> ()
      %dma_start3A_1390 = arith.constant 9 : i32
      %dma_start3A_1391 = arith.constant 0 : i32
      %dma_start3A_1392 = arith.constant 0 : i32
      %dma_start3A_1393 = tpu.memref_slice %arg7[%dma_start3A_1390, %dma_start3A_1391, %dma_start3A_1392] : memref<15x2x80xi32, #tpu.memory_space<vmem>> -> memref<1x1x80xi32, #tpu.memory_space<vmem>>
      %dma_start3A_1394 = tpu.memref_squeeze %dma_start3A_1393 : memref<1x1x80xi32, #tpu.memory_space<vmem>> -> memref<80xi32, #tpu.memory_space<vmem>>
      %dma_start3A_1395 = arith.constant 0 : i32
      %dma_start3A_1396 = arith.constant 0 : i32
      %dma_start3A_1397 = tpu.memref_slice %arg2[%dma_start3A_1395, %dma_start3A_1396] : memref<10000x128xf32, #tpu.memory_space<hbm>> -> memref<10000x128xf32, #tpu.memory_space<hbm>>
      tpu.enqueue_indirect_dma source(%dma_start3A_1397 : memref<10000x128xf32, #tpu.memory_space<hbm>>) target(%arg9 : memref<80x128xf32, #tpu.memory_space<vmem>>) offsets(%dma_start3A_1394 : memref<80xi32, #tpu.memory_space<vmem>>) semaphore(%arg13 : memref<!tpu.dma_semaphore, #tpu.memory_space<semaphore_mem>>)
      %get3A_1398 = arith.constant 6 : i32
      %get3A_1399 = arith.constant 1 : i32
      %get3A_1400 = arith.index_cast %get3A_1398 : i32 to index
      %get3A_1401 = arith.index_cast %get3A_1399 : i32 to index
      %get3A_1402 = arith.constant 0 : index
      %get3A_1403 = tpu.vector_load %arg7[%get3A_1400, %get3A_1401, %get3A_1402] {strides = array<i32>} : memref<15x2x80xi32, #tpu.memory_space<vmem>>, vector<16xi32>,
      tpu.vector_store_idx %arg8[%get3A_1403], %broadcast_in_dim3A_1 {add = true} : memref<10000xf32, #tpu.memory_space<vmem>>[vector<16xi32>], vector<16xf32>,
      %get3A_1404 = arith.constant 6 : i32
      %get3A_1405 = arith.constant 1 : i32
      %get3A_1406 = arith.index_cast %get3A_1404 : i32 to index
      %get3A_1407 = arith.index_cast %get3A_1405 : i32 to index
      %get3A_1408 = arith.constant 16 : index
      %get3A_1409 = tpu.vector_load %arg7[%get3A_1406, %get3A_1407, %get3A_1408] {strides = array<i32>} : memref<15x2x80xi32, #tpu.memory_space<vmem>>, vector<16xi32>,
      tpu.vector_store_idx %arg8[%get3A_1409], %broadcast_in_dim3A_1 {add = true} : memref<10000xf32, #tpu.memory_space<vmem>>[vector<16xi32>], vector<16xf32>,
      %get3A_1410 = arith.constant 6 : i32
      %get3A_1411 = arith.constant 1 : i32
      %get3A_1412 = arith.index_cast %get3A_1410 : i32 to index
      %get3A_1413 = arith.index_cast %get3A_1411 : i32 to index
      %get3A_1414 = arith.constant 32 : index
      %get3A_1415 = tpu.vector_load %arg7[%get3A_1412, %get3A_1413, %get3A_1414] {strides = array<i32>} : memref<15x2x80xi32, #tpu.memory_space<vmem>>, vector<16xi32>,
      tpu.vector_store_idx %arg8[%get3A_1415], %broadcast_in_dim3A_1 {add = true} : memref<10000xf32, #tpu.memory_space<vmem>>[vector<16xi32>], vector<16xf32>,
      %get3A_1416 = arith.constant 6 : i32
      %get3A_1417 = arith.constant 1 : i32
      %get3A_1418 = arith.index_cast %get3A_1416 : i32 to index
      %get3A_1419 = arith.index_cast %get3A_1417 : i32 to index
      %get3A_1420 = arith.constant 48 : index
      %get3A_1421 = tpu.vector_load %arg7[%get3A_1418, %get3A_1419, %get3A_1420] {strides = array<i32>} : memref<15x2x80xi32, #tpu.memory_space<vmem>>, vector<16xi32>,
      tpu.vector_store_idx %arg8[%get3A_1421], %broadcast_in_dim3A_1 {add = true} : memref<10000xf32, #tpu.memory_space<vmem>>[vector<16xi32>], vector<16xf32>,
      %get3A_1422 = arith.constant 6 : i32
      %get3A_1423 = arith.constant 1 : i32
      %get3A_1424 = arith.index_cast %get3A_1422 : i32 to index
      %get3A_1425 = arith.index_cast %get3A_1423 : i32 to index
      %get3A_1426 = arith.constant 64 : index
      %get3A_1427 = tpu.vector_load %arg7[%get3A_1424, %get3A_1425, %get3A_1426] {strides = array<i32>} : memref<15x2x80xi32, #tpu.memory_space<vmem>>, vector<16xi32>,
      tpu.vector_store_idx %arg8[%get3A_1427], %broadcast_in_dim3A_1 {add = true} : memref<10000xf32, #tpu.memory_space<vmem>>[vector<16xi32>], vector<16xf32>,
      %dma_wait3A_1428 = arith.constant 0 : i32
      %dma_wait3A_1429 = arith.constant 0 : i32
      %dma_wait3A_1430 = arith.constant 0 : i32
      %dma_wait3A_1431 = tpu.memref_slice %arg6[%dma_wait3A_1428, %dma_wait3A_1429, %dma_wait3A_1430] : memref<15x2x80xi32, #tpu.memory_space<vmem>> -> memref<1x1x80xi32, #tpu.memory_space<vmem>>
      %dma_wait3A_1432 = tpu.memref_squeeze %dma_wait3A_1431 : memref<1x1x80xi32, #tpu.memory_space<vmem>> -> memref<80xi32, #tpu.memory_space<vmem>>
      %dma_wait3A_1433 = arith.constant 0 : i32
      %dma_wait3A_1434 = arith.constant 0 : i32
      %dma_wait3A_1435 = tpu.memref_slice %arg2[%dma_wait3A_1433, %dma_wait3A_1434] : memref<10000x128xf32, #tpu.memory_space<hbm>> -> memref<10000x128xf32, #tpu.memory_space<hbm>>
      tpu.wait_indirect_dma semaphore(%arg14 : memref<!tpu.dma_semaphore, #tpu.memory_space<semaphore_mem>>) src(%dma_wait3A_1435 : memref<10000x128xf32, #tpu.memory_space<hbm>>) dst(%arg10 : memref<80x128xf32, #tpu.memory_space<vmem>>)
      %run_scoped3A_1436 = arith.constant 7 : i32
      %run_scoped3A_1437 = arith.constant 1 : i32
      "tpu.region"() ({
        %run_scoped3A_1826 = tpu.sem_alloc : memref<!tpu.dma_semaphore, #tpu.memory_space<semaphore_mem>>
        %dma_start3A_1827 = arith.constant 0 : i32
        %dma_start3A_1828 = tpu.memref_slice %arg7[%run_scoped3A_1436, %run_scoped3A_1437, %dma_start3A_1827] : memref<15x2x80xi32, #tpu.memory_space<vmem>> -> memref<1x1x80xi32, #tpu.memory_space<vmem>>
        %dma_start3A_1829 = tpu.memref_squeeze %dma_start3A_1828 : memref<1x1x80xi32, #tpu.memory_space<vmem>> -> memref<80xi32, #tpu.memory_space<vmem>>
        %dma_start3A_1830 = arith.constant 0 : i32
        %dma_start3A_1831 = arith.constant 0 : i32
        %dma_start3A_1832 = tpu.memref_slice %arg12[%dma_start3A_1830, %dma_start3A_1831] : memref<10240x128xf32, #tpu.memory_space<vmem_shared>> -> memref<10240x128xf32, #tpu.memory_space<vmem_shared>>
        tpu.enqueue_indirect_dma source(%arg10 : memref<80x128xf32, #tpu.memory_space<vmem>>) target(%dma_start3A_1832 : memref<10240x128xf32, #tpu.memory_space<vmem_shared>>) offsets(%dma_start3A_1829 : memref<80xi32, #tpu.memory_space<vmem>>) semaphore(%run_scoped3A_1826 : memref<!tpu.dma_semaphore, #tpu.memory_space<semaphore_mem>>) {add = true}
        %dma_wait3A_1833 = arith.constant 0 : i32
        %dma_wait3A_1834 = tpu.memref_slice %arg7[%run_scoped3A_1436, %run_scoped3A_1437, %dma_wait3A_1833] : memref<15x2x80xi32, #tpu.memory_space<vmem>> -> memref<1x1x80xi32, #tpu.memory_space<vmem>>
        %dma_wait3A_1835 = tpu.memref_squeeze %dma_wait3A_1834 : memref<1x1x80xi32, #tpu.memory_space<vmem>> -> memref<80xi32, #tpu.memory_space<vmem>>
        %dma_wait3A_1836 = arith.constant 0 : i32
        %dma_wait3A_1837 = arith.constant 0 : i32
        %dma_wait3A_1838 = tpu.memref_slice %arg12[%dma_wait3A_1836, %dma_wait3A_1837] : memref<10240x128xf32, #tpu.memory_space<vmem_shared>> -> memref<10240x128xf32, #tpu.memory_space<vmem_shared>>
        tpu.wait_indirect_dma semaphore(%run_scoped3A_1826 : memref<!tpu.dma_semaphore, #tpu.memory_space<semaphore_mem>>) src(%arg10 : memref<80x128xf32, #tpu.memory_space<vmem>>) dst(%dma_wait3A_1838 : memref<10240x128xf32, #tpu.memory_space<vmem_shared>>)
        tpu.yield
      }) : () -> ()
      %dma_start3A_1438 = arith.constant 10 : i32
      %dma_start3A_1439 = arith.constant 0 : i32
      %dma_start3A_1440 = arith.constant 0 : i32
      %dma_start3A_1441 = tpu.memref_slice %arg7[%dma_start3A_1438, %dma_start3A_1439, %dma_start3A_1440] : memref<15x2x80xi32, #tpu.memory_space<vmem>> -> memref<1x1x80xi32, #tpu.memory_space<vmem>>
      %dma_start3A_1442 = tpu.memref_squeeze %dma_start3A_1441 : memref<1x1x80xi32, #tpu.memory_space<vmem>> -> memref<80xi32, #tpu.memory_space<vmem>>
      %dma_start3A_1443 = arith.constant 0 : i32
      %dma_start3A_1444 = arith.constant 0 : i32
      %dma_start3A_1445 = tpu.memref_slice %arg2[%dma_start3A_1443, %dma_start3A_1444] : memref<10000x128xf32, #tpu.memory_space<hbm>> -> memref<10000x128xf32, #tpu.memory_space<hbm>>
      tpu.enqueue_indirect_dma source(%dma_start3A_1445 : memref<10000x128xf32, #tpu.memory_space<hbm>>) target(%arg10 : memref<80x128xf32, #tpu.memory_space<vmem>>) offsets(%dma_start3A_1442 : memref<80xi32, #tpu.memory_space<vmem>>) semaphore(%arg14 : memref<!tpu.dma_semaphore, #tpu.memory_space<semaphore_mem>>)
      %get3A_1446 = arith.constant 7 : i32
      %get3A_1447 = arith.constant 1 : i32
      %get3A_1448 = arith.index_cast %get3A_1446 : i32 to index
      %get3A_1449 = arith.index_cast %get3A_1447 : i32 to index
      %get3A_1450 = arith.constant 0 : index
      %get3A_1451 = tpu.vector_load %arg7[%get3A_1448, %get3A_1449, %get3A_1450] {strides = array<i32>} : memref<15x2x80xi32, #tpu.memory_space<vmem>>, vector<16xi32>,
      tpu.vector_store_idx %arg8[%get3A_1451], %broadcast_in_dim3A_1 {add = true} : memref<10000xf32, #tpu.memory_space<vmem>>[vector<16xi32>], vector<16xf32>,
      %get3A_1452 = arith.constant 7 : i32
      %get3A_1453 = arith.constant 1 : i32
      %get3A_1454 = arith.index_cast %get3A_1452 : i32 to index
      %get3A_1455 = arith.index_cast %get3A_1453 : i32 to index
      %get3A_1456 = arith.constant 16 : index
      %get3A_1457 = tpu.vector_load %arg7[%get3A_1454, %get3A_1455, %get3A_1456] {strides = array<i32>} : memref<15x2x80xi32, #tpu.memory_space<vmem>>, vector<16xi32>,
      tpu.vector_store_idx %arg8[%get3A_1457], %broadcast_in_dim3A_1 {add = true} : memref<10000xf32, #tpu.memory_space<vmem>>[vector<16xi32>], vector<16xf32>,
      %get3A_1458 = arith.constant 7 : i32
      %get3A_1459 = arith.constant 1 : i32
      %get3A_1460 = arith.index_cast %get3A_1458 : i32 to index
      %get3A_1461 = arith.index_cast %get3A_1459 : i32 to index
      %get3A_1462 = arith.constant 32 : index
      %get3A_1463 = tpu.vector_load %arg7[%get3A_1460, %get3A_1461, %get3A_1462] {strides = array<i32>} : memref<15x2x80xi32, #tpu.memory_space<vmem>>, vector<16xi32>,
      tpu.vector_store_idx %arg8[%get3A_1463], %broadcast_in_dim3A_1 {add = true} : memref<10000xf32, #tpu.memory_space<vmem>>[vector<16xi32>], vector<16xf32>,
      %get3A_1464 = arith.constant 7 : i32
      %get3A_1465 = arith.constant 1 : i32
      %get3A_1466 = arith.index_cast %get3A_1464 : i32 to index
      %get3A_1467 = arith.index_cast %get3A_1465 : i32 to index
      %get3A_1468 = arith.constant 48 : index
      %get3A_1469 = tpu.vector_load %arg7[%get3A_1466, %get3A_1467, %get3A_1468] {strides = array<i32>} : memref<15x2x80xi32, #tpu.memory_space<vmem>>, vector<16xi32>,
      tpu.vector_store_idx %arg8[%get3A_1469], %broadcast_in_dim3A_1 {add = true} : memref<10000xf32, #tpu.memory_space<vmem>>[vector<16xi32>], vector<16xf32>,
      %get3A_1470 = arith.constant 7 : i32
      %get3A_1471 = arith.constant 1 : i32
      %get3A_1472 = arith.index_cast %get3A_1470 : i32 to index
      %get3A_1473 = arith.index_cast %get3A_1471 : i32 to index
      %get3A_1474 = arith.constant 64 : index
      %get3A_1475 = tpu.vector_load %arg7[%get3A_1472, %get3A_1473, %get3A_1474] {strides = array<i32>} : memref<15x2x80xi32, #tpu.memory_space<vmem>>, vector<16xi32>,
      tpu.vector_store_idx %arg8[%get3A_1475], %broadcast_in_dim3A_1 {add = true} : memref<10000xf32, #tpu.memory_space<vmem>>[vector<16xi32>], vector<16xf32>,
      %dma_wait3A_1476 = arith.constant 0 : i32
      %dma_wait3A_1477 = arith.constant 0 : i32
      %dma_wait3A_1478 = arith.constant 0 : i32
      %dma_wait3A_1479 = tpu.memref_slice %arg6[%dma_wait3A_1476, %dma_wait3A_1477, %dma_wait3A_1478] : memref<15x2x80xi32, #tpu.memory_space<vmem>> -> memref<1x1x80xi32, #tpu.memory_space<vmem>>
      %dma_wait3A_1480 = tpu.memref_squeeze %dma_wait3A_1479 : memref<1x1x80xi32, #tpu.memory_space<vmem>> -> memref<80xi32, #tpu.memory_space<vmem>>
      %dma_wait3A_1481 = arith.constant 0 : i32
      %dma_wait3A_1482 = arith.constant 0 : i32
      %dma_wait3A_1483 = tpu.memref_slice %arg2[%dma_wait3A_1481, %dma_wait3A_1482] : memref<10000x128xf32, #tpu.memory_space<hbm>> -> memref<10000x128xf32, #tpu.memory_space<hbm>>
      tpu.wait_indirect_dma semaphore(%arg15 : memref<!tpu.dma_semaphore, #tpu.memory_space<semaphore_mem>>) src(%dma_wait3A_1483 : memref<10000x128xf32, #tpu.memory_space<hbm>>) dst(%arg11 : memref<80x128xf32, #tpu.memory_space<vmem>>)
      %run_scoped3A_1484 = arith.constant 8 : i32
      %run_scoped3A_1485 = arith.constant 1 : i32
      "tpu.region"() ({
        %run_scoped3A_1826 = tpu.sem_alloc : memref<!tpu.dma_semaphore, #tpu.memory_space<semaphore_mem>>
        %dma_start3A_1827 = arith.constant 0 : i32
        %dma_start3A_1828 = tpu.memref_slice %arg7[%run_scoped3A_1484, %run_scoped3A_1485, %dma_start3A_1827] : memref<15x2x80xi32, #tpu.memory_space<vmem>> -> memref<1x1x80xi32, #tpu.memory_space<vmem>>
        %dma_start3A_1829 = tpu.memref_squeeze %dma_start3A_1828 : memref<1x1x80xi32, #tpu.memory_space<vmem>> -> memref<80xi32, #tpu.memory_space<vmem>>
        %dma_start3A_1830 = arith.constant 0 : i32
        %dma_start3A_1831 = arith.constant 0 : i32
        %dma_start3A_1832 = tpu.memref_slice %arg12[%dma_start3A_1830, %dma_start3A_1831] : memref<10240x128xf32, #tpu.memory_space<vmem_shared>> -> memref<10240x128xf32, #tpu.memory_space<vmem_shared>>
        tpu.enqueue_indirect_dma source(%arg11 : memref<80x128xf32, #tpu.memory_space<vmem>>) target(%dma_start3A_1832 : memref<10240x128xf32, #tpu.memory_space<vmem_shared>>) offsets(%dma_start3A_1829 : memref<80xi32, #tpu.memory_space<vmem>>) semaphore(%run_scoped3A_1826 : memref<!tpu.dma_semaphore, #tpu.memory_space<semaphore_mem>>) {add = true}
        %dma_wait3A_1833 = arith.constant 0 : i32
        %dma_wait3A_1834 = tpu.memref_slice %arg7[%run_scoped3A_1484, %run_scoped3A_1485, %dma_wait3A_1833] : memref<15x2x80xi32, #tpu.memory_space<vmem>> -> memref<1x1x80xi32, #tpu.memory_space<vmem>>
        %dma_wait3A_1835 = tpu.memref_squeeze %dma_wait3A_1834 : memref<1x1x80xi32, #tpu.memory_space<vmem>> -> memref<80xi32, #tpu.memory_space<vmem>>
        %dma_wait3A_1836 = arith.constant 0 : i32
        %dma_wait3A_1837 = arith.constant 0 : i32
        %dma_wait3A_1838 = tpu.memref_slice %arg12[%dma_wait3A_1836, %dma_wait3A_1837] : memref<10240x128xf32, #tpu.memory_space<vmem_shared>> -> memref<10240x128xf32, #tpu.memory_space<vmem_shared>>
        tpu.wait_indirect_dma semaphore(%run_scoped3A_1826 : memref<!tpu.dma_semaphore, #tpu.memory_space<semaphore_mem>>) src(%arg11 : memref<80x128xf32, #tpu.memory_space<vmem>>) dst(%dma_wait3A_1838 : memref<10240x128xf32, #tpu.memory_space<vmem_shared>>)
        tpu.yield
      }) : () -> ()
      %dma_start3A_1486 = arith.constant 11 : i32
      %dma_start3A_1487 = arith.constant 0 : i32
      %dma_start3A_1488 = arith.constant 0 : i32
      %dma_start3A_1489 = tpu.memref_slice %arg7[%dma_start3A_1486, %dma_start3A_1487, %dma_start3A_1488] : memref<15x2x80xi32, #tpu.memory_space<vmem>> -> memref<1x1x80xi32, #tpu.memory_space<vmem>>
      %dma_start3A_1490 = tpu.memref_squeeze %dma_start3A_1489 : memref<1x1x80xi32, #tpu.memory_space<vmem>> -> memref<80xi32, #tpu.memory_space<vmem>>
      %dma_start3A_1491 = arith.constant 0 : i32
      %dma_start3A_1492 = arith.constant 0 : i32
      %dma_start3A_1493 = tpu.memref_slice %arg2[%dma_start3A_1491, %dma_start3A_1492] : memref<10000x128xf32, #tpu.memory_space<hbm>> -> memref<10000x128xf32, #tpu.memory_space<hbm>>
      tpu.enqueue_indirect_dma source(%dma_start3A_1493 : memref<10000x128xf32, #tpu.memory_space<hbm>>) target(%arg11 : memref<80x128xf32, #tpu.memory_space<vmem>>) offsets(%dma_start3A_1490 : memref<80xi32, #tpu.memory_space<vmem>>) semaphore(%arg15 : memref<!tpu.dma_semaphore, #tpu.memory_space<semaphore_mem>>)
      %get3A_1494 = arith.constant 8 : i32
      %get3A_1495 = arith.constant 1 : i32
      %get3A_1496 = arith.index_cast %get3A_1494 : i32 to index
      %get3A_1497 = arith.index_cast %get3A_1495 : i32 to index
      %get3A_1498 = arith.constant 0 : index
      %get3A_1499 = tpu.vector_load %arg7[%get3A_1496, %get3A_1497, %get3A_1498] {strides = array<i32>} : memref<15x2x80xi32, #tpu.memory_space<vmem>>, vector<16xi32>,
      tpu.vector_store_idx %arg8[%get3A_1499], %broadcast_in_dim3A_1 {add = true} : memref<10000xf32, #tpu.memory_space<vmem>>[vector<16xi32>], vector<16xf32>,
      %get3A_1500 = arith.constant 8 : i32
      %get3A_1501 = arith.constant 1 : i32
      %get3A_1502 = arith.index_cast %get3A_1500 : i32 to index
      %get3A_1503 = arith.index_cast %get3A_1501 : i32 to index
      %get3A_1504 = arith.constant 16 : index
      %get3A_1505 = tpu.vector_load %arg7[%get3A_1502, %get3A_1503, %get3A_1504] {strides = array<i32>} : memref<15x2x80xi32, #tpu.memory_space<vmem>>, vector<16xi32>,
      tpu.vector_store_idx %arg8[%get3A_1505], %broadcast_in_dim3A_1 {add = true} : memref<10000xf32, #tpu.memory_space<vmem>>[vector<16xi32>], vector<16xf32>,
      %get3A_1506 = arith.constant 8 : i32
      %get3A_1507 = arith.constant 1 : i32
      %get3A_1508 = arith.index_cast %get3A_1506 : i32 to index
      %get3A_1509 = arith.index_cast %get3A_1507 : i32 to index
      %get3A_1510 = arith.constant 32 : index
      %get3A_1511 = tpu.vector_load %arg7[%get3A_1508, %get3A_1509, %get3A_1510] {strides = array<i32>} : memref<15x2x80xi32, #tpu.memory_space<vmem>>, vector<16xi32>,
      tpu.vector_store_idx %arg8[%get3A_1511], %broadcast_in_dim3A_1 {add = true} : memref<10000xf32, #tpu.memory_space<vmem>>[vector<16xi32>], vector<16xf32>,
      %get3A_1512 = arith.constant 8 : i32
      %get3A_1513 = arith.constant 1 : i32
      %get3A_1514 = arith.index_cast %get3A_1512 : i32 to index
      %get3A_1515 = arith.index_cast %get3A_1513 : i32 to index
      %get3A_1516 = arith.constant 48 : index
      %get3A_1517 = tpu.vector_load %arg7[%get3A_1514, %get3A_1515, %get3A_1516] {strides = array<i32>} : memref<15x2x80xi32, #tpu.memory_space<vmem>>, vector<16xi32>,
      tpu.vector_store_idx %arg8[%get3A_1517], %broadcast_in_dim3A_1 {add = true} : memref<10000xf32, #tpu.memory_space<vmem>>[vector<16xi32>], vector<16xf32>,
      %get3A_1518 = arith.constant 8 : i32
      %get3A_1519 = arith.constant 1 : i32
      %get3A_1520 = arith.index_cast %get3A_1518 : i32 to index
      %get3A_1521 = arith.index_cast %get3A_1519 : i32 to index
      %get3A_1522 = arith.constant 64 : index
      %get3A_1523 = tpu.vector_load %arg7[%get3A_1520, %get3A_1521, %get3A_1522] {strides = array<i32>} : memref<15x2x80xi32, #tpu.memory_space<vmem>>, vector<16xi32>,
      tpu.vector_store_idx %arg8[%get3A_1523], %broadcast_in_dim3A_1 {add = true} : memref<10000xf32, #tpu.memory_space<vmem>>[vector<16xi32>], vector<16xf32>,
      %dma_wait3A_1524 = arith.constant 0 : i32
      %dma_wait3A_1525 = arith.constant 0 : i32
      %dma_wait3A_1526 = arith.constant 0 : i32
      %dma_wait3A_1527 = tpu.memref_slice %arg6[%dma_wait3A_1524, %dma_wait3A_1525, %dma_wait3A_1526] : memref<15x2x80xi32, #tpu.memory_space<vmem>> -> memref<1x1x80xi32, #tpu.memory_space<vmem>>
      %dma_wait3A_1528 = tpu.memref_squeeze %dma_wait3A_1527 : memref<1x1x80xi32, #tpu.memory_space<vmem>> -> memref<80xi32, #tpu.memory_space<vmem>>
      %dma_wait3A_1529 = arith.constant 0 : i32
      %dma_wait3A_1530 = arith.constant 0 : i32
      %dma_wait3A_1531 = tpu.memref_slice %arg2[%dma_wait3A_1529, %dma_wait3A_1530] : memref<10000x128xf32, #tpu.memory_space<hbm>> -> memref<10000x128xf32, #tpu.memory_space<hbm>>
      tpu.wait_indirect_dma semaphore(%arg13 : memref<!tpu.dma_semaphore, #tpu.memory_space<semaphore_mem>>) src(%dma_wait3A_1531 : memref<10000x128xf32, #tpu.memory_space<hbm>>) dst(%arg9 : memref<80x128xf32, #tpu.memory_space<vmem>>)
      %run_scoped3A_1532 = arith.constant 9 : i32
      %run_scoped3A_1533 = arith.constant 1 : i32
      "tpu.region"() ({
        %run_scoped3A_1826 = tpu.sem_alloc : memref<!tpu.dma_semaphore, #tpu.memory_space<semaphore_mem>>
        %dma_start3A_1827 = arith.constant 0 : i32
        %dma_start3A_1828 = tpu.memref_slice %arg7[%run_scoped3A_1532, %run_scoped3A_1533, %dma_start3A_1827] : memref<15x2x80xi32, #tpu.memory_space<vmem>> -> memref<1x1x80xi32, #tpu.memory_space<vmem>>
        %dma_start3A_1829 = tpu.memref_squeeze %dma_start3A_1828 : memref<1x1x80xi32, #tpu.memory_space<vmem>> -> memref<80xi32, #tpu.memory_space<vmem>>
        %dma_start3A_1830 = arith.constant 0 : i32
        %dma_start3A_1831 = arith.constant 0 : i32
        %dma_start3A_1832 = tpu.memref_slice %arg12[%dma_start3A_1830, %dma_start3A_1831] : memref<10240x128xf32, #tpu.memory_space<vmem_shared>> -> memref<10240x128xf32, #tpu.memory_space<vmem_shared>>
        tpu.enqueue_indirect_dma source(%arg9 : memref<80x128xf32, #tpu.memory_space<vmem>>) target(%dma_start3A_1832 : memref<10240x128xf32, #tpu.memory_space<vmem_shared>>) offsets(%dma_start3A_1829 : memref<80xi32, #tpu.memory_space<vmem>>) semaphore(%run_scoped3A_1826 : memref<!tpu.dma_semaphore, #tpu.memory_space<semaphore_mem>>) {add = true}
        %dma_wait3A_1833 = arith.constant 0 : i32
        %dma_wait3A_1834 = tpu.memref_slice %arg7[%run_scoped3A_1532, %run_scoped3A_1533, %dma_wait3A_1833] : memref<15x2x80xi32, #tpu.memory_space<vmem>> -> memref<1x1x80xi32, #tpu.memory_space<vmem>>
        %dma_wait3A_1835 = tpu.memref_squeeze %dma_wait3A_1834 : memref<1x1x80xi32, #tpu.memory_space<vmem>> -> memref<80xi32, #tpu.memory_space<vmem>>
        %dma_wait3A_1836 = arith.constant 0 : i32
        %dma_wait3A_1837 = arith.constant 0 : i32
        %dma_wait3A_1838 = tpu.memref_slice %arg12[%dma_wait3A_1836, %dma_wait3A_1837] : memref<10240x128xf32, #tpu.memory_space<vmem_shared>> -> memref<10240x128xf32, #tpu.memory_space<vmem_shared>>
        tpu.wait_indirect_dma semaphore(%run_scoped3A_1826 : memref<!tpu.dma_semaphore, #tpu.memory_space<semaphore_mem>>) src(%arg9 : memref<80x128xf32, #tpu.memory_space<vmem>>) dst(%dma_wait3A_1838 : memref<10240x128xf32, #tpu.memory_space<vmem_shared>>)
        tpu.yield
      }) : () -> ()
      %dma_start3A_1534 = arith.constant 12 : i32
      %dma_start3A_1535 = arith.constant 0 : i32
      %dma_start3A_1536 = arith.constant 0 : i32
      %dma_start3A_1537 = tpu.memref_slice %arg7[%dma_start3A_1534, %dma_start3A_1535, %dma_start3A_1536] : memref<15x2x80xi32, #tpu.memory_space<vmem>> -> memref<1x1x80xi32, #tpu.memory_space<vmem>>
      %dma_start3A_1538 = tpu.memref_squeeze %dma_start3A_1537 : memref<1x1x80xi32, #tpu.memory_space<vmem>> -> memref<80xi32, #tpu.memory_space<vmem>>
      %dma_start3A_1539 = arith.constant 0 : i32
      %dma_start3A_1540 = arith.constant 0 : i32
      %dma_start3A_1541 = tpu.memref_slice %arg2[%dma_start3A_1539, %dma_start3A_1540] : memref<10000x128xf32, #tpu.memory_space<hbm>> -> memref<10000x128xf32, #tpu.memory_space<hbm>>
      tpu.enqueue_indirect_dma source(%dma_start3A_1541 : memref<10000x128xf32, #tpu.memory_space<hbm>>) target(%arg9 : memref<80x128xf32, #tpu.memory_space<vmem>>) offsets(%dma_start3A_1538 : memref<80xi32, #tpu.memory_space<vmem>>) semaphore(%arg13 : memref<!tpu.dma_semaphore, #tpu.memory_space<semaphore_mem>>)
      %get3A_1542 = arith.constant 9 : i32
      %get3A_1543 = arith.constant 1 : i32
      %get3A_1544 = arith.index_cast %get3A_1542 : i32 to index
      %get3A_1545 = arith.index_cast %get3A_1543 : i32 to index
      %get3A_1546 = arith.constant 0 : index
      %get3A_1547 = tpu.vector_load %arg7[%get3A_1544, %get3A_1545, %get3A_1546] {strides = array<i32>} : memref<15x2x80xi32, #tpu.memory_space<vmem>>, vector<16xi32>,
      tpu.vector_store_idx %arg8[%get3A_1547], %broadcast_in_dim3A_1 {add = true} : memref<10000xf32, #tpu.memory_space<vmem>>[vector<16xi32>], vector<16xf32>,
      %get3A_1548 = arith.constant 9 : i32
      %get3A_1549 = arith.constant 1 : i32
      %get3A_1550 = arith.index_cast %get3A_1548 : i32 to index
      %get3A_1551 = arith.index_cast %get3A_1549 : i32 to index
      %get3A_1552 = arith.constant 16 : index
      %get3A_1553 = tpu.vector_load %arg7[%get3A_1550, %get3A_1551, %get3A_1552] {strides = array<i32>} : memref<15x2x80xi32, #tpu.memory_space<vmem>>, vector<16xi32>,
      tpu.vector_store_idx %arg8[%get3A_1553], %broadcast_in_dim3A_1 {add = true} : memref<10000xf32, #tpu.memory_space<vmem>>[vector<16xi32>], vector<16xf32>,
      %get3A_1554 = arith.constant 9 : i32
      %get3A_1555 = arith.constant 1 : i32
      %get3A_1556 = arith.index_cast %get3A_1554 : i32 to index
      %get3A_1557 = arith.index_cast %get3A_1555 : i32 to index
      %get3A_1558 = arith.constant 32 : index
      %get3A_1559 = tpu.vector_load %arg7[%get3A_1556, %get3A_1557, %get3A_1558] {strides = array<i32>} : memref<15x2x80xi32, #tpu.memory_space<vmem>>, vector<16xi32>,
      tpu.vector_store_idx %arg8[%get3A_1559], %broadcast_in_dim3A_1 {add = true} : memref<10000xf32, #tpu.memory_space<vmem>>[vector<16xi32>], vector<16xf32>,
      %get3A_1560 = arith.constant 9 : i32
      %get3A_1561 = arith.constant 1 : i32
      %get3A_1562 = arith.index_cast %get3A_1560 : i32 to index
      %get3A_1563 = arith.index_cast %get3A_1561 : i32 to index
      %get3A_1564 = arith.constant 48 : index
      %get3A_1565 = tpu.vector_load %arg7[%get3A_1562, %get3A_1563, %get3A_1564] {strides = array<i32>} : memref<15x2x80xi32, #tpu.memory_space<vmem>>, vector<16xi32>,
      tpu.vector_store_idx %arg8[%get3A_1565], %broadcast_in_dim3A_1 {add = true} : memref<10000xf32, #tpu.memory_space<vmem>>[vector<16xi32>], vector<16xf32>,
      %get3A_1566 = arith.constant 9 : i32
      %get3A_1567 = arith.constant 1 : i32
      %get3A_1568 = arith.index_cast %get3A_1566 : i32 to index
      %get3A_1569 = arith.index_cast %get3A_1567 : i32 to index
      %get3A_1570 = arith.constant 64 : index
      %get3A_1571 = tpu.vector_load %arg7[%get3A_1568, %get3A_1569, %get3A_1570] {strides = array<i32>} : memref<15x2x80xi32, #tpu.memory_space<vmem>>, vector<16xi32>,
      tpu.vector_store_idx %arg8[%get3A_1571], %broadcast_in_dim3A_1 {add = true} : memref<10000xf32, #tpu.memory_space<vmem>>[vector<16xi32>], vector<16xf32>,
      %dma_wait3A_1572 = arith.constant 0 : i32
      %dma_wait3A_1573 = arith.constant 0 : i32
      %dma_wait3A_1574 = arith.constant 0 : i32
      %dma_wait3A_1575 = tpu.memref_slice %arg6[%dma_wait3A_1572, %dma_wait3A_1573, %dma_wait3A_1574] : memref<15x2x80xi32, #tpu.memory_space<vmem>> -> memref<1x1x80xi32, #tpu.memory_space<vmem>>
      %dma_wait3A_1576 = tpu.memref_squeeze %dma_wait3A_1575 : memref<1x1x80xi32, #tpu.memory_space<vmem>> -> memref<80xi32, #tpu.memory_space<vmem>>
      %dma_wait3A_1577 = arith.constant 0 : i32
      %dma_wait3A_1578 = arith.constant 0 : i32
      %dma_wait3A_1579 = tpu.memref_slice %arg2[%dma_wait3A_1577, %dma_wait3A_1578] : memref<10000x128xf32, #tpu.memory_space<hbm>> -> memref<10000x128xf32, #tpu.memory_space<hbm>>
      tpu.wait_indirect_dma semaphore(%arg14 : memref<!tpu.dma_semaphore, #tpu.memory_space<semaphore_mem>>) src(%dma_wait3A_1579 : memref<10000x128xf32, #tpu.memory_space<hbm>>) dst(%arg10 : memref<80x128xf32, #tpu.memory_space<vmem>>)
      %run_scoped3A_1580 = arith.constant 10 : i32
      %run_scoped3A_1581 = arith.constant 1 : i32
      "tpu.region"() ({
        %run_scoped3A_1826 = tpu.sem_alloc : memref<!tpu.dma_semaphore, #tpu.memory_space<semaphore_mem>>
        %dma_start3A_1827 = arith.constant 0 : i32
        %dma_start3A_1828 = tpu.memref_slice %arg7[%run_scoped3A_1580, %run_scoped3A_1581, %dma_start3A_1827] : memref<15x2x80xi32, #tpu.memory_space<vmem>> -> memref<1x1x80xi32, #tpu.memory_space<vmem>>
        %dma_start3A_1829 = tpu.memref_squeeze %dma_start3A_1828 : memref<1x1x80xi32, #tpu.memory_space<vmem>> -> memref<80xi32, #tpu.memory_space<vmem>>
        %dma_start3A_1830 = arith.constant 0 : i32
        %dma_start3A_1831 = arith.constant 0 : i32
        %dma_start3A_1832 = tpu.memref_slice %arg12[%dma_start3A_1830, %dma_start3A_1831] : memref<10240x128xf32, #tpu.memory_space<vmem_shared>> -> memref<10240x128xf32, #tpu.memory_space<vmem_shared>>
        tpu.enqueue_indirect_dma source(%arg10 : memref<80x128xf32, #tpu.memory_space<vmem>>) target(%dma_start3A_1832 : memref<10240x128xf32, #tpu.memory_space<vmem_shared>>) offsets(%dma_start3A_1829 : memref<80xi32, #tpu.memory_space<vmem>>) semaphore(%run_scoped3A_1826 : memref<!tpu.dma_semaphore, #tpu.memory_space<semaphore_mem>>) {add = true}
        %dma_wait3A_1833 = arith.constant 0 : i32
        %dma_wait3A_1834 = tpu.memref_slice %arg7[%run_scoped3A_1580, %run_scoped3A_1581, %dma_wait3A_1833] : memref<15x2x80xi32, #tpu.memory_space<vmem>> -> memref<1x1x80xi32, #tpu.memory_space<vmem>>
        %dma_wait3A_1835 = tpu.memref_squeeze %dma_wait3A_1834 : memref<1x1x80xi32, #tpu.memory_space<vmem>> -> memref<80xi32, #tpu.memory_space<vmem>>
        %dma_wait3A_1836 = arith.constant 0 : i32
        %dma_wait3A_1837 = arith.constant 0 : i32
        %dma_wait3A_1838 = tpu.memref_slice %arg12[%dma_wait3A_1836, %dma_wait3A_1837] : memref<10240x128xf32, #tpu.memory_space<vmem_shared>> -> memref<10240x128xf32, #tpu.memory_space<vmem_shared>>
        tpu.wait_indirect_dma semaphore(%run_scoped3A_1826 : memref<!tpu.dma_semaphore, #tpu.memory_space<semaphore_mem>>) src(%arg10 : memref<80x128xf32, #tpu.memory_space<vmem>>) dst(%dma_wait3A_1838 : memref<10240x128xf32, #tpu.memory_space<vmem_shared>>)
        tpu.yield
      }) : () -> ()
      %dma_start3A_1582 = arith.constant 13 : i32
      %dma_start3A_1583 = arith.constant 0 : i32
      %dma_start3A_1584 = arith.constant 0 : i32
      %dma_start3A_1585 = tpu.memref_slice %arg7[%dma_start3A_1582, %dma_start3A_1583, %dma_start3A_1584] : memref<15x2x80xi32, #tpu.memory_space<vmem>> -> memref<1x1x80xi32, #tpu.memory_space<vmem>>
      %dma_start3A_1586 = tpu.memref_squeeze %dma_start3A_1585 : memref<1x1x80xi32, #tpu.memory_space<vmem>> -> memref<80xi32, #tpu.memory_space<vmem>>
      %dma_start3A_1587 = arith.constant 0 : i32
      %dma_start3A_1588 = arith.constant 0 : i32
      %dma_start3A_1589 = tpu.memref_slice %arg2[%dma_start3A_1587, %dma_start3A_1588] : memref<10000x128xf32, #tpu.memory_space<hbm>> -> memref<10000x128xf32, #tpu.memory_space<hbm>>
      tpu.enqueue_indirect_dma source(%dma_start3A_1589 : memref<10000x128xf32, #tpu.memory_space<hbm>>) target(%arg10 : memref<80x128xf32, #tpu.memory_space<vmem>>) offsets(%dma_start3A_1586 : memref<80xi32, #tpu.memory_space<vmem>>) semaphore(%arg14 : memref<!tpu.dma_semaphore, #tpu.memory_space<semaphore_mem>>)
      %get3A_1590 = arith.constant 10 : i32
      %get3A_1591 = arith.constant 1 : i32
      %get3A_1592 = arith.index_cast %get3A_1590 : i32 to index
      %get3A_1593 = arith.index_cast %get3A_1591 : i32 to index
      %get3A_1594 = arith.constant 0 : index
      %get3A_1595 = tpu.vector_load %arg7[%get3A_1592, %get3A_1593, %get3A_1594] {strides = array<i32>} : memref<15x2x80xi32, #tpu.memory_space<vmem>>, vector<16xi32>,
      tpu.vector_store_idx %arg8[%get3A_1595], %broadcast_in_dim3A_1 {add = true} : memref<10000xf32, #tpu.memory_space<vmem>>[vector<16xi32>], vector<16xf32>,
      %get3A_1596 = arith.constant 10 : i32
      %get3A_1597 = arith.constant 1 : i32
      %get3A_1598 = arith.index_cast %get3A_1596 : i32 to index
      %get3A_1599 = arith.index_cast %get3A_1597 : i32 to index
      %get3A_1600 = arith.constant 16 : index
      %get3A_1601 = tpu.vector_load %arg7[%get3A_1598, %get3A_1599, %get3A_1600] {strides = array<i32>} : memref<15x2x80xi32, #tpu.memory_space<vmem>>, vector<16xi32>,
      tpu.vector_store_idx %arg8[%get3A_1601], %broadcast_in_dim3A_1 {add = true} : memref<10000xf32, #tpu.memory_space<vmem>>[vector<16xi32>], vector<16xf32>,
      %get3A_1602 = arith.constant 10 : i32
      %get3A_1603 = arith.constant 1 : i32
      %get3A_1604 = arith.index_cast %get3A_1602 : i32 to index
      %get3A_1605 = arith.index_cast %get3A_1603 : i32 to index
      %get3A_1606 = arith.constant 32 : index
      %get3A_1607 = tpu.vector_load %arg7[%get3A_1604, %get3A_1605, %get3A_1606] {strides = array<i32>} : memref<15x2x80xi32, #tpu.memory_space<vmem>>, vector<16xi32>,
      tpu.vector_store_idx %arg8[%get3A_1607], %broadcast_in_dim3A_1 {add = true} : memref<10000xf32, #tpu.memory_space<vmem>>[vector<16xi32>], vector<16xf32>,
      %get3A_1608 = arith.constant 10 : i32
      %get3A_1609 = arith.constant 1 : i32
      %get3A_1610 = arith.index_cast %get3A_1608 : i32 to index
      %get3A_1611 = arith.index_cast %get3A_1609 : i32 to index
      %get3A_1612 = arith.constant 48 : index
      %get3A_1613 = tpu.vector_load %arg7[%get3A_1610, %get3A_1611, %get3A_1612] {strides = array<i32>} : memref<15x2x80xi32, #tpu.memory_space<vmem>>, vector<16xi32>,
      tpu.vector_store_idx %arg8[%get3A_1613], %broadcast_in_dim3A_1 {add = true} : memref<10000xf32, #tpu.memory_space<vmem>>[vector<16xi32>], vector<16xf32>,
      %get3A_1614 = arith.constant 10 : i32
      %get3A_1615 = arith.constant 1 : i32
      %get3A_1616 = arith.index_cast %get3A_1614 : i32 to index
      %get3A_1617 = arith.index_cast %get3A_1615 : i32 to index
      %get3A_1618 = arith.constant 64 : index
      %get3A_1619 = tpu.vector_load %arg7[%get3A_1616, %get3A_1617, %get3A_1618] {strides = array<i32>} : memref<15x2x80xi32, #tpu.memory_space<vmem>>, vector<16xi32>,
      tpu.vector_store_idx %arg8[%get3A_1619], %broadcast_in_dim3A_1 {add = true} : memref<10000xf32, #tpu.memory_space<vmem>>[vector<16xi32>], vector<16xf32>,
      %dma_wait3A_1620 = arith.constant 0 : i32
      %dma_wait3A_1621 = arith.constant 0 : i32
      %dma_wait3A_1622 = arith.constant 0 : i32
      %dma_wait3A_1623 = tpu.memref_slice %arg6[%dma_wait3A_1620, %dma_wait3A_1621, %dma_wait3A_1622] : memref<15x2x80xi32, #tpu.memory_space<vmem>> -> memref<1x1x80xi32, #tpu.memory_space<vmem>>
      %dma_wait3A_1624 = tpu.memref_squeeze %dma_wait3A_1623 : memref<1x1x80xi32, #tpu.memory_space<vmem>> -> memref<80xi32, #tpu.memory_space<vmem>>
      %dma_wait3A_1625 = arith.constant 0 : i32
      %dma_wait3A_1626 = arith.constant 0 : i32
      %dma_wait3A_1627 = tpu.memref_slice %arg2[%dma_wait3A_1625, %dma_wait3A_1626] : memref<10000x128xf32, #tpu.memory_space<hbm>> -> memref<10000x128xf32, #tpu.memory_space<hbm>>
      tpu.wait_indirect_dma semaphore(%arg15 : memref<!tpu.dma_semaphore, #tpu.memory_space<semaphore_mem>>) src(%dma_wait3A_1627 : memref<10000x128xf32, #tpu.memory_space<hbm>>) dst(%arg11 : memref<80x128xf32, #tpu.memory_space<vmem>>)
      %run_scoped3A_1628 = arith.constant 11 : i32
      %run_scoped3A_1629 = arith.constant 1 : i32
      "tpu.region"() ({
        %run_scoped3A_1826 = tpu.sem_alloc : memref<!tpu.dma_semaphore, #tpu.memory_space<semaphore_mem>>
        %dma_start3A_1827 = arith.constant 0 : i32
        %dma_start3A_1828 = tpu.memref_slice %arg7[%run_scoped3A_1628, %run_scoped3A_1629, %dma_start3A_1827] : memref<15x2x80xi32, #tpu.memory_space<vmem>> -> memref<1x1x80xi32, #tpu.memory_space<vmem>>
        %dma_start3A_1829 = tpu.memref_squeeze %dma_start3A_1828 : memref<1x1x80xi32, #tpu.memory_space<vmem>> -> memref<80xi32, #tpu.memory_space<vmem>>
        %dma_start3A_1830 = arith.constant 0 : i32
        %dma_start3A_1831 = arith.constant 0 : i32
        %dma_start3A_1832 = tpu.memref_slice %arg12[%dma_start3A_1830, %dma_start3A_1831] : memref<10240x128xf32, #tpu.memory_space<vmem_shared>> -> memref<10240x128xf32, #tpu.memory_space<vmem_shared>>
        tpu.enqueue_indirect_dma source(%arg11 : memref<80x128xf32, #tpu.memory_space<vmem>>) target(%dma_start3A_1832 : memref<10240x128xf32, #tpu.memory_space<vmem_shared>>) offsets(%dma_start3A_1829 : memref<80xi32, #tpu.memory_space<vmem>>) semaphore(%run_scoped3A_1826 : memref<!tpu.dma_semaphore, #tpu.memory_space<semaphore_mem>>) {add = true}
        %dma_wait3A_1833 = arith.constant 0 : i32
        %dma_wait3A_1834 = tpu.memref_slice %arg7[%run_scoped3A_1628, %run_scoped3A_1629, %dma_wait3A_1833] : memref<15x2x80xi32, #tpu.memory_space<vmem>> -> memref<1x1x80xi32, #tpu.memory_space<vmem>>
        %dma_wait3A_1835 = tpu.memref_squeeze %dma_wait3A_1834 : memref<1x1x80xi32, #tpu.memory_space<vmem>> -> memref<80xi32, #tpu.memory_space<vmem>>
        %dma_wait3A_1836 = arith.constant 0 : i32
        %dma_wait3A_1837 = arith.constant 0 : i32
        %dma_wait3A_1838 = tpu.memref_slice %arg12[%dma_wait3A_1836, %dma_wait3A_1837] : memref<10240x128xf32, #tpu.memory_space<vmem_shared>> -> memref<10240x128xf32, #tpu.memory_space<vmem_shared>>
        tpu.wait_indirect_dma semaphore(%run_scoped3A_1826 : memref<!tpu.dma_semaphore, #tpu.memory_space<semaphore_mem>>) src(%arg11 : memref<80x128xf32, #tpu.memory_space<vmem>>) dst(%dma_wait3A_1838 : memref<10240x128xf32, #tpu.memory_space<vmem_shared>>)
        tpu.yield
      }) : () -> ()
      %dma_start3A_1630 = arith.constant 14 : i32
      %dma_start3A_1631 = arith.constant 0 : i32
      %dma_start3A_1632 = arith.constant 0 : i32
      %dma_start3A_1633 = tpu.memref_slice %arg7[%dma_start3A_1630, %dma_start3A_1631, %dma_start3A_1632] : memref<15x2x80xi32, #tpu.memory_space<vmem>> -> memref<1x1x80xi32, #tpu.memory_space<vmem>>
      %dma_start3A_1634 = tpu.memref_squeeze %dma_start3A_1633 : memref<1x1x80xi32, #tpu.memory_space<vmem>> -> memref<80xi32, #tpu.memory_space<vmem>>
      %dma_start3A_1635 = arith.constant 0 : i32
      %dma_start3A_1636 = arith.constant 0 : i32
      %dma_start3A_1637 = tpu.memref_slice %arg2[%dma_start3A_1635, %dma_start3A_1636] : memref<10000x128xf32, #tpu.memory_space<hbm>> -> memref<10000x128xf32, #tpu.memory_space<hbm>>
      tpu.enqueue_indirect_dma source(%dma_start3A_1637 : memref<10000x128xf32, #tpu.memory_space<hbm>>) target(%arg11 : memref<80x128xf32, #tpu.memory_space<vmem>>) offsets(%dma_start3A_1634 : memref<80xi32, #tpu.memory_space<vmem>>) semaphore(%arg15 : memref<!tpu.dma_semaphore, #tpu.memory_space<semaphore_mem>>)
      %get3A_1638 = arith.constant 11 : i32
      %get3A_1639 = arith.constant 1 : i32
      %get3A_1640 = arith.index_cast %get3A_1638 : i32 to index
      %get3A_1641 = arith.index_cast %get3A_1639 : i32 to index
      %get3A_1642 = arith.constant 0 : index
      %get3A_1643 = tpu.vector_load %arg7[%get3A_1640, %get3A_1641, %get3A_1642] {strides = array<i32>} : memref<15x2x80xi32, #tpu.memory_space<vmem>>, vector<16xi32>,
      tpu.vector_store_idx %arg8[%get3A_1643], %broadcast_in_dim3A_1 {add = true} : memref<10000xf32, #tpu.memory_space<vmem>>[vector<16xi32>], vector<16xf32>,
      %get3A_1644 = arith.constant 11 : i32
      %get3A_1645 = arith.constant 1 : i32
      %get3A_1646 = arith.index_cast %get3A_1644 : i32 to index
      %get3A_1647 = arith.index_cast %get3A_1645 : i32 to index
      %get3A_1648 = arith.constant 16 : index
      %get3A_1649 = tpu.vector_load %arg7[%get3A_1646, %get3A_1647, %get3A_1648] {strides = array<i32>} : memref<15x2x80xi32, #tpu.memory_space<vmem>>, vector<16xi32>,
      tpu.vector_store_idx %arg8[%get3A_1649], %broadcast_in_dim3A_1 {add = true} : memref<10000xf32, #tpu.memory_space<vmem>>[vector<16xi32>], vector<16xf32>,
      %get3A_1650 = arith.constant 11 : i32
      %get3A_1651 = arith.constant 1 : i32
      %get3A_1652 = arith.index_cast %get3A_1650 : i32 to index
      %get3A_1653 = arith.index_cast %get3A_1651 : i32 to index
      %get3A_1654 = arith.constant 32 : index
      %get3A_1655 = tpu.vector_load %arg7[%get3A_1652, %get3A_1653, %get3A_1654] {strides = array<i32>} : memref<15x2x80xi32, #tpu.memory_space<vmem>>, vector<16xi32>,
      tpu.vector_store_idx %arg8[%get3A_1655], %broadcast_in_dim3A_1 {add = true} : memref<10000xf32, #tpu.memory_space<vmem>>[vector<16xi32>], vector<16xf32>,
      %get3A_1656 = arith.constant 11 : i32
      %get3A_1657 = arith.constant 1 : i32
      %get3A_1658 = arith.index_cast %get3A_1656 : i32 to index
      %get3A_1659 = arith.index_cast %get3A_1657 : i32 to index
      %get3A_1660 = arith.constant 48 : index
      %get3A_1661 = tpu.vector_load %arg7[%get3A_1658, %get3A_1659, %get3A_1660] {strides = array<i32>} : memref<15x2x80xi32, #tpu.memory_space<vmem>>, vector<16xi32>,
      tpu.vector_store_idx %arg8[%get3A_1661], %broadcast_in_dim3A_1 {add = true} : memref<10000xf32, #tpu.memory_space<vmem>>[vector<16xi32>], vector<16xf32>,
      %get3A_1662 = arith.constant 11 : i32
      %get3A_1663 = arith.constant 1 : i32
      %get3A_1664 = arith.index_cast %get3A_1662 : i32 to index
      %get3A_1665 = arith.index_cast %get3A_1663 : i32 to index
      %get3A_1666 = arith.constant 64 : index
      %get3A_1667 = tpu.vector_load %arg7[%get3A_1664, %get3A_1665, %get3A_1666] {strides = array<i32>} : memref<15x2x80xi32, #tpu.memory_space<vmem>>, vector<16xi32>,
      tpu.vector_store_idx %arg8[%get3A_1667], %broadcast_in_dim3A_1 {add = true} : memref<10000xf32, #tpu.memory_space<vmem>>[vector<16xi32>], vector<16xf32>,
      %dma_wait3A_1668 = arith.constant 0 : i32
      %dma_wait3A_1669 = arith.constant 0 : i32
      %dma_wait3A_1670 = arith.constant 0 : i32
      %dma_wait3A_1671 = tpu.memref_slice %arg6[%dma_wait3A_1668, %dma_wait3A_1669, %dma_wait3A_1670] : memref<15x2x80xi32, #tpu.memory_space<vmem>> -> memref<1x1x80xi32, #tpu.memory_space<vmem>>
      %dma_wait3A_1672 = tpu.memref_squeeze %dma_wait3A_1671 : memref<1x1x80xi32, #tpu.memory_space<vmem>> -> memref<80xi32, #tpu.memory_space<vmem>>
      %dma_wait3A_1673 = arith.constant 0 : i32
      %dma_wait3A_1674 = arith.constant 0 : i32
      %dma_wait3A_1675 = tpu.memref_slice %arg2[%dma_wait3A_1673, %dma_wait3A_1674] : memref<10000x128xf32, #tpu.memory_space<hbm>> -> memref<10000x128xf32, #tpu.memory_space<hbm>>
      tpu.wait_indirect_dma semaphore(%arg13 : memref<!tpu.dma_semaphore, #tpu.memory_space<semaphore_mem>>) src(%dma_wait3A_1675 : memref<10000x128xf32, #tpu.memory_space<hbm>>) dst(%arg9 : memref<80x128xf32, #tpu.memory_space<vmem>>)
      %run_scoped3A_1676 = arith.constant 12 : i32
      %run_scoped3A_1677 = arith.constant 1 : i32
      "tpu.region"() ({
        %run_scoped3A_1826 = tpu.sem_alloc : memref<!tpu.dma_semaphore, #tpu.memory_space<semaphore_mem>>
        %dma_start3A_1827 = arith.constant 0 : i32
        %dma_start3A_1828 = tpu.memref_slice %arg7[%run_scoped3A_1676, %run_scoped3A_1677, %dma_start3A_1827] : memref<15x2x80xi32, #tpu.memory_space<vmem>> -> memref<1x1x80xi32, #tpu.memory_space<vmem>>
        %dma_start3A_1829 = tpu.memref_squeeze %dma_start3A_1828 : memref<1x1x80xi32, #tpu.memory_space<vmem>> -> memref<80xi32, #tpu.memory_space<vmem>>
        %dma_start3A_1830 = arith.constant 0 : i32
        %dma_start3A_1831 = arith.constant 0 : i32
        %dma_start3A_1832 = tpu.memref_slice %arg12[%dma_start3A_1830, %dma_start3A_1831] : memref<10240x128xf32, #tpu.memory_space<vmem_shared>> -> memref<10240x128xf32, #tpu.memory_space<vmem_shared>>
        tpu.enqueue_indirect_dma source(%arg9 : memref<80x128xf32, #tpu.memory_space<vmem>>) target(%dma_start3A_1832 : memref<10240x128xf32, #tpu.memory_space<vmem_shared>>) offsets(%dma_start3A_1829 : memref<80xi32, #tpu.memory_space<vmem>>) semaphore(%run_scoped3A_1826 : memref<!tpu.dma_semaphore, #tpu.memory_space<semaphore_mem>>) {add = true}
        %dma_wait3A_1833 = arith.constant 0 : i32
        %dma_wait3A_1834 = tpu.memref_slice %arg7[%run_scoped3A_1676, %run_scoped3A_1677, %dma_wait3A_1833] : memref<15x2x80xi32, #tpu.memory_space<vmem>> -> memref<1x1x80xi32, #tpu.memory_space<vmem>>
        %dma_wait3A_1835 = tpu.memref_squeeze %dma_wait3A_1834 : memref<1x1x80xi32, #tpu.memory_space<vmem>> -> memref<80xi32, #tpu.memory_space<vmem>>
        %dma_wait3A_1836 = arith.constant 0 : i32
        %dma_wait3A_1837 = arith.constant 0 : i32
        %dma_wait3A_1838 = tpu.memref_slice %arg12[%dma_wait3A_1836, %dma_wait3A_1837] : memref<10240x128xf32, #tpu.memory_space<vmem_shared>> -> memref<10240x128xf32, #tpu.memory_space<vmem_shared>>
        tpu.wait_indirect_dma semaphore(%run_scoped3A_1826 : memref<!tpu.dma_semaphore, #tpu.memory_space<semaphore_mem>>) src(%arg9 : memref<80x128xf32, #tpu.memory_space<vmem>>) dst(%dma_wait3A_1838 : memref<10240x128xf32, #tpu.memory_space<vmem_shared>>)
        tpu.yield
      }) : () -> ()
      %dma_start3A_1678 = arith.constant 0 : i32
      %dma_start3A_1679 = arith.constant 0 : i32
      %dma_start3A_1680 = arith.constant 0 : i32
      %dma_start3A_1681 = tpu.memref_slice %arg6[%dma_start3A_1678, %dma_start3A_1679, %dma_start3A_1680] : memref<15x2x80xi32, #tpu.memory_space<vmem>> -> memref<1x1x80xi32, #tpu.memory_space<vmem>>
      %dma_start3A_1682 = tpu.memref_squeeze %dma_start3A_1681 : memref<1x1x80xi32, #tpu.memory_space<vmem>> -> memref<80xi32, #tpu.memory_space<vmem>>
      %dma_start3A_1683 = arith.constant 0 : i32
      %dma_start3A_1684 = arith.constant 0 : i32
      %dma_start3A_1685 = tpu.memref_slice %arg2[%dma_start3A_1683, %dma_start3A_1684] : memref<10000x128xf32, #tpu.memory_space<hbm>> -> memref<10000x128xf32, #tpu.memory_space<hbm>>
      tpu.enqueue_indirect_dma source(%dma_start3A_1685 : memref<10000x128xf32, #tpu.memory_space<hbm>>) target(%arg9 : memref<80x128xf32, #tpu.memory_space<vmem>>) offsets(%dma_start3A_1682 : memref<80xi32, #tpu.memory_space<vmem>>) semaphore(%arg13 : memref<!tpu.dma_semaphore, #tpu.memory_space<semaphore_mem>>)
      %get3A_1686 = arith.constant 12 : i32
      %get3A_1687 = arith.constant 1 : i32
      %get3A_1688 = arith.index_cast %get3A_1686 : i32 to index
      %get3A_1689 = arith.index_cast %get3A_1687 : i32 to index
      %get3A_1690 = arith.constant 0 : index
      %get3A_1691 = tpu.vector_load %arg7[%get3A_1688, %get3A_1689, %get3A_1690] {strides = array<i32>} : memref<15x2x80xi32, #tpu.memory_space<vmem>>, vector<16xi32>,
      tpu.vector_store_idx %arg8[%get3A_1691], %broadcast_in_dim3A_1 {add = true} : memref<10000xf32, #tpu.memory_space<vmem>>[vector<16xi32>], vector<16xf32>,
      %get3A_1692 = arith.constant 12 : i32
      %get3A_1693 = arith.constant 1 : i32
      %get3A_1694 = arith.index_cast %get3A_1692 : i32 to index
      %get3A_1695 = arith.index_cast %get3A_1693 : i32 to index
      %get3A_1696 = arith.constant 16 : index
      %get3A_1697 = tpu.vector_load %arg7[%get3A_1694, %get3A_1695, %get3A_1696] {strides = array<i32>} : memref<15x2x80xi32, #tpu.memory_space<vmem>>, vector<16xi32>,
      tpu.vector_store_idx %arg8[%get3A_1697], %broadcast_in_dim3A_1 {add = true} : memref<10000xf32, #tpu.memory_space<vmem>>[vector<16xi32>], vector<16xf32>,
      %get3A_1698 = arith.constant 12 : i32
      %get3A_1699 = arith.constant 1 : i32
      %get3A_1700 = arith.index_cast %get3A_1698 : i32 to index
      %get3A_1701 = arith.index_cast %get3A_1699 : i32 to index
      %get3A_1702 = arith.constant 32 : index
      %get3A_1703 = tpu.vector_load %arg7[%get3A_1700, %get3A_1701, %get3A_1702] {strides = array<i32>} : memref<15x2x80xi32, #tpu.memory_space<vmem>>, vector<16xi32>,
      tpu.vector_store_idx %arg8[%get3A_1703], %broadcast_in_dim3A_1 {add = true} : memref<10000xf32, #tpu.memory_space<vmem>>[vector<16xi32>], vector<16xf32>,
      %get3A_1704 = arith.constant 12 : i32
      %get3A_1705 = arith.constant 1 : i32
      %get3A_1706 = arith.index_cast %get3A_1704 : i32 to index
      %get3A_1707 = arith.index_cast %get3A_1705 : i32 to index
      %get3A_1708 = arith.constant 48 : index
      %get3A_1709 = tpu.vector_load %arg7[%get3A_1706, %get3A_1707, %get3A_1708] {strides = array<i32>} : memref<15x2x80xi32, #tpu.memory_space<vmem>>, vector<16xi32>,
      tpu.vector_store_idx %arg8[%get3A_1709], %broadcast_in_dim3A_1 {add = true} : memref<10000xf32, #tpu.memory_space<vmem>>[vector<16xi32>], vector<16xf32>,
      %get3A_1710 = arith.constant 12 : i32
      %get3A_1711 = arith.constant 1 : i32
      %get3A_1712 = arith.index_cast %get3A_1710 : i32 to index
      %get3A_1713 = arith.index_cast %get3A_1711 : i32 to index
      %get3A_1714 = arith.constant 64 : index
      %get3A_1715 = tpu.vector_load %arg7[%get3A_1712, %get3A_1713, %get3A_1714] {strides = array<i32>} : memref<15x2x80xi32, #tpu.memory_space<vmem>>, vector<16xi32>,
      tpu.vector_store_idx %arg8[%get3A_1715], %broadcast_in_dim3A_1 {add = true} : memref<10000xf32, #tpu.memory_space<vmem>>[vector<16xi32>], vector<16xf32>,
      %dma_wait3A_1716 = arith.constant 0 : i32
      %dma_wait3A_1717 = arith.constant 0 : i32
      %dma_wait3A_1718 = arith.constant 0 : i32
      %dma_wait3A_1719 = tpu.memref_slice %arg6[%dma_wait3A_1716, %dma_wait3A_1717, %dma_wait3A_1718] : memref<15x2x80xi32, #tpu.memory_space<vmem>> -> memref<1x1x80xi32, #tpu.memory_space<vmem>>
      %dma_wait3A_1720 = tpu.memref_squeeze %dma_wait3A_1719 : memref<1x1x80xi32, #tpu.memory_space<vmem>> -> memref<80xi32, #tpu.memory_space<vmem>>
      %dma_wait3A_1721 = arith.constant 0 : i32
      %dma_wait3A_1722 = arith.constant 0 : i32
      %dma_wait3A_1723 = tpu.memref_slice %arg2[%dma_wait3A_1721, %dma_wait3A_1722] : memref<10000x128xf32, #tpu.memory_space<hbm>> -> memref<10000x128xf32, #tpu.memory_space<hbm>>
      tpu.wait_indirect_dma semaphore(%arg14 : memref<!tpu.dma_semaphore, #tpu.memory_space<semaphore_mem>>) src(%dma_wait3A_1723 : memref<10000x128xf32, #tpu.memory_space<hbm>>) dst(%arg10 : memref<80x128xf32, #tpu.memory_space<vmem>>)
      %run_scoped3A_1724 = arith.constant 13 : i32
      %run_scoped3A_1725 = arith.constant 1 : i32
      "tpu.region"() ({
        %run_scoped3A_1826 = tpu.sem_alloc : memref<!tpu.dma_semaphore, #tpu.memory_space<semaphore_mem>>
        %dma_start3A_1827 = arith.constant 0 : i32
        %dma_start3A_1828 = tpu.memref_slice %arg7[%run_scoped3A_1724, %run_scoped3A_1725, %dma_start3A_1827] : memref<15x2x80xi32, #tpu.memory_space<vmem>> -> memref<1x1x80xi32, #tpu.memory_space<vmem>>
        %dma_start3A_1829 = tpu.memref_squeeze %dma_start3A_1828 : memref<1x1x80xi32, #tpu.memory_space<vmem>> -> memref<80xi32, #tpu.memory_space<vmem>>
        %dma_start3A_1830 = arith.constant 0 : i32
        %dma_start3A_1831 = arith.constant 0 : i32
        %dma_start3A_1832 = tpu.memref_slice %arg12[%dma_start3A_1830, %dma_start3A_1831] : memref<10240x128xf32, #tpu.memory_space<vmem_shared>> -> memref<10240x128xf32, #tpu.memory_space<vmem_shared>>
        tpu.enqueue_indirect_dma source(%arg10 : memref<80x128xf32, #tpu.memory_space<vmem>>) target(%dma_start3A_1832 : memref<10240x128xf32, #tpu.memory_space<vmem_shared>>) offsets(%dma_start3A_1829 : memref<80xi32, #tpu.memory_space<vmem>>) semaphore(%run_scoped3A_1826 : memref<!tpu.dma_semaphore, #tpu.memory_space<semaphore_mem>>) {add = true}
        %dma_wait3A_1833 = arith.constant 0 : i32
        %dma_wait3A_1834 = tpu.memref_slice %arg7[%run_scoped3A_1724, %run_scoped3A_1725, %dma_wait3A_1833] : memref<15x2x80xi32, #tpu.memory_space<vmem>> -> memref<1x1x80xi32, #tpu.memory_space<vmem>>
        %dma_wait3A_1835 = tpu.memref_squeeze %dma_wait3A_1834 : memref<1x1x80xi32, #tpu.memory_space<vmem>> -> memref<80xi32, #tpu.memory_space<vmem>>
        %dma_wait3A_1836 = arith.constant 0 : i32
        %dma_wait3A_1837 = arith.constant 0 : i32
        %dma_wait3A_1838 = tpu.memref_slice %arg12[%dma_wait3A_1836, %dma_wait3A_1837] : memref<10240x128xf32, #tpu.memory_space<vmem_shared>> -> memref<10240x128xf32, #tpu.memory_space<vmem_shared>>
        tpu.wait_indirect_dma semaphore(%run_scoped3A_1826 : memref<!tpu.dma_semaphore, #tpu.memory_space<semaphore_mem>>) src(%arg10 : memref<80x128xf32, #tpu.memory_space<vmem>>) dst(%dma_wait3A_1838 : memref<10240x128xf32, #tpu.memory_space<vmem_shared>>)
        tpu.yield
      }) : () -> ()
      %dma_start3A_1726 = arith.constant 1 : i32
      %dma_start3A_1727 = arith.constant 0 : i32
      %dma_start3A_1728 = arith.constant 0 : i32
      %dma_start3A_1729 = tpu.memref_slice %arg6[%dma_start3A_1726, %dma_start3A_1727, %dma_start3A_1728] : memref<15x2x80xi32, #tpu.memory_space<vmem>> -> memref<1x1x80xi32, #tpu.memory_space<vmem>>
      %dma_start3A_1730 = tpu.memref_squeeze %dma_start3A_1729 : memref<1x1x80xi32, #tpu.memory_space<vmem>> -> memref<80xi32, #tpu.memory_space<vmem>>
      %dma_start3A_1731 = arith.constant 0 : i32
      %dma_start3A_1732 = arith.constant 0 : i32
      %dma_start3A_1733 = tpu.memref_slice %arg2[%dma_start3A_1731, %dma_start3A_1732] : memref<10000x128xf32, #tpu.memory_space<hbm>> -> memref<10000x128xf32, #tpu.memory_space<hbm>>
      tpu.enqueue_indirect_dma source(%dma_start3A_1733 : memref<10000x128xf32, #tpu.memory_space<hbm>>) target(%arg10 : memref<80x128xf32, #tpu.memory_space<vmem>>) offsets(%dma_start3A_1730 : memref<80xi32, #tpu.memory_space<vmem>>) semaphore(%arg14 : memref<!tpu.dma_semaphore, #tpu.memory_space<semaphore_mem>>)
      %get3A_1734 = arith.constant 13 : i32
      %get3A_1735 = arith.constant 1 : i32
      %get3A_1736 = arith.index_cast %get3A_1734 : i32 to index
      %get3A_1737 = arith.index_cast %get3A_1735 : i32 to index
      %get3A_1738 = arith.constant 0 : index
      %get3A_1739 = tpu.vector_load %arg7[%get3A_1736, %get3A_1737, %get3A_1738] {strides = array<i32>} : memref<15x2x80xi32, #tpu.memory_space<vmem>>, vector<16xi32>,
      tpu.vector_store_idx %arg8[%get3A_1739], %broadcast_in_dim3A_1 {add = true} : memref<10000xf32, #tpu.memory_space<vmem>>[vector<16xi32>], vector<16xf32>,
      %get3A_1740 = arith.constant 13 : i32
      %get3A_1741 = arith.constant 1 : i32
      %get3A_1742 = arith.index_cast %get3A_1740 : i32 to index
      %get3A_1743 = arith.index_cast %get3A_1741 : i32 to index
      %get3A_1744 = arith.constant 16 : index
      %get3A_1745 = tpu.vector_load %arg7[%get3A_1742, %get3A_1743, %get3A_1744] {strides = array<i32>} : memref<15x2x80xi32, #tpu.memory_space<vmem>>, vector<16xi32>,
      tpu.vector_store_idx %arg8[%get3A_1745], %broadcast_in_dim3A_1 {add = true} : memref<10000xf32, #tpu.memory_space<vmem>>[vector<16xi32>], vector<16xf32>,
      %get3A_1746 = arith.constant 13 : i32
      %get3A_1747 = arith.constant 1 : i32
      %get3A_1748 = arith.index_cast %get3A_1746 : i32 to index
      %get3A_1749 = arith.index_cast %get3A_1747 : i32 to index
      %get3A_1750 = arith.constant 32 : index
      %get3A_1751 = tpu.vector_load %arg7[%get3A_1748, %get3A_1749, %get3A_1750] {strides = array<i32>} : memref<15x2x80xi32, #tpu.memory_space<vmem>>, vector<16xi32>,
      tpu.vector_store_idx %arg8[%get3A_1751], %broadcast_in_dim3A_1 {add = true} : memref<10000xf32, #tpu.memory_space<vmem>>[vector<16xi32>], vector<16xf32>,
      %get3A_1752 = arith.constant 13 : i32
      %get3A_1753 = arith.constant 1 : i32
      %get3A_1754 = arith.index_cast %get3A_1752 : i32 to index
      %get3A_1755 = arith.index_cast %get3A_1753 : i32 to index
      %get3A_1756 = arith.constant 48 : index
      %get3A_1757 = tpu.vector_load %arg7[%get3A_1754, %get3A_1755, %get3A_1756] {strides = array<i32>} : memref<15x2x80xi32, #tpu.memory_space<vmem>>, vector<16xi32>,
      tpu.vector_store_idx %arg8[%get3A_1757], %broadcast_in_dim3A_1 {add = true} : memref<10000xf32, #tpu.memory_space<vmem>>[vector<16xi32>], vector<16xf32>,
      %get3A_1758 = arith.constant 13 : i32
      %get3A_1759 = arith.constant 1 : i32
      %get3A_1760 = arith.index_cast %get3A_1758 : i32 to index
      %get3A_1761 = arith.index_cast %get3A_1759 : i32 to index
      %get3A_1762 = arith.constant 64 : index
      %get3A_1763 = tpu.vector_load %arg7[%get3A_1760, %get3A_1761, %get3A_1762] {strides = array<i32>} : memref<15x2x80xi32, #tpu.memory_space<vmem>>, vector<16xi32>,
      tpu.vector_store_idx %arg8[%get3A_1763], %broadcast_in_dim3A_1 {add = true} : memref<10000xf32, #tpu.memory_space<vmem>>[vector<16xi32>], vector<16xf32>,
      %dma_wait3A_1764 = arith.constant 0 : i32
      %dma_wait3A_1765 = arith.constant 0 : i32
      %dma_wait3A_1766 = arith.constant 0 : i32
      %dma_wait3A_1767 = tpu.memref_slice %arg6[%dma_wait3A_1764, %dma_wait3A_1765, %dma_wait3A_1766] : memref<15x2x80xi32, #tpu.memory_space<vmem>> -> memref<1x1x80xi32, #tpu.memory_space<vmem>>
      %dma_wait3A_1768 = tpu.memref_squeeze %dma_wait3A_1767 : memref<1x1x80xi32, #tpu.memory_space<vmem>> -> memref<80xi32, #tpu.memory_space<vmem>>
      %dma_wait3A_1769 = arith.constant 0 : i32
      %dma_wait3A_1770 = arith.constant 0 : i32
      %dma_wait3A_1771 = tpu.memref_slice %arg2[%dma_wait3A_1769, %dma_wait3A_1770] : memref<10000x128xf32, #tpu.memory_space<hbm>> -> memref<10000x128xf32, #tpu.memory_space<hbm>>
      tpu.wait_indirect_dma semaphore(%arg15 : memref<!tpu.dma_semaphore, #tpu.memory_space<semaphore_mem>>) src(%dma_wait3A_1771 : memref<10000x128xf32, #tpu.memory_space<hbm>>) dst(%arg11 : memref<80x128xf32, #tpu.memory_space<vmem>>)
      %run_scoped3A_1772 = arith.constant 14 : i32
      %run_scoped3A_1773 = arith.constant 1 : i32
      "tpu.region"() ({
        %run_scoped3A_1826 = tpu.sem_alloc : memref<!tpu.dma_semaphore, #tpu.memory_space<semaphore_mem>>
        %dma_start3A_1827 = arith.constant 0 : i32
        %dma_start3A_1828 = tpu.memref_slice %arg7[%run_scoped3A_1772, %run_scoped3A_1773, %dma_start3A_1827] : memref<15x2x80xi32, #tpu.memory_space<vmem>> -> memref<1x1x80xi32, #tpu.memory_space<vmem>>
        %dma_start3A_1829 = tpu.memref_squeeze %dma_start3A_1828 : memref<1x1x80xi32, #tpu.memory_space<vmem>> -> memref<80xi32, #tpu.memory_space<vmem>>
        %dma_start3A_1830 = arith.constant 0 : i32
        %dma_start3A_1831 = arith.constant 0 : i32
        %dma_start3A_1832 = tpu.memref_slice %arg12[%dma_start3A_1830, %dma_start3A_1831] : memref<10240x128xf32, #tpu.memory_space<vmem_shared>> -> memref<10240x128xf32, #tpu.memory_space<vmem_shared>>
        tpu.enqueue_indirect_dma source(%arg11 : memref<80x128xf32, #tpu.memory_space<vmem>>) target(%dma_start3A_1832 : memref<10240x128xf32, #tpu.memory_space<vmem_shared>>) offsets(%dma_start3A_1829 : memref<80xi32, #tpu.memory_space<vmem>>) semaphore(%run_scoped3A_1826 : memref<!tpu.dma_semaphore, #tpu.memory_space<semaphore_mem>>) {add = true}
        %dma_wait3A_1833 = arith.constant 0 : i32
        %dma_wait3A_1834 = tpu.memref_slice %arg7[%run_scoped3A_1772, %run_scoped3A_1773, %dma_wait3A_1833] : memref<15x2x80xi32, #tpu.memory_space<vmem>> -> memref<1x1x80xi32, #tpu.memory_space<vmem>>
        %dma_wait3A_1835 = tpu.memref_squeeze %dma_wait3A_1834 : memref<1x1x80xi32, #tpu.memory_space<vmem>> -> memref<80xi32, #tpu.memory_space<vmem>>
        %dma_wait3A_1836 = arith.constant 0 : i32
        %dma_wait3A_1837 = arith.constant 0 : i32
        %dma_wait3A_1838 = tpu.memref_slice %arg12[%dma_wait3A_1836, %dma_wait3A_1837] : memref<10240x128xf32, #tpu.memory_space<vmem_shared>> -> memref<10240x128xf32, #tpu.memory_space<vmem_shared>>
        tpu.wait_indirect_dma semaphore(%run_scoped3A_1826 : memref<!tpu.dma_semaphore, #tpu.memory_space<semaphore_mem>>) src(%arg11 : memref<80x128xf32, #tpu.memory_space<vmem>>) dst(%dma_wait3A_1838 : memref<10240x128xf32, #tpu.memory_space<vmem_shared>>)
        tpu.yield
      }) : () -> ()
      %dma_start3A_1774 = arith.constant 2 : i32
      %dma_start3A_1775 = arith.constant 0 : i32
      %dma_start3A_1776 = arith.constant 0 : i32
      %dma_start3A_1777 = tpu.memref_slice %arg6[%dma_start3A_1774, %dma_start3A_1775, %dma_start3A_1776] : memref<15x2x80xi32, #tpu.memory_space<vmem>> -> memref<1x1x80xi32, #tpu.memory_space<vmem>>
      %dma_start3A_1778 = tpu.memref_squeeze %dma_start3A_1777 : memref<1x1x80xi32, #tpu.memory_space<vmem>> -> memref<80xi32, #tpu.memory_space<vmem>>
      %dma_start3A_1779 = arith.constant 0 : i32
      %dma_start3A_1780 = arith.constant 0 : i32
      %dma_start3A_1781 = tpu.memref_slice %arg2[%dma_start3A_1779, %dma_start3A_1780] : memref<10000x128xf32, #tpu.memory_space<hbm>> -> memref<10000x128xf32, #tpu.memory_space<hbm>>
      tpu.enqueue_indirect_dma source(%dma_start3A_1781 : memref<10000x128xf32, #tpu.memory_space<hbm>>) target(%arg11 : memref<80x128xf32, #tpu.memory_space<vmem>>) offsets(%dma_start3A_1778 : memref<80xi32, #tpu.memory_space<vmem>>) semaphore(%arg15 : memref<!tpu.dma_semaphore, #tpu.memory_space<semaphore_mem>>)
      %get3A_1782 = arith.constant 14 : i32
      %get3A_1783 = arith.constant 1 : i32
      %get3A_1784 = arith.index_cast %get3A_1782 : i32 to index
      %get3A_1785 = arith.index_cast %get3A_1783 : i32 to index
      %get3A_1786 = arith.constant 0 : index
      %get3A_1787 = tpu.vector_load %arg7[%get3A_1784, %get3A_1785, %get3A_1786] {strides = array<i32>} : memref<15x2x80xi32, #tpu.memory_space<vmem>>, vector<16xi32>,
      tpu.vector_store_idx %arg8[%get3A_1787], %broadcast_in_dim3A_1 {add = true} : memref<10000xf32, #tpu.memory_space<vmem>>[vector<16xi32>], vector<16xf32>,
      %get3A_1788 = arith.constant 14 : i32
      %get3A_1789 = arith.constant 1 : i32
      %get3A_1790 = arith.index_cast %get3A_1788 : i32 to index
      %get3A_1791 = arith.index_cast %get3A_1789 : i32 to index
      %get3A_1792 = arith.constant 16 : index
      %get3A_1793 = tpu.vector_load %arg7[%get3A_1790, %get3A_1791, %get3A_1792] {strides = array<i32>} : memref<15x2x80xi32, #tpu.memory_space<vmem>>, vector<16xi32>,
      tpu.vector_store_idx %arg8[%get3A_1793], %broadcast_in_dim3A_1 {add = true} : memref<10000xf32, #tpu.memory_space<vmem>>[vector<16xi32>], vector<16xf32>,
      %get3A_1794 = arith.constant 14 : i32
      %get3A_1795 = arith.constant 1 : i32
      %get3A_1796 = arith.index_cast %get3A_1794 : i32 to index
      %get3A_1797 = arith.index_cast %get3A_1795 : i32 to index
      %get3A_1798 = arith.constant 32 : index
      %get3A_1799 = tpu.vector_load %arg7[%get3A_1796, %get3A_1797, %get3A_1798] {strides = array<i32>} : memref<15x2x80xi32, #tpu.memory_space<vmem>>, vector<16xi32>,
      tpu.vector_store_idx %arg8[%get3A_1799], %broadcast_in_dim3A_1 {add = true} : memref<10000xf32, #tpu.memory_space<vmem>>[vector<16xi32>], vector<16xf32>,
      %get3A_1800 = arith.constant 14 : i32
      %get3A_1801 = arith.constant 1 : i32
      %get3A_1802 = arith.index_cast %get3A_1800 : i32 to index
      %get3A_1803 = arith.index_cast %get3A_1801 : i32 to index
      %get3A_1804 = arith.constant 48 : index
      %get3A_1805 = tpu.vector_load %arg7[%get3A_1802, %get3A_1803, %get3A_1804] {strides = array<i32>} : memref<15x2x80xi32, #tpu.memory_space<vmem>>, vector<16xi32>,
      tpu.vector_store_idx %arg8[%get3A_1805], %broadcast_in_dim3A_1 {add = true} : memref<10000xf32, #tpu.memory_space<vmem>>[vector<16xi32>], vector<16xf32>,
      %get3A_1806 = arith.constant 14 : i32
      %get3A_1807 = arith.constant 1 : i32
      %get3A_1808 = arith.index_cast %get3A_1806 : i32 to index
      %get3A_1809 = arith.index_cast %get3A_1807 : i32 to index
      %get3A_1810 = arith.constant 64 : index
      %get3A_1811 = tpu.vector_load %arg7[%get3A_1808, %get3A_1809, %get3A_1810] {strides = array<i32>} : memref<15x2x80xi32, #tpu.memory_space<vmem>>, vector<16xi32>,
      tpu.vector_store_idx %arg8[%get3A_1811], %broadcast_in_dim3A_1 {add = true} : memref<10000xf32, #tpu.memory_space<vmem>>[vector<16xi32>], vector<16xf32>,
      %add3A_1812 = arith.constant 2 : i32
      %add3A_1813 = arith.addi %add3A_1081, %add3A_1812 : i32
      %min3A_1814 = arith.constant 8 : i32
      %min3A_1815 = arith.minsi %add3A_1813, %min3A_1814 : i32
      %mul3A_1816 = arith.constant 15 : i32
      %mul3A_1817 = arith.muli %mul3A_1816, %min3A_1815 : i32
      %dma_start3A_1818 = arith.constant 0 : i32
      %dma_start3A_1819 = arith.constant 0 : i32
      %dma_start3A_1820 = tpu.memref_slice %arg3[%add3A, %mul3A_1817, %dma_start3A_1818, %dma_start3A_1819] : memref<32x135x2x80xi32, #tpu.memory_space<hbm>> -> memref<1x15x2x80xi32, #tpu.memory_space<hbm>>
      %dma_start3A_1821 = tpu.memref_squeeze %dma_start3A_1820 : memref<1x15x2x80xi32, #tpu.memory_space<hbm>> -> memref<15x2x80xi32, #tpu.memory_space<hbm>>
      %dma_start3A_1822 = arith.constant 0 : i32
      %dma_start3A_1823 = arith.constant 0 : i32
      %dma_start3A_1824 = tpu.memref_slice %arg3[%add3A, %mul3A_1817, %dma_start3A_1822, %dma_start3A_1823] : memref<32x135x2x80xi32, #tpu.memory_space<hbm>> -> memref<1x15x2x80xi32, #tpu.memory_space<hbm>>
      %dma_start3A_1825 = tpu.memref_squeeze %dma_start3A_1824 : memref<1x15x2x80xi32, #tpu.memory_space<hbm>> -> memref<15x2x80xi32, #tpu.memory_space<hbm>>
      tpu.enqueue_dma source(%dma_start3A_1825 : memref<15x2x80xi32, #tpu.memory_space<hbm>>) target(%arg7 : memref<15x2x80xi32, #tpu.memory_space<vmem>>) target_semaphore(%arg17 : memref<!tpu.dma_semaphore, #tpu.memory_space<semaphore_mem>>)
    }
    %scan3A_104 = arith.constant 4 : i32
    %dma_wait3A_105 = arith.constant 0 : i32
    %dma_wait3A_106 = arith.constant 0 : i32
    %dma_wait3A_107 = arith.constant 0 : i32
    %dma_wait3A_108 = tpu.memref_slice %arg3[%add3A, %dma_wait3A_105, %dma_wait3A_106, %dma_wait3A_107] : memref<32x135x2x80xi32, #tpu.memory_space<hbm>> -> memref<1x15x2x80xi32, #tpu.memory_space<hbm>>
    %dma_wait3A_109 = tpu.memref_squeeze %dma_wait3A_108 : memref<1x15x2x80xi32, #tpu.memory_space<hbm>> -> memref<15x2x80xi32, #tpu.memory_space<hbm>>
    %dma_wait3A_110 = arith.constant 0 : i32
    %dma_wait3A_111 = arith.constant 0 : i32
    %dma_wait3A_112 = arith.constant 0 : i32
    %dma_wait3A_113 = tpu.memref_slice %arg3[%add3A, %dma_wait3A_110, %dma_wait3A_111, %dma_wait3A_112] : memref<32x135x2x80xi32, #tpu.memory_space<hbm>> -> memref<1x15x2x80xi32, #tpu.memory_space<hbm>>
    %dma_wait3A_114 = tpu.memref_squeeze %dma_wait3A_113 : memref<1x15x2x80xi32, #tpu.memory_space<hbm>> -> memref<15x2x80xi32, #tpu.memory_space<hbm>>
    tpu.wait_dma2 semaphore(%arg17 : memref<!tpu.dma_semaphore, #tpu.memory_space<semaphore_mem>>) src(%dma_wait3A_114 : memref<15x2x80xi32, #tpu.memory_space<hbm>>) dst(%arg7 : memref<15x2x80xi32, #tpu.memory_space<vmem>>)
    %dma_wait3A_115 = arith.constant 0 : i32
    %dma_wait3A_116 = arith.constant 0 : i32
    %dma_wait3A_117 = arith.constant 0 : i32
    %dma_wait3A_118 = tpu.memref_slice %arg6[%dma_wait3A_115, %dma_wait3A_116, %dma_wait3A_117] : memref<15x2x80xi32, #tpu.memory_space<vmem>> -> memref<1x1x80xi32, #tpu.memory_space<vmem>>
    %dma_wait3A_119 = tpu.memref_squeeze %dma_wait3A_118 : memref<1x1x80xi32, #tpu.memory_space<vmem>> -> memref<80xi32, #tpu.memory_space<vmem>>
    %dma_wait3A_120 = arith.constant 0 : i32
    %dma_wait3A_121 = arith.constant 0 : i32
    %dma_wait3A_122 = tpu.memref_slice %arg2[%dma_wait3A_120, %dma_wait3A_121] : memref<10000x128xf32, #tpu.memory_space<hbm>> -> memref<10000x128xf32, #tpu.memory_space<hbm>>
    tpu.wait_indirect_dma semaphore(%arg13 : memref<!tpu.dma_semaphore, #tpu.memory_space<semaphore_mem>>) src(%dma_wait3A_122 : memref<10000x128xf32, #tpu.memory_space<hbm>>) dst(%arg9 : memref<80x128xf32, #tpu.memory_space<vmem>>)
    %run_scoped3A = arith.constant 0 : i32
    %run_scoped3A_123 = arith.constant 1 : i32
    "tpu.region"() ({
      %run_scoped3A_334 = tpu.sem_alloc : memref<!tpu.dma_semaphore, #tpu.memory_space<semaphore_mem>>
      %dma_start3A_335 = arith.constant 0 : i32
      %dma_start3A_336 = tpu.memref_slice %arg6[%run_scoped3A, %run_scoped3A_123, %dma_start3A_335] : memref<15x2x80xi32, #tpu.memory_space<vmem>> -> memref<1x1x80xi32, #tpu.memory_space<vmem>>
      %dma_start3A_337 = tpu.memref_squeeze %dma_start3A_336 : memref<1x1x80xi32, #tpu.memory_space<vmem>> -> memref<80xi32, #tpu.memory_space<vmem>>
      %dma_start3A_338 = arith.constant 0 : i32
      %dma_start3A_339 = arith.constant 0 : i32
      %dma_start3A_340 = tpu.memref_slice %arg12[%dma_start3A_338, %dma_start3A_339] : memref<10240x128xf32, #tpu.memory_space<vmem_shared>> -> memref<10240x128xf32, #tpu.memory_space<vmem_shared>>
      tpu.enqueue_indirect_dma source(%arg9 : memref<80x128xf32, #tpu.memory_space<vmem>>) target(%dma_start3A_340 : memref<10240x128xf32, #tpu.memory_space<vmem_shared>>) offsets(%dma_start3A_337 : memref<80xi32, #tpu.memory_space<vmem>>) semaphore(%run_scoped3A_334 : memref<!tpu.dma_semaphore, #tpu.memory_space<semaphore_mem>>) {add = true}
      %dma_wait3A_341 = arith.constant 0 : i32
      %dma_wait3A_342 = tpu.memref_slice %arg6[%run_scoped3A, %run_scoped3A_123, %dma_wait3A_341] : memref<15x2x80xi32, #tpu.memory_space<vmem>> -> memref<1x1x80xi32, #tpu.memory_space<vmem>>
      %dma_wait3A_343 = tpu.memref_squeeze %dma_wait3A_342 : memref<1x1x80xi32, #tpu.memory_space<vmem>> -> memref<80xi32, #tpu.memory_space<vmem>>
      %dma_wait3A_344 = arith.constant 0 : i32
      %dma_wait3A_345 = arith.constant 0 : i32
      %dma_wait3A_346 = tpu.memref_slice %arg12[%dma_wait3A_344, %dma_wait3A_345] : memref<10240x128xf32, #tpu.memory_space<vmem_shared>> -> memref<10240x128xf32, #tpu.memory_space<vmem_shared>>
      tpu.wait_indirect_dma semaphore(%run_scoped3A_334 : memref<!tpu.dma_semaphore, #tpu.memory_space<semaphore_mem>>) src(%arg9 : memref<80x128xf32, #tpu.memory_space<vmem>>) dst(%dma_wait3A_346 : memref<10240x128xf32, #tpu.memory_space<vmem_shared>>)
      tpu.yield
    }) : () -> ()
    %dma_start3A_124 = arith.constant 3 : i32
    %dma_start3A_125 = arith.constant 0 : i32
    %dma_start3A_126 = arith.constant 0 : i32
    %dma_start3A_127 = tpu.memref_slice %arg6[%dma_start3A_124, %dma_start3A_125, %dma_start3A_126] : memref<15x2x80xi32, #tpu.memory_space<vmem>> -> memref<1x1x80xi32, #tpu.memory_space<vmem>>
    %dma_start3A_128 = tpu.memref_squeeze %dma_start3A_127 : memref<1x1x80xi32, #tpu.memory_space<vmem>> -> memref<80xi32, #tpu.memory_space<vmem>>
    %dma_start3A_129 = arith.constant 0 : i32
    %dma_start3A_130 = arith.constant 0 : i32
    %dma_start3A_131 = tpu.memref_slice %arg2[%dma_start3A_129, %dma_start3A_130] : memref<10000x128xf32, #tpu.memory_space<hbm>> -> memref<10000x128xf32, #tpu.memory_space<hbm>>
    tpu.enqueue_indirect_dma source(%dma_start3A_131 : memref<10000x128xf32, #tpu.memory_space<hbm>>) target(%arg9 : memref<80x128xf32, #tpu.memory_space<vmem>>) offsets(%dma_start3A_128 : memref<80xi32, #tpu.memory_space<vmem>>) semaphore(%arg13 : memref<!tpu.dma_semaphore, #tpu.memory_space<semaphore_mem>>)
    %get3A = arith.constant 0 : i32
    %get3A_132 = arith.constant 1 : i32
    %get3A_133 = arith.index_cast %get3A : i32 to index
    %get3A_134 = arith.index_cast %get3A_132 : i32 to index
    %get3A_135 = arith.constant 0 : index
    %get3A_136 = tpu.vector_load %arg6[%get3A_133, %get3A_134, %get3A_135] {strides = array<i32>} : memref<15x2x80xi32, #tpu.memory_space<vmem>>, vector<16xi32>,
    tpu.vector_store_idx %arg8[%get3A_136], %broadcast_in_dim3A_1 {add = true} : memref<10000xf32, #tpu.memory_space<vmem>>[vector<16xi32>], vector<16xf32>,
    %get3A_137 = arith.constant 0 : i32
    %get3A_138 = arith.constant 1 : i32
    %get3A_139 = arith.index_cast %get3A_137 : i32 to index
    %get3A_140 = arith.index_cast %get3A_138 : i32 to index
    %get3A_141 = arith.constant 16 : index
    %get3A_142 = tpu.vector_load %arg6[%get3A_139, %get3A_140, %get3A_141] {strides = array<i32>} : memref<15x2x80xi32, #tpu.memory_space<vmem>>, vector<16xi32>,
    tpu.vector_store_idx %arg8[%get3A_142], %broadcast_in_dim3A_1 {add = true} : memref<10000xf32, #tpu.memory_space<vmem>>[vector<16xi32>], vector<16xf32>,
    %get3A_143 = arith.constant 0 : i32
    %get3A_144 = arith.constant 1 : i32
    %get3A_145 = arith.index_cast %get3A_143 : i32 to index
    %get3A_146 = arith.index_cast %get3A_144 : i32 to index
    %get3A_147 = arith.constant 32 : index
    %get3A_148 = tpu.vector_load %arg6[%get3A_145, %get3A_146, %get3A_147] {strides = array<i32>} : memref<15x2x80xi32, #tpu.memory_space<vmem>>, vector<16xi32>,
    tpu.vector_store_idx %arg8[%get3A_148], %broadcast_in_dim3A_1 {add = true} : memref<10000xf32, #tpu.memory_space<vmem>>[vector<16xi32>], vector<16xf32>,
    %get3A_149 = arith.constant 0 : i32
    %get3A_150 = arith.constant 1 : i32
    %get3A_151 = arith.index_cast %get3A_149 : i32 to index
    %get3A_152 = arith.index_cast %get3A_150 : i32 to index
    %get3A_153 = arith.constant 48 : index
    %get3A_154 = tpu.vector_load %arg6[%get3A_151, %get3A_152, %get3A_153] {strides = array<i32>} : memref<15x2x80xi32, #tpu.memory_space<vmem>>, vector<16xi32>,
    tpu.vector_store_idx %arg8[%get3A_154], %broadcast_in_dim3A_1 {add = true} : memref<10000xf32, #tpu.memory_space<vmem>>[vector<16xi32>], vector<16xf32>,
    %get3A_155 = arith.constant 0 : i32
    %get3A_156 = arith.constant 1 : i32
    %get3A_157 = arith.index_cast %get3A_155 : i32 to index
    %get3A_158 = arith.index_cast %get3A_156 : i32 to index
    %get3A_159 = arith.constant 64 : index
    %get3A_160 = tpu.vector_load %arg6[%get3A_157, %get3A_158, %get3A_159] {strides = array<i32>} : memref<15x2x80xi32, #tpu.memory_space<vmem>>, vector<16xi32>,
    tpu.vector_store_idx %arg8[%get3A_160], %broadcast_in_dim3A_1 {add = true} : memref<10000xf32, #tpu.memory_space<vmem>>[vector<16xi32>], vector<16xf32>,
    %dma_wait3A_161 = arith.constant 0 : i32
    %dma_wait3A_162 = arith.constant 0 : i32
    %dma_wait3A_163 = arith.constant 0 : i32
    %dma_wait3A_164 = tpu.memref_slice %arg6[%dma_wait3A_161, %dma_wait3A_162, %dma_wait3A_163] : memref<15x2x80xi32, #tpu.memory_space<vmem>> -> memref<1x1x80xi32, #tpu.memory_space<vmem>>
    %dma_wait3A_165 = tpu.memref_squeeze %dma_wait3A_164 : memref<1x1x80xi32, #tpu.memory_space<vmem>> -> memref<80xi32, #tpu.memory_space<vmem>>
    %dma_wait3A_166 = arith.constant 0 : i32
    %dma_wait3A_167 = arith.constant 0 : i32
    %dma_wait3A_168 = tpu.memref_slice %arg2[%dma_wait3A_166, %dma_wait3A_167] : memref<10000x128xf32, #tpu.memory_space<hbm>> -> memref<10000x128xf32, #tpu.memory_space<hbm>>
    tpu.wait_indirect_dma semaphore(%arg14 : memref<!tpu.dma_semaphore, #tpu.memory_space<semaphore_mem>>) src(%dma_wait3A_168 : memref<10000x128xf32, #tpu.memory_space<hbm>>) dst(%arg10 : memref<80x128xf32, #tpu.memory_space<vmem>>)
    %run_scoped3A_169 = arith.constant 1 : i32
    %run_scoped3A_170 = arith.constant 1 : i32
    "tpu.region"() ({
      %run_scoped3A_334 = tpu.sem_alloc : memref<!tpu.dma_semaphore, #tpu.memory_space<semaphore_mem>>
      %dma_start3A_335 = arith.constant 0 : i32
      %dma_start3A_336 = tpu.memref_slice %arg6[%run_scoped3A_169, %run_scoped3A_170, %dma_start3A_335] : memref<15x2x80xi32, #tpu.memory_space<vmem>> -> memref<1x1x80xi32, #tpu.memory_space<vmem>>
      %dma_start3A_337 = tpu.memref_squeeze %dma_start3A_336 : memref<1x1x80xi32, #tpu.memory_space<vmem>> -> memref<80xi32, #tpu.memory_space<vmem>>
      %dma_start3A_338 = arith.constant 0 : i32
      %dma_start3A_339 = arith.constant 0 : i32
      %dma_start3A_340 = tpu.memref_slice %arg12[%dma_start3A_338, %dma_start3A_339] : memref<10240x128xf32, #tpu.memory_space<vmem_shared>> -> memref<10240x128xf32, #tpu.memory_space<vmem_shared>>
      tpu.enqueue_indirect_dma source(%arg10 : memref<80x128xf32, #tpu.memory_space<vmem>>) target(%dma_start3A_340 : memref<10240x128xf32, #tpu.memory_space<vmem_shared>>) offsets(%dma_start3A_337 : memref<80xi32, #tpu.memory_space<vmem>>) semaphore(%run_scoped3A_334 : memref<!tpu.dma_semaphore, #tpu.memory_space<semaphore_mem>>) {add = true}
      %dma_wait3A_341 = arith.constant 0 : i32
      %dma_wait3A_342 = tpu.memref_slice %arg6[%run_scoped3A_169, %run_scoped3A_170, %dma_wait3A_341] : memref<15x2x80xi32, #tpu.memory_space<vmem>> -> memref<1x1x80xi32, #tpu.memory_space<vmem>>
      %dma_wait3A_343 = tpu.memref_squeeze %dma_wait3A_342 : memref<1x1x80xi32, #tpu.memory_space<vmem>> -> memref<80xi32, #tpu.memory_space<vmem>>
      %dma_wait3A_344 = arith.constant 0 : i32
      %dma_wait3A_345 = arith.constant 0 : i32
      %dma_wait3A_346 = tpu.memref_slice %arg12[%dma_wait3A_344, %dma_wait3A_345] : memref<10240x128xf32, #tpu.memory_space<vmem_shared>> -> memref<10240x128xf32, #tpu.memory_space<vmem_shared>>
      tpu.wait_indirect_dma semaphore(%run_scoped3A_334 : memref<!tpu.dma_semaphore, #tpu.memory_space<semaphore_mem>>) src(%arg10 : memref<80x128xf32, #tpu.memory_space<vmem>>) dst(%dma_wait3A_346 : memref<10240x128xf32, #tpu.memory_space<vmem_shared>>)
      tpu.yield
    }) : () -> ()
    %dma_start3A_171 = arith.constant 4 : i32
    %dma_start3A_172 = arith.constant 0 : i32
    %dma_start3A_173 = arith.constant 0 : i32
    %dma_start3A_174 = tpu.memref_slice %arg6[%dma_start3A_171, %dma_start3A_172, %dma_start3A_173] : memref<15x2x80xi32, #tpu.memory_space<vmem>> -> memref<1x1x80xi32, #tpu.memory_space<vmem>>
    %dma_start3A_175 = tpu.memref_squeeze %dma_start3A_174 : memref<1x1x80xi32, #tpu.memory_space<vmem>> -> memref<80xi32, #tpu.memory_space<vmem>>
    %dma_start3A_176 = arith.constant 0 : i32
    %dma_start3A_177 = arith.constant 0 : i32
    %dma_start3A_178 = tpu.memref_slice %arg2[%dma_start3A_176, %dma_start3A_177] : memref<10000x128xf32, #tpu.memory_space<hbm>> -> memref<10000x128xf32, #tpu.memory_space<hbm>>
    tpu.enqueue_indirect_dma source(%dma_start3A_178 : memref<10000x128xf32, #tpu.memory_space<hbm>>) target(%arg10 : memref<80x128xf32, #tpu.memory_space<vmem>>) offsets(%dma_start3A_175 : memref<80xi32, #tpu.memory_space<vmem>>) semaphore(%arg14 : memref<!tpu.dma_semaphore, #tpu.memory_space<semaphore_mem>>)
    %get3A_179 = arith.constant 1 : i32
    %get3A_180 = arith.constant 1 : i32
    %get3A_181 = arith.index_cast %get3A_179 : i32 to index
    %get3A_182 = arith.index_cast %get3A_180 : i32 to index
    %get3A_183 = arith.constant 0 : index
    %get3A_184 = tpu.vector_load %arg6[%get3A_181, %get3A_182, %get3A_183] {strides = array<i32>} : memref<15x2x80xi32, #tpu.memory_space<vmem>>, vector<16xi32>,
    tpu.vector_store_idx %arg8[%get3A_184], %broadcast_in_dim3A_1 {add = true} : memref<10000xf32, #tpu.memory_space<vmem>>[vector<16xi32>], vector<16xf32>,
    %get3A_185 = arith.constant 1 : i32
    %get3A_186 = arith.constant 1 : i32
    %get3A_187 = arith.index_cast %get3A_185 : i32 to index
    %get3A_188 = arith.index_cast %get3A_186 : i32 to index
    %get3A_189 = arith.constant 16 : index
    %get3A_190 = tpu.vector_load %arg6[%get3A_187, %get3A_188, %get3A_189] {strides = array<i32>} : memref<15x2x80xi32, #tpu.memory_space<vmem>>, vector<16xi32>,
    tpu.vector_store_idx %arg8[%get3A_190], %broadcast_in_dim3A_1 {add = true} : memref<10000xf32, #tpu.memory_space<vmem>>[vector<16xi32>], vector<16xf32>,
    %get3A_191 = arith.constant 1 : i32
    %get3A_192 = arith.constant 1 : i32
    %get3A_193 = arith.index_cast %get3A_191 : i32 to index
    %get3A_194 = arith.index_cast %get3A_192 : i32 to index
    %get3A_195 = arith.constant 32 : index
    %get3A_196 = tpu.vector_load %arg6[%get3A_193, %get3A_194, %get3A_195] {strides = array<i32>} : memref<15x2x80xi32, #tpu.memory_space<vmem>>, vector<16xi32>,
    tpu.vector_store_idx %arg8[%get3A_196], %broadcast_in_dim3A_1 {add = true} : memref<10000xf32, #tpu.memory_space<vmem>>[vector<16xi32>], vector<16xf32>,
    %get3A_197 = arith.constant 1 : i32
    %get3A_198 = arith.constant 1 : i32
    %get3A_199 = arith.index_cast %get3A_197 : i32 to index
    %get3A_200 = arith.index_cast %get3A_198 : i32 to index
    %get3A_201 = arith.constant 48 : index
    %get3A_202 = tpu.vector_load %arg6[%get3A_199, %get3A_200, %get3A_201] {strides = array<i32>} : memref<15x2x80xi32, #tpu.memory_space<vmem>>, vector<16xi32>,
    tpu.vector_store_idx %arg8[%get3A_202], %broadcast_in_dim3A_1 {add = true} : memref<10000xf32, #tpu.memory_space<vmem>>[vector<16xi32>], vector<16xf32>,
    %get3A_203 = arith.constant 1 : i32
    %get3A_204 = arith.constant 1 : i32
    %get3A_205 = arith.index_cast %get3A_203 : i32 to index
    %get3A_206 = arith.index_cast %get3A_204 : i32 to index
    %get3A_207 = arith.constant 64 : index
    %get3A_208 = tpu.vector_load %arg6[%get3A_205, %get3A_206, %get3A_207] {strides = array<i32>} : memref<15x2x80xi32, #tpu.memory_space<vmem>>, vector<16xi32>,
    tpu.vector_store_idx %arg8[%get3A_208], %broadcast_in_dim3A_1 {add = true} : memref<10000xf32, #tpu.memory_space<vmem>>[vector<16xi32>], vector<16xf32>,
    %dma_wait3A_209 = arith.constant 0 : i32
    %dma_wait3A_210 = arith.constant 0 : i32
    %dma_wait3A_211 = arith.constant 0 : i32
    %dma_wait3A_212 = tpu.memref_slice %arg6[%dma_wait3A_209, %dma_wait3A_210, %dma_wait3A_211] : memref<15x2x80xi32, #tpu.memory_space<vmem>> -> memref<1x1x80xi32, #tpu.memory_space<vmem>>
    %dma_wait3A_213 = tpu.memref_squeeze %dma_wait3A_212 : memref<1x1x80xi32, #tpu.memory_space<vmem>> -> memref<80xi32, #tpu.memory_space<vmem>>
    %dma_wait3A_214 = arith.constant 0 : i32
    %dma_wait3A_215 = arith.constant 0 : i32
    %dma_wait3A_216 = tpu.memref_slice %arg2[%dma_wait3A_214, %dma_wait3A_215] : memref<10000x128xf32, #tpu.memory_space<hbm>> -> memref<10000x128xf32, #tpu.memory_space<hbm>>
    tpu.wait_indirect_dma semaphore(%arg15 : memref<!tpu.dma_semaphore, #tpu.memory_space<semaphore_mem>>) src(%dma_wait3A_216 : memref<10000x128xf32, #tpu.memory_space<hbm>>) dst(%arg11 : memref<80x128xf32, #tpu.memory_space<vmem>>)
    %run_scoped3A_217 = arith.constant 2 : i32
    %run_scoped3A_218 = arith.constant 1 : i32
    "tpu.region"() ({
      %run_scoped3A_334 = tpu.sem_alloc : memref<!tpu.dma_semaphore, #tpu.memory_space<semaphore_mem>>
      %dma_start3A_335 = arith.constant 0 : i32
      %dma_start3A_336 = tpu.memref_slice %arg6[%run_scoped3A_217, %run_scoped3A_218, %dma_start3A_335] : memref<15x2x80xi32, #tpu.memory_space<vmem>> -> memref<1x1x80xi32, #tpu.memory_space<vmem>>
      %dma_start3A_337 = tpu.memref_squeeze %dma_start3A_336 : memref<1x1x80xi32, #tpu.memory_space<vmem>> -> memref<80xi32, #tpu.memory_space<vmem>>
      %dma_start3A_338 = arith.constant 0 : i32
      %dma_start3A_339 = arith.constant 0 : i32
      %dma_start3A_340 = tpu.memref_slice %arg12[%dma_start3A_338, %dma_start3A_339] : memref<10240x128xf32, #tpu.memory_space<vmem_shared>> -> memref<10240x128xf32, #tpu.memory_space<vmem_shared>>
      tpu.enqueue_indirect_dma source(%arg11 : memref<80x128xf32, #tpu.memory_space<vmem>>) target(%dma_start3A_340 : memref<10240x128xf32, #tpu.memory_space<vmem_shared>>) offsets(%dma_start3A_337 : memref<80xi32, #tpu.memory_space<vmem>>) semaphore(%run_scoped3A_334 : memref<!tpu.dma_semaphore, #tpu.memory_space<semaphore_mem>>) {add = true}
      %dma_wait3A_341 = arith.constant 0 : i32
      %dma_wait3A_342 = tpu.memref_slice %arg6[%run_scoped3A_217, %run_scoped3A_218, %dma_wait3A_341] : memref<15x2x80xi32, #tpu.memory_space<vmem>> -> memref<1x1x80xi32, #tpu.memory_space<vmem>>
      %dma_wait3A_343 = tpu.memref_squeeze %dma_wait3A_342 : memref<1x1x80xi32, #tpu.memory_space<vmem>> -> memref<80xi32, #tpu.memory_space<vmem>>
      %dma_wait3A_344 = arith.constant 0 : i32
      %dma_wait3A_345 = arith.constant 0 : i32
      %dma_wait3A_346 = tpu.memref_slice %arg12[%dma_wait3A_344, %dma_wait3A_345] : memref<10240x128xf32, #tpu.memory_space<vmem_shared>> -> memref<10240x128xf32, #tpu.memory_space<vmem_shared>>
      tpu.wait_indirect_dma semaphore(%run_scoped3A_334 : memref<!tpu.dma_semaphore, #tpu.memory_space<semaphore_mem>>) src(%arg11 : memref<80x128xf32, #tpu.memory_space<vmem>>) dst(%dma_wait3A_346 : memref<10240x128xf32, #tpu.memory_space<vmem_shared>>)
      tpu.yield
    }) : () -> ()
    %get3A_219 = arith.constant 2 : i32
    %get3A_220 = arith.constant 1 : i32
    %get3A_221 = arith.index_cast %get3A_219 : i32 to index
    %get3A_222 = arith.index_cast %get3A_220 : i32 to index
    %get3A_223 = arith.constant 0 : index
    %get3A_224 = tpu.vector_load %arg6[%get3A_221, %get3A_222, %get3A_223] {strides = array<i32>} : memref<15x2x80xi32, #tpu.memory_space<vmem>>, vector<16xi32>,
    tpu.vector_store_idx %arg8[%get3A_224], %broadcast_in_dim3A_1 {add = true} : memref<10000xf32, #tpu.memory_space<vmem>>[vector<16xi32>], vector<16xf32>,
    %get3A_225 = arith.constant 2 : i32
    %get3A_226 = arith.constant 1 : i32
    %get3A_227 = arith.index_cast %get3A_225 : i32 to index
    %get3A_228 = arith.index_cast %get3A_226 : i32 to index
    %get3A_229 = arith.constant 16 : index
    %get3A_230 = tpu.vector_load %arg6[%get3A_227, %get3A_228, %get3A_229] {strides = array<i32>} : memref<15x2x80xi32, #tpu.memory_space<vmem>>, vector<16xi32>,
    tpu.vector_store_idx %arg8[%get3A_230], %broadcast_in_dim3A_1 {add = true} : memref<10000xf32, #tpu.memory_space<vmem>>[vector<16xi32>], vector<16xf32>,
    %get3A_231 = arith.constant 2 : i32
    %get3A_232 = arith.constant 1 : i32
    %get3A_233 = arith.index_cast %get3A_231 : i32 to index
    %get3A_234 = arith.index_cast %get3A_232 : i32 to index
    %get3A_235 = arith.constant 32 : index
    %get3A_236 = tpu.vector_load %arg6[%get3A_233, %get3A_234, %get3A_235] {strides = array<i32>} : memref<15x2x80xi32, #tpu.memory_space<vmem>>, vector<16xi32>,
    tpu.vector_store_idx %arg8[%get3A_236], %broadcast_in_dim3A_1 {add = true} : memref<10000xf32, #tpu.memory_space<vmem>>[vector<16xi32>], vector<16xf32>,
    %get3A_237 = arith.constant 2 : i32
    %get3A_238 = arith.constant 1 : i32
    %get3A_239 = arith.index_cast %get3A_237 : i32 to index
    %get3A_240 = arith.index_cast %get3A_238 : i32 to index
    %get3A_241 = arith.constant 48 : index
    %get3A_242 = tpu.vector_load %arg6[%get3A_239, %get3A_240, %get3A_241] {strides = array<i32>} : memref<15x2x80xi32, #tpu.memory_space<vmem>>, vector<16xi32>,
    tpu.vector_store_idx %arg8[%get3A_242], %broadcast_in_dim3A_1 {add = true} : memref<10000xf32, #tpu.memory_space<vmem>>[vector<16xi32>], vector<16xf32>,
    %get3A_243 = arith.constant 2 : i32
    %get3A_244 = arith.constant 1 : i32
    %get3A_245 = arith.index_cast %get3A_243 : i32 to index
    %get3A_246 = arith.index_cast %get3A_244 : i32 to index
    %get3A_247 = arith.constant 64 : index
    %get3A_248 = tpu.vector_load %arg6[%get3A_245, %get3A_246, %get3A_247] {strides = array<i32>} : memref<15x2x80xi32, #tpu.memory_space<vmem>>, vector<16xi32>,
    tpu.vector_store_idx %arg8[%get3A_248], %broadcast_in_dim3A_1 {add = true} : memref<10000xf32, #tpu.memory_space<vmem>>[vector<16xi32>], vector<16xf32>,
    %dma_wait3A_249 = arith.constant 0 : i32
    %dma_wait3A_250 = arith.constant 0 : i32
    %dma_wait3A_251 = arith.constant 0 : i32
    %dma_wait3A_252 = tpu.memref_slice %arg6[%dma_wait3A_249, %dma_wait3A_250, %dma_wait3A_251] : memref<15x2x80xi32, #tpu.memory_space<vmem>> -> memref<1x1x80xi32, #tpu.memory_space<vmem>>
    %dma_wait3A_253 = tpu.memref_squeeze %dma_wait3A_252 : memref<1x1x80xi32, #tpu.memory_space<vmem>> -> memref<80xi32, #tpu.memory_space<vmem>>
    %dma_wait3A_254 = arith.constant 0 : i32
    %dma_wait3A_255 = arith.constant 0 : i32
    %dma_wait3A_256 = tpu.memref_slice %arg2[%dma_wait3A_254, %dma_wait3A_255] : memref<10000x128xf32, #tpu.memory_space<hbm>> -> memref<10000x128xf32, #tpu.memory_space<hbm>>
    tpu.wait_indirect_dma semaphore(%arg13 : memref<!tpu.dma_semaphore, #tpu.memory_space<semaphore_mem>>) src(%dma_wait3A_256 : memref<10000x128xf32, #tpu.memory_space<hbm>>) dst(%arg9 : memref<80x128xf32, #tpu.memory_space<vmem>>)
    %run_scoped3A_257 = arith.constant 3 : i32
    %run_scoped3A_258 = arith.constant 1 : i32
    "tpu.region"() ({
      %run_scoped3A_334 = tpu.sem_alloc : memref<!tpu.dma_semaphore, #tpu.memory_space<semaphore_mem>>
      %dma_start3A_335 = arith.constant 0 : i32
      %dma_start3A_336 = tpu.memref_slice %arg6[%run_scoped3A_257, %run_scoped3A_258, %dma_start3A_335] : memref<15x2x80xi32, #tpu.memory_space<vmem>> -> memref<1x1x80xi32, #tpu.memory_space<vmem>>
      %dma_start3A_337 = tpu.memref_squeeze %dma_start3A_336 : memref<1x1x80xi32, #tpu.memory_space<vmem>> -> memref<80xi32, #tpu.memory_space<vmem>>
      %dma_start3A_338 = arith.constant 0 : i32
      %dma_start3A_339 = arith.constant 0 : i32
      %dma_start3A_340 = tpu.memref_slice %arg12[%dma_start3A_338, %dma_start3A_339] : memref<10240x128xf32, #tpu.memory_space<vmem_shared>> -> memref<10240x128xf32, #tpu.memory_space<vmem_shared>>
      tpu.enqueue_indirect_dma source(%arg9 : memref<80x128xf32, #tpu.memory_space<vmem>>) target(%dma_start3A_340 : memref<10240x128xf32, #tpu.memory_space<vmem_shared>>) offsets(%dma_start3A_337 : memref<80xi32, #tpu.memory_space<vmem>>) semaphore(%run_scoped3A_334 : memref<!tpu.dma_semaphore, #tpu.memory_space<semaphore_mem>>) {add = true}
      %dma_wait3A_341 = arith.constant 0 : i32
      %dma_wait3A_342 = tpu.memref_slice %arg6[%run_scoped3A_257, %run_scoped3A_258, %dma_wait3A_341] : memref<15x2x80xi32, #tpu.memory_space<vmem>> -> memref<1x1x80xi32, #tpu.memory_space<vmem>>
      %dma_wait3A_343 = tpu.memref_squeeze %dma_wait3A_342 : memref<1x1x80xi32, #tpu.memory_space<vmem>> -> memref<80xi32, #tpu.memory_space<vmem>>
      %dma_wait3A_344 = arith.constant 0 : i32
      %dma_wait3A_345 = arith.constant 0 : i32
      %dma_wait3A_346 = tpu.memref_slice %arg12[%dma_wait3A_344, %dma_wait3A_345] : memref<10240x128xf32, #tpu.memory_space<vmem_shared>> -> memref<10240x128xf32, #tpu.memory_space<vmem_shared>>
      tpu.wait_indirect_dma semaphore(%run_scoped3A_334 : memref<!tpu.dma_semaphore, #tpu.memory_space<semaphore_mem>>) src(%arg9 : memref<80x128xf32, #tpu.memory_space<vmem>>) dst(%dma_wait3A_346 : memref<10240x128xf32, #tpu.memory_space<vmem_shared>>)
      tpu.yield
    }) : () -> ()
    %get3A_259 = arith.constant 3 : i32
    %get3A_260 = arith.constant 1 : i32
    %get3A_261 = arith.index_cast %get3A_259 : i32 to index
    %get3A_262 = arith.index_cast %get3A_260 : i32 to index
    %get3A_263 = arith.constant 0 : index
    %get3A_264 = tpu.vector_load %arg6[%get3A_261, %get3A_262, %get3A_263] {strides = array<i32>} : memref<15x2x80xi32, #tpu.memory_space<vmem>>, vector<16xi32>,
    tpu.vector_store_idx %arg8[%get3A_264], %broadcast_in_dim3A_1 {add = true} : memref<10000xf32, #tpu.memory_space<vmem>>[vector<16xi32>], vector<16xf32>,
    %get3A_265 = arith.constant 3 : i32
    %get3A_266 = arith.constant 1 : i32
    %get3A_267 = arith.index_cast %get3A_265 : i32 to index
    %get3A_268 = arith.index_cast %get3A_266 : i32 to index
    %get3A_269 = arith.constant 16 : index
    %get3A_270 = tpu.vector_load %arg6[%get3A_267, %get3A_268, %get3A_269] {strides = array<i32>} : memref<15x2x80xi32, #tpu.memory_space<vmem>>, vector<16xi32>,
    tpu.vector_store_idx %arg8[%get3A_270], %broadcast_in_dim3A_1 {add = true} : memref<10000xf32, #tpu.memory_space<vmem>>[vector<16xi32>], vector<16xf32>,
    %get3A_271 = arith.constant 3 : i32
    %get3A_272 = arith.constant 1 : i32
    %get3A_273 = arith.index_cast %get3A_271 : i32 to index
    %get3A_274 = arith.index_cast %get3A_272 : i32 to index
    %get3A_275 = arith.constant 32 : index
    %get3A_276 = tpu.vector_load %arg6[%get3A_273, %get3A_274, %get3A_275] {strides = array<i32>} : memref<15x2x80xi32, #tpu.memory_space<vmem>>, vector<16xi32>,
    tpu.vector_store_idx %arg8[%get3A_276], %broadcast_in_dim3A_1 {add = true} : memref<10000xf32, #tpu.memory_space<vmem>>[vector<16xi32>], vector<16xf32>,
    %get3A_277 = arith.constant 3 : i32
    %get3A_278 = arith.constant 1 : i32
    %get3A_279 = arith.index_cast %get3A_277 : i32 to index
    %get3A_280 = arith.index_cast %get3A_278 : i32 to index
    %get3A_281 = arith.constant 48 : index
    %get3A_282 = tpu.vector_load %arg6[%get3A_279, %get3A_280, %get3A_281] {strides = array<i32>} : memref<15x2x80xi32, #tpu.memory_space<vmem>>, vector<16xi32>,
    tpu.vector_store_idx %arg8[%get3A_282], %broadcast_in_dim3A_1 {add = true} : memref<10000xf32, #tpu.memory_space<vmem>>[vector<16xi32>], vector<16xf32>,
    %get3A_283 = arith.constant 3 : i32
    %get3A_284 = arith.constant 1 : i32
    %get3A_285 = arith.index_cast %get3A_283 : i32 to index
    %get3A_286 = arith.index_cast %get3A_284 : i32 to index
    %get3A_287 = arith.constant 64 : index
    %get3A_288 = tpu.vector_load %arg6[%get3A_285, %get3A_286, %get3A_287] {strides = array<i32>} : memref<15x2x80xi32, #tpu.memory_space<vmem>>, vector<16xi32>,
    tpu.vector_store_idx %arg8[%get3A_288], %broadcast_in_dim3A_1 {add = true} : memref<10000xf32, #tpu.memory_space<vmem>>[vector<16xi32>], vector<16xf32>,
    %dma_wait3A_289 = arith.constant 0 : i32
    %dma_wait3A_290 = arith.constant 0 : i32
    %dma_wait3A_291 = arith.constant 0 : i32
    %dma_wait3A_292 = tpu.memref_slice %arg6[%dma_wait3A_289, %dma_wait3A_290, %dma_wait3A_291] : memref<15x2x80xi32, #tpu.memory_space<vmem>> -> memref<1x1x80xi32, #tpu.memory_space<vmem>>
    %dma_wait3A_293 = tpu.memref_squeeze %dma_wait3A_292 : memref<1x1x80xi32, #tpu.memory_space<vmem>> -> memref<80xi32, #tpu.memory_space<vmem>>
    %dma_wait3A_294 = arith.constant 0 : i32
    %dma_wait3A_295 = arith.constant 0 : i32
    %dma_wait3A_296 = tpu.memref_slice %arg2[%dma_wait3A_294, %dma_wait3A_295] : memref<10000x128xf32, #tpu.memory_space<hbm>> -> memref<10000x128xf32, #tpu.memory_space<hbm>>
    tpu.wait_indirect_dma semaphore(%arg14 : memref<!tpu.dma_semaphore, #tpu.memory_space<semaphore_mem>>) src(%dma_wait3A_296 : memref<10000x128xf32, #tpu.memory_space<hbm>>) dst(%arg10 : memref<80x128xf32, #tpu.memory_space<vmem>>)
    %run_scoped3A_297 = arith.constant 4 : i32
    %run_scoped3A_298 = arith.constant 1 : i32
    "tpu.region"() ({
      %run_scoped3A_334 = tpu.sem_alloc : memref<!tpu.dma_semaphore, #tpu.memory_space<semaphore_mem>>
      %dma_start3A_335 = arith.constant 0 : i32
      %dma_start3A_336 = tpu.memref_slice %arg6[%run_scoped3A_297, %run_scoped3A_298, %dma_start3A_335] : memref<15x2x80xi32, #tpu.memory_space<vmem>> -> memref<1x1x80xi32, #tpu.memory_space<vmem>>
      %dma_start3A_337 = tpu.memref_squeeze %dma_start3A_336 : memref<1x1x80xi32, #tpu.memory_space<vmem>> -> memref<80xi32, #tpu.memory_space<vmem>>
      %dma_start3A_338 = arith.constant 0 : i32
      %dma_start3A_339 = arith.constant 0 : i32
      %dma_start3A_340 = tpu.memref_slice %arg12[%dma_start3A_338, %dma_start3A_339] : memref<10240x128xf32, #tpu.memory_space<vmem_shared>> -> memref<10240x128xf32, #tpu.memory_space<vmem_shared>>
      tpu.enqueue_indirect_dma source(%arg10 : memref<80x128xf32, #tpu.memory_space<vmem>>) target(%dma_start3A_340 : memref<10240x128xf32, #tpu.memory_space<vmem_shared>>) offsets(%dma_start3A_337 : memref<80xi32, #tpu.memory_space<vmem>>) semaphore(%run_scoped3A_334 : memref<!tpu.dma_semaphore, #tpu.memory_space<semaphore_mem>>) {add = true}
      %dma_wait3A_341 = arith.constant 0 : i32
      %dma_wait3A_342 = tpu.memref_slice %arg6[%run_scoped3A_297, %run_scoped3A_298, %dma_wait3A_341] : memref<15x2x80xi32, #tpu.memory_space<vmem>> -> memref<1x1x80xi32, #tpu.memory_space<vmem>>
      %dma_wait3A_343 = tpu.memref_squeeze %dma_wait3A_342 : memref<1x1x80xi32, #tpu.memory_space<vmem>> -> memref<80xi32, #tpu.memory_space<vmem>>
      %dma_wait3A_344 = arith.constant 0 : i32
      %dma_wait3A_345 = arith.constant 0 : i32
      %dma_wait3A_346 = tpu.memref_slice %arg12[%dma_wait3A_344, %dma_wait3A_345] : memref<10240x128xf32, #tpu.memory_space<vmem_shared>> -> memref<10240x128xf32, #tpu.memory_space<vmem_shared>>
      tpu.wait_indirect_dma semaphore(%run_scoped3A_334 : memref<!tpu.dma_semaphore, #tpu.memory_space<semaphore_mem>>) src(%arg10 : memref<80x128xf32, #tpu.memory_space<vmem>>) dst(%dma_wait3A_346 : memref<10240x128xf32, #tpu.memory_space<vmem_shared>>)
      tpu.yield
    }) : () -> ()
    %get3A_299 = arith.constant 4 : i32
    %get3A_300 = arith.constant 1 : i32
    %get3A_301 = arith.index_cast %get3A_299 : i32 to index
    %get3A_302 = arith.index_cast %get3A_300 : i32 to index
    %get3A_303 = arith.constant 0 : index
    %get3A_304 = tpu.vector_load %arg6[%get3A_301, %get3A_302, %get3A_303] {strides = array<i32>} : memref<15x2x80xi32, #tpu.memory_space<vmem>>, vector<16xi32>,
    tpu.vector_store_idx %arg8[%get3A_304], %broadcast_in_dim3A_1 {add = true} : memref<10000xf32, #tpu.memory_space<vmem>>[vector<16xi32>], vector<16xf32>,
    %get3A_305 = arith.constant 4 : i32
    %get3A_306 = arith.constant 1 : i32
    %get3A_307 = arith.index_cast %get3A_305 : i32 to index
    %get3A_308 = arith.index_cast %get3A_306 : i32 to index
    %get3A_309 = arith.constant 16 : index
    %get3A_310 = tpu.vector_load %arg6[%get3A_307, %get3A_308, %get3A_309] {strides = array<i32>} : memref<15x2x80xi32, #tpu.memory_space<vmem>>, vector<16xi32>,
    tpu.vector_store_idx %arg8[%get3A_310], %broadcast_in_dim3A_1 {add = true} : memref<10000xf32, #tpu.memory_space<vmem>>[vector<16xi32>], vector<16xf32>,
    %get3A_311 = arith.constant 4 : i32
    %get3A_312 = arith.constant 1 : i32
    %get3A_313 = arith.index_cast %get3A_311 : i32 to index
    %get3A_314 = arith.index_cast %get3A_312 : i32 to index
    %get3A_315 = arith.constant 32 : index
    %get3A_316 = tpu.vector_load %arg6[%get3A_313, %get3A_314, %get3A_315] {strides = array<i32>} : memref<15x2x80xi32, #tpu.memory_space<vmem>>, vector<16xi32>,
    tpu.vector_store_idx %arg8[%get3A_316], %broadcast_in_dim3A_1 {add = true} : memref<10000xf32, #tpu.memory_space<vmem>>[vector<16xi32>], vector<16xf32>,
    %get3A_317 = arith.constant 4 : i32
    %get3A_318 = arith.constant 1 : i32
    %get3A_319 = arith.index_cast %get3A_317 : i32 to index
    %get3A_320 = arith.index_cast %get3A_318 : i32 to index
    %get3A_321 = arith.constant 48 : index
    %get3A_322 = tpu.vector_load %arg6[%get3A_319, %get3A_320, %get3A_321] {strides = array<i32>} : memref<15x2x80xi32, #tpu.memory_space<vmem>>, vector<16xi32>,
    tpu.vector_store_idx %arg8[%get3A_322], %broadcast_in_dim3A_1 {add = true} : memref<10000xf32, #tpu.memory_space<vmem>>[vector<16xi32>], vector<16xf32>,
    %get3A_323 = arith.constant 4 : i32
    %get3A_324 = arith.constant 1 : i32
    %get3A_325 = arith.index_cast %get3A_323 : i32 to index
    %get3A_326 = arith.index_cast %get3A_324 : i32 to index
    %get3A_327 = arith.constant 64 : index
    %get3A_328 = tpu.vector_load %arg6[%get3A_325, %get3A_326, %get3A_327] {strides = array<i32>} : memref<15x2x80xi32, #tpu.memory_space<vmem>>, vector<16xi32>,
    tpu.vector_store_idx %arg8[%get3A_328], %broadcast_in_dim3A_1 {add = true} : memref<10000xf32, #tpu.memory_space<vmem>>[vector<16xi32>], vector<16xf32>,
    "tpu.region"() ({
      %run_scoped3A_334 = tpu.sem_alloc : memref<!tpu.dma_semaphore, #tpu.memory_space<semaphore_mem>>
      %dma_start3A_335 = arith.constant 0 : i32
      %dma_start3A_336 = tpu.memref_slice %arg5[%add3A, %dma_start3A_335] : memref<32x10000xf32, #tpu.memory_space<hbm>> -> memref<1x10000xf32, #tpu.memory_space<hbm>>
      %dma_start3A_337 = tpu.memref_squeeze %dma_start3A_336 : memref<1x10000xf32, #tpu.memory_space<hbm>> -> memref<10000xf32, #tpu.memory_space<hbm>>
      %dma_start3A_338 = arith.constant 0 : i32
      %dma_start3A_339 = tpu.memref_slice %arg5[%add3A, %dma_start3A_338] : memref<32x10000xf32, #tpu.memory_space<hbm>> -> memref<1x10000xf32, #tpu.memory_space<hbm>>
      %dma_start3A_340 = tpu.memref_squeeze %dma_start3A_339 : memref<1x10000xf32, #tpu.memory_space<hbm>> -> memref<10000xf32, #tpu.memory_space<hbm>>
      tpu.enqueue_dma source(%arg8 : memref<10000xf32, #tpu.memory_space<vmem>>) target(%dma_start3A_340 : memref<10000xf32, #tpu.memory_space<hbm>>) target_semaphore(%run_scoped3A_334 : memref<!tpu.dma_semaphore, #tpu.memory_space<semaphore_mem>>)
      %dma_wait3A_341 = arith.constant 0 : i32
      %dma_wait3A_342 = tpu.memref_slice %arg5[%add3A, %dma_wait3A_341] : memref<32x10000xf32, #tpu.memory_space<hbm>> -> memref<1x10000xf32, #tpu.memory_space<hbm>>
      %dma_wait3A_343 = tpu.memref_squeeze %dma_wait3A_342 : memref<1x10000xf32, #tpu.memory_space<hbm>> -> memref<10000xf32, #tpu.memory_space<hbm>>
      %dma_wait3A_344 = arith.constant 0 : i32
      %dma_wait3A_345 = tpu.memref_slice %arg5[%add3A, %dma_wait3A_344] : memref<32x10000xf32, #tpu.memory_space<hbm>> -> memref<1x10000xf32, #tpu.memory_space<hbm>>
      %dma_wait3A_346 = tpu.memref_squeeze %dma_wait3A_345 : memref<1x10000xf32, #tpu.memory_space<hbm>> -> memref<10000xf32, #tpu.memory_space<hbm>>
      tpu.wait_dma2 semaphore(%run_scoped3A_334 : memref<!tpu.dma_semaphore, #tpu.memory_space<semaphore_mem>>) src(%arg8 : memref<10000xf32, #tpu.memory_space<vmem>>) dst(%dma_wait3A_346 : memref<10000xf32, #tpu.memory_space<hbm>>)
      tpu.yield
    }) : () -> ()
    %barrier3A_329 = arith.constant 0 : index
    tpu.barrier barrier_id(%barrier3A_329)
    %mul3A_330 = arith.constant 640 : i32
    %mul3A_331 = arith.muli %arg1, %mul3A_330 : i32
    %mul3A_332 = arith.constant 640 : i32
    %mul3A_333 = arith.muli %arg1, %mul3A_332 : i32
    "tpu.region"() ({
      %run_scoped3A_334 = tpu.sem_alloc : memref<!tpu.dma_semaphore, #tpu.memory_space<semaphore_mem>>
      %dma_start3A_335 = arith.constant 0 : i32
      %dma_start3A_336 = tpu.memref_slice %arg4[%arg0, %mul3A_333, %dma_start3A_335] : memref<2x10240x128xf32, #tpu.memory_space<hbm>> -> memref<1x640x128xf32, #tpu.memory_space<hbm>>
      %dma_start3A_337 = tpu.memref_squeeze %dma_start3A_336 : memref<1x640x128xf32, #tpu.memory_space<hbm>> -> memref<640x128xf32, #tpu.memory_space<hbm>>
      %dma_start3A_338 = arith.constant 0 : i32
      %dma_start3A_339 = tpu.memref_slice %arg12[%mul3A_331, %dma_start3A_338] : memref<10240x128xf32, #tpu.memory_space<vmem_shared>> -> memref<640x128xf32, #tpu.memory_space<vmem_shared>>
      tpu.enqueue_dma source(%dma_start3A_339 : memref<640x128xf32, #tpu.memory_space<vmem_shared>>) target(%dma_start3A_337 : memref<640x128xf32, #tpu.memory_space<hbm>>) target_semaphore(%run_scoped3A_334 : memref<!tpu.dma_semaphore, #tpu.memory_space<semaphore_mem>>)
      %dma_wait3A_340 = arith.constant 0 : i32
      %dma_wait3A_341 = tpu.memref_slice %arg4[%arg0, %mul3A_333, %dma_wait3A_340] : memref<2x10240x128xf32, #tpu.memory_space<hbm>> -> memref<1x640x128xf32, #tpu.memory_space<hbm>>
      %dma_wait3A_342 = tpu.memref_squeeze %dma_wait3A_341 : memref<1x640x128xf32, #tpu.memory_space<hbm>> -> memref<640x128xf32, #tpu.memory_space<hbm>>
      %dma_wait3A_343 = arith.constant 0 : i32
      %dma_wait3A_344 = tpu.memref_slice %arg12[%mul3A_331, %dma_wait3A_343] : memref<10240x128xf32, #tpu.memory_space<vmem_shared>> -> memref<640x128xf32, #tpu.memory_space<vmem_shared>>
      tpu.wait_dma2 semaphore(%run_scoped3A_334 : memref<!tpu.dma_semaphore, #tpu.memory_space<semaphore_mem>>) src(%dma_wait3A_344 : memref<640x128xf32, #tpu.memory_space<vmem_shared>>) dst(%dma_wait3A_342 : memref<640x128xf32, #tpu.memory_space<hbm>>)
      tpu.yield
    }) : () -> ()
    return
  }
}

module attributes {stable_mosaic.version = 14 : i64} {
  func.func @_d1_body(%arg0: i32, %arg1: memref<1024x128xf32, #tpu.memory_space<vmem>>, %arg2: memref<128x128xf32, #tpu.memory_space<vmem>>, %arg3: memref<1x128xf32, #tpu.memory_space<vmem>>, %arg4: memref<1024x128xf32, #tpu.memory_space<vmem>>) attributes {dimension_semantics = [#tpu.dimension_semantics<arbitrary>], iteration_bounds = array<i64: 10>, scalar_prefetch = 0 : i64, scratch_operands = 0 : i64, tpu.core_type = #tpu.core_type<tc>, window_params = [{transform_indices = @transform_0, window_bounds = array<i64: 1024, 128>}, {pipeline_mode = #tpu.pipeline_mode<synchronous>, transform_indices = @transform_1, window_bounds = array<i64: 128, 128>}, {pipeline_mode = #tpu.pipeline_mode<synchronous>, transform_indices = @transform_2, window_bounds = array<i64: 1, 128>}, {transform_indices = @transform_3, window_bounds = array<i64: 1024, 128>}]} {
    %get3A = arith.constant 0 : index
    %get3A_0 = arith.constant 0 : index
    %get3A_1 = vector.load %arg1[%get3A, %get3A_0] : memref<1024x128xf32, #tpu.memory_space<vmem>>, vector<1024x128xf32>
    %get3A_2 = arith.constant 0 : index
    %get3A_3 = arith.constant 0 : index
    %get3A_4 = vector.load %arg2[%get3A_2, %get3A_3] : memref<128x128xf32, #tpu.memory_space<vmem>>, vector<128x128xf32>
    %dot_general3A = arith.constant dense<0.000000e+00> : vector<1024x128xf32>
    %dot_general3A_5 = tpu.matmul %get3A_1, %get3A_4, %dot_general3A {dimension_numbers = #tpu.dot_dimension_numbers<[1], [0], [0], [1], [0, 0, 1, 1], [], []>, transpose_lhs_hint = false} : vector<1024x128xf32>, vector<128x128xf32>, vector<1024x128xf32> -> vector<1024x128xf32>
    %get3A_6 = arith.constant 0 : index
    %get3A_7 = arith.constant 0 : index
    %get3A_8 = vector.load %arg3[%get3A_6, %get3A_7] : memref<1x128xf32, #tpu.memory_space<vmem>>, vector<1x128xf32>
    %add3A = vector.broadcast %get3A_8 : vector<1x128xf32> to vector<1024x128xf32>
    %add3A_9 = arith.addf %dot_general3A_5, %add3A : vector<1024x128xf32>
    %max3A = arith.constant 0.000000e+00 : f32
    %max3A_10 = vector.broadcast %max3A : f32 to vector<1024x128xf32>
    %max3A_11 = arith.maximumf %add3A_9, %max3A_10 : vector<1024x128xf32>
    %swap3A = arith.constant 0 : index
    %swap3A_12 = arith.constant 0 : index
    %swap3A_13 = vector.load %arg4[%swap3A, %swap3A_12] : memref<1024x128xf32, #tpu.memory_space<vmem>>, vector<1024x128xf32>
    tpu.vector_store %arg4[%swap3A, %swap3A_12], %max3A_11 {strides = array<i32>} : memref<1024x128xf32, #tpu.memory_space<vmem>>, vector<1024x128xf32>,
    return
  }
  func.func @transform_0(%arg0: i32) -> (i32, i32) {
    %c0_i32 = arith.constant 0 : i32
    %c0_i32_0 = arith.constant 0 : i32
    return %arg0, %c0_i32 : i32, i32
  }
  func.func @transform_1(%arg0: i32) -> (i32, i32) {
    %c0_i32 = arith.constant 0 : i32
    %c0_i32_0 = arith.constant 0 : i32
    %c0_i32_1 = arith.constant 0 : i32
    return %c0_i32, %c0_i32_0 : i32, i32
  }
  func.func @transform_2(%arg0: i32) -> (i32, i32) {
    %c0_i32 = arith.constant 0 : i32
    %c0_i32_0 = arith.constant 0 : i32
    %c0_i32_1 = arith.constant 0 : i32
    return %c0_i32, %c0_i32_0 : i32, i32
  }
  func.func @transform_3(%arg0: i32) -> (i32, i32) {
    %c0_i32 = arith.constant 0 : i32
    %c0_i32_0 = arith.constant 0 : i32
    return %arg0, %c0_i32 : i32, i32
  }
}

module attributes {stable_mosaic.version = 14 : i64} {
  func.func @_out_body(%arg0: i32, %arg1: memref<2x1024x128xf32, #tpu.memory_space<vmem>>, %arg2: memref<32x1024xf32, #tpu.memory_space<vmem>>, %arg3: memref<1024x128xf32, #tpu.memory_space<vmem>>, %arg4: memref<128x128xf32, #tpu.memory_space<vmem>>, %arg5: memref<1x128xf32, #tpu.memory_space<vmem>>, %arg6: memref<128x128xf32, #tpu.memory_space<vmem>>, %arg7: memref<128x128xf32, #tpu.memory_space<vmem>>, %arg8: memref<1x128xf32, #tpu.memory_space<vmem>>, %arg9: memref<1024x128xf32, #tpu.memory_space<vmem>>) attributes {dimension_semantics = [#tpu.dimension_semantics<arbitrary>], iteration_bounds = array<i64: 10>, scalar_prefetch = 0 : i64, scratch_operands = 0 : i64, tpu.core_type = #tpu.core_type<tc>, window_params = [{transform_indices = @transform_0, window_bounds = array<i64: 2, 1024, 128>}, {transform_indices = @transform_1, window_bounds = array<i64: 32, 1024>}, {transform_indices = @transform_2, window_bounds = array<i64: 1024, 128>}, {pipeline_mode = #tpu.pipeline_mode<synchronous>, transform_indices = @transform_3, window_bounds = array<i64: 128, 128>}, {pipeline_mode = #tpu.pipeline_mode<synchronous>, transform_indices = @transform_4, window_bounds = array<i64: 1, 128>}, {pipeline_mode = #tpu.pipeline_mode<synchronous>, transform_indices = @transform_5, window_bounds = array<i64: 128, 128>}, {pipeline_mode = #tpu.pipeline_mode<synchronous>, transform_indices = @transform_6, window_bounds = array<i64: 128, 128>}, {pipeline_mode = #tpu.pipeline_mode<synchronous>, transform_indices = @transform_7, window_bounds = array<i64: 1, 128>}, {transform_indices = @transform_8, window_bounds = array<i64: 1024, 128>}]} {
    %get3A = arith.constant 0 : index
    %get3A_0 = arith.constant 0 : index
    %get3A_1 = arith.constant 0 : index
    %get3A_2 = vector.load %arg1[%get3A, %get3A_0, %get3A_1] : memref<2x1024x128xf32, #tpu.memory_space<vmem>>, vector<1x1024x128xf32>
    %get3A_3 = vector.shape_cast %get3A_2 : vector<1x1024x128xf32> to vector<1024x128xf32>
    %get3A_4 = arith.constant 1 : index
    %get3A_5 = arith.constant 0 : index
    %get3A_6 = arith.constant 0 : index
    %get3A_7 = vector.load %arg1[%get3A_4, %get3A_5, %get3A_6] : memref<2x1024x128xf32, #tpu.memory_space<vmem>>, vector<1x1024x128xf32>
    %get3A_8 = vector.shape_cast %get3A_7 : vector<1x1024x128xf32> to vector<1024x128xf32>
    %add3A = arith.addf %get3A_3, %get3A_8 : vector<1024x128xf32>
    %get3A_9 = arith.constant 0 : index
    %get3A_10 = arith.constant 0 : index
    %get3A_11 = vector.load %arg2[%get3A_9, %get3A_10] : memref<32x1024xf32, #tpu.memory_space<vmem>>, vector<32x1024xf32>
    %transpose3A = tpu.transpose %get3A_11, [1, 0] : vector<32x1024xf32> -> vector<1024x32xf32>
    %reduce_sum3A = arith.constant dense<0.000000e+00> : vector<1024xf32>
    %reduce_sum3A_12 = vector.multi_reduction <add>, %transpose3A, %reduce_sum3A [1] : vector<1024x32xf32> to vector<1024xf32>
    %broadcast_in_dim3A = vector.shape_cast %reduce_sum3A_12 : vector<1024xf32> to vector<1024x1xf32>
    %max3A = arith.constant 1.000000e+00 : f32
    %max3A_13 = vector.broadcast %max3A : f32 to vector<1024x1xf32>
    %max3A_14 = arith.maximumf %broadcast_in_dim3A, %max3A_13 : vector<1024x1xf32>
    %div3A = vector.broadcast %max3A_14 : vector<1024x1xf32> to vector<1024x128xf32>
    %div3A_15 = arith.divf %add3A, %div3A : vector<1024x128xf32>
    %get3A_16 = arith.constant 0 : index
    %get3A_17 = arith.constant 0 : index
    %get3A_18 = vector.load %arg3[%get3A_16, %get3A_17] : memref<1024x128xf32, #tpu.memory_space<vmem>>, vector<1024x128xf32>
    %get3A_19 = arith.constant 0 : index
    %get3A_20 = arith.constant 0 : index
    %get3A_21 = vector.load %arg4[%get3A_19, %get3A_20] : memref<128x128xf32, #tpu.memory_space<vmem>>, vector<128x128xf32>
    %dot_general3A = arith.constant dense<0.000000e+00> : vector<1024x128xf32>
    %dot_general3A_22 = tpu.matmul %get3A_18, %get3A_21, %dot_general3A {dimension_numbers = #tpu.dot_dimension_numbers<[1], [0], [0], [1], [0, 0, 1, 1], [], []>, transpose_lhs_hint = false} : vector<1024x128xf32>, vector<128x128xf32>, vector<1024x128xf32> -> vector<1024x128xf32>
    %get3A_23 = arith.constant 0 : index
    %get3A_24 = arith.constant 0 : index
    %get3A_25 = vector.load %arg6[%get3A_23, %get3A_24] : memref<128x128xf32, #tpu.memory_space<vmem>>, vector<128x128xf32>
    %dot_general3A_26 = arith.constant dense<0.000000e+00> : vector<1024x128xf32>
    %dot_general3A_27 = tpu.matmul %div3A_15, %get3A_25, %dot_general3A_26 {dimension_numbers = #tpu.dot_dimension_numbers<[1], [0], [0], [1], [0, 0, 1, 1], [], []>, transpose_lhs_hint = false} : vector<1024x128xf32>, vector<128x128xf32>, vector<1024x128xf32> -> vector<1024x128xf32>
    %add3A_28 = arith.addf %dot_general3A_22, %dot_general3A_27 : vector<1024x128xf32>
    %get3A_29 = arith.constant 0 : index
    %get3A_30 = arith.constant 0 : index
    %get3A_31 = vector.load %arg5[%get3A_29, %get3A_30] : memref<1x128xf32, #tpu.memory_space<vmem>>, vector<1x128xf32>
    %add3A_32 = vector.broadcast %get3A_31 : vector<1x128xf32> to vector<1024x128xf32>
    %add3A_33 = arith.addf %add3A_28, %add3A_32 : vector<1024x128xf32>
    %max3A_34 = arith.constant 0.000000e+00 : f32
    %max3A_35 = vector.broadcast %max3A_34 : f32 to vector<1024x128xf32>
    %max3A_36 = arith.maximumf %add3A_33, %max3A_35 : vector<1024x128xf32>
    %get3A_37 = arith.constant 0 : index
    %get3A_38 = arith.constant 0 : index
    %get3A_39 = vector.load %arg7[%get3A_37, %get3A_38] : memref<128x128xf32, #tpu.memory_space<vmem>>, vector<128x128xf32>
    %dot_general3A_40 = arith.constant dense<0.000000e+00> : vector<1024x128xf32>
    %dot_general3A_41 = tpu.matmul %max3A_36, %get3A_39, %dot_general3A_40 {dimension_numbers = #tpu.dot_dimension_numbers<[1], [0], [0], [1], [0, 0, 1, 1], [], []>, transpose_lhs_hint = false} : vector<1024x128xf32>, vector<128x128xf32>, vector<1024x128xf32> -> vector<1024x128xf32>
    %get3A_42 = arith.constant 0 : index
    %get3A_43 = arith.constant 0 : index
    %get3A_44 = vector.load %arg8[%get3A_42, %get3A_43] : memref<1x128xf32, #tpu.memory_space<vmem>>, vector<1x128xf32>
    %add3A_45 = vector.broadcast %get3A_44 : vector<1x128xf32> to vector<1024x128xf32>
    %add3A_46 = arith.addf %dot_general3A_41, %add3A_45 : vector<1024x128xf32>
    %max3A_47 = arith.constant 0.000000e+00 : f32
    %max3A_48 = vector.broadcast %max3A_47 : f32 to vector<1024x128xf32>
    %max3A_49 = arith.maximumf %add3A_46, %max3A_48 : vector<1024x128xf32>
    %swap3A = arith.constant 0 : index
    %swap3A_50 = arith.constant 0 : index
    %swap3A_51 = vector.load %arg9[%swap3A, %swap3A_50] : memref<1024x128xf32, #tpu.memory_space<vmem>>, vector<1024x128xf32>
    tpu.vector_store %arg9[%swap3A, %swap3A_50], %max3A_49 {strides = array<i32>} : memref<1024x128xf32, #tpu.memory_space<vmem>>, vector<1024x128xf32>,
    return
  }
  func.func @transform_0(%arg0: i32) -> (i32, i32, i32) {
    %c0_i32 = arith.constant 0 : i32
    %c0_i32_0 = arith.constant 0 : i32
    %c0_i32_1 = arith.constant 0 : i32
    return %c0_i32, %arg0, %c0_i32_0 : i32, i32, i32
  }
  func.func @transform_1(%arg0: i32) -> (i32, i32) {
    %c0_i32 = arith.constant 0 : i32
    %c0_i32_0 = arith.constant 0 : i32
    return %c0_i32, %arg0 : i32, i32
  }
  func.func @transform_2(%arg0: i32) -> (i32, i32) {
    %c0_i32 = arith.constant 0 : i32
    %c0_i32_0 = arith.constant 0 : i32
    return %arg0, %c0_i32 : i32, i32
  }
  func.func @transform_3(%arg0: i32) -> (i32, i32) {
    %c0_i32 = arith.constant 0 : i32
    %c0_i32_0 = arith.constant 0 : i32
    %c0_i32_1 = arith.constant 0 : i32
    return %c0_i32, %c0_i32_0 : i32, i32
  }
  func.func @transform_4(%arg0: i32) -> (i32, i32) {
    %c0_i32 = arith.constant 0 : i32
    %c0_i32_0 = arith.constant 0 : i32
    %c0_i32_1 = arith.constant 0 : i32
    return %c0_i32, %c0_i32_0 : i32, i32
  }
  func.func @transform_5(%arg0: i32) -> (i32, i32) {
    %c0_i32 = arith.constant 0 : i32
    %c0_i32_0 = arith.constant 0 : i32
    %c0_i32_1 = arith.constant 0 : i32
    return %c0_i32, %c0_i32_0 : i32, i32
  }
  func.func @transform_6(%arg0: i32) -> (i32, i32) {
    %c0_i32 = arith.constant 0 : i32
    %c0_i32_0 = arith.constant 0 : i32
    %c0_i32_1 = arith.constant 0 : i32
    return %c0_i32, %c0_i32_0 : i32, i32
  }
  func.func @transform_7(%arg0: i32) -> (i32, i32) {
    %c0_i32 = arith.constant 0 : i32
    %c0_i32_0 = arith.constant 0 : i32
    %c0_i32_1 = arith.constant 0 : i32
    return %c0_i32, %c0_i32_0 : i32, i32
  }
  func.func @transform_8(%arg0: i32) -> (i32, i32) {
    %c0_i32 = arith.constant 0 : i32
    %c0_i32_0 = arith.constant 0 : i32
    return %arg0, %c0_i32 : i32, i32
  }
}

</mosaic_0001>

<sc_bundles>
// kernel: kernel.5.cloned.1.call-start
scs
__scs_entry_jumppad:
0x0: {  	(pc) =	sbr.rel $0x88, $3  }
0x1: {  	(tag) =	ssettag $0x0;
	lr =	simm.s32 $0x1  }
0x2: {  	[smem:$0x3F98] =	sst lr;
	_ =	strace $0xD0000000  }
0x3: {  	_ = 	snop  }
0x4: {  	_ = 	snop  }
0x5: {  	_ = 	snop  }
0x6: {  	_ = 	snop  }
0x7: {  	_ = 	snop  }
__scs_overlays_trampoline_lowered:
0x8: {  	[smem:$0x3FA7] =	sst s0  }
0x9: {  	[smem:$0x3FA8] =	sst s1  }
0xa: {  	[smem:$0x3FA9] =	sst s2  }
0xb: {  	[smem:$0x3FAA] =	sst s3  }
0xc: {  	[smem:$0x3FAB] =	sst s4  }
0xd: {  	[smem:$0x3FAC] =	sst s5  }
0xe: {  	[smem:$0x3FAD] =	sst s6  }
0xf: {  	[smem:$0x3FAE] =	sst s7  }
0x10: {  	[smem:$0x3FAF] =	sst s8  }
0x11: {  	[smem:$0x3FB0] =	sst s9;
	s0 =	simm.s32 @!p0 $0x0  }
0x12: {  	s1 =	sld [smem:$0x3F96];
	s0 =	simm.s32 @p0 $0x1  }
0x13: {  	[smem:$0x3FB1] =	sst s0;
	s0 =	simm.s32 @!p1 $0x0  }
0x14: {  	s2 =	sld [smem:$0x3F95];
	s0 =	simm.s32 @p1 $0x1  }
0x15: {  	[smem:$0x3FB2] =	sst s0;
	s0 =	simm.s32 @!p2 $0x0  }
0x16: {  	s3 =	sld [smem:$0x3FDB];
	s0 =	simm.s32 @p2 $0x1  }
0x17: {  	s4 =	simm.s32 $0x1BF5;
	[smem:$0x3FB4] =	sst s0  }
0x18: {  	s0 =	sld [smem:$0x3F97];
	_ =	swait.ge [sflag:s4], $0x0  }
0x19: {  	s7 =	sld [smem:$0x3F98]  }
0x1a: {  	s8 =	sadd.s32 $0xFFFFE003, lr  }
0x1b: {  	s9 =	sadd.s32 $0xFFFFFEF7, lr;
	s5 =	simm.s32 $0xFFFFFFFF;
	p2 =	slt.u32 s8, $0xFFFFF086  }
0x1c: {  	p1 =	slt.u32 s9, $0xF7A;
	s5 =	simm.s32 @!p2 $0x0  }
0x1d: {  	s5 =	simm.s32 @p1 $0x1;
	p0 =	seq.s32 s7, s2  }
0x1e: {  	s7 =	smul.u32 @!p0 $0xF7A, s2;
	p2 =	seq.s32 @!p0 s5, $0x0  }
0x1f: {  	s9 =	smul.u32 $0xF7A, s1;
	s8 =	simm.s32 @!p0 $0x1BF5;
	p2 =	por !p2, p0  }
0x20: {  	[sflag:s8] =	ssyncset.s32 @!p0 $0xFFFFF086;
	s6 =	sadd.s32 @!p0 s3, s7;
	s7 =	simm.s32 @!p0 $0x108  }
0x21: {  	s3 =	sadd.s32 s3, s9;
	s6 =	sadd.s32 @!p0 $0x88, s6;
	s7 =	simm.s32 @p2 $0x1082  }
0x22: {  	[simem:s7], [sflag:s8] =	dma.local @!p0 [hbm:s6], $0xF7A  }
0x23: {  	s9 =	sor.u32 $0xD0000000, s2;
	s6 =	simm.s32 $0x108;
	_ =	swait.ge @!p0 [sflag:s8], $0x0  }
0x24: {  	s3 =	sadd.s32 $0x88, s3;
	s6 =	simm.s32 @!p1 $0x1082;
	[sflag:s4] =	ssyncset.s32 $0xFFFFF086  }
0x25: {  	[simem:s6], [sflag:s4] =	dma.local [hbm:s3], $0xF7A  }
0x26: {  	[smem:$0x3F98] =	sst s1;
	(tag) =	ssettag s2;
	_ =	strace s9  }
0x27: {  	s1 =	sld [smem:$0x3FA8]  }
0x28: {  	s2 =	sld [smem:$0x3FA9]  }
0x29: {  	s4 =	sld [smem:$0x3FAB]  }
0x2a: {  	p0 =	seq.s32 s5, $0x0;
	s5 =	sld [smem:$0x3FAC]  }
0x2b: {  	s6 =	sld [smem:$0x3FAD]  }
0x2c: {  	s7 =	sld [smem:$0x3FAE]  }
0x2d: {  	s3 =	simm.s32 $0x108;
	s8 =	sld [smem:$0x3FAF]  }
0x2e: {  	s3 =	simm.s32 @!p0 $0x1082;
	s9 =	sld [smem:$0x3FB0]  }
0x2f: {  	lr =	sadd.s32 s0, s3;
	s0 =	sld [smem:$0x3FA7]  }
0x30: {  	s3 =	sld [smem:$0x3FAA]  }
0x31: {  	[smem:$0x3FB3] =	sst s10  }
0x32: {  	s10 =	sld [smem:$0x3FB1];
	_ =	sdelay $0x3  }
0x33: {  	p0 =	seq.s32 s10, $0x1;
	s10 =	sld [smem:$0x3FB3];
	_ =	sdelay $0x3  }
0x34: {  	[smem:$0x3FB3] =	sst s10  }
0x35: {  	s10 =	sld [smem:$0x3FB2];
	_ =	sdelay $0x3  }
0x36: {  	p1 =	seq.s32 s10, $0x1;
	s10 =	sld [smem:$0x3FB3];
	_ =	sdelay $0x3  }
0x37: {  	[smem:$0x3FB3] =	sst s10  }
0x38: {  	s10 =	sld [smem:$0x3FB4]  }
0x39: {  	_ = 	snop;
	(pc) =	sbr.ind lr, $3  }
0x3a: {  	_ = 	snop  }
0x3b: {  	_ = 	snop  }
0x3c: {  	p2 =	seq.s32 s10, $0x1;
	s10 =	sld [smem:$0x3FB3]  }
0x3d: {  	_ =	shalt  }
0x3e: {  	_ =	shalt  }
0x3f: {  	_ =	shalt  }
0x40: {  	_ =	shalt  }
0x41: {  	_ =	shalt  }
0x42: {  	_ =	shalt  }
0x43: {  	_ =	shalt  }
0x44: {  	_ =	shalt  }
0x45: {  	_ =	shalt  }
0x46: {  	_ =	shalt  }
0x47: {  	_ =	shalt  }
0x48: {  	_ =	shalt  }
0x49: {  	_ =	shalt  }
0x4a: {  	_ =	shalt  }
0x4b: {  	_ =	shalt  }
0x4c: {  	_ =	shalt  }
0x4d: {  	_ =	shalt  }
0x4e: {  	_ =	shalt  }
0x4f: {  	_ =	shalt  }
0x50: {  	_ =	shalt  }
0x51: {  	_ =	shalt  }
0x52: {  	_ =	shalt  }
0x53: {  	_ =	shalt  }
0x54: {  	_ =	shalt  }
0x55: {  	_ =	shalt  }
0x56: {  	_ =	shalt  }
0x57: {  	_ =	shalt  }
0x58: {  	_ =	shalt  }
0x59: {  	_ =	shalt  }
0x5a: {  	_ =	shalt  }
0x5b: {  	_ =	shalt  }
0x5c: {  	_ =	shalt  }
0x5d: {  	_ =	shalt  }
0x5e: {  	_ =	shalt  }
0x5f: {  	_ =	shalt  }
0x60: {  	_ =	shalt  }
0x61: {  	_ =	shalt  }
0x62: {  	_ =	shalt  }
0x63: {  	_ =	shalt  }
0x64: {  	_ =	shalt  }
0x65: {  	_ =	shalt  }
0x66: {  	_ =	shalt  }
0x67: {  	_ =	shalt  }
0x68: {  	_ =	shalt  }
0x69: {  	_ =	shalt  }
0x6a: {  	_ =	shalt  }
0x6b: {  	_ =	shalt  }
0x6c: {  	_ =	shalt  }
0x6d: {  	_ =	shalt  }
0x6e: {  	_ =	shalt  }
0x6f: {  	_ =	shalt  }
0x70: {  	_ =	shalt  }
0x71: {  	_ =	shalt  }
0x72: {  	_ =	shalt  }
0x73: {  	_ =	shalt  }
0x74: {  	_ =	shalt  }
0x75: {  	_ =	shalt  }
0x76: {  	_ =	shalt  }
0x77: {  	_ =	shalt  }
0x78: {  	_ =	shalt  }
0x79: {  	_ =	shalt  }
0x7a: {  	_ =	shalt  }
0x7b: {  	_ =	shalt  }
0x7c: {  	_ =	shalt  }
0x7d: {  	_ =	shalt  }
0x7e: {  	_ =	shalt  }
0x7f: {  	_ =	shalt  }
0x80: {  	_ =	shalt  }
0x81: {  	_ =	shalt  }
0x82: {  	_ =	shalt  }
0x83: {  	_ =	shalt  }
0x84: {  	_ =	shalt  }
0x85: {  	_ =	shalt  }
0x86: {  	_ =	shalt  }
0x87: {  	_ =	shalt  }
.Lfunc_end0:
.L_simem_size_0:
called_computation_lowered:
.L_overlay_start_0:
0x88: {  	s2 =	sld [smem:$0x3FD9]  }
0x89: {  	s3 =	sld [smem:$0x3FFE];
	_ =	sdelay $0x1  }
0x8a: {  	s1 =	srdreg.scid  }
0x8b: {  	s0 =	sand.u32 $0x1, s1  }
0x8c: {  	s17 =	sshll.u32 s0, $0xA;
	s2 =	sadd.s32 s3, s2  }
0x8d: {  	s2 =	sadd.s32 s2, s17  }
0x8e: {  	[smem:$0x3FBF] =	sst s2  }
0x8f: {  	_ = 	snop  }
0x90: {  	s2 =	sld [smem:$0x3FD0];
	(tm) =	ssettm $0x1  }
0x91: {  	s18 =	sld [smem:$0x3FFB];
	_ =	sdelay $0x3  }
0x92: {  	_ =	strace s18  }
0x93: {  	s3 =	sld [smem:$0x3FFC];
	_ =	sdelay $0x3  }
0x94: {  	_ =	strace s3  }
0x95: {  	s3 =	sld [smem:$0x3FFD];
	_ =	sdelay $0x3  }
0x96: {  	_ =	strace s3  }
0x97: {  	_ =	strace $0x8FFFFFFF  }
0x98: {  	s19 =	sld [smem:$0x3FDB];
	_ =	sdelay $0x1  }
0x99: {  	s4 =	simm.s32 $_scs_section_size  }
0x9a: {  	s5 =	simm.s32 $_size__tile_overlayer_lowered;
	s6 =	simm.s32 $_tile_overlayer_lowered  }
0x9b: {  	s22 =	simm.s32 $0x1BFF;
	s21 =	sshll.u32 s6, $0x1;
	s3 =	sadd.s32 s4, s19  }
0x9c: {  	s7 =	simm.s32 $0x0;
	s20 =	sshll.u32 s5, $0x1;
	s5 =	sadd.s32 s21, s3  }
0x9d: {  	[timem:s7], [sflag:s22] =	dma.local [hbm:s5], s20  }
0x9e: {  	_ =	swait.ge [sflag:s22], s20  }
0x9f: {  	s4 =	ssub.s32 $0x0, s20;
	[sflag:s22] =	ssyncset.done $0x0  }
0xa0: {  	[sflag:s22] =	ssyncadd.s32 s4;
	_ =	sdelay $0x1  }
0xa1: {  	s23 =	simm.s32 $0x1B8B  }
0xa2: {  	_ =	swait.ge [sflag:s23], $0x1  }
0xa3: {  	[sflag:s23] =	ssyncset.done $0x0  }
0xa4: {  	s25 =	simm.s32 $0x1B8E;
	s24 =	sld [smem:$0x3FFE];
	[sflag:s23] =	ssyncadd.s32 $0xFFFFFFFF  }
0xa5: {  	s26 =	simm.s32 $execute0_lowered;
	[smem:$0x3FD2] =	sst s25  }
0xa6: {  	s5 =	sshll.u32 s26, $0x1;
	_ =	strace $0x80000046;
	[dreg:$0x1] =	wrdreg $0xFFFFFFFF  }
0xa7: {  	s28 =	simm.s32 $_size_execute0_lowered;
	s3 =	sadd.s32 s3, s5;
	[dreg:$0x0] =	wrdreg $0x0  }
0xa8: {  	s5 =	sshll.u32 s28, $0x1;
	[dreg:$0x2] =	wrdreg s3  }
0xa9: {  	[dreg:$0x3] =	wrdreg s5  }
0xaa: {  	[dreg:$0x4] =	wrdreg $0xC0  }
0xab: {  	_ =	task [dreg:s7], $0x5FFFF  }
0xac: {  	[dreg:$0x1] =	wrdreg $0xFFFFFFFF  }
0xad: {  	[dreg:$0x0] =	wrdreg $0x60  }
0xae: {  	[dreg:$0x2] =	wrdreg s2  }
0xaf: {  	[dreg:$0x3] =	wrdreg s24  }
0xb0: {  	[dreg:$0x4] =	wrdreg $0xBD800  }
0xb1: {  	[dreg:$0x5] =	wrdreg $0x9  }
0xb2: {  	_ =	task.clear_ibuf [dreg:s7], $0x6FFFF;
	_ =	strace $0x90000046  }
0xb3: {  	s29 =	simm.s32 $0x9;
	_ =	strace $0x80000048  }
0xb4: {  	_ =	swait.ge [sflag:s29], $0x1  }
0xb5: {  	[sflag:s29] =	ssyncadd.s32 $0xFFFFFFFF  }
0xb6: {  	_ =	strace $0x90000048  }
0xb7: {  	_ =	sfence  }
0xb8: {  	s30 =	sld [smem:$0x0];
	_ =	sdelay $0x2  }
0xb9: {  	s31 =	sshll.u32 s1, $0xD;
	s1 =	sshrl.u32 s1, $0x2  }
0xba: {  	s3 =	sand.u32 $0x4000, s31;
	s1 =	sadd.s32 s1, s30  }
0xbb: {  	s0 =	sor.u32 s3, s0;
	s1 =	sshll.u32 s1, $0x11  }
0xbc: {  	s0 =	sor.u32 s1, s0  }
0xbd: {  	s0 =	sadd.s32 $0x8F2B, s0  }
0xbe: {  	[sflag:s0] =	ssyncadd.remote.s32 $0x1  }
0xbf: {  	_ =	sfence.sel $0xFFFF  }
0xc0: {  	[dreg:$0x0] =	wrdreg $0xFFFFFFFF;
	(pc) =	sbr.abs _section_cstart, $3  }
0xc1: {  	[dreg:$0x1] =	wrdreg $0xFFFFFFFF  }
0xc2: {  	_ =	task.clear_ibuf [dreg:s7], $0x2FFFF;
	_ =	strace $0x9FFFFFFF  }
0xc3: {  	(tm) =	ssettm $0x7FFFFFFF  }
tec
execute0_lowered:
.L_overlay_start_1:
0x0: {  	(tag) =	ssettag $0x1  }
0x1: {  	s1 =	rddreg [dreg:$0x0]  }
0x2: {  	s7 =	rddreg [dreg:$0x1]  }
0x3: {  	s3 =	rddreg [dreg:$0x2];
	s4 =	simm.s32 $0x0  }
0x4: {  	s5 =	simm.s32 $0x500;
	[smem:$0x7FF] =	sst s4  }
0x5: {  	s9 =	simm.s32 $0x600;
	_ =	strace $0x80000047;
	[dreg:$0x5] =	wrdreg s5  }
0x6: {  	s10 =	simm.s32 $0x700;
	[dreg:$0x6] =	wrdreg s9  }
0x7: {  	s12 =	simm.s32 $0x580;
	[dreg:$0x7] =	wrdreg s10  }
0x8: {  	s13 =	simm.s32 $0x800;
	[dreg:$0x8] =	wrdreg s12  }
0x9: {  	s14 =	simm.s32 $0x680;
	[dreg:$0x9] =	wrdreg s13  }
0xa: {  	s15 =	simm.s32 $0x900;
	[dreg:$0xa] =	wrdreg s14  }
0xb: {  	s16 =	simm.s32 $0x780;
	[dreg:$0xb] =	wrdreg s15  }
0xc: {  	s17 =	simm.s32 $0xA00;
	[dreg:$0xc] =	wrdreg s16  }
0xd: {  	s18 =	simm.s32 $0x880;
	[dreg:$0xd] =	wrdreg s17  }
0xe: {  	s19 =	simm.s32 $0xB00;
	[dreg:$0xe] =	wrdreg s18  }
0xf: {  	s20 =	simm.s32 $0x980;
	[dreg:$0xf] =	wrdreg s19  }
0x10: {  	s21 =	simm.s32 $0xC00;
	[dreg:$0x10] =	wrdreg s20  }
0x11: {  	s22 =	simm.s32 $0xA80;
	[dreg:$0x11] =	wrdreg s21  }
0x12: {  	s0 =	srdreg.scid;
	s23 =	simm.s32 $0xD00;
	[dreg:$0x12] =	wrdreg s22  }
0x13: {  	s11 =	stileid.u32;
	s24 =	simm.s32 $0xB80;
	[dreg:$0x13] =	wrdreg s23  }
0x14: {  	s28 =	simm.s32 $0x4580;
	[dreg:$0x14] =	wrdreg s24;
	s12 =	simm.s32 $0xC80  }
0x15: {  	s29 =	simm.s32 $0x6;
	s13 =	simm.s32 $0xD80;
	[dreg:$0x16] =	wrdreg s12  }
0x16: {  	s30 =	simm.s32 $0x5;
	s14 =	simm.s32 $0x1000;
	[dreg:$0x17] =	wrdreg s13  }
0x17: {  	s31 =	simm.s32 $0x1;
	s15 =	simm.s32 $0xE80;
	[dreg:$0x18] =	wrdreg s14  }
0x18: {  	s0 =	sand.u32 $0x1, s0;
	s17 =	simm.s32 $0x1100;
	[dreg:$0x19] =	wrdreg s15  }
0x19: {  	s25 =	sshll.u32 s11, $0x7;
	s19 =	simm.s32 $0xF80;
	[dreg:$0x1a] =	wrdreg s17  }
0x1a: {  	s2 =	sshll.u32 s0, $0x4;
	s20 =	simm.s32 $0x1200;
	[dreg:$0x1b] =	wrdreg s19  }
0x1b: {  	s9 =	smul.u32 $0x140000, s0;
	s21 =	simm.s32 $0x1080;
	[dreg:$0x1c] =	wrdreg s20  }
0x1c: {  	s10 =	smul.u32 $0x14000, s11;
	s23 =	simm.s32 $0x1300;
	[dreg:$0x1d] =	wrdreg s21  }
0x1d: {  	s5 =	sadd.s32 $0x2600, s7;
	[dreg:$0x1e] =	wrdreg s23;
	s12 =	simm.s32 $0x1500  }
0x1e: {  	s16 =	ssub.s32 $0x2, s0;
	s13 =	simm.s32 $0x1380;
	[smem:$0x7E0] =	sst s12  }
0x1f: {  	s24 =	smul.u32 $0x50000, s11;
	s15 =	simm.s32 $0x1600;
	[smem:$0x7E2] =	sst s13  }
0x20: {  	s0 =	smul.u32 $0x87000, s0;
	s17 =	simm.s32 $0x1480;
	[smem:$0x7E4] =	sst s15  }
0x21: {  	s8 =	sor.u32 s11, s2;
	s19 =	simm.s32 $0x1700;
	[smem:$0x7E6] =	sst s17  }
0x22: {  	s18 =	sshrl.u32 s16, $0x1;
	s21 =	simm.s32 $0x1580;
	[smem:$0x7E8] =	sst s19  }
0x23: {  	s23 =	simm.s32 $0x1800;
	s9 =	sadd.s32 s10, s9;
	[smem:$0x7EA] =	sst s21  }
0x24: {  	s10 =	sand.u32 $0x380, s25;
	s25 =	simm.s32 $0x1180;
	[smem:$0x7EC] =	sst s23  }
0x25: {  	s11 =	smul.u32 $0x8700, s11;
	s12 =	simm.s32 $0x1880;
	[dreg:$0x1f] =	wrdreg s25  }
0x26: {  	s6 =	smul.u32 $0x8700, s8;
	s15 =	simm.s32 $0x1980;
	[smem:$0x7F4] =	sst s12  }
0x27: {  	s8 =	sshrl.u32 s8, $0x3;
	s17 =	simm.s32 $0x1A80;
	[smem:$0x7F7] =	sst s15  }
0x28: {  	s21 =	simm.s32 $0x4;
	s19 =	simm.s32 $0x1B80;
	[smem:$0x7F9] =	sst s17  }
0x29: {  	s23 =	simm.s32 $0x1C80;
	s9 =	sshrl.u32 s9, $0x3;
	[smem:$0x7FB] =	sst s19  }
0x2a: {  	s0 =	sadd.s32 s11, s0;
	[smem:$0x7FC] =	sst s23;
	s26 =	sadd.s32 $0x2D00, s6  }
0x2b: {  	s8 =	smul.u32 $0x13C00, s8;
	s0 =	sadd.s32 $0x1E00, s0;
	[dreg:$0x4] =	wrdreg s26  }
0x2c: {  	s6 =	sshrl.u32 s6, $0x3;
	s26 =	simm.s32 $0xE00;
	[smem:$0x7F6] =	sst s0  }
0x2d: {  	s2 =	sadd.s32 s9, s7;
	s22 =	sadd.s32 s5, s6;
	[dreg:$0x15] =	wrdreg s26  }
0x2e: {  	s9 =	ssub.s32 s16, s18;
	s2 =	sadd.s32 $0x24200, s2;
	[smem:$0x7DB] =	sst s22  }
0x2f: {  	s23 =	simm.s32 $0x200;
	s13 =	smax.u32 s9, $0x1;
	[smem:$0x7EF] =	sst s2  }
0x30: {  	s8 =	sor.u32 s10, s8;
	s10 =	sadd.s32 $0x1E0, s22;
	[smem:$0x7F3] =	sst s13  }
0x31: {  	s11 =	simm.s32 $0x400;
	s26 =	simm.s32 $0x1400;
	[smem:$0x7DC] =	sst s10  }
0x32: {  	s8 =	sshrl.u32 s8, $0x3;
	[smem:$0x7DD] =	sst s26;
	s10 =	simm.s32 $0x1280  }
0x33: {  	s7 =	sadd.s32 s8, s7;
	s26 =	simm.s32 $0x1680;
	[smem:$0x7DE] =	sst s10  }
0x34: {  	s12 =	simm.s32 $0x3;
	s7 =	sadd.s32 $0x74200, s7;
	[smem:$0x7EE] =	sst s26  }
0x35: {  	s8 =	sshrl.u32 s24, $0x2;
	s10 =	simm.s32 $0x1A00;
	[smem:$0x7ED] =	sst s7  }
0x36: {  	s25 =	sadd.s32 s8, s3;
	s26 =	simm.s32 $0x1D80;
	[smem:$0x7F2] =	sst s10  }
0x37: {  	s15 =	simm.s32 $0x0;
	s8 =	sadd.s32 $0x2800, s25;
	[smem:$0x7FD] =	sst s26  }
0x38: {  	s0 =	simm.s32 $0x300;
	s14 =	sadd.s32 $0x5000, s25;
	[smem:$0x7DF] =	sst s8  }
0x39: {  	s9 =	simm.s32 $0x2;
	s16 =	sadd.s32 $0x7800, s25;
	[smem:$0x7E1] =	sst s14  }
0x3a: {  	s6 =	simm.s32 $0x380;
	s18 =	sadd.s32 $0xA000, s25;
	[smem:$0x7E3] =	sst s16  }
0x3b: {  	s2 =	simm.s32 $0x80;
	s20 =	sadd.s32 $0xC800, s25;
	[smem:$0x7E5] =	sst s18  }
0x3c: {  	s13 =	simm.s32 $0x280;
	s22 =	sadd.s32 $0xF000, s25;
	[smem:$0x7E7] =	sst s20  }
0x3d: {  	s24 =	sadd.s32 $0x11800, s25;
	s7 =	simm.s32 $0x1900;
	[smem:$0x7E9] =	sst s22  }
0x3e: {  	s26 =	simm.s32 $0x9580;
	s10 =	simm.s32 $0x180;
	[smem:$0x7EB] =	sst s24  }
0x3f: {  	[smem:$0x7F0] =	sst s7;
	s8 =	simm.s32 $0x1780;
	s14 =	simm.s32 $0x1B00  }
0x40: {  	s16 =	simm.s32 $0x1C00;
	s20 =	simm.s32 $0xF00;
	[smem:$0x7F1] =	sst s8  }
0x41: {  	s18 =	simm.s32 $0x1D00;
	s22 =	simm.s32 $0x50;
	[smem:$0x7F5] =	sst s14  }
0x42: {  	s24 =	simm.s32 $0x6D80;
	s7 =	simm.s32 $0x1E00;
	[smem:$0x7F8] =	sst s16  }
0x43: {  	v0 =	vimm.f32 $0.0e+00;
	v1 =	vimm.f32 $1.000000000e+00;
	[smem:$0x7FA] =	sst s18;
	s18 =	simm.s32 $0x100;
	s14 =	simm.s32 $0x480  }
.LBB2_1:
0x44: {  	s8 =	sld [smem:$0x7DB];
	_ =	sdelay $0x1  }
0x45: {  	s19 =	sld [smem:$0x7DC]  }
0x46: {  	[tilespmem:s4], [sflag:$0x4] =	stream.linear.gather [hbm4b:s8+s4], $0xF00, $0x38;
	[tilespmem:$0x1FD80] =	vst v63  }
0x47: {  	[smem:$0x7DA] =	sst s15;
	s16 =	simm.s32 $0x40;
	s17 =	simm.s32 $0x0  }
0x48: {  	[tilespmem:s20], [sflag:$0x5] =	stream.linear.gather [hbm4b:s19+s4], $0xF00, $0x38;
	[tilespmem:$0x1FD80] =	vst v63  }
.LBB2_2:
0x49: {  	p0 =	sne.s32 s16, $0x9C00;
	[tilespmem:s17+$0x1E00] =	vst v0;
	s17 =	smov.u32 s16;
	s16 =	sadd.s32 $0x40, s16  }
.Ltmp0:
0x4a: {  	(pc) =	sbr.rel @p0 .LBB2_2-.Ltmp0, $2  }
0x4b: {  	_ =	sdelay $0x2  }
0x4c: {  	s17 =	sshra.s32 s17, $0x2  }
0x4d: {  	[tilespmem:s17+$0x1E00] =	vst v0  }
0x4e: {  	_ =	swait.ge [sflag:s21], $0xF00  }
0x4f: {  	s16 =	simm.s32 $0x0;
	[sflag:s21] =	ssyncset.done $0x0  }
0x50: {  	s19 =	smul.u32 $0xCCCD, s16;
	[sflag:s21] =	ssyncadd.s32 $0xFFFFF100  }
0x51: {  	[tilespmem:s24], [sflag:$0x2] =	stream.indirect.gather [hbm4b:s1+s22], $0x80, s18, s22, $0xb8;
	[tilespmem:$0x1FD80] =	vst v63  }
0x52: {  	s18 =	sshrl.u32 s19, $0x16  }
0x53: {  	s19 =	simm.s32 $0x1;
	s17 =	smul.u32 $0x50, s18  }
0x54: {  	[tilespmem:s26], [sflag:$0x3] =	stream.indirect.gather [hbm4b:s1+s22], $0x80, s23, s22, $0xb8;
	[tilespmem:$0x1FD80] =	vst v63  }
.LBB2_4:
0x55: {  	s8 =	smul.u32 $0xCCCD, s19;
	s17 =	ssub.s32 s16, s17  }
0x56: {  	s15 =	sshll.u32 s18, $0x4;
	s16 =	smov.u32 s19;
	p0 =	sne.s32 s19, $0x27F  }
.Ltmp1:
0x57: {  	s19 =	sadd.s32 $0x1, s19;
	s17 =	sand.u32 $0xFFFF, s17;
	(pc) =	sbr.rel @p0 .LBB2_4-.Ltmp1, $4  }
0x58: {  	s23 =	sand.u32 $0x80, s15;
	s17 =	sshll.u32 s17, $0x7  }
0x59: {  	s18 =	sshrl.u32 s8, $0x16;
	s8 =	sand.u32 $0x70, s15;
	s15 =	sadd.s32 s23, s17  }
0x5a: {  	s17 =	smul.u32 $0x50, s18;
	s8 =	sor.u32 s8, s15  }
0x5b: {  	[tilespmem:s8+$0x4580] =	vst v0  }
0x5c: {  	s8 =	ssub.s32 s16, s17  }
0x5d: {  	s15 =	sshll.u32 s18, $0x4;
	s8 =	sand.u32 $0xFFFF, s8  }
0x5e: {  	s19 =	sand.u32 $0x80, s15;
	s8 =	sshll.u32 s8, $0x7  }
0x5f: {  	s15 =	sand.u32 $0x70, s15;
	s8 =	sadd.s32 s19, s8  }
0x60: {  	s8 =	sor.u32 s15, s8  }
0x61: {  	[tilespmem:s8+$0x4580] =	vst v0  }
0x62: {  	[spmem:s25] =	stream.linear.scatter [tilespmem:s28], [sflag:$0x6], $0x2800, $0x38;
	[tilespmem:$0x1FD80] =	vst v63  }
0x63: {  	_ =	swait.ge [sflag:s29], $0x2800  }
0x64: {  	s23 =	sld [smem:$0x7DF]  }
0x65: {  	[sflag:s29] =	ssyncset.done $0x0  }
0x66: {  	[sflag:s29] =	ssyncadd.s32 $0xFFFFD800  }
0x67: {  	[spmem:s23] =	stream.linear.scatter [tilespmem:s28], [sflag:$0x6], $0x2800, $0x38;
	[tilespmem:$0x1FD80] =	vst v63  }
0x68: {  	_ =	swait.ge [sflag:s29], $0x2800  }
0x69: {  	s15 =	sld [smem:$0x7E1]  }
0x6a: {  	[sflag:s29] =	ssyncset.done $0x0  }
0x6b: {  	[sflag:s29] =	ssyncadd.s32 $0xFFFFD800  }
0x6c: {  	[spmem:s15] =	stream.linear.scatter [tilespmem:s28], [sflag:$0x6], $0x2800, $0x38;
	[tilespmem:$0x1FD80] =	vst v63  }
0x6d: {  	_ =	swait.ge [sflag:s29], $0x2800  }
0x6e: {  	s16 =	sld [smem:$0x7E3]  }
0x6f: {  	[sflag:s29] =	ssyncset.done $0x0  }
0x70: {  	[sflag:s29] =	ssyncadd.s32 $0xFFFFD800  }
0x71: {  	[spmem:s16] =	stream.linear.scatter [tilespmem:s28], [sflag:$0x6], $0x2800, $0x38;
	[tilespmem:$0x1FD80] =	vst v63  }
0x72: {  	_ =	swait.ge [sflag:s29], $0x2800  }
0x73: {  	s17 =	sld [smem:$0x7E5]  }
0x74: {  	[sflag:s29] =	ssyncset.done $0x0  }
0x75: {  	[sflag:s29] =	ssyncadd.s32 $0xFFFFD800  }
0x76: {  	[spmem:s17] =	stream.linear.scatter [tilespmem:s28], [sflag:$0x6], $0x2800, $0x38;
	[tilespmem:$0x1FD80] =	vst v63  }
0x77: {  	_ =	swait.ge [sflag:s29], $0x2800  }
0x78: {  	s18 =	sld [smem:$0x7E7]  }
0x79: {  	[sflag:s29] =	ssyncset.done $0x0  }
0x7a: {  	[sflag:s29] =	ssyncadd.s32 $0xFFFFD800  }
0x7b: {  	[spmem:s18] =	stream.linear.scatter [tilespmem:s28], [sflag:$0x6], $0x2800, $0x38;
	[tilespmem:$0x1FD80] =	vst v63  }
0x7c: {  	_ =	swait.ge [sflag:s29], $0x2800  }
0x7d: {  	s19 =	sld [smem:$0x7E9]  }
0x7e: {  	[sflag:s29] =	ssyncset.done $0x0  }
0x7f: {  	[sflag:s29] =	ssyncadd.s32 $0xFFFFD800  }
0x80: {  	[spmem:s19] =	stream.linear.scatter [tilespmem:s28], [sflag:$0x6], $0x2800, $0x38;
	[tilespmem:$0x1FD80] =	vst v63  }
0x81: {  	_ =	swait.ge [sflag:s29], $0x2800  }
0x82: {  	s23 =	sld [smem:$0x7EB]  }
0x83: {  	[sflag:s29] =	ssyncset.done $0x0  }
0x84: {  	[sflag:s29] =	ssyncadd.s32 $0xFFFFD800  }
0x85: {  	[spmem:s23] =	stream.linear.scatter [tilespmem:s28], [sflag:$0x6], $0x2800, $0x38;
	[tilespmem:$0x1FD80] =	vst v63  }
0x86: {  	_ =	swait.ge [sflag:s29], $0x2800  }
0x87: {  	[sflag:s29] =	ssyncset.done $0x0  }
0x88: {  	s16 =	simm.s32 $0x0;
	[sflag:s29] =	ssyncadd.s32 $0xFFFFD800  }
0x89: {  	[tilespmem:s28], [sflag:$0x1] =	stream.indirect.gather [hbm4b:s1+s22], $0x80, s16, s22, $0xb8;
	[tilespmem:$0x1FD80] =	vst v63  }
0x8a: {  	[bflag:$0x0] =	sbarrier.arrive $0xFFFF  }
0x8b: {  	s18 =	simm.s32 $0x100;
	s23 =	simm.s32 $0x200;
	s19 =	sld [smem:$0x7F6]  }
.LBB2_6:
0x8c: {  	_ =	swait.ge [sflag:s30], $0xF00  }
0x8d: {  	[sflag:s30] =	ssyncset.done $0x0  }
0x8e: {  	[sflag:s30] =	ssyncadd.s32 $0xFFFFF100  }
0x8f: {  	_ =	swait.ge [sflag:s31], $0x2800  }
0x90: {  	[sflag:s31] =	ssyncset.done $0x0  }
0x91: {  	[sflag:s31] =	ssyncadd.s32 $0xFFFFD800  }
0x92: {  	[spmem:s3] =	stream.indirect.scatter.add.f32 [tilespmem:s28], [sflag:$0x6], $0x80, s2, s22, $0xb8;
	[tilespmem:$0x1FD80] =	vst v63  }
0x93: {  	_ =	swait.ge [sflag:s29], $0x2800  }
0x94: {  	[sflag:s29] =	ssyncset.done $0x0  }
0x95: {  	[sflag:s29] =	ssyncadd.s32 $0xFFFFD800  }
0x96: {  	[tilespmem:s28], [sflag:$0x1] =	stream.indirect.gather [hbm4b:s1+s22], $0x80, s0, s22, $0xb8;
	[tilespmem:$0x1FD80] =	vst v63  }
0x97: {  	v2 =	vld [tilespmem:$0x80];
	_ =	sdelay $0x7  }
0x98: {  	[tilespmem:v2+s7+$0x0] =	vst.idx.add.f32.msk $0xffff, v1  }
0x99: {  	v2 =	vld [tilespmem:$0x90];
	_ =	sdelay $0x7  }
0x9a: {  	[tilespmem:v2+s7+$0x0] =	vst.idx.add.f32.msk $0xffff, v1  }
0x9b: {  	v2 =	vld [tilespmem:$0xA0];
	_ =	sdelay $0x7  }
0x9c: {  	[tilespmem:v2+s7+$0x0] =	vst.idx.add.f32.msk $0xffff, v1  }
0x9d: {  	v2 =	vld [tilespmem:$0xB0];
	_ =	sdelay $0x7  }
0x9e: {  	[tilespmem:v2+s7+$0x0] =	vst.idx.add.f32.msk $0xffff, v1  }
0x9f: {  	v2 =	vld [tilespmem:$0xC0];
	_ =	sdelay $0x7  }
0xa0: {  	[tilespmem:v2+s7+$0x0] =	vst.idx.add.f32.msk $0xffff, v1  }
0xa1: {  	_ =	swait.ge [sflag:s9], $0x2800  }
0xa2: {  	[sflag:s9] =	ssyncset.done $0x0  }
0xa3: {  	[sflag:s9] =	ssyncadd.s32 $0xFFFFD800  }
0xa4: {  	[spmem:s3] =	stream.indirect.scatter.add.f32 [tilespmem:s24], [sflag:$0x6], $0x80, s10, s22, $0xb8;
	[tilespmem:$0x1FD80] =	vst v63  }
0xa5: {  	_ =	swait.ge [sflag:s29], $0x2800  }
0xa6: {  	[sflag:s29] =	ssyncset.done $0x0  }
0xa7: {  	[sflag:s29] =	ssyncadd.s32 $0xFFFFD800  }
0xa8: {  	[tilespmem:s24], [sflag:$0x2] =	stream.indirect.gather [hbm4b:s1+s22], $0x80, s11, s22, $0xb8;
	[tilespmem:$0x1FD80] =	vst v63  }
0xa9: {  	v2 =	vld [tilespmem:$0x180];
	_ =	sdelay $0x7  }
0xaa: {  	[tilespmem:v2+s7+$0x0] =	vst.idx.add.f32.msk $0xffff, v1  }
0xab: {  	v2 =	vld [tilespmem:$0x190];
	_ =	sdelay $0x7  }
0xac: {  	[tilespmem:v2+s7+$0x0] =	vst.idx.add.f32.msk $0xffff, v1  }
0xad: {  	v2 =	vld [tilespmem:$0x1A0];
	_ =	sdelay $0x7  }
0xae: {  	[tilespmem:v2+s7+$0x0] =	vst.idx.add.f32.msk $0xffff, v1  }
0xaf: {  	v2 =	vld [tilespmem:$0x1B0];
	_ =	sdelay $0x7  }
0xb0: {  	[tilespmem:v2+s7+$0x0] =	vst.idx.add.f32.msk $0xffff, v1  }
0xb1: {  	v2 =	vld [tilespmem:$0x1C0];
	_ =	sdelay $0x7  }
0xb2: {  	[tilespmem:v2+s7+$0x0] =	vst.idx.add.f32.msk $0xffff, v1  }
0xb3: {  	_ =	swait.ge [sflag:s12], $0x2800  }
0xb4: {  	[sflag:s12] =	ssyncset.done $0x0  }
0xb5: {  	[sflag:s12] =	ssyncadd.s32 $0xFFFFD800  }
0xb6: {  	[spmem:s3] =	stream.indirect.scatter.add.f32 [tilespmem:s26], [sflag:$0x6], $0x80, s13, s22, $0xb8;
	[tilespmem:$0x1FD80] =	vst v63  }
0xb7: {  	_ =	swait.ge [sflag:s29], $0x2800  }
0xb8: {  	[sflag:s29] =	ssyncset.done $0x0  }
0xb9: {  	s8 =	rddreg [dreg:$0x5];
	[sflag:s29] =	ssyncadd.s32 $0xFFFFD800  }
0xba: {  	[tilespmem:s26], [sflag:$0x3] =	stream.indirect.gather [hbm4b:s1+s22], $0x80, s8, s22, $0xb8;
	[tilespmem:$0x1FD80] =	vst v63  }
0xbb: {  	v2 =	vld [tilespmem:$0x280];
	_ =	sdelay $0x7  }
0xbc: {  	[tilespmem:v2+s7+$0x0] =	vst.idx.add.f32.msk $0xffff, v1  }
0xbd: {  	v2 =	vld [tilespmem:$0x290];
	_ =	sdelay $0x7  }
0xbe: {  	[tilespmem:v2+s7+$0x0] =	vst.idx.add.f32.msk $0xffff, v1  }
0xbf: {  	v2 =	vld [tilespmem:$0x2A0];
	_ =	sdelay $0x7  }
0xc0: {  	[tilespmem:v2+s7+$0x0] =	vst.idx.add.f32.msk $0xffff, v1  }
0xc1: {  	v2 =	vld [tilespmem:$0x2B0];
	_ =	sdelay $0x7  }
0xc2: {  	[tilespmem:v2+s7+$0x0] =	vst.idx.add.f32.msk $0xffff, v1  }
0xc3: {  	v2 =	vld [tilespmem:$0x2C0];
	_ =	sdelay $0x7  }
0xc4: {  	[tilespmem:v2+s7+$0x0] =	vst.idx.add.f32.msk $0xffff, v1  }
0xc5: {  	_ =	swait.ge [sflag:s31], $0x2800  }
0xc6: {  	[sflag:s31] =	ssyncset.done $0x0  }
0xc7: {  	[sflag:s31] =	ssyncadd.s32 $0xFFFFD800  }
0xc8: {  	[spmem:s3] =	stream.indirect.scatter.add.f32 [tilespmem:s28], [sflag:$0x6], $0x80, s6, s22, $0xb8;
	[tilespmem:$0x1FD80] =	vst v63  }
0xc9: {  	_ =	swait.ge [sflag:s29], $0x2800  }
0xca: {  	[sflag:s29] =	ssyncset.done $0x0  }
0xcb: {  	s15 =	rddreg [dreg:$0x6];
	[sflag:s29] =	ssyncadd.s32 $0xFFFFD800  }
0xcc: {  	[tilespmem:s28], [sflag:$0x1] =	stream.indirect.gather [hbm4b:s1+s22], $0x80, s15, s22, $0xb8;
	[tilespmem:$0x1FD80] =	vst v63  }
0xcd: {  	v2 =	vld [tilespmem:$0x380];
	_ =	sdelay $0x7  }
0xce: {  	[tilespmem:v2+s7+$0x0] =	vst.idx.add.f32.msk $0xffff, v1  }
0xcf: {  	v2 =	vld [tilespmem:$0x390];
	_ =	sdelay $0x7  }
0xd0: {  	[tilespmem:v2+s7+$0x0] =	vst.idx.add.f32.msk $0xffff, v1  }
0xd1: {  	v2 =	vld [tilespmem:$0x3A0];
	_ =	sdelay $0x7  }
0xd2: {  	[tilespmem:v2+s7+$0x0] =	vst.idx.add.f32.msk $0xffff, v1  }
0xd3: {  	v2 =	vld [tilespmem:$0x3B0];
	_ =	sdelay $0x7  }
0xd4: {  	[tilespmem:v2+s7+$0x0] =	vst.idx.add.f32.msk $0xffff, v1  }
0xd5: {  	v2 =	vld [tilespmem:$0x3C0];
	_ =	sdelay $0x7  }
0xd6: {  	[tilespmem:v2+s7+$0x0] =	vst.idx.add.f32.msk $0xffff, v1  }
0xd7: {  	_ =	swait.ge [sflag:s9], $0x2800  }
0xd8: {  	[sflag:s9] =	ssyncset.done $0x0  }
0xd9: {  	[sflag:s9] =	ssyncadd.s32 $0xFFFFD800  }
0xda: {  	[spmem:s3] =	stream.indirect.scatter.add.f32 [tilespmem:s24], [sflag:$0x6], $0x80, s14, s22, $0xb8;
	[tilespmem:$0x1FD80] =	vst v63  }
0xdb: {  	_ =	swait.ge [sflag:s29], $0x2800  }
0xdc: {  	[sflag:s29] =	ssyncset.done $0x0  }
0xdd: {  	s17 =	rddreg [dreg:$0x7];
	[sflag:s29] =	ssyncadd.s32 $0xFFFFD800  }
0xde: {  	[tilespmem:s24], [sflag:$0x2] =	stream.indirect.gather [hbm4b:s1+s22], $0x80, s17, s22, $0xb8;
	[tilespmem:$0x1FD80] =	vst v63  }
0xdf: {  	v2 =	vld [tilespmem:$0x480];
	_ =	sdelay $0x7  }
0xe0: {  	[tilespmem:v2+s7+$0x0] =	vst.idx.add.f32.msk $0xffff, v1  }
0xe1: {  	v2 =	vld [tilespmem:$0x490];
	_ =	sdelay $0x7  }
0xe2: {  	[tilespmem:v2+s7+$0x0] =	vst.idx.add.f32.msk $0xffff, v1  }
0xe3: {  	v2 =	vld [tilespmem:$0x4A0];
	_ =	sdelay $0x7  }
0xe4: {  	[tilespmem:v2+s7+$0x0] =	vst.idx.add.f32.msk $0xffff, v1  }
0xe5: {  	v2 =	vld [tilespmem:$0x4B0];
	_ =	sdelay $0x7  }
0xe6: {  	[tilespmem:v2+s7+$0x0] =	vst.idx.add.f32.msk $0xffff, v1  }
0xe7: {  	v2 =	vld [tilespmem:$0x4C0];
	_ =	sdelay $0x7  }
0xe8: {  	[tilespmem:v2+s7+$0x0] =	vst.idx.add.f32.msk $0xffff, v1  }
0xe9: {  	_ =	swait.ge [sflag:s12], $0x2800  }
0xea: {  	[sflag:s12] =	ssyncset.done $0x0  }
0xeb: {  	s15 =	rddreg [dreg:$0x8];
	[sflag:s12] =	ssyncadd.s32 $0xFFFFD800  }
0xec: {  	[spmem:s3] =	stream.indirect.scatter.add.f32 [tilespmem:s26], [sflag:$0x6], $0x80, s15, s22, $0xb8;
	[tilespmem:$0x1FD80] =	vst v63  }
0xed: {  	_ =	swait.ge [sflag:s29], $0x2800  }
0xee: {  	[sflag:s29] =	ssyncset.done $0x0  }
0xef: {  	s17 =	rddreg [dreg:$0x9];
	[sflag:s29] =	ssyncadd.s32 $0xFFFFD800  }
0xf0: {  	[tilespmem:s26], [sflag:$0x3] =	stream.indirect.gather [hbm4b:s1+s22], $0x80, s17, s22, $0xb8;
	[tilespmem:$0x1FD80] =	vst v63  }
0xf1: {  	v2 =	vld [tilespmem:$0x580];
	_ =	sdelay $0x7  }
0xf2: {  	[tilespmem:v2+s7+$0x0] =	vst.idx.add.f32.msk $0xffff, v1  }
0xf3: {  	v2 =	vld [tilespmem:$0x590];
	_ =	sdelay $0x7  }
0xf4: {  	[tilespmem:v2+s7+$0x0] =	vst.idx.add.f32.msk $0xffff, v1  }
0xf5: {  	v2 =	vld [tilespmem:$0x5A0];
	_ =	sdelay $0x7  }
0xf6: {  	[tilespmem:v2+s7+$0x0] =	vst.idx.add.f32.msk $0xffff, v1  }
0xf7: {  	v2 =	vld [tilespmem:$0x5B0];
	_ =	sdelay $0x7  }
0xf8: {  	[tilespmem:v2+s7+$0x0] =	vst.idx.add.f32.msk $0xffff, v1  }
0xf9: {  	v2 =	vld [tilespmem:$0x5C0];
	_ =	sdelay $0x7  }
0xfa: {  	[tilespmem:v2+s7+$0x0] =	vst.idx.add.f32.msk $0xffff, v1  }
0xfb: {  	_ =	swait.ge [sflag:s31], $0x2800  }
0xfc: {  	[sflag:s31] =	ssyncset.done $0x0  }
0xfd: {  	s15 =	rddreg [dreg:$0xa];
	[sflag:s31] =	ssyncadd.s32 $0xFFFFD800  }
0xfe: {  	[spmem:s3] =	stream.indirect.scatter.add.f32 [tilespmem:s28], [sflag:$0x6], $0x80, s15, s22, $0xb8;
	[tilespmem:$0x1FD80] =	vst v63  }
0xff: {  	_ =	swait.ge [sflag:s29], $0x2800  }
0x100: {  	[sflag:s29] =	ssyncset.done $0x0  }
0x101: {  	s17 =	rddreg [dreg:$0xb];
	[sflag:s29] =	ssyncadd.s32 $0xFFFFD800  }
0x102: {  	[tilespmem:s28], [sflag:$0x1] =	stream.indirect.gather [hbm4b:s1+s22], $0x80, s17, s22, $0xb8;
	[tilespmem:$0x1FD80] =	vst v63  }
0x103: {  	v2 =	vld [tilespmem:$0x680];
	_ =	sdelay $0x7  }
0x104: {  	[tilespmem:v2+s7+$0x0] =	vst.idx.add.f32.msk $0xffff, v1  }
0x105: {  	v2 =	vld [tilespmem:$0x690];
	_ =	sdelay $0x7  }
0x106: {  	[tilespmem:v2+s7+$0x0] =	vst.idx.add.f32.msk $0xffff, v1  }
0x107: {  	v2 =	vld [tilespmem:$0x6A0];
	_ =	sdelay $0x7  }
0x108: {  	[tilespmem:v2+s7+$0x0] =	vst.idx.add.f32.msk $0xffff, v1  }
0x109: {  	v2 =	vld [tilespmem:$0x6B0];
	_ =	sdelay $0x7  }
0x10a: {  	[tilespmem:v2+s7+$0x0] =	vst.idx.add.f32.msk $0xffff, v1  }
0x10b: {  	v2 =	vld [tilespmem:$0x6C0];
	_ =	sdelay $0x7  }
0x10c: {  	[tilespmem:v2+s7+$0x0] =	vst.idx.add.f32.msk $0xffff, v1  }
0x10d: {  	_ =	swait.ge [sflag:s9], $0x2800  }
0x10e: {  	[sflag:s9] =	ssyncset.done $0x0  }
0x10f: {  	s15 =	rddreg [dreg:$0xc];
	[sflag:s9] =	ssyncadd.s32 $0xFFFFD800  }
0x110: {  	[spmem:s3] =	stream.indirect.scatter.add.f32 [tilespmem:s24], [sflag:$0x6], $0x80, s15, s22, $0xb8;
	[tilespmem:$0x1FD80] =	vst v63  }
0x111: {  	_ =	swait.ge [sflag:s29], $0x2800  }
0x112: {  	[sflag:s29] =	ssyncset.done $0x0  }
0x113: {  	s17 =	rddreg [dreg:$0xd];
	[sflag:s29] =	ssyncadd.s32 $0xFFFFD800  }
0x114: {  	[tilespmem:s24], [sflag:$0x2] =	stream.indirect.gather [hbm4b:s1+s22], $0x80, s17, s22, $0xb8;
	[tilespmem:$0x1FD80] =	vst v63  }
0x115: {  	v2 =	vld [tilespmem:$0x780];
	_ =	sdelay $0x7  }
0x116: {  	[tilespmem:v2+s7+$0x0] =	vst.idx.add.f32.msk $0xffff, v1  }
0x117: {  	v2 =	vld [tilespmem:$0x790];
	_ =	sdelay $0x7  }
0x118: {  	[tilespmem:v2+s7+$0x0] =	vst.idx.add.f32.msk $0xffff, v1  }
0x119: {  	v2 =	vld [tilespmem:$0x7A0];
	_ =	sdelay $0x7  }
0x11a: {  	[tilespmem:v2+s7+$0x0] =	vst.idx.add.f32.msk $0xffff, v1  }
0x11b: {  	v2 =	vld [tilespmem:$0x7B0];
	_ =	sdelay $0x7  }
0x11c: {  	[tilespmem:v2+s7+$0x0] =	vst.idx.add.f32.msk $0xffff, v1  }
0x11d: {  	v2 =	vld [tilespmem:$0x7C0];
	_ =	sdelay $0x7  }
0x11e: {  	[tilespmem:v2+s7+$0x0] =	vst.idx.add.f32.msk $0xffff, v1  }
0x11f: {  	_ =	swait.ge [sflag:s12], $0x2800  }
0x120: {  	[sflag:s12] =	ssyncset.done $0x0  }
0x121: {  	s15 =	rddreg [dreg:$0xe];
	[sflag:s12] =	ssyncadd.s32 $0xFFFFD800  }
0x122: {  	[spmem:s3] =	stream.indirect.scatter.add.f32 [tilespmem:s26], [sflag:$0x6], $0x80, s15, s22, $0xb8;
	[tilespmem:$0x1FD80] =	vst v63  }
0x123: {  	_ =	swait.ge [sflag:s29], $0x2800  }
0x124: {  	[sflag:s29] =	ssyncset.done $0x0  }
0x125: {  	s17 =	rddreg [dreg:$0xf];
	[sflag:s29] =	ssyncadd.s32 $0xFFFFD800  }
0x126: {  	[tilespmem:s26], [sflag:$0x3] =	stream.indirect.gather [hbm4b:s1+s22], $0x80, s17, s22, $0xb8;
	[tilespmem:$0x1FD80] =	vst v63  }
0x127: {  	v2 =	vld [tilespmem:$0x880];
	_ =	sdelay $0x7  }
0x128: {  	[tilespmem:v2+s7+$0x0] =	vst.idx.add.f32.msk $0xffff, v1  }
0x129: {  	v2 =	vld [tilespmem:$0x890];
	_ =	sdelay $0x7  }
0x12a: {  	[tilespmem:v2+s7+$0x0] =	vst.idx.add.f32.msk $0xffff, v1  }
0x12b: {  	v2 =	vld [tilespmem:$0x8A0];
	_ =	sdelay $0x7  }
0x12c: {  	[tilespmem:v2+s7+$0x0] =	vst.idx.add.f32.msk $0xffff, v1  }
0x12d: {  	v2 =	vld [tilespmem:$0x8B0];
	_ =	sdelay $0x7  }
0x12e: {  	[tilespmem:v2+s7+$0x0] =	vst.idx.add.f32.msk $0xffff, v1  }
0x12f: {  	v2 =	vld [tilespmem:$0x8C0];
	_ =	sdelay $0x7  }
0x130: {  	[tilespmem:v2+s7+$0x0] =	vst.idx.add.f32.msk $0xffff, v1  }
0x131: {  	_ =	swait.ge [sflag:s31], $0x2800  }
0x132: {  	[sflag:s31] =	ssyncset.done $0x0  }
0x133: {  	s15 =	rddreg [dreg:$0x10];
	[sflag:s31] =	ssyncadd.s32 $0xFFFFD800  }
0x134: {  	[spmem:s3] =	stream.indirect.scatter.add.f32 [tilespmem:s28], [sflag:$0x6], $0x80, s15, s22, $0xb8;
	[tilespmem:$0x1FD80] =	vst v63  }
0x135: {  	_ =	swait.ge [sflag:s29], $0x2800  }
0x136: {  	[sflag:s29] =	ssyncset.done $0x0  }
0x137: {  	s17 =	rddreg [dreg:$0x11];
	[sflag:s29] =	ssyncadd.s32 $0xFFFFD800  }
0x138: {  	[tilespmem:s28], [sflag:$0x1] =	stream.indirect.gather [hbm4b:s1+s22], $0x80, s17, s22, $0xb8;
	[tilespmem:$0x1FD80] =	vst v63  }
0x139: {  	v2 =	vld [tilespmem:$0x980];
	_ =	sdelay $0x7  }
0x13a: {  	[tilespmem:v2+s7+$0x0] =	vst.idx.add.f32.msk $0xffff, v1  }
0x13b: {  	v2 =	vld [tilespmem:$0x990];
	_ =	sdelay $0x7  }
0x13c: {  	[tilespmem:v2+s7+$0x0] =	vst.idx.add.f32.msk $0xffff, v1  }
0x13d: {  	v2 =	vld [tilespmem:$0x9A0];
	_ =	sdelay $0x7  }
0x13e: {  	[tilespmem:v2+s7+$0x0] =	vst.idx.add.f32.msk $0xffff, v1  }
0x13f: {  	v2 =	vld [tilespmem:$0x9B0];
	_ =	sdelay $0x7  }
0x140: {  	[tilespmem:v2+s7+$0x0] =	vst.idx.add.f32.msk $0xffff, v1  }
0x141: {  	v2 =	vld [tilespmem:$0x9C0];
	_ =	sdelay $0x7  }
0x142: {  	[tilespmem:v2+s7+$0x0] =	vst.idx.add.f32.msk $0xffff, v1  }
0x143: {  	_ =	swait.ge [sflag:s9], $0x2800  }
0x144: {  	[sflag:s9] =	ssyncset.done $0x0  }
0x145: {  	s15 =	rddreg [dreg:$0x12];
	[sflag:s9] =	ssyncadd.s32 $0xFFFFD800  }
0x146: {  	[spmem:s3] =	stream.indirect.scatter.add.f32 [tilespmem:s24], [sflag:$0x6], $0x80, s15, s22, $0xb8;
	[tilespmem:$0x1FD80] =	vst v63  }
0x147: {  	_ =	swait.ge [sflag:s29], $0x2800  }
0x148: {  	[sflag:s29] =	ssyncset.done $0x0  }
0x149: {  	s17 =	rddreg [dreg:$0x13];
	[sflag:s29] =	ssyncadd.s32 $0xFFFFD800  }
0x14a: {  	[tilespmem:s24], [sflag:$0x2] =	stream.indirect.gather [hbm4b:s1+s22], $0x80, s17, s22, $0xb8;
	[tilespmem:$0x1FD80] =	vst v63  }
0x14b: {  	v2 =	vld [tilespmem:$0xA80];
	_ =	sdelay $0x7  }
0x14c: {  	[tilespmem:v2+s7+$0x0] =	vst.idx.add.f32.msk $0xffff, v1  }
0x14d: {  	v2 =	vld [tilespmem:$0xA90];
	_ =	sdelay $0x7  }
0x14e: {  	[tilespmem:v2+s7+$0x0] =	vst.idx.add.f32.msk $0xffff, v1  }
0x14f: {  	v2 =	vld [tilespmem:$0xAA0];
	_ =	sdelay $0x7  }
0x150: {  	[tilespmem:v2+s7+$0x0] =	vst.idx.add.f32.msk $0xffff, v1  }
0x151: {  	v2 =	vld [tilespmem:$0xAB0];
	_ =	sdelay $0x7  }
0x152: {  	[tilespmem:v2+s7+$0x0] =	vst.idx.add.f32.msk $0xffff, v1  }
0x153: {  	v2 =	vld [tilespmem:$0xAC0];
	_ =	sdelay $0x7  }
0x154: {  	[tilespmem:v2+s7+$0x0] =	vst.idx.add.f32.msk $0xffff, v1  }
0x155: {  	_ =	swait.ge [sflag:s12], $0x2800  }
0x156: {  	[sflag:s12] =	ssyncset.done $0x0  }
0x157: {  	s15 =	rddreg [dreg:$0x14];
	[sflag:s12] =	ssyncadd.s32 $0xFFFFD800  }
0x158: {  	[spmem:s3] =	stream.indirect.scatter.add.f32 [tilespmem:s26], [sflag:$0x6], $0x80, s15, s22, $0xb8;
	[tilespmem:$0x1FD80] =	vst v63  }
0x159: {  	_ =	swait.ge [sflag:s29], $0x2800  }
0x15a: {  	[sflag:s29] =	ssyncset.done $0x0  }
0x15b: {  	s17 =	rddreg [dreg:$0x15];
	[sflag:s29] =	ssyncadd.s32 $0xFFFFD800  }
0x15c: {  	[tilespmem:s26], [sflag:$0x3] =	stream.indirect.gather [hbm4b:s1+s22], $0x80, s17, s22, $0xb8;
	[tilespmem:$0x1FD80] =	vst v63  }
0x15d: {  	v2 =	vld [tilespmem:$0xB80];
	_ =	sdelay $0x7  }
0x15e: {  	[tilespmem:v2+s7+$0x0] =	vst.idx.add.f32.msk $0xffff, v1  }
0x15f: {  	v2 =	vld [tilespmem:$0xB90];
	_ =	sdelay $0x7  }
0x160: {  	[tilespmem:v2+s7+$0x0] =	vst.idx.add.f32.msk $0xffff, v1  }
0x161: {  	v2 =	vld [tilespmem:$0xBA0];
	_ =	sdelay $0x7  }
0x162: {  	[tilespmem:v2+s7+$0x0] =	vst.idx.add.f32.msk $0xffff, v1  }
0x163: {  	v2 =	vld [tilespmem:$0xBB0];
	_ =	sdelay $0x7  }
0x164: {  	[tilespmem:v2+s7+$0x0] =	vst.idx.add.f32.msk $0xffff, v1  }
0x165: {  	v2 =	vld [tilespmem:$0xBC0];
	_ =	sdelay $0x7  }
0x166: {  	[tilespmem:v2+s7+$0x0] =	vst.idx.add.f32.msk $0xffff, v1  }
0x167: {  	_ =	swait.ge [sflag:s31], $0x2800  }
0x168: {  	[sflag:s31] =	ssyncset.done $0x0  }
0x169: {  	s15 =	rddreg [dreg:$0x16];
	[sflag:s31] =	ssyncadd.s32 $0xFFFFD800  }
0x16a: {  	[spmem:s3] =	stream.indirect.scatter.add.f32 [tilespmem:s28], [sflag:$0x6], $0x80, s15, s22, $0xb8;
	[tilespmem:$0x1FD80] =	vst v63  }
0x16b: {  	_ =	swait.ge [sflag:s29], $0x2800  }
0x16c: {  	[sflag:s29] =	ssyncset.done $0x0  }
0x16d: {  	[sflag:s29] =	ssyncadd.s32 $0xFFFFD800  }
0x16e: {  	[tilespmem:s28], [sflag:$0x1] =	stream.indirect.gather [hbm4b:s1+s22], $0x80, s20, s22, $0xb8;
	[tilespmem:$0x1FD80] =	vst v63  }
0x16f: {  	v2 =	vld [tilespmem:$0xC80];
	_ =	sdelay $0x7  }
0x170: {  	[tilespmem:v2+s7+$0x0] =	vst.idx.add.f32.msk $0xffff, v1  }
0x171: {  	v2 =	vld [tilespmem:$0xC90];
	_ =	sdelay $0x7  }
0x172: {  	[tilespmem:v2+s7+$0x0] =	vst.idx.add.f32.msk $0xffff, v1  }
0x173: {  	v2 =	vld [tilespmem:$0xCA0];
	_ =	sdelay $0x7  }
0x174: {  	[tilespmem:v2+s7+$0x0] =	vst.idx.add.f32.msk $0xffff, v1  }
0x175: {  	v2 =	vld [tilespmem:$0xCB0];
	_ =	sdelay $0x7  }
0x176: {  	[tilespmem:v2+s7+$0x0] =	vst.idx.add.f32.msk $0xffff, v1  }
0x177: {  	v2 =	vld [tilespmem:$0xCC0];
	_ =	sdelay $0x7  }
0x178: {  	[tilespmem:v2+s7+$0x0] =	vst.idx.add.f32.msk $0xffff, v1  }
0x179: {  	_ =	swait.ge [sflag:s9], $0x2800  }
0x17a: {  	[sflag:s9] =	ssyncset.done $0x0  }
0x17b: {  	s17 =	rddreg [dreg:$0x17];
	[sflag:s9] =	ssyncadd.s32 $0xFFFFD800  }
0x17c: {  	[spmem:s3] =	stream.indirect.scatter.add.f32 [tilespmem:s24], [sflag:$0x6], $0x80, s17, s22, $0xb8;
	[tilespmem:$0x1FD80] =	vst v63  }
0x17d: {  	_ =	swait.ge [sflag:s29], $0x2800  }
0x17e: {  	[sflag:s29] =	ssyncset.done $0x0  }
0x17f: {  	s15 =	rddreg [dreg:$0x18];
	[sflag:s29] =	ssyncadd.s32 $0xFFFFD800  }
0x180: {  	[tilespmem:s24], [sflag:$0x2] =	stream.indirect.gather [hbm4b:s1+s22], $0x80, s15, s22, $0xb8;
	[tilespmem:$0x1FD80] =	vst v63  }
0x181: {  	v2 =	vld [tilespmem:$0xD80];
	_ =	sdelay $0x7  }
0x182: {  	[tilespmem:v2+s7+$0x0] =	vst.idx.add.f32.msk $0xffff, v1  }
0x183: {  	v2 =	vld [tilespmem:$0xD90];
	_ =	sdelay $0x7  }
0x184: {  	[tilespmem:v2+s7+$0x0] =	vst.idx.add.f32.msk $0xffff, v1  }
0x185: {  	v2 =	vld [tilespmem:$0xDA0];
	_ =	sdelay $0x7  }
0x186: {  	[tilespmem:v2+s7+$0x0] =	vst.idx.add.f32.msk $0xffff, v1  }
0x187: {  	v2 =	vld [tilespmem:$0xDB0];
	_ =	sdelay $0x7  }
0x188: {  	[tilespmem:v2+s7+$0x0] =	vst.idx.add.f32.msk $0xffff, v1  }
0x189: {  	v2 =	vld [tilespmem:$0xDC0];
	_ =	sdelay $0x7  }
0x18a: {  	[tilespmem:v2+s7+$0x0] =	vst.idx.add.f32.msk $0xffff, v1  }
0x18b: {  	_ =	swait.ge [sflag:s12], $0x2800  }
0x18c: {  	[sflag:s12] =	ssyncset.done $0x0  }
0x18d: {  	s17 =	rddreg [dreg:$0x19];
	[sflag:s12] =	ssyncadd.s32 $0xFFFFD800  }
0x18e: {  	[spmem:s3] =	stream.indirect.scatter.add.f32 [tilespmem:s26], [sflag:$0x6], $0x80, s17, s22, $0xb8;
	[tilespmem:$0x1FD80] =	vst v63  }
0x18f: {  	_ =	swait.ge [sflag:s29], $0x2800  }
0x190: {  	[sflag:s29] =	ssyncset.done $0x0  }
0x191: {  	s15 =	rddreg [dreg:$0x1a];
	[sflag:s29] =	ssyncadd.s32 $0xFFFFD800  }
0x192: {  	[tilespmem:s26], [sflag:$0x3] =	stream.indirect.gather [hbm4b:s1+s22], $0x80, s15, s22, $0xb8;
	[tilespmem:$0x1FD80] =	vst v63  }
0x193: {  	v2 =	vld [tilespmem:$0xE80];
	_ =	sdelay $0x7  }
0x194: {  	[tilespmem:v2+s7+$0x0] =	vst.idx.add.f32.msk $0xffff, v1  }
0x195: {  	v2 =	vld [tilespmem:$0xE90];
	_ =	sdelay $0x7  }
0x196: {  	[tilespmem:v2+s7+$0x0] =	vst.idx.add.f32.msk $0xffff, v1  }
0x197: {  	v2 =	vld [tilespmem:$0xEA0];
	_ =	sdelay $0x7  }
0x198: {  	[tilespmem:v2+s7+$0x0] =	vst.idx.add.f32.msk $0xffff, v1  }
0x199: {  	v2 =	vld [tilespmem:$0xEB0];
	_ =	sdelay $0x7  }
0x19a: {  	[tilespmem:v2+s7+$0x0] =	vst.idx.add.f32.msk $0xffff, v1  }
0x19b: {  	v2 =	vld [tilespmem:$0xEC0];
	_ =	sdelay $0x6  }
0x19c: {  	s17 =	sshrl.u32 s19, $0x3  }
0x19d: {  	s8 =	sadd.s32 s5, s17;
	[tilespmem:v2+s7+$0x0] =	vst.idx.add.f32.msk $0xffff, v1  }
0x19e: {  	[tilespmem:s4], [sflag:$0x4] =	stream.linear.gather [hbm4b:s8+s4], $0xF00, $0x38;
	[tilespmem:$0x1FD80] =	vst v63  }
0x19f: {  	_ =	swait.ge [sflag:s21], $0xF00  }
0x1a0: {  	[sflag:s21] =	ssyncset.done $0x0  }
0x1a1: {  	[sflag:s21] =	ssyncadd.s32 $0xFFFFF100  }
0x1a2: {  	_ =	swait.ge [sflag:s31], $0x2800  }
0x1a3: {  	[sflag:s31] =	ssyncset.done $0x0  }
0x1a4: {  	s15 =	rddreg [dreg:$0x1b];
	[sflag:s31] =	ssyncadd.s32 $0xFFFFD800  }
0x1a5: {  	[spmem:s3] =	stream.indirect.scatter.add.f32 [tilespmem:s28], [sflag:$0x6], $0x80, s15, s22, $0xb8;
	[tilespmem:$0x1FD80] =	vst v63  }
0x1a6: {  	_ =	swait.ge [sflag:s29], $0x2800  }
0x1a7: {  	[sflag:s29] =	ssyncset.done $0x0  }
0x1a8: {  	s17 =	rddreg [dreg:$0x1c];
	[sflag:s29] =	ssyncadd.s32 $0xFFFFD800  }
0x1a9: {  	[tilespmem:s28], [sflag:$0x1] =	stream.indirect.gather [hbm4b:s1+s22], $0x80, s17, s22, $0xb8;
	[tilespmem:$0x1FD80] =	vst v63  }
0x1aa: {  	v2 =	vld [tilespmem:$0xF80];
	_ =	sdelay $0x7  }
0x1ab: {  	[tilespmem:v2+s7+$0x0] =	vst.idx.add.f32.msk $0xffff, v1  }
0x1ac: {  	v2 =	vld [tilespmem:$0xF90];
	_ =	sdelay $0x7  }
0x1ad: {  	[tilespmem:v2+s7+$0x0] =	vst.idx.add.f32.msk $0xffff, v1  }
0x1ae: {  	v2 =	vld [tilespmem:$0xFA0];
	_ =	sdelay $0x7  }
0x1af: {  	[tilespmem:v2+s7+$0x0] =	vst.idx.add.f32.msk $0xffff, v1  }
0x1b0: {  	v2 =	vld [tilespmem:$0xFB0];
	_ =	sdelay $0x7  }
0x1b1: {  	[tilespmem:v2+s7+$0x0] =	vst.idx.add.f32.msk $0xffff, v1  }
0x1b2: {  	v2 =	vld [tilespmem:$0xFC0];
	_ =	sdelay $0x7  }
0x1b3: {  	[tilespmem:v2+s7+$0x0] =	vst.idx.add.f32.msk $0xffff, v1  }
0x1b4: {  	_ =	swait.ge [sflag:s9], $0x2800  }
0x1b5: {  	[sflag:s9] =	ssyncset.done $0x0  }
0x1b6: {  	s15 =	rddreg [dreg:$0x1d];
	[sflag:s9] =	ssyncadd.s32 $0xFFFFD800  }
0x1b7: {  	[spmem:s3] =	stream.indirect.scatter.add.f32 [tilespmem:s24], [sflag:$0x6], $0x80, s15, s22, $0xb8;
	[tilespmem:$0x1FD80] =	vst v63  }
0x1b8: {  	_ =	swait.ge [sflag:s29], $0x2800  }
0x1b9: {  	[sflag:s29] =	ssyncset.done $0x0  }
0x1ba: {  	s17 =	rddreg [dreg:$0x1e];
	[sflag:s29] =	ssyncadd.s32 $0xFFFFD800  }
0x1bb: {  	[tilespmem:s24], [sflag:$0x2] =	stream.indirect.gather [hbm4b:s1+s22], $0x80, s17, s22, $0xb8;
	[tilespmem:$0x1FD80] =	vst v63  }
0x1bc: {  	v2 =	vld [tilespmem:$0x1080];
	_ =	sdelay $0x7  }
0x1bd: {  	[tilespmem:v2+s7+$0x0] =	vst.idx.add.f32.msk $0xffff, v1  }
0x1be: {  	v2 =	vld [tilespmem:$0x1090];
	_ =	sdelay $0x7  }
0x1bf: {  	[tilespmem:v2+s7+$0x0] =	vst.idx.add.f32.msk $0xffff, v1  }
0x1c0: {  	v2 =	vld [tilespmem:$0x10A0];
	_ =	sdelay $0x7  }
0x1c1: {  	[tilespmem:v2+s7+$0x0] =	vst.idx.add.f32.msk $0xffff, v1  }
0x1c2: {  	v2 =	vld [tilespmem:$0x10B0];
	_ =	sdelay $0x7  }
0x1c3: {  	[tilespmem:v2+s7+$0x0] =	vst.idx.add.f32.msk $0xffff, v1  }
0x1c4: {  	v2 =	vld [tilespmem:$0x10C0];
	_ =	sdelay $0x7  }
0x1c5: {  	[tilespmem:v2+s7+$0x0] =	vst.idx.add.f32.msk $0xffff, v1  }
0x1c6: {  	_ =	swait.ge [sflag:s12], $0x2800  }
0x1c7: {  	[sflag:s12] =	ssyncset.done $0x0  }
0x1c8: {  	s15 =	rddreg [dreg:$0x1f];
	[sflag:s12] =	ssyncadd.s32 $0xFFFFD800  }
0x1c9: {  	[spmem:s3] =	stream.indirect.scatter.add.f32 [tilespmem:s26], [sflag:$0x6], $0x80, s15, s22, $0xb8;
	[tilespmem:$0x1FD80] =	vst v63  }
0x1ca: {  	_ =	swait.ge [sflag:s29], $0x2800  }
0x1cb: {  	s17 =	sld [smem:$0x7DD]  }
0x1cc: {  	[sflag:s29] =	ssyncset.done $0x0  }
0x1cd: {  	[sflag:s29] =	ssyncadd.s32 $0xFFFFD800  }
0x1ce: {  	[tilespmem:s26], [sflag:$0x3] =	stream.indirect.gather [hbm4b:s1+s22], $0x80, s17, s22, $0xb8;
	[tilespmem:$0x1FD80] =	vst v63  }
0x1cf: {  	v2 =	vld [tilespmem:$0x1180];
	_ =	sdelay $0x7  }
0x1d0: {  	[tilespmem:v2+s7+$0x0] =	vst.idx.add.f32.msk $0xffff, v1  }
0x1d1: {  	v2 =	vld [tilespmem:$0x1190];
	_ =	sdelay $0x7  }
0x1d2: {  	[tilespmem:v2+s7+$0x0] =	vst.idx.add.f32.msk $0xffff, v1  }
0x1d3: {  	v2 =	vld [tilespmem:$0x11A0];
	_ =	sdelay $0x7  }
0x1d4: {  	[tilespmem:v2+s7+$0x0] =	vst.idx.add.f32.msk $0xffff, v1  }
0x1d5: {  	v2 =	vld [tilespmem:$0x11B0];
	_ =	sdelay $0x7  }
0x1d6: {  	[tilespmem:v2+s7+$0x0] =	vst.idx.add.f32.msk $0xffff, v1  }
0x1d7: {  	v2 =	vld [tilespmem:$0x11C0];
	_ =	sdelay $0x7  }
0x1d8: {  	[tilespmem:v2+s7+$0x0] =	vst.idx.add.f32.msk $0xffff, v1  }
0x1d9: {  	_ =	swait.ge [sflag:s31], $0x2800  }
0x1da: {  	s15 =	sld [smem:$0x7DE]  }
0x1db: {  	[sflag:s31] =	ssyncset.done $0x0  }
0x1dc: {  	[sflag:s31] =	ssyncadd.s32 $0xFFFFD800  }
0x1dd: {  	[spmem:s3] =	stream.indirect.scatter.add.f32 [tilespmem:s28], [sflag:$0x6], $0x80, s15, s22, $0xb8;
	[tilespmem:$0x1FD80] =	vst v63  }
0x1de: {  	_ =	swait.ge [sflag:s29], $0x2800  }
0x1df: {  	s17 =	sld [smem:$0x7E0]  }
0x1e0: {  	[sflag:s29] =	ssyncset.done $0x0  }
0x1e1: {  	[sflag:s29] =	ssyncadd.s32 $0xFFFFD800  }
0x1e2: {  	[tilespmem:s28], [sflag:$0x1] =	stream.indirect.gather [hbm4b:s1+s22], $0x80, s17, s22, $0xb8;
	[tilespmem:$0x1FD80] =	vst v63  }
0x1e3: {  	v2 =	vld [tilespmem:$0x1280];
	_ =	sdelay $0x7  }
0x1e4: {  	[tilespmem:v2+s7+$0x0] =	vst.idx.add.f32.msk $0xffff, v1  }
0x1e5: {  	v2 =	vld [tilespmem:$0x1290];
	_ =	sdelay $0x7  }
0x1e6: {  	[tilespmem:v2+s7+$0x0] =	vst.idx.add.f32.msk $0xffff, v1  }
0x1e7: {  	v2 =	vld [tilespmem:$0x12A0];
	_ =	sdelay $0x7  }
0x1e8: {  	[tilespmem:v2+s7+$0x0] =	vst.idx.add.f32.msk $0xffff, v1  }
0x1e9: {  	v2 =	vld [tilespmem:$0x12B0];
	_ =	sdelay $0x7  }
0x1ea: {  	[tilespmem:v2+s7+$0x0] =	vst.idx.add.f32.msk $0xffff, v1  }
0x1eb: {  	v2 =	vld [tilespmem:$0x12C0];
	_ =	sdelay $0x7  }
0x1ec: {  	[tilespmem:v2+s7+$0x0] =	vst.idx.add.f32.msk $0xffff, v1  }
0x1ed: {  	_ =	swait.ge [sflag:s9], $0x2800  }
0x1ee: {  	s15 =	sld [smem:$0x7E2]  }
0x1ef: {  	[sflag:s9] =	ssyncset.done $0x0  }
0x1f0: {  	[sflag:s9] =	ssyncadd.s32 $0xFFFFD800  }
0x1f1: {  	[spmem:s3] =	stream.indirect.scatter.add.f32 [tilespmem:s24], [sflag:$0x6], $0x80, s15, s22, $0xb8;
	[tilespmem:$0x1FD80] =	vst v63  }
0x1f2: {  	_ =	swait.ge [sflag:s29], $0x2800  }
0x1f3: {  	s17 =	sld [smem:$0x7E4]  }
0x1f4: {  	[sflag:s29] =	ssyncset.done $0x0  }
0x1f5: {  	[sflag:s29] =	ssyncadd.s32 $0xFFFFD800  }
0x1f6: {  	[tilespmem:s24], [sflag:$0x2] =	stream.indirect.gather [hbm4b:s1+s22], $0x80, s17, s22, $0xb8;
	[tilespmem:$0x1FD80] =	vst v63  }
0x1f7: {  	v2 =	vld [tilespmem:$0x1380];
	_ =	sdelay $0x7  }
0x1f8: {  	[tilespmem:v2+s7+$0x0] =	vst.idx.add.f32.msk $0xffff, v1  }
0x1f9: {  	v2 =	vld [tilespmem:$0x1390];
	_ =	sdelay $0x7  }
0x1fa: {  	[tilespmem:v2+s7+$0x0] =	vst.idx.add.f32.msk $0xffff, v1  }
0x1fb: {  	v2 =	vld [tilespmem:$0x13A0];
	_ =	sdelay $0x7  }
0x1fc: {  	[tilespmem:v2+s7+$0x0] =	vst.idx.add.f32.msk $0xffff, v1  }
0x1fd: {  	v2 =	vld [tilespmem:$0x13B0];
	_ =	sdelay $0x7  }
0x1fe: {  	[tilespmem:v2+s7+$0x0] =	vst.idx.add.f32.msk $0xffff, v1  }
0x1ff: {  	v2 =	vld [tilespmem:$0x13C0];
	_ =	sdelay $0x7  }
0x200: {  	[tilespmem:v2+s7+$0x0] =	vst.idx.add.f32.msk $0xffff, v1  }
0x201: {  	_ =	swait.ge [sflag:s12], $0x2800  }
0x202: {  	s15 =	sld [smem:$0x7E6]  }
0x203: {  	[sflag:s12] =	ssyncset.done $0x0  }
0x204: {  	[sflag:s12] =	ssyncadd.s32 $0xFFFFD800  }
0x205: {  	[spmem:s3] =	stream.indirect.scatter.add.f32 [tilespmem:s26], [sflag:$0x6], $0x80, s15, s22, $0xb8;
	[tilespmem:$0x1FD80] =	vst v63  }
0x206: {  	_ =	swait.ge [sflag:s29], $0x2800  }
0x207: {  	s17 =	sld [smem:$0x7E8]  }
0x208: {  	[sflag:s29] =	ssyncset.done $0x0  }
0x209: {  	[sflag:s29] =	ssyncadd.s32 $0xFFFFD800  }
0x20a: {  	[tilespmem:s26], [sflag:$0x3] =	stream.indirect.gather [hbm4b:s1+s22], $0x80, s17, s22, $0xb8;
	[tilespmem:$0x1FD80] =	vst v63  }
0x20b: {  	v2 =	vld [tilespmem:$0x1480];
	_ =	sdelay $0x7  }
0x20c: {  	[tilespmem:v2+s7+$0x0] =	vst.idx.add.f32.msk $0xffff, v1  }
0x20d: {  	v2 =	vld [tilespmem:$0x1490];
	_ =	sdelay $0x7  }
0x20e: {  	[tilespmem:v2+s7+$0x0] =	vst.idx.add.f32.msk $0xffff, v1  }
0x20f: {  	v2 =	vld [tilespmem:$0x14A0];
	_ =	sdelay $0x7  }
0x210: {  	[tilespmem:v2+s7+$0x0] =	vst.idx.add.f32.msk $0xffff, v1  }
0x211: {  	v2 =	vld [tilespmem:$0x14B0];
	_ =	sdelay $0x7  }
0x212: {  	[tilespmem:v2+s7+$0x0] =	vst.idx.add.f32.msk $0xffff, v1  }
0x213: {  	v2 =	vld [tilespmem:$0x14C0];
	_ =	sdelay $0x7  }
0x214: {  	[tilespmem:v2+s7+$0x0] =	vst.idx.add.f32.msk $0xffff, v1  }
0x215: {  	_ =	swait.ge [sflag:s31], $0x2800  }
0x216: {  	s15 =	sld [smem:$0x7EA]  }
0x217: {  	[sflag:s31] =	ssyncset.done $0x0  }
0x218: {  	[sflag:s31] =	ssyncadd.s32 $0xFFFFD800  }
0x219: {  	[spmem:s3] =	stream.indirect.scatter.add.f32 [tilespmem:s28], [sflag:$0x6], $0x80, s15, s22, $0xb8;
	[tilespmem:$0x1FD80] =	vst v63  }
0x21a: {  	_ =	swait.ge [sflag:s29], $0x2800  }
0x21b: {  	s17 =	sld [smem:$0x7EC]  }
0x21c: {  	[sflag:s29] =	ssyncset.done $0x0  }
0x21d: {  	[sflag:s29] =	ssyncadd.s32 $0xFFFFD800  }
0x21e: {  	[tilespmem:s28], [sflag:$0x1] =	stream.indirect.gather [hbm4b:s1+s22], $0x80, s17, s22, $0xb8;
	[tilespmem:$0x1FD80] =	vst v63  }
0x21f: {  	v2 =	vld [tilespmem:$0x1580];
	_ =	sdelay $0x7  }
0x220: {  	[tilespmem:v2+s7+$0x0] =	vst.idx.add.f32.msk $0xffff, v1  }
0x221: {  	v2 =	vld [tilespmem:$0x1590];
	_ =	sdelay $0x7  }
0x222: {  	[tilespmem:v2+s7+$0x0] =	vst.idx.add.f32.msk $0xffff, v1  }
0x223: {  	v2 =	vld [tilespmem:$0x15A0];
	_ =	sdelay $0x7  }
0x224: {  	[tilespmem:v2+s7+$0x0] =	vst.idx.add.f32.msk $0xffff, v1  }
0x225: {  	v2 =	vld [tilespmem:$0x15B0];
	_ =	sdelay $0x7  }
0x226: {  	[tilespmem:v2+s7+$0x0] =	vst.idx.add.f32.msk $0xffff, v1  }
0x227: {  	v2 =	vld [tilespmem:$0x15C0];
	_ =	sdelay $0x7  }
0x228: {  	[tilespmem:v2+s7+$0x0] =	vst.idx.add.f32.msk $0xffff, v1  }
0x229: {  	_ =	swait.ge [sflag:s9], $0x2800  }
0x22a: {  	s15 =	sld [smem:$0x7EE]  }
0x22b: {  	[sflag:s9] =	ssyncset.done $0x0  }
0x22c: {  	[sflag:s9] =	ssyncadd.s32 $0xFFFFD800  }
0x22d: {  	[spmem:s3] =	stream.indirect.scatter.add.f32 [tilespmem:s24], [sflag:$0x6], $0x80, s15, s22, $0xb8;
	[tilespmem:$0x1FD80] =	vst v63  }
0x22e: {  	_ =	swait.ge [sflag:s29], $0x2800  }
0x22f: {  	s17 =	sld [smem:$0x7F0]  }
0x230: {  	[sflag:s29] =	ssyncset.done $0x0  }
0x231: {  	[sflag:s29] =	ssyncadd.s32 $0xFFFFD800  }
0x232: {  	[tilespmem:s24], [sflag:$0x2] =	stream.indirect.gather [hbm4b:s1+s22], $0x80, s17, s22, $0xb8;
	[tilespmem:$0x1FD80] =	vst v63  }
0x233: {  	v2 =	vld [tilespmem:$0x1680];
	_ =	sdelay $0x7  }
0x234: {  	[tilespmem:v2+s7+$0x0] =	vst.idx.add.f32.msk $0xffff, v1  }
0x235: {  	v2 =	vld [tilespmem:$0x1690];
	_ =	sdelay $0x7  }
0x236: {  	[tilespmem:v2+s7+$0x0] =	vst.idx.add.f32.msk $0xffff, v1  }
0x237: {  	v2 =	vld [tilespmem:$0x16A0];
	_ =	sdelay $0x7  }
0x238: {  	[tilespmem:v2+s7+$0x0] =	vst.idx.add.f32.msk $0xffff, v1  }
0x239: {  	v2 =	vld [tilespmem:$0x16B0];
	_ =	sdelay $0x7  }
0x23a: {  	[tilespmem:v2+s7+$0x0] =	vst.idx.add.f32.msk $0xffff, v1  }
0x23b: {  	v2 =	vld [tilespmem:$0x16C0];
	_ =	sdelay $0x7  }
0x23c: {  	[tilespmem:v2+s7+$0x0] =	vst.idx.add.f32.msk $0xffff, v1  }
0x23d: {  	_ =	swait.ge [sflag:s12], $0x2800  }
0x23e: {  	s15 =	sld [smem:$0x7F1]  }
0x23f: {  	[sflag:s12] =	ssyncset.done $0x0  }
0x240: {  	[sflag:s12] =	ssyncadd.s32 $0xFFFFD800  }
0x241: {  	[spmem:s3] =	stream.indirect.scatter.add.f32 [tilespmem:s26], [sflag:$0x6], $0x80, s15, s22, $0xb8;
	[tilespmem:$0x1FD80] =	vst v63  }
0x242: {  	_ =	swait.ge [sflag:s29], $0x2800  }
0x243: {  	s17 =	sld [smem:$0x7F2]  }
0x244: {  	[sflag:s29] =	ssyncset.done $0x0  }
0x245: {  	[sflag:s29] =	ssyncadd.s32 $0xFFFFD800  }
0x246: {  	[tilespmem:s26], [sflag:$0x3] =	stream.indirect.gather [hbm4b:s1+s22], $0x80, s17, s22, $0xb8;
	[tilespmem:$0x1FD80] =	vst v63  }
0x247: {  	v2 =	vld [tilespmem:$0x1780];
	_ =	sdelay $0x7  }
0x248: {  	[tilespmem:v2+s7+$0x0] =	vst.idx.add.f32.msk $0xffff, v1  }
0x249: {  	v2 =	vld [tilespmem:$0x1790];
	_ =	sdelay $0x7  }
0x24a: {  	[tilespmem:v2+s7+$0x0] =	vst.idx.add.f32.msk $0xffff, v1  }
0x24b: {  	v2 =	vld [tilespmem:$0x17A0];
	_ =	sdelay $0x7  }
0x24c: {  	[tilespmem:v2+s7+$0x0] =	vst.idx.add.f32.msk $0xffff, v1  }
0x24d: {  	v2 =	vld [tilespmem:$0x17B0];
	_ =	sdelay $0x7  }
0x24e: {  	[tilespmem:v2+s7+$0x0] =	vst.idx.add.f32.msk $0xffff, v1  }
0x24f: {  	v2 =	vld [tilespmem:$0x17C0];
	_ =	sdelay $0x7  }
0x250: {  	[tilespmem:v2+s7+$0x0] =	vst.idx.add.f32.msk $0xffff, v1  }
0x251: {  	_ =	swait.ge [sflag:s31], $0x2800  }
0x252: {  	s15 =	sld [smem:$0x7F4]  }
0x253: {  	[sflag:s31] =	ssyncset.done $0x0  }
0x254: {  	[sflag:s31] =	ssyncadd.s32 $0xFFFFD800  }
0x255: {  	[spmem:s3] =	stream.indirect.scatter.add.f32 [tilespmem:s28], [sflag:$0x6], $0x80, s15, s22, $0xb8;
	[tilespmem:$0x1FD80] =	vst v63  }
0x256: {  	_ =	swait.ge [sflag:s29], $0x2800  }
0x257: {  	s17 =	sld [smem:$0x7F5]  }
0x258: {  	[sflag:s29] =	ssyncset.done $0x0  }
0x259: {  	[sflag:s29] =	ssyncadd.s32 $0xFFFFD800  }
0x25a: {  	[tilespmem:s28], [sflag:$0x1] =	stream.indirect.gather [hbm4b:s1+s22], $0x80, s17, s22, $0xb8;
	[tilespmem:$0x1FD80] =	vst v63  }
0x25b: {  	v2 =	vld [tilespmem:$0x1880];
	_ =	sdelay $0x7  }
0x25c: {  	[tilespmem:v2+s7+$0x0] =	vst.idx.add.f32.msk $0xffff, v1  }
0x25d: {  	v2 =	vld [tilespmem:$0x1890];
	_ =	sdelay $0x7  }
0x25e: {  	[tilespmem:v2+s7+$0x0] =	vst.idx.add.f32.msk $0xffff, v1  }
0x25f: {  	v2 =	vld [tilespmem:$0x18A0];
	_ =	sdelay $0x7  }
0x260: {  	[tilespmem:v2+s7+$0x0] =	vst.idx.add.f32.msk $0xffff, v1  }
0x261: {  	v2 =	vld [tilespmem:$0x18B0];
	_ =	sdelay $0x7  }
0x262: {  	[tilespmem:v2+s7+$0x0] =	vst.idx.add.f32.msk $0xffff, v1  }
0x263: {  	v2 =	vld [tilespmem:$0x18C0];
	_ =	sdelay $0x7  }
0x264: {  	[tilespmem:v2+s7+$0x0] =	vst.idx.add.f32.msk $0xffff, v1  }
0x265: {  	_ =	swait.ge [sflag:s9], $0x2800  }
0x266: {  	s15 =	sld [smem:$0x7F7]  }
0x267: {  	[sflag:s9] =	ssyncset.done $0x0  }
0x268: {  	[sflag:s9] =	ssyncadd.s32 $0xFFFFD800  }
0x269: {  	[spmem:s3] =	stream.indirect.scatter.add.f32 [tilespmem:s24], [sflag:$0x6], $0x80, s15, s22, $0xb8;
	[tilespmem:$0x1FD80] =	vst v63  }
0x26a: {  	_ =	swait.ge [sflag:s29], $0x2800  }
0x26b: {  	s17 =	sld [smem:$0x7F8]  }
0x26c: {  	[sflag:s29] =	ssyncset.done $0x0  }
0x26d: {  	[sflag:s29] =	ssyncadd.s32 $0xFFFFD800  }
0x26e: {  	[tilespmem:s24], [sflag:$0x2] =	stream.indirect.gather [hbm4b:s1+s22], $0x80, s17, s22, $0xb8;
	[tilespmem:$0x1FD80] =	vst v63  }
0x26f: {  	v2 =	vld [tilespmem:$0x1980];
	_ =	sdelay $0x7  }
0x270: {  	[tilespmem:v2+s7+$0x0] =	vst.idx.add.f32.msk $0xffff, v1  }
0x271: {  	v2 =	vld [tilespmem:$0x1990];
	_ =	sdelay $0x7  }
0x272: {  	[tilespmem:v2+s7+$0x0] =	vst.idx.add.f32.msk $0xffff, v1  }
0x273: {  	v2 =	vld [tilespmem:$0x19A0];
	_ =	sdelay $0x7  }
0x274: {  	[tilespmem:v2+s7+$0x0] =	vst.idx.add.f32.msk $0xffff, v1  }
0x275: {  	v2 =	vld [tilespmem:$0x19B0];
	_ =	sdelay $0x7  }
0x276: {  	[tilespmem:v2+s7+$0x0] =	vst.idx.add.f32.msk $0xffff, v1  }
0x277: {  	v2 =	vld [tilespmem:$0x19C0];
	_ =	sdelay $0x7  }
0x278: {  	[tilespmem:v2+s7+$0x0] =	vst.idx.add.f32.msk $0xffff, v1  }
0x279: {  	_ =	swait.ge [sflag:s12], $0x2800  }
0x27a: {  	s15 =	sld [smem:$0x7F9]  }
0x27b: {  	[sflag:s12] =	ssyncset.done $0x0  }
0x27c: {  	[sflag:s12] =	ssyncadd.s32 $0xFFFFD800  }
0x27d: {  	[spmem:s3] =	stream.indirect.scatter.add.f32 [tilespmem:s26], [sflag:$0x6], $0x80, s15, s22, $0xb8;
	[tilespmem:$0x1FD80] =	vst v63  }
0x27e: {  	_ =	swait.ge [sflag:s29], $0x2800  }
0x27f: {  	s17 =	sld [smem:$0x7FA]  }
0x280: {  	[sflag:s29] =	ssyncset.done $0x0  }
0x281: {  	[sflag:s29] =	ssyncadd.s32 $0xFFFFD800  }
0x282: {  	[tilespmem:s26], [sflag:$0x3] =	stream.indirect.gather [hbm4b:s1+s22], $0x80, s17, s22, $0xb8;
	[tilespmem:$0x1FD80] =	vst v63  }
0x283: {  	v2 =	vld [tilespmem:$0x1A80];
	_ =	sdelay $0x7  }
0x284: {  	[tilespmem:v2+s7+$0x0] =	vst.idx.add.f32.msk $0xffff, v1  }
0x285: {  	v2 =	vld [tilespmem:$0x1A90];
	_ =	sdelay $0x7  }
0x286: {  	[tilespmem:v2+s7+$0x0] =	vst.idx.add.f32.msk $0xffff, v1  }
0x287: {  	v2 =	vld [tilespmem:$0x1AA0];
	_ =	sdelay $0x7  }
0x288: {  	[tilespmem:v2+s7+$0x0] =	vst.idx.add.f32.msk $0xffff, v1  }
0x289: {  	v2 =	vld [tilespmem:$0x1AB0];
	_ =	sdelay $0x7  }
0x28a: {  	[tilespmem:v2+s7+$0x0] =	vst.idx.add.f32.msk $0xffff, v1  }
0x28b: {  	v2 =	vld [tilespmem:$0x1AC0];
	_ =	sdelay $0x7  }
0x28c: {  	[tilespmem:v2+s7+$0x0] =	vst.idx.add.f32.msk $0xffff, v1  }
0x28d: {  	_ =	swait.ge [sflag:s31], $0x2800  }
0x28e: {  	s15 =	sld [smem:$0x7FB]  }
0x28f: {  	[sflag:s31] =	ssyncset.done $0x0  }
0x290: {  	[sflag:s31] =	ssyncadd.s32 $0xFFFFD800  }
0x291: {  	[spmem:s3] =	stream.indirect.scatter.add.f32 [tilespmem:s28], [sflag:$0x6], $0x80, s15, s22, $0xb8;
	[tilespmem:$0x1FD80] =	vst v63  }
0x292: {  	_ =	swait.ge [sflag:s29], $0x2800  }
0x293: {  	[sflag:s29] =	ssyncset.done $0x0  }
0x294: {  	[sflag:s29] =	ssyncadd.s32 $0xFFFFD800  }
0x295: {  	[tilespmem:s28], [sflag:$0x1] =	stream.indirect.gather [hbm4b:s1+s22], $0x80, s4, s22, $0xb8;
	[tilespmem:$0x1FD80] =	vst v63  }
0x296: {  	v2 =	vld [tilespmem:$0x1B80];
	_ =	sdelay $0x7  }
0x297: {  	[tilespmem:v2+s7+$0x0] =	vst.idx.add.f32.msk $0xffff, v1  }
0x298: {  	v2 =	vld [tilespmem:$0x1B90];
	_ =	sdelay $0x7  }
0x299: {  	[tilespmem:v2+s7+$0x0] =	vst.idx.add.f32.msk $0xffff, v1  }
0x29a: {  	v2 =	vld [tilespmem:$0x1BA0];
	_ =	sdelay $0x7  }
0x29b: {  	[tilespmem:v2+s7+$0x0] =	vst.idx.add.f32.msk $0xffff, v1  }
0x29c: {  	v2 =	vld [tilespmem:$0x1BB0];
	_ =	sdelay $0x7  }
0x29d: {  	[tilespmem:v2+s7+$0x0] =	vst.idx.add.f32.msk $0xffff, v1  }
0x29e: {  	v2 =	vld [tilespmem:$0x1BC0];
	_ =	sdelay $0x7  }
0x29f: {  	[tilespmem:v2+s7+$0x0] =	vst.idx.add.f32.msk $0xffff, v1  }
0x2a0: {  	_ =	swait.ge [sflag:s9], $0x2800  }
0x2a1: {  	s17 =	sld [smem:$0x7FC]  }
0x2a2: {  	[sflag:s9] =	ssyncset.done $0x0  }
0x2a3: {  	[sflag:s9] =	ssyncadd.s32 $0xFFFFD800  }
0x2a4: {  	[spmem:s3] =	stream.indirect.scatter.add.f32 [tilespmem:s24], [sflag:$0x6], $0x80, s17, s22, $0xb8;
	[tilespmem:$0x1FD80] =	vst v63  }
0x2a5: {  	_ =	swait.ge [sflag:s29], $0x2800  }
0x2a6: {  	[sflag:s29] =	ssyncset.done $0x0  }
0x2a7: {  	[sflag:s29] =	ssyncadd.s32 $0xFFFFD800  }
0x2a8: {  	[tilespmem:s24], [sflag:$0x2] =	stream.indirect.gather [hbm4b:s1+s22], $0x80, s18, s22, $0xb8;
	[tilespmem:$0x1FD80] =	vst v63  }
0x2a9: {  	v2 =	vld [tilespmem:$0x1C80];
	_ =	sdelay $0x7  }
0x2aa: {  	[tilespmem:v2+s7+$0x0] =	vst.idx.add.f32.msk $0xffff, v1  }
0x2ab: {  	v2 =	vld [tilespmem:$0x1C90];
	_ =	sdelay $0x7  }
0x2ac: {  	[tilespmem:v2+s7+$0x0] =	vst.idx.add.f32.msk $0xffff, v1  }
0x2ad: {  	v2 =	vld [tilespmem:$0x1CA0];
	_ =	sdelay $0x7  }
0x2ae: {  	[tilespmem:v2+s7+$0x0] =	vst.idx.add.f32.msk $0xffff, v1  }
0x2af: {  	v2 =	vld [tilespmem:$0x1CB0];
	_ =	sdelay $0x7  }
0x2b0: {  	[tilespmem:v2+s7+$0x0] =	vst.idx.add.f32.msk $0xffff, v1  }
0x2b1: {  	v2 =	vld [tilespmem:$0x1CC0];
	_ =	sdelay $0x7  }
0x2b2: {  	[tilespmem:v2+s7+$0x0] =	vst.idx.add.f32.msk $0xffff, v1  }
0x2b3: {  	_ =	swait.ge [sflag:s12], $0x2800  }
0x2b4: {  	s15 =	sld [smem:$0x7FD]  }
0x2b5: {  	[sflag:s12] =	ssyncset.done $0x0  }
0x2b6: {  	[sflag:s12] =	ssyncadd.s32 $0xFFFFD800  }
0x2b7: {  	[spmem:s3] =	stream.indirect.scatter.add.f32 [tilespmem:s26], [sflag:$0x6], $0x80, s15, s22, $0xb8;
	[tilespmem:$0x1FD80] =	vst v63  }
0x2b8: {  	_ =	swait.ge [sflag:s29], $0x2800  }
0x2b9: {  	[sflag:s29] =	ssyncset.done $0x0  }
0x2ba: {  	[sflag:s29] =	ssyncadd.s32 $0xFFFFD800  }
0x2bb: {  	[tilespmem:s26], [sflag:$0x3] =	stream.indirect.gather [hbm4b:s1+s22], $0x80, s23, s22, $0xb8;
	[tilespmem:$0x1FD80] =	vst v63  }
0x2bc: {  	v2 =	vld [tilespmem:$0x1D80];
	_ =	sdelay $0x7  }
0x2bd: {  	[tilespmem:v2+s7+$0x0] =	vst.idx.add.f32.msk $0xffff, v1  }
0x2be: {  	v2 =	vld [tilespmem:$0x1D90];
	_ =	sdelay $0x7  }
0x2bf: {  	[tilespmem:v2+s7+$0x0] =	vst.idx.add.f32.msk $0xffff, v1  }
0x2c0: {  	v2 =	vld [tilespmem:$0x1DA0];
	_ =	sdelay $0x7  }
0x2c1: {  	[tilespmem:v2+s7+$0x0] =	vst.idx.add.f32.msk $0xffff, v1  }
0x2c2: {  	v2 =	vld [tilespmem:$0x1DB0];
	_ =	sdelay $0x7  }
0x2c3: {  	[tilespmem:v2+s7+$0x0] =	vst.idx.add.f32.msk $0xffff, v1  }
0x2c4: {  	v2 =	vld [tilespmem:$0x1DC0];
	_ =	sdelay $0x2  }
0x2c5: {  	s17 =	smin.u32 s16, $0x5  }
0x2c6: {  	p0 =	sne.s32 s16, $0x6;
	s8 =	smul.u32 $0xF00, s17  }
.Ltmp2:
0x2c7: {  	s15 =	rddreg [dreg:$0x4];
	(pc) =	sbr.rel @p0 .LBB2_6-.Ltmp2, $4  }
0x2c8: {  	s8 =	sadd.s32 s8, s15  }
0x2c9: {  	s8 =	sshrl.u32 s8, $0x3  }
0x2ca: {  	s19 =	sadd.s32 $0x1E00, s19;
	s16 =	sadd.s32 $0x2, s16;
	s8 =	sadd.s32 s5, s8;
	[tilespmem:v2+s7+$0x0] =	vst.idx.add.f32.msk $0xffff, v1  }
0x2cb: {  	[tilespmem:s20], [sflag:$0x5] =	stream.linear.gather [hbm4b:s8+s4], $0xF00, $0x38;
	[tilespmem:$0x1FD80] =	vst v63  }
0x2cc: {  	_ =	swait.ge [sflag:s30], $0xF00  }
0x2cd: {  	[sflag:s30] =	ssyncset.done $0x0  }
0x2ce: {  	[sflag:s30] =	ssyncadd.s32 $0xFFFFF100  }
0x2cf: {  	_ =	swait.ge [sflag:s31], $0x2800  }
0x2d0: {  	[sflag:s31] =	ssyncset.done $0x0  }
0x2d1: {  	[sflag:s31] =	ssyncadd.s32 $0xFFFFD800  }
0x2d2: {  	[spmem:s3] =	stream.indirect.scatter.add.f32 [tilespmem:s28], [sflag:$0x6], $0x80, s2, s22, $0xb8;
	[tilespmem:$0x1FD80] =	vst v63  }
0x2d3: {  	_ =	swait.ge [sflag:s29], $0x2800  }
0x2d4: {  	[sflag:s29] =	ssyncset.done $0x0  }
0x2d5: {  	[sflag:s29] =	ssyncadd.s32 $0xFFFFD800  }
0x2d6: {  	[tilespmem:s28], [sflag:$0x1] =	stream.indirect.gather [hbm4b:s1+s22], $0x80, s0, s22, $0xb8;
	[tilespmem:$0x1FD80] =	vst v63  }
0x2d7: {  	v2 =	vld [tilespmem:$0x80];
	_ =	sdelay $0x7  }
0x2d8: {  	[tilespmem:v2+s7+$0x0] =	vst.idx.add.f32.msk $0xffff, v1  }
0x2d9: {  	v2 =	vld [tilespmem:$0x90];
	_ =	sdelay $0x7  }
0x2da: {  	[tilespmem:v2+s7+$0x0] =	vst.idx.add.f32.msk $0xffff, v1  }
0x2db: {  	v2 =	vld [tilespmem:$0xA0];
	_ =	sdelay $0x7  }
0x2dc: {  	[tilespmem:v2+s7+$0x0] =	vst.idx.add.f32.msk $0xffff, v1  }
0x2dd: {  	v2 =	vld [tilespmem:$0xB0];
	_ =	sdelay $0x7  }
0x2de: {  	[tilespmem:v2+s7+$0x0] =	vst.idx.add.f32.msk $0xffff, v1  }
0x2df: {  	v2 =	vld [tilespmem:$0xC0];
	_ =	sdelay $0x7  }
0x2e0: {  	[tilespmem:v2+s7+$0x0] =	vst.idx.add.f32.msk $0xffff, v1  }
0x2e1: {  	_ =	swait.ge [sflag:s9], $0x2800  }
0x2e2: {  	[sflag:s9] =	ssyncset.done $0x0  }
0x2e3: {  	[sflag:s9] =	ssyncadd.s32 $0xFFFFD800  }
0x2e4: {  	[spmem:s3] =	stream.indirect.scatter.add.f32 [tilespmem:s24], [sflag:$0x6], $0x80, s10, s22, $0xb8;
	[tilespmem:$0x1FD80] =	vst v63  }
0x2e5: {  	_ =	swait.ge [sflag:s29], $0x2800  }
0x2e6: {  	[sflag:s29] =	ssyncset.done $0x0  }
0x2e7: {  	[sflag:s29] =	ssyncadd.s32 $0xFFFFD800  }
0x2e8: {  	[tilespmem:s24], [sflag:$0x2] =	stream.indirect.gather [hbm4b:s1+s22], $0x80, s11, s22, $0xb8;
	[tilespmem:$0x1FD80] =	vst v63  }
0x2e9: {  	v2 =	vld [tilespmem:$0x180];
	_ =	sdelay $0x7  }
0x2ea: {  	[tilespmem:v2+s7+$0x0] =	vst.idx.add.f32.msk $0xffff, v1  }
0x2eb: {  	v2 =	vld [tilespmem:$0x190];
	_ =	sdelay $0x7  }
0x2ec: {  	[tilespmem:v2+s7+$0x0] =	vst.idx.add.f32.msk $0xffff, v1  }
0x2ed: {  	v2 =	vld [tilespmem:$0x1A0];
	_ =	sdelay $0x7  }
0x2ee: {  	[tilespmem:v2+s7+$0x0] =	vst.idx.add.f32.msk $0xffff, v1  }
0x2ef: {  	v2 =	vld [tilespmem:$0x1B0];
	_ =	sdelay $0x7  }
0x2f0: {  	[tilespmem:v2+s7+$0x0] =	vst.idx.add.f32.msk $0xffff, v1  }
0x2f1: {  	v2 =	vld [tilespmem:$0x1C0];
	_ =	sdelay $0x7  }
0x2f2: {  	[tilespmem:v2+s7+$0x0] =	vst.idx.add.f32.msk $0xffff, v1  }
0x2f3: {  	_ =	swait.ge [sflag:s12], $0x2800  }
0x2f4: {  	[sflag:s12] =	ssyncset.done $0x0  }
0x2f5: {  	[sflag:s12] =	ssyncadd.s32 $0xFFFFD800  }
0x2f6: {  	[spmem:s3] =	stream.indirect.scatter.add.f32 [tilespmem:s26], [sflag:$0x6], $0x80, s13, s22, $0xb8;
	[tilespmem:$0x1FD80] =	vst v63  }
0x2f7: {  	_ =	swait.ge [sflag:s29], $0x2800  }
0x2f8: {  	[sflag:s29] =	ssyncset.done $0x0  }
0x2f9: {  	[sflag:s29] =	ssyncadd.s32 $0xFFFFD800  }
0x2fa: {  	v2 =	vld [tilespmem:$0x280];
	_ =	sdelay $0x7  }
0x2fb: {  	[tilespmem:v2+s7+$0x0] =	vst.idx.add.f32.msk $0xffff, v1  }
0x2fc: {  	v2 =	vld [tilespmem:$0x290];
	_ =	sdelay $0x7  }
0x2fd: {  	[tilespmem:v2+s7+$0x0] =	vst.idx.add.f32.msk $0xffff, v1  }
0x2fe: {  	v2 =	vld [tilespmem:$0x2A0];
	_ =	sdelay $0x7  }
0x2ff: {  	[tilespmem:v2+s7+$0x0] =	vst.idx.add.f32.msk $0xffff, v1  }
0x300: {  	v2 =	vld [tilespmem:$0x2B0];
	_ =	sdelay $0x7  }
0x301: {  	[tilespmem:v2+s7+$0x0] =	vst.idx.add.f32.msk $0xffff, v1  }
0x302: {  	v2 =	vld [tilespmem:$0x2C0];
	_ =	sdelay $0x7  }
0x303: {  	[tilespmem:v2+s7+$0x0] =	vst.idx.add.f32.msk $0xffff, v1  }
0x304: {  	_ =	swait.ge [sflag:s31], $0x2800  }
0x305: {  	[sflag:s31] =	ssyncset.done $0x0  }
0x306: {  	[sflag:s31] =	ssyncadd.s32 $0xFFFFD800  }
0x307: {  	[spmem:s3] =	stream.indirect.scatter.add.f32 [tilespmem:s28], [sflag:$0x6], $0x80, s6, s22, $0xb8;
	[tilespmem:$0x1FD80] =	vst v63  }
0x308: {  	_ =	swait.ge [sflag:s29], $0x2800  }
0x309: {  	[sflag:s29] =	ssyncset.done $0x0  }
0x30a: {  	[sflag:s29] =	ssyncadd.s32 $0xFFFFD800  }
0x30b: {  	v2 =	vld [tilespmem:$0x380];
	_ =	sdelay $0x7  }
0x30c: {  	[tilespmem:v2+s7+$0x0] =	vst.idx.add.f32.msk $0xffff, v1  }
0x30d: {  	v2 =	vld [tilespmem:$0x390];
	_ =	sdelay $0x7  }
0x30e: {  	[tilespmem:v2+s7+$0x0] =	vst.idx.add.f32.msk $0xffff, v1  }
0x30f: {  	v2 =	vld [tilespmem:$0x3A0];
	_ =	sdelay $0x7  }
0x310: {  	[tilespmem:v2+s7+$0x0] =	vst.idx.add.f32.msk $0xffff, v1  }
0x311: {  	v2 =	vld [tilespmem:$0x3B0];
	_ =	sdelay $0x7  }
0x312: {  	[tilespmem:v2+s7+$0x0] =	vst.idx.add.f32.msk $0xffff, v1  }
0x313: {  	v2 =	vld [tilespmem:$0x3C0];
	_ =	sdelay $0x7  }
0x314: {  	[tilespmem:v2+s7+$0x0] =	vst.idx.add.f32.msk $0xffff, v1  }
0x315: {  	_ =	swait.ge [sflag:s9], $0x2800  }
0x316: {  	[sflag:s9] =	ssyncset.done $0x0  }
0x317: {  	[sflag:s9] =	ssyncadd.s32 $0xFFFFD800  }
0x318: {  	[spmem:s3] =	stream.indirect.scatter.add.f32 [tilespmem:s24], [sflag:$0x6], $0x80, s14, s22, $0xb8;
	[tilespmem:$0x1FD80] =	vst v63  }
0x319: {  	_ =	swait.ge [sflag:s29], $0x2800  }
0x31a: {  	[sflag:s29] =	ssyncset.done $0x0  }
0x31b: {  	[sflag:s29] =	ssyncadd.s32 $0xFFFFD800  }
0x31c: {  	v2 =	vld [tilespmem:$0x480];
	_ =	sdelay $0x7  }
0x31d: {  	[tilespmem:v2+s7+$0x0] =	vst.idx.add.f32.msk $0xffff, v1  }
0x31e: {  	v2 =	vld [tilespmem:$0x490];
	_ =	sdelay $0x7  }
0x31f: {  	[tilespmem:v2+s7+$0x0] =	vst.idx.add.f32.msk $0xffff, v1  }
0x320: {  	v2 =	vld [tilespmem:$0x4A0];
	_ =	sdelay $0x7  }
0x321: {  	[tilespmem:v2+s7+$0x0] =	vst.idx.add.f32.msk $0xffff, v1  }
0x322: {  	v2 =	vld [tilespmem:$0x4B0];
	_ =	sdelay $0x7  }
0x323: {  	[tilespmem:v2+s7+$0x0] =	vst.idx.add.f32.msk $0xffff, v1  }
0x324: {  	v2 =	vld [tilespmem:$0x4C0];
	_ =	sdelay $0x5  }
0x325: {  	s8 =	sld [smem:$0x7ED];
	_ =	sdelay $0x1  }
0x326: {  	[tilespmem:v2+s7+$0x0] =	vst.idx.add.f32.msk $0xffff, v1  }
0x327: {  	[hbm4b:s8+s2] =	stream.strided.scatter [tilespmem:s7], [sflag:$0x6], $0x2780, s11, s2, $0x38;
	[tilespmem:$0x1FD80] =	vst v63  }
0x328: {  	_ =	swait.ge [sflag:s29], $0x2780  }
0x329: {  	[sflag:s29] =	ssyncset.done $0x0  }
0x32a: {  	[sflag:s29] =	ssyncadd.s32 $0xFFFFD880  }
0x32b: {  	s16 =	stileid.u32;
	[bflag:$0x0] =	sbarrier.arrive $0xFFFF  }
0x32c: {  	s8 =	sshll.u32 s16, $0x6;
	s16 =	sld [smem:$0x7EF];
	_ =	sdelay $0x1  }
0x32d: {  	s15 =	sshrl.u32 s25, $0x3;
	s8 =	sor.u32 $0x1C06, s8  }
0x32e: {  	[hbm:s16], [sflag:s8] =	dma.local [spmem:s15], $0x2800  }
0x32f: {  	_ =	swait.ge [sflag:s29], $0x2800  }
0x330: {  	s17 =	sld [smem:$0x7DA]  }
0x331: {  	s19 =	sld [smem:$0x7F3];
	_ =	sdelay $0x1  }
0x332: {  	s15 =	sadd.s32 $0x1, s17  }
0x333: {  	p0 =	sne.s32 s15, s19  }
.Ltmp3:
0x334: {  	_ = 	snop;
	(pc) =	sbr.rel @p0 .LBB2_1-.Ltmp3, $3  }
0x335: {  	_ =	sdelay $0x1  }
0x336: {  	[sflag:s29] =	ssyncset.done $0x0  }
0x337: {  	[sflag:s29] =	ssyncadd.s32 $0xFFFFD800  }
0x338: {  	_ =	sfence.sel $0x180000  }
0x339: {  	[bflag:$0x0] =	sbarrier.arrive $0xFFFF  }
0x33a: {  	_ =	strace $0x90000047  }
0x33b: {  	s0 =	stileid.u32;
	[bflag:$0x2] =	sbarrier.arrive $0xFFFF  }
0x33c: {  	p0 =	sne.s32 s0, $0x0;
	s0 =	rddreg [dreg:$0x3]  }
0x33d: {  	s0 =	sadd.s32 @!p0 $0x100000, s0  }
0x33e: {  	[sflag:s0] =	ssyncadd.tile.s32 @!p0 $0x1;
	_ =	shalt  }
.Lfunc_end2:
_tile_overlayer_lowered:
.L_overlay_start_2:
0x33f: {  	(tag) =	ssettag $0x2  }
0x340: {  	s0 =	rddreg [dreg:$0x0];
	s2 =	stileid.u32  }
0x341: {  	s1 =	rddreg [dreg:$0x1];
	p0 =	sne.s32 s2, $0x0  }
0x342: {  	s3 =	rddreg [dreg:$0x2];
	[bflag:$0x3] =	sbarrier.arrive $0xFFFF;
	s2 =	simm.s32 @!p0 $0x1C06  }
0x343: {  	[timem:s3], [sflag:s2] =	dma.local @!p0 [hbm:s0], s1  }
0x344: {  	s0 =	simm.s32 @!p0 $0x6  }
0x345: {  	_ =	swait.ge @!p0 [sflag:s0], s1  }
0x346: {  	s1 =	ssub.s32 @!p0 $0x0, s1;
	[sflag:s0] =	ssyncset.done @!p0 $0x0  }
0x347: {  	[sflag:s0] =	ssyncadd.s32 @!p0 s1  }
0x348: {  	[bflag:$0x3] =	sbarrier.arrive $0xFFFF  }
0x349: {  	_ =	shalt  }

</sc_bundles>
